<compile_context>
chip_gen: v7x
topology: tpu7x:2x2x1
jax: 0.10.2.dev20260603
libtpu: 0.0.44.dev20260713+nightly
codegen_flags: <defaults>
</compile_context>

<pallas_src>
import functools

import jax
import jax.numpy as jnp
from jax import lax
from jax.experimental import pallas as pl
from jax.experimental.pallas import tpu as pltpu
from jax.experimental.pallas import tpu_sc as plsc

_B = 16384
_D = 64
_DP = 128
_NW = 32
_BPW = _B // _NW
_IC = 128
_NC = _BPW // _IC
_HALF = _BPW // 2


def _build():
    mesh = plsc.VectorSubcoreMesh(core_axis_name="c", subcore_axis_name="s")

    @functools.partial(
        pl.kernel,
        mesh=mesh,
        compiler_params=pltpu.CompilerParams(needs_layout_passes=False),
        out_type=jax.ShapeDtypeStruct((_B,), jnp.float32),
        scratch_types=[
            pltpu.VMEM((_BPW,), jnp.int32),
            pltpu.VMEM((_BPW,), jnp.int32),
            pltpu.VMEM((_HALF, _DP), jnp.float32),
            pltpu.VMEM((_HALF, _DP), jnp.float32),
            pltpu.VMEM((_BPW,), jnp.float32),
            pltpu.VMEM((_BPW,), jnp.float32),
            pltpu.VMEM((_BPW,), jnp.float32),
            pltpu.SemaphoreType.DMA,
            pltpu.SemaphoreType.DMA,
        ],
    )
    def body(user_hbm, item_hbm, uemb_hbm, iemb_hbm, ubias_hbm, ibias_hbm,
             out_hbm, uidx, iidx, urows, irows, ub, ib, outv, sem, bsem):
        wid = lax.axis_index("s") * 2 + lax.axis_index("c")
        base = wid * _BPW

        pltpu.sync_copy(user_hbm.at[pl.ds(base, _BPW)], uidx)
        pltpu.sync_copy(item_hbm.at[pl.ds(base, _BPW)], iidx)

        bias_copies = []
        for j in range(_NC):
            sl = pl.ds(j * _IC, _IC)
            bias_copies.append(
                pltpu.async_copy(ubias_hbm.at[uidx.at[sl]], ub.at[sl], bsem))
            bias_copies.append(
                pltpu.async_copy(ibias_hbm.at[iidx.at[sl]], ib.at[sl], bsem))

        lanes = lax.iota(jnp.int32, 16)

        def fire(h):
            cs = []
            for j in range(_HALF // _IC):
                isl = pl.ds(h * _HALF + j * _IC, _IC)
                dsl = pl.ds(j * _IC, _IC)
                cs.append(pltpu.async_copy(uemb_hbm.at[uidx.at[isl]],
                                           urows.at[dsl], sem))
                cs.append(pltpu.async_copy(iemb_hbm.at[iidx.at[isl]],
                                           irows.at[dsl], sem))
            return cs

        def compute(h):
            def group(g, carry):
                rows = lanes + g * 16
                sl16 = pl.ds(h * _HALF + g * 16, 16)
                acc = ub[sl16] + ib[sl16] + 3.5
                for d in range(_D):
                    cols = lax.bitwise_and(lanes + d, _D - 1)
                    acc = acc + (plsc.load_gather(urows, [rows, cols])
                                 * plsc.load_gather(irows, [rows, cols]))
                outv[sl16] = acc
                return carry

            lax.fori_loop(0, _HALF // 16, group, 0)

        for c in bias_copies:
            c.wait()

        for h in range(2):
            for c in fire(h):
                c.wait()
            compute(h)

        pltpu.sync_copy(outv, out_hbm.at[pl.ds(base, _BPW)])

    return body


_sc_call = _build()


def kernel(user, item, user_emb, item_emb, user_bias, item_bias):
    up = jnp.pad(user_emb, ((0, 0), (0, _DP - _D)))
    ip = jnp.pad(item_emb, ((0, 0), (0, _DP - _D)))
    return _sc_call(user.astype(jnp.int32), item.astype(jnp.int32),
                    up, ip, user_bias.sum(axis=1), item_bias.sum(axis=1))

# --- scband reference (transcript-rebuilt; emitter-appended) ---
"""Pipeline reference for scband-matrix-factorization-5334349382349 (READ-ONLY COPY).

The authoritative reference and input builder live on the scoring server;
editing this copy changes nothing except your own understanding.
"""

import jax, jax.numpy as jnp
import numpy as np

GLOBAL_MEAN = 3.5

def setup_inputs(seed: int = 0) -> dict:
    key = jax.random.key(seed)
    k1, k2, k3, k4, k5, k6 = jax.random.split(key, 6)
    num_users = 100000
    num_items = 100000
    emb_dim = 64
    batch = 16384
    user = jax.random.randint(k1, (batch,), 0, num_users, dtype=jnp.int64 if jax.config.jax_enable_x64 else jnp.int32)
    item = jax.random.randint(k2, (batch,), 0, num_items, dtype=jnp.int64 if jax.config.jax_enable_x64 else jnp.int32)
    user_emb = jax.random.normal(k3, (num_users, emb_dim), dtype=jnp.float32)
    item_emb = jax.random.normal(k4, (num_items, emb_dim), dtype=jnp.float32)
    user_bias = jax.random.normal(k5, (num_users, 1), dtype=jnp.float32)
    item_bias = jax.random.normal(k6, (num_items, 1), dtype=jnp.float32)
    return {"user": user, "item": item, "user_emb": user_emb, "item_emb": item_emb, "user_bias": user_bias, "item_bias": item_bias}

def reference(user, item, user_emb, item_emb, user_bias, item_bias):
    u = jnp.take(user_emb, user, axis=0)
    i = jnp.take(item_emb, item, axis=0)
    dot_product = (u * i).sum(axis=1)
    ub = jnp.take(user_bias, user, axis=0).squeeze(-1)
    ib = jnp.take(item_bias, item, axis=0).squeeze(-1)
    return dot_product + ub + ib + GLOBAL_MEAN

if __name__ == "__main__":
    import jax
    _d = setup_inputs()
    print(jax.jit(kernel)(*tuple(_d.values())))

</pallas_src>

<mosaic_0001>
#map = affine_map<(d0, d1) -> (0)>
#map1 = affine_map<(d0, d1) -> (0, 0)>
module attributes {stable_mosaic.version = 14 : i64} {
  func.func @body(%arg0: i32, %arg1: i32, %arg2: memref<16384xi32, #tpu.memory_space<hbm>>, %arg3: memref<16384xi32, #tpu.memory_space<hbm>>, %arg4: memref<100000x128xf32, #tpu.memory_space<hbm>>, %arg5: memref<100000x128xf32, #tpu.memory_space<hbm>>, %arg6: memref<100000xf32, #tpu.memory_space<hbm>>, %arg7: memref<100000xf32, #tpu.memory_space<hbm>>, %arg8: memref<16384xf32, #tpu.memory_space<hbm>>, %arg9: memref<512xi32, #tpu.memory_space<vmem>>, %arg10: memref<512xi32, #tpu.memory_space<vmem>>, %arg11: memref<256x128xf32, #tpu.memory_space<vmem>>, %arg12: memref<256x128xf32, #tpu.memory_space<vmem>>, %arg13: memref<512xf32, #tpu.memory_space<vmem>>, %arg14: memref<512xf32, #tpu.memory_space<vmem>>, %arg15: memref<512xf32, #tpu.memory_space<vmem>>, %arg16: memref<!tpu.dma_semaphore, #tpu.memory_space<semaphore_mem>>, %arg17: memref<!tpu.dma_semaphore, #tpu.memory_space<semaphore_mem>>) attributes {dimension_semantics = [#tpu.dimension_semantics<core_parallel>, #tpu.dimension_semantics<subcore_parallel>], iteration_bounds = array<i64: 2, 16>, scalar_prefetch = 0 : i64, scratch_operands = 9 : i64, tpu.core_type = #tpu.core_type<sc_vector_subcore>, window_params = [{transform_indices = #map}, {transform_indices = #map}, {transform_indices = #map1}, {transform_indices = #map1}, {transform_indices = #map}, {transform_indices = #map}, {transform_indices = #map}]} {
    %mul3A = arith.constant 2 : i32
    %mul3A_0 = arith.muli %arg1, %mul3A : i32
    %add3A = arith.addi %mul3A_0, %arg0 : i32
    %mul3A_1 = arith.constant 512 : i32
    %mul3A_2 = arith.muli %add3A, %mul3A_1 : i32
    "tpu.region"() ({
      %run_scoped3A = tpu.sem_alloc : memref<!tpu.dma_semaphore, #tpu.memory_space<semaphore_mem>>
      %dma_start3A_236 = tpu.memref_slice %arg2[%mul3A_2] : memref<16384xi32, #tpu.memory_space<hbm>> -> memref<512xi32, #tpu.memory_space<hbm>>
      %dma_start3A_237 = tpu.memref_slice %arg2[%mul3A_2] : memref<16384xi32, #tpu.memory_space<hbm>> -> memref<512xi32, #tpu.memory_space<hbm>>
      tpu.enqueue_dma source(%dma_start3A_237 : memref<512xi32, #tpu.memory_space<hbm>>) target(%arg9 : memref<512xi32, #tpu.memory_space<vmem>>) target_semaphore(%run_scoped3A : memref<!tpu.dma_semaphore, #tpu.memory_space<semaphore_mem>>)
      %dma_wait3A_238 = tpu.memref_slice %arg2[%mul3A_2] : memref<16384xi32, #tpu.memory_space<hbm>> -> memref<512xi32, #tpu.memory_space<hbm>>
      %dma_wait3A_239 = tpu.memref_slice %arg2[%mul3A_2] : memref<16384xi32, #tpu.memory_space<hbm>> -> memref<512xi32, #tpu.memory_space<hbm>>
      tpu.wait_dma2 semaphore(%run_scoped3A : memref<!tpu.dma_semaphore, #tpu.memory_space<semaphore_mem>>) src(%dma_wait3A_239 : memref<512xi32, #tpu.memory_space<hbm>>) dst(%arg9 : memref<512xi32, #tpu.memory_space<vmem>>)
      tpu.yield
    }) : () -> ()
    "tpu.region"() ({
      %run_scoped3A = tpu.sem_alloc : memref<!tpu.dma_semaphore, #tpu.memory_space<semaphore_mem>>
      %dma_start3A_236 = tpu.memref_slice %arg3[%mul3A_2] : memref<16384xi32, #tpu.memory_space<hbm>> -> memref<512xi32, #tpu.memory_space<hbm>>
      %dma_start3A_237 = tpu.memref_slice %arg3[%mul3A_2] : memref<16384xi32, #tpu.memory_space<hbm>> -> memref<512xi32, #tpu.memory_space<hbm>>
      tpu.enqueue_dma source(%dma_start3A_237 : memref<512xi32, #tpu.memory_space<hbm>>) target(%arg10 : memref<512xi32, #tpu.memory_space<vmem>>) target_semaphore(%run_scoped3A : memref<!tpu.dma_semaphore, #tpu.memory_space<semaphore_mem>>)
      %dma_wait3A_238 = tpu.memref_slice %arg3[%mul3A_2] : memref<16384xi32, #tpu.memory_space<hbm>> -> memref<512xi32, #tpu.memory_space<hbm>>
      %dma_wait3A_239 = tpu.memref_slice %arg3[%mul3A_2] : memref<16384xi32, #tpu.memory_space<hbm>> -> memref<512xi32, #tpu.memory_space<hbm>>
      tpu.wait_dma2 semaphore(%run_scoped3A : memref<!tpu.dma_semaphore, #tpu.memory_space<semaphore_mem>>) src(%dma_wait3A_239 : memref<512xi32, #tpu.memory_space<hbm>>) dst(%arg10 : memref<512xi32, #tpu.memory_space<vmem>>)
      tpu.yield
    }) : () -> ()
    %dma_start3A = arith.constant 0 : i32
    %dma_start3A_3 = tpu.memref_slice %arg13[%dma_start3A] : memref<512xf32, #tpu.memory_space<vmem>> -> memref<128xf32, #tpu.memory_space<vmem>>
    %dma_start3A_4 = arith.constant 0 : i32
    %dma_start3A_5 = tpu.memref_slice %arg9[%dma_start3A_4] : memref<512xi32, #tpu.memory_space<vmem>> -> memref<128xi32, #tpu.memory_space<vmem>>
    %dma_start3A_6 = arith.constant 0 : i32
    %dma_start3A_7 = tpu.memref_slice %arg6[%dma_start3A_6] : memref<100000xf32, #tpu.memory_space<hbm>> -> memref<100000xf32, #tpu.memory_space<hbm>>
    tpu.enqueue_indirect_dma source(%dma_start3A_7 : memref<100000xf32, #tpu.memory_space<hbm>>) target(%dma_start3A_3 : memref<128xf32, #tpu.memory_space<vmem>>) offsets(%dma_start3A_5 : memref<128xi32, #tpu.memory_space<vmem>>) semaphore(%arg17 : memref<!tpu.dma_semaphore, #tpu.memory_space<semaphore_mem>>)
    %dma_start3A_8 = arith.constant 0 : i32
    %dma_start3A_9 = tpu.memref_slice %arg14[%dma_start3A_8] : memref<512xf32, #tpu.memory_space<vmem>> -> memref<128xf32, #tpu.memory_space<vmem>>
    %dma_start3A_10 = arith.constant 0 : i32
    %dma_start3A_11 = tpu.memref_slice %arg10[%dma_start3A_10] : memref<512xi32, #tpu.memory_space<vmem>> -> memref<128xi32, #tpu.memory_space<vmem>>
    %dma_start3A_12 = arith.constant 0 : i32
    %dma_start3A_13 = tpu.memref_slice %arg7[%dma_start3A_12] : memref<100000xf32, #tpu.memory_space<hbm>> -> memref<100000xf32, #tpu.memory_space<hbm>>
    tpu.enqueue_indirect_dma source(%dma_start3A_13 : memref<100000xf32, #tpu.memory_space<hbm>>) target(%dma_start3A_9 : memref<128xf32, #tpu.memory_space<vmem>>) offsets(%dma_start3A_11 : memref<128xi32, #tpu.memory_space<vmem>>) semaphore(%arg17 : memref<!tpu.dma_semaphore, #tpu.memory_space<semaphore_mem>>)
    %dma_start3A_14 = arith.constant 128 : i32
    %dma_start3A_15 = tpu.memref_slice %arg13[%dma_start3A_14] : memref<512xf32, #tpu.memory_space<vmem>> -> memref<128xf32, #tpu.memory_space<vmem>>
    %dma_start3A_16 = arith.constant 128 : i32
    %dma_start3A_17 = tpu.memref_slice %arg9[%dma_start3A_16] : memref<512xi32, #tpu.memory_space<vmem>> -> memref<128xi32, #tpu.memory_space<vmem>>
    %dma_start3A_18 = arith.constant 0 : i32
    %dma_start3A_19 = tpu.memref_slice %arg6[%dma_start3A_18] : memref<100000xf32, #tpu.memory_space<hbm>> -> memref<100000xf32, #tpu.memory_space<hbm>>
    tpu.enqueue_indirect_dma source(%dma_start3A_19 : memref<100000xf32, #tpu.memory_space<hbm>>) target(%dma_start3A_15 : memref<128xf32, #tpu.memory_space<vmem>>) offsets(%dma_start3A_17 : memref<128xi32, #tpu.memory_space<vmem>>) semaphore(%arg17 : memref<!tpu.dma_semaphore, #tpu.memory_space<semaphore_mem>>)
    %dma_start3A_20 = arith.constant 128 : i32
    %dma_start3A_21 = tpu.memref_slice %arg14[%dma_start3A_20] : memref<512xf32, #tpu.memory_space<vmem>> -> memref<128xf32, #tpu.memory_space<vmem>>
    %dma_start3A_22 = arith.constant 128 : i32
    %dma_start3A_23 = tpu.memref_slice %arg10[%dma_start3A_22] : memref<512xi32, #tpu.memory_space<vmem>> -> memref<128xi32, #tpu.memory_space<vmem>>
    %dma_start3A_24 = arith.constant 0 : i32
    %dma_start3A_25 = tpu.memref_slice %arg7[%dma_start3A_24] : memref<100000xf32, #tpu.memory_space<hbm>> -> memref<100000xf32, #tpu.memory_space<hbm>>
    tpu.enqueue_indirect_dma source(%dma_start3A_25 : memref<100000xf32, #tpu.memory_space<hbm>>) target(%dma_start3A_21 : memref<128xf32, #tpu.memory_space<vmem>>) offsets(%dma_start3A_23 : memref<128xi32, #tpu.memory_space<vmem>>) semaphore(%arg17 : memref<!tpu.dma_semaphore, #tpu.memory_space<semaphore_mem>>)
    %dma_start3A_26 = arith.constant 256 : i32
    %dma_start3A_27 = tpu.memref_slice %arg13[%dma_start3A_26] : memref<512xf32, #tpu.memory_space<vmem>> -> memref<128xf32, #tpu.memory_space<vmem>>
    %dma_start3A_28 = arith.constant 256 : i32
    %dma_start3A_29 = tpu.memref_slice %arg9[%dma_start3A_28] : memref<512xi32, #tpu.memory_space<vmem>> -> memref<128xi32, #tpu.memory_space<vmem>>
    %dma_start3A_30 = arith.constant 0 : i32
    %dma_start3A_31 = tpu.memref_slice %arg6[%dma_start3A_30] : memref<100000xf32, #tpu.memory_space<hbm>> -> memref<100000xf32, #tpu.memory_space<hbm>>
    tpu.enqueue_indirect_dma source(%dma_start3A_31 : memref<100000xf32, #tpu.memory_space<hbm>>) target(%dma_start3A_27 : memref<128xf32, #tpu.memory_space<vmem>>) offsets(%dma_start3A_29 : memref<128xi32, #tpu.memory_space<vmem>>) semaphore(%arg17 : memref<!tpu.dma_semaphore, #tpu.memory_space<semaphore_mem>>)
    %dma_start3A_32 = arith.constant 256 : i32
    %dma_start3A_33 = tpu.memref_slice %arg14[%dma_start3A_32] : memref<512xf32, #tpu.memory_space<vmem>> -> memref<128xf32, #tpu.memory_space<vmem>>
    %dma_start3A_34 = arith.constant 256 : i32
    %dma_start3A_35 = tpu.memref_slice %arg10[%dma_start3A_34] : memref<512xi32, #tpu.memory_space<vmem>> -> memref<128xi32, #tpu.memory_space<vmem>>
    %dma_start3A_36 = arith.constant 0 : i32
    %dma_start3A_37 = tpu.memref_slice %arg7[%dma_start3A_36] : memref<100000xf32, #tpu.memory_space<hbm>> -> memref<100000xf32, #tpu.memory_space<hbm>>
    tpu.enqueue_indirect_dma source(%dma_start3A_37 : memref<100000xf32, #tpu.memory_space<hbm>>) target(%dma_start3A_33 : memref<128xf32, #tpu.memory_space<vmem>>) offsets(%dma_start3A_35 : memref<128xi32, #tpu.memory_space<vmem>>) semaphore(%arg17 : memref<!tpu.dma_semaphore, #tpu.memory_space<semaphore_mem>>)
    %dma_start3A_38 = arith.constant 384 : i32
    %dma_start3A_39 = tpu.memref_slice %arg13[%dma_start3A_38] : memref<512xf32, #tpu.memory_space<vmem>> -> memref<128xf32, #tpu.memory_space<vmem>>
    %dma_start3A_40 = arith.constant 384 : i32
    %dma_start3A_41 = tpu.memref_slice %arg9[%dma_start3A_40] : memref<512xi32, #tpu.memory_space<vmem>> -> memref<128xi32, #tpu.memory_space<vmem>>
    %dma_start3A_42 = arith.constant 0 : i32
    %dma_start3A_43 = tpu.memref_slice %arg6[%dma_start3A_42] : memref<100000xf32, #tpu.memory_space<hbm>> -> memref<100000xf32, #tpu.memory_space<hbm>>
    tpu.enqueue_indirect_dma source(%dma_start3A_43 : memref<100000xf32, #tpu.memory_space<hbm>>) target(%dma_start3A_39 : memref<128xf32, #tpu.memory_space<vmem>>) offsets(%dma_start3A_41 : memref<128xi32, #tpu.memory_space<vmem>>) semaphore(%arg17 : memref<!tpu.dma_semaphore, #tpu.memory_space<semaphore_mem>>)
    %dma_start3A_44 = arith.constant 384 : i32
    %dma_start3A_45 = tpu.memref_slice %arg14[%dma_start3A_44] : memref<512xf32, #tpu.memory_space<vmem>> -> memref<128xf32, #tpu.memory_space<vmem>>
    %dma_start3A_46 = arith.constant 384 : i32
    %dma_start3A_47 = tpu.memref_slice %arg10[%dma_start3A_46] : memref<512xi32, #tpu.memory_space<vmem>> -> memref<128xi32, #tpu.memory_space<vmem>>
    %dma_start3A_48 = arith.constant 0 : i32
    %dma_start3A_49 = tpu.memref_slice %arg7[%dma_start3A_48] : memref<100000xf32, #tpu.memory_space<hbm>> -> memref<100000xf32, #tpu.memory_space<hbm>>
    tpu.enqueue_indirect_dma source(%dma_start3A_49 : memref<100000xf32, #tpu.memory_space<hbm>>) target(%dma_start3A_45 : memref<128xf32, #tpu.memory_space<vmem>>) offsets(%dma_start3A_47 : memref<128xi32, #tpu.memory_space<vmem>>) semaphore(%arg17 : memref<!tpu.dma_semaphore, #tpu.memory_space<semaphore_mem>>)
    %iota3A = tpu.iota {dimensions = array<i32: 0>} : vector<16xi32>
    %dma_wait3A = arith.constant 0 : i32
    %dma_wait3A_50 = tpu.memref_slice %arg13[%dma_wait3A] : memref<512xf32, #tpu.memory_space<vmem>> -> memref<128xf32, #tpu.memory_space<vmem>>
    %dma_wait3A_51 = arith.constant 0 : i32
    %dma_wait3A_52 = tpu.memref_slice %arg9[%dma_wait3A_51] : memref<512xi32, #tpu.memory_space<vmem>> -> memref<128xi32, #tpu.memory_space<vmem>>
    %dma_wait3A_53 = arith.constant 0 : i32
    %dma_wait3A_54 = tpu.memref_slice %arg6[%dma_wait3A_53] : memref<100000xf32, #tpu.memory_space<hbm>> -> memref<100000xf32, #tpu.memory_space<hbm>>
    tpu.wait_indirect_dma semaphore(%arg17 : memref<!tpu.dma_semaphore, #tpu.memory_space<semaphore_mem>>) src(%dma_wait3A_54 : memref<100000xf32, #tpu.memory_space<hbm>>) dst(%dma_wait3A_50 : memref<128xf32, #tpu.memory_space<vmem>>)
    %dma_wait3A_55 = arith.constant 0 : i32
    %dma_wait3A_56 = tpu.memref_slice %arg14[%dma_wait3A_55] : memref<512xf32, #tpu.memory_space<vmem>> -> memref<128xf32, #tpu.memory_space<vmem>>
    %dma_wait3A_57 = arith.constant 0 : i32
    %dma_wait3A_58 = tpu.memref_slice %arg10[%dma_wait3A_57] : memref<512xi32, #tpu.memory_space<vmem>> -> memref<128xi32, #tpu.memory_space<vmem>>
    %dma_wait3A_59 = arith.constant 0 : i32
    %dma_wait3A_60 = tpu.memref_slice %arg7[%dma_wait3A_59] : memref<100000xf32, #tpu.memory_space<hbm>> -> memref<100000xf32, #tpu.memory_space<hbm>>
    tpu.wait_indirect_dma semaphore(%arg17 : memref<!tpu.dma_semaphore, #tpu.memory_space<semaphore_mem>>) src(%dma_wait3A_60 : memref<100000xf32, #tpu.memory_space<hbm>>) dst(%dma_wait3A_56 : memref<128xf32, #tpu.memory_space<vmem>>)
    %dma_wait3A_61 = arith.constant 128 : i32
    %dma_wait3A_62 = tpu.memref_slice %arg13[%dma_wait3A_61] : memref<512xf32, #tpu.memory_space<vmem>> -> memref<128xf32, #tpu.memory_space<vmem>>
    %dma_wait3A_63 = arith.constant 128 : i32
    %dma_wait3A_64 = tpu.memref_slice %arg9[%dma_wait3A_63] : memref<512xi32, #tpu.memory_space<vmem>> -> memref<128xi32, #tpu.memory_space<vmem>>
    %dma_wait3A_65 = arith.constant 0 : i32
    %dma_wait3A_66 = tpu.memref_slice %arg6[%dma_wait3A_65] : memref<100000xf32, #tpu.memory_space<hbm>> -> memref<100000xf32, #tpu.memory_space<hbm>>
    tpu.wait_indirect_dma semaphore(%arg17 : memref<!tpu.dma_semaphore, #tpu.memory_space<semaphore_mem>>) src(%dma_wait3A_66 : memref<100000xf32, #tpu.memory_space<hbm>>) dst(%dma_wait3A_62 : memref<128xf32, #tpu.memory_space<vmem>>)
    %dma_wait3A_67 = arith.constant 128 : i32
    %dma_wait3A_68 = tpu.memref_slice %arg14[%dma_wait3A_67] : memref<512xf32, #tpu.memory_space<vmem>> -> memref<128xf32, #tpu.memory_space<vmem>>
    %dma_wait3A_69 = arith.constant 128 : i32
    %dma_wait3A_70 = tpu.memref_slice %arg10[%dma_wait3A_69] : memref<512xi32, #tpu.memory_space<vmem>> -> memref<128xi32, #tpu.memory_space<vmem>>
    %dma_wait3A_71 = arith.constant 0 : i32
    %dma_wait3A_72 = tpu.memref_slice %arg7[%dma_wait3A_71] : memref<100000xf32, #tpu.memory_space<hbm>> -> memref<100000xf32, #tpu.memory_space<hbm>>
    tpu.wait_indirect_dma semaphore(%arg17 : memref<!tpu.dma_semaphore, #tpu.memory_space<semaphore_mem>>) src(%dma_wait3A_72 : memref<100000xf32, #tpu.memory_space<hbm>>) dst(%dma_wait3A_68 : memref<128xf32, #tpu.memory_space<vmem>>)
    %dma_wait3A_73 = arith.constant 256 : i32
    %dma_wait3A_74 = tpu.memref_slice %arg13[%dma_wait3A_73] : memref<512xf32, #tpu.memory_space<vmem>> -> memref<128xf32, #tpu.memory_space<vmem>>
    %dma_wait3A_75 = arith.constant 256 : i32
    %dma_wait3A_76 = tpu.memref_slice %arg9[%dma_wait3A_75] : memref<512xi32, #tpu.memory_space<vmem>> -> memref<128xi32, #tpu.memory_space<vmem>>
    %dma_wait3A_77 = arith.constant 0 : i32
    %dma_wait3A_78 = tpu.memref_slice %arg6[%dma_wait3A_77] : memref<100000xf32, #tpu.memory_space<hbm>> -> memref<100000xf32, #tpu.memory_space<hbm>>
    tpu.wait_indirect_dma semaphore(%arg17 : memref<!tpu.dma_semaphore, #tpu.memory_space<semaphore_mem>>) src(%dma_wait3A_78 : memref<100000xf32, #tpu.memory_space<hbm>>) dst(%dma_wait3A_74 : memref<128xf32, #tpu.memory_space<vmem>>)
    %dma_wait3A_79 = arith.constant 256 : i32
    %dma_wait3A_80 = tpu.memref_slice %arg14[%dma_wait3A_79] : memref<512xf32, #tpu.memory_space<vmem>> -> memref<128xf32, #tpu.memory_space<vmem>>
    %dma_wait3A_81 = arith.constant 256 : i32
    %dma_wait3A_82 = tpu.memref_slice %arg10[%dma_wait3A_81] : memref<512xi32, #tpu.memory_space<vmem>> -> memref<128xi32, #tpu.memory_space<vmem>>
    %dma_wait3A_83 = arith.constant 0 : i32
    %dma_wait3A_84 = tpu.memref_slice %arg7[%dma_wait3A_83] : memref<100000xf32, #tpu.memory_space<hbm>> -> memref<100000xf32, #tpu.memory_space<hbm>>
    tpu.wait_indirect_dma semaphore(%arg17 : memref<!tpu.dma_semaphore, #tpu.memory_space<semaphore_mem>>) src(%dma_wait3A_84 : memref<100000xf32, #tpu.memory_space<hbm>>) dst(%dma_wait3A_80 : memref<128xf32, #tpu.memory_space<vmem>>)
    %dma_wait3A_85 = arith.constant 384 : i32
    %dma_wait3A_86 = tpu.memref_slice %arg13[%dma_wait3A_85] : memref<512xf32, #tpu.memory_space<vmem>> -> memref<128xf32, #tpu.memory_space<vmem>>
    %dma_wait3A_87 = arith.constant 384 : i32
    %dma_wait3A_88 = tpu.memref_slice %arg9[%dma_wait3A_87] : memref<512xi32, #tpu.memory_space<vmem>> -> memref<128xi32, #tpu.memory_space<vmem>>
    %dma_wait3A_89 = arith.constant 0 : i32
    %dma_wait3A_90 = tpu.memref_slice %arg6[%dma_wait3A_89] : memref<100000xf32, #tpu.memory_space<hbm>> -> memref<100000xf32, #tpu.memory_space<hbm>>
    tpu.wait_indirect_dma semaphore(%arg17 : memref<!tpu.dma_semaphore, #tpu.memory_space<semaphore_mem>>) src(%dma_wait3A_90 : memref<100000xf32, #tpu.memory_space<hbm>>) dst(%dma_wait3A_86 : memref<128xf32, #tpu.memory_space<vmem>>)
    %dma_wait3A_91 = arith.constant 384 : i32
    %dma_wait3A_92 = tpu.memref_slice %arg14[%dma_wait3A_91] : memref<512xf32, #tpu.memory_space<vmem>> -> memref<128xf32, #tpu.memory_space<vmem>>
    %dma_wait3A_93 = arith.constant 384 : i32
    %dma_wait3A_94 = tpu.memref_slice %arg10[%dma_wait3A_93] : memref<512xi32, #tpu.memory_space<vmem>> -> memref<128xi32, #tpu.memory_space<vmem>>
    %dma_wait3A_95 = arith.constant 0 : i32
    %dma_wait3A_96 = tpu.memref_slice %arg7[%dma_wait3A_95] : memref<100000xf32, #tpu.memory_space<hbm>> -> memref<100000xf32, #tpu.memory_space<hbm>>
    tpu.wait_indirect_dma semaphore(%arg17 : memref<!tpu.dma_semaphore, #tpu.memory_space<semaphore_mem>>) src(%dma_wait3A_96 : memref<100000xf32, #tpu.memory_space<hbm>>) dst(%dma_wait3A_92 : memref<128xf32, #tpu.memory_space<vmem>>)
    %dma_start3A_97 = arith.constant 0 : i32
    %dma_start3A_98 = arith.constant 0 : i32
    %dma_start3A_99 = tpu.memref_slice %arg11[%dma_start3A_97, %dma_start3A_98] : memref<256x128xf32, #tpu.memory_space<vmem>> -> memref<128x128xf32, #tpu.memory_space<vmem>>
    %dma_start3A_100 = arith.constant 0 : i32
    %dma_start3A_101 = tpu.memref_slice %arg9[%dma_start3A_100] : memref<512xi32, #tpu.memory_space<vmem>> -> memref<128xi32, #tpu.memory_space<vmem>>
    %dma_start3A_102 = arith.constant 0 : i32
    %dma_start3A_103 = arith.constant 0 : i32
    %dma_start3A_104 = tpu.memref_slice %arg4[%dma_start3A_102, %dma_start3A_103] : memref<100000x128xf32, #tpu.memory_space<hbm>> -> memref<100000x128xf32, #tpu.memory_space<hbm>>
    tpu.enqueue_indirect_dma source(%dma_start3A_104 : memref<100000x128xf32, #tpu.memory_space<hbm>>) target(%dma_start3A_99 : memref<128x128xf32, #tpu.memory_space<vmem>>) offsets(%dma_start3A_101 : memref<128xi32, #tpu.memory_space<vmem>>) semaphore(%arg16 : memref<!tpu.dma_semaphore, #tpu.memory_space<semaphore_mem>>)
    %dma_start3A_105 = arith.constant 0 : i32
    %dma_start3A_106 = arith.constant 0 : i32
    %dma_start3A_107 = tpu.memref_slice %arg12[%dma_start3A_105, %dma_start3A_106] : memref<256x128xf32, #tpu.memory_space<vmem>> -> memref<128x128xf32, #tpu.memory_space<vmem>>
    %dma_start3A_108 = arith.constant 0 : i32
    %dma_start3A_109 = tpu.memref_slice %arg10[%dma_start3A_108] : memref<512xi32, #tpu.memory_space<vmem>> -> memref<128xi32, #tpu.memory_space<vmem>>
    %dma_start3A_110 = arith.constant 0 : i32
    %dma_start3A_111 = arith.constant 0 : i32
    %dma_start3A_112 = tpu.memref_slice %arg5[%dma_start3A_110, %dma_start3A_111] : memref<100000x128xf32, #tpu.memory_space<hbm>> -> memref<100000x128xf32, #tpu.memory_space<hbm>>
    tpu.enqueue_indirect_dma source(%dma_start3A_112 : memref<100000x128xf32, #tpu.memory_space<hbm>>) target(%dma_start3A_107 : memref<128x128xf32, #tpu.memory_space<vmem>>) offsets(%dma_start3A_109 : memref<128xi32, #tpu.memory_space<vmem>>) semaphore(%arg16 : memref<!tpu.dma_semaphore, #tpu.memory_space<semaphore_mem>>)
    %dma_start3A_113 = arith.constant 128 : i32
    %dma_start3A_114 = arith.constant 0 : i32
    %dma_start3A_115 = tpu.memref_slice %arg11[%dma_start3A_113, %dma_start3A_114] : memref<256x128xf32, #tpu.memory_space<vmem>> -> memref<128x128xf32, #tpu.memory_space<vmem>>
    %dma_start3A_116 = arith.constant 128 : i32
    %dma_start3A_117 = tpu.memref_slice %arg9[%dma_start3A_116] : memref<512xi32, #tpu.memory_space<vmem>> -> memref<128xi32, #tpu.memory_space<vmem>>
    %dma_start3A_118 = arith.constant 0 : i32
    %dma_start3A_119 = arith.constant 0 : i32
    %dma_start3A_120 = tpu.memref_slice %arg4[%dma_start3A_118, %dma_start3A_119] : memref<100000x128xf32, #tpu.memory_space<hbm>> -> memref<100000x128xf32, #tpu.memory_space<hbm>>
    tpu.enqueue_indirect_dma source(%dma_start3A_120 : memref<100000x128xf32, #tpu.memory_space<hbm>>) target(%dma_start3A_115 : memref<128x128xf32, #tpu.memory_space<vmem>>) offsets(%dma_start3A_117 : memref<128xi32, #tpu.memory_space<vmem>>) semaphore(%arg16 : memref<!tpu.dma_semaphore, #tpu.memory_space<semaphore_mem>>)
    %dma_start3A_121 = arith.constant 128 : i32
    %dma_start3A_122 = arith.constant 0 : i32
    %dma_start3A_123 = tpu.memref_slice %arg12[%dma_start3A_121, %dma_start3A_122] : memref<256x128xf32, #tpu.memory_space<vmem>> -> memref<128x128xf32, #tpu.memory_space<vmem>>
    %dma_start3A_124 = arith.constant 128 : i32
    %dma_start3A_125 = tpu.memref_slice %arg10[%dma_start3A_124] : memref<512xi32, #tpu.memory_space<vmem>> -> memref<128xi32, #tpu.memory_space<vmem>>
    %dma_start3A_126 = arith.constant 0 : i32
    %dma_start3A_127 = arith.constant 0 : i32
    %dma_start3A_128 = tpu.memref_slice %arg5[%dma_start3A_126, %dma_start3A_127] : memref<100000x128xf32, #tpu.memory_space<hbm>> -> memref<100000x128xf32, #tpu.memory_space<hbm>>
    tpu.enqueue_indirect_dma source(%dma_start3A_128 : memref<100000x128xf32, #tpu.memory_space<hbm>>) target(%dma_start3A_123 : memref<128x128xf32, #tpu.memory_space<vmem>>) offsets(%dma_start3A_125 : memref<128xi32, #tpu.memory_space<vmem>>) semaphore(%arg16 : memref<!tpu.dma_semaphore, #tpu.memory_space<semaphore_mem>>)
    %dma_wait3A_129 = arith.constant 0 : i32
    %dma_wait3A_130 = arith.constant 0 : i32
    %dma_wait3A_131 = tpu.memref_slice %arg11[%dma_wait3A_129, %dma_wait3A_130] : memref<256x128xf32, #tpu.memory_space<vmem>> -> memref<128x128xf32, #tpu.memory_space<vmem>>
    %dma_wait3A_132 = arith.constant 0 : i32
    %dma_wait3A_133 = tpu.memref_slice %arg9[%dma_wait3A_132] : memref<512xi32, #tpu.memory_space<vmem>> -> memref<128xi32, #tpu.memory_space<vmem>>
    %dma_wait3A_134 = arith.constant 0 : i32
    %dma_wait3A_135 = arith.constant 0 : i32
    %dma_wait3A_136 = tpu.memref_slice %arg4[%dma_wait3A_134, %dma_wait3A_135] : memref<100000x128xf32, #tpu.memory_space<hbm>> -> memref<100000x128xf32, #tpu.memory_space<hbm>>
    tpu.wait_indirect_dma semaphore(%arg16 : memref<!tpu.dma_semaphore, #tpu.memory_space<semaphore_mem>>) src(%dma_wait3A_136 : memref<100000x128xf32, #tpu.memory_space<hbm>>) dst(%dma_wait3A_131 : memref<128x128xf32, #tpu.memory_space<vmem>>)
    %dma_wait3A_137 = arith.constant 0 : i32
    %dma_wait3A_138 = arith.constant 0 : i32
    %dma_wait3A_139 = tpu.memref_slice %arg12[%dma_wait3A_137, %dma_wait3A_138] : memref<256x128xf32, #tpu.memory_space<vmem>> -> memref<128x128xf32, #tpu.memory_space<vmem>>
    %dma_wait3A_140 = arith.constant 0 : i32
    %dma_wait3A_141 = tpu.memref_slice %arg10[%dma_wait3A_140] : memref<512xi32, #tpu.memory_space<vmem>> -> memref<128xi32, #tpu.memory_space<vmem>>
    %dma_wait3A_142 = arith.constant 0 : i32
    %dma_wait3A_143 = arith.constant 0 : i32
    %dma_wait3A_144 = tpu.memref_slice %arg5[%dma_wait3A_142, %dma_wait3A_143] : memref<100000x128xf32, #tpu.memory_space<hbm>> -> memref<100000x128xf32, #tpu.memory_space<hbm>>
    tpu.wait_indirect_dma semaphore(%arg16 : memref<!tpu.dma_semaphore, #tpu.memory_space<semaphore_mem>>) src(%dma_wait3A_144 : memref<100000x128xf32, #tpu.memory_space<hbm>>) dst(%dma_wait3A_139 : memref<128x128xf32, #tpu.memory_space<vmem>>)
    %dma_wait3A_145 = arith.constant 128 : i32
    %dma_wait3A_146 = arith.constant 0 : i32
    %dma_wait3A_147 = tpu.memref_slice %arg11[%dma_wait3A_145, %dma_wait3A_146] : memref<256x128xf32, #tpu.memory_space<vmem>> -> memref<128x128xf32, #tpu.memory_space<vmem>>
    %dma_wait3A_148 = arith.constant 128 : i32
    %dma_wait3A_149 = tpu.memref_slice %arg9[%dma_wait3A_148] : memref<512xi32, #tpu.memory_space<vmem>> -> memref<128xi32, #tpu.memory_space<vmem>>
    %dma_wait3A_150 = arith.constant 0 : i32
    %dma_wait3A_151 = arith.constant 0 : i32
    %dma_wait3A_152 = tpu.memref_slice %arg4[%dma_wait3A_150, %dma_wait3A_151] : memref<100000x128xf32, #tpu.memory_space<hbm>> -> memref<100000x128xf32, #tpu.memory_space<hbm>>
    tpu.wait_indirect_dma semaphore(%arg16 : memref<!tpu.dma_semaphore, #tpu.memory_space<semaphore_mem>>) src(%dma_wait3A_152 : memref<100000x128xf32, #tpu.memory_space<hbm>>) dst(%dma_wait3A_147 : memref<128x128xf32, #tpu.memory_space<vmem>>)
    %dma_wait3A_153 = arith.constant 128 : i32
    %dma_wait3A_154 = arith.constant 0 : i32
    %dma_wait3A_155 = tpu.memref_slice %arg12[%dma_wait3A_153, %dma_wait3A_154] : memref<256x128xf32, #tpu.memory_space<vmem>> -> memref<128x128xf32, #tpu.memory_space<vmem>>
    %dma_wait3A_156 = arith.constant 128 : i32
    %dma_wait3A_157 = tpu.memref_slice %arg10[%dma_wait3A_156] : memref<512xi32, #tpu.memory_space<vmem>> -> memref<128xi32, #tpu.memory_space<vmem>>
    %dma_wait3A_158 = arith.constant 0 : i32
    %dma_wait3A_159 = arith.constant 0 : i32
    %dma_wait3A_160 = tpu.memref_slice %arg5[%dma_wait3A_158, %dma_wait3A_159] : memref<100000x128xf32, #tpu.memory_space<hbm>> -> memref<100000x128xf32, #tpu.memory_space<hbm>>
    tpu.wait_indirect_dma semaphore(%arg16 : memref<!tpu.dma_semaphore, #tpu.memory_space<semaphore_mem>>) src(%dma_wait3A_160 : memref<100000x128xf32, #tpu.memory_space<hbm>>) dst(%dma_wait3A_155 : memref<128x128xf32, #tpu.memory_space<vmem>>)
    %scan3A = arith.constant 0 : i32
    %scan3A_161 = arith.constant 0 : i32
    %scan3A_162 = arith.constant 16 : i32
    %scan3A_163 = arith.addi %scan3A_161, %scan3A_162 : i32
    %scan3A_164 = arith.constant 1 : i32
    scf.for %scan3A_236 = %scan3A_161 to %scan3A_163 step %scan3A_164  : i32 {
      %mul3A_237 = arith.constant 16 : i32
      %mul3A_238 = arith.muli %scan3A_236, %mul3A_237 : i32
      %add3A_239 = vector.broadcast %mul3A_238 : i32 to vector<16xi32>
      %add3A_240 = arith.addi %iota3A, %add3A_239 : vector<16xi32>
      %mul3A_241 = arith.constant 16 : i32
      %mul3A_242 = arith.muli %scan3A_236, %mul3A_241 : i32
      %add3A_243 = arith.constant 0 : i32
      %add3A_244 = arith.addi %add3A_243, %mul3A_242 : i32
      %get3A = arith.index_cast %add3A_244 : i32 to index
      %get3A_245 = tpu.vector_load %arg13[%get3A] {strides = array<i32>} : memref<512xf32, #tpu.memory_space<vmem>>, vector<16xf32>,
      %get3A_246 = arith.index_cast %add3A_244 : i32 to index
      %get3A_247 = tpu.vector_load %arg14[%get3A_246] {strides = array<i32>} : memref<512xf32, #tpu.memory_space<vmem>>, vector<16xf32>,
      %add3A_248 = arith.addf %get3A_245, %get3A_247 : vector<16xf32>
      %add3A_249 = arith.constant 3.500000e+00 : f32
      %add3A_250 = vector.broadcast %add3A_249 : f32 to vector<16xf32>
      %add3A_251 = arith.addf %add3A_248, %add3A_250 : vector<16xf32>
      %add3A_252 = arith.constant 0 : i32
      %add3A_253 = vector.broadcast %add3A_252 : i32 to vector<16xi32>
      %add3A_254 = arith.addi %iota3A, %add3A_253 : vector<16xi32>
      %and3A = arith.constant 63 : i32
      %and3A_255 = vector.broadcast %and3A : i32 to vector<16xi32>
      %and3A_256 = arith.andi %add3A_254, %and3A_255 : vector<16xi32>
      %gather3A = tpu.vector_load_idx %arg11[%add3A_240, %and3A_256] : memref<256x128xf32, #tpu.memory_space<vmem>>[vector<16xi32>, vector<16xi32>], vector<16xf32>,
      %gather3A_257 = tpu.vector_load_idx %arg12[%add3A_240, %and3A_256] : memref<256x128xf32, #tpu.memory_space<vmem>>[vector<16xi32>, vector<16xi32>], vector<16xf32>,
      %mul3A_258 = arith.mulf %gather3A, %gather3A_257 : vector<16xf32>
      %add3A_259 = arith.addf %add3A_251, %mul3A_258 : vector<16xf32>
      %add3A_260 = arith.constant 1 : i32
      %add3A_261 = vector.broadcast %add3A_260 : i32 to vector<16xi32>
      %add3A_262 = arith.addi %iota3A, %add3A_261 : vector<16xi32>
      %and3A_263 = arith.constant 63 : i32
      %and3A_264 = vector.broadcast %and3A_263 : i32 to vector<16xi32>
      %and3A_265 = arith.andi %add3A_262, %and3A_264 : vector<16xi32>
      %gather3A_266 = tpu.vector_load_idx %arg11[%add3A_240, %and3A_265] : memref<256x128xf32, #tpu.memory_space<vmem>>[vector<16xi32>, vector<16xi32>], vector<16xf32>,
      %gather3A_267 = tpu.vector_load_idx %arg12[%add3A_240, %and3A_265] : memref<256x128xf32, #tpu.memory_space<vmem>>[vector<16xi32>, vector<16xi32>], vector<16xf32>,
      %mul3A_268 = arith.mulf %gather3A_266, %gather3A_267 : vector<16xf32>
      %add3A_269 = arith.addf %add3A_259, %mul3A_268 : vector<16xf32>
      %add3A_270 = arith.constant 2 : i32
      %add3A_271 = vector.broadcast %add3A_270 : i32 to vector<16xi32>
      %add3A_272 = arith.addi %iota3A, %add3A_271 : vector<16xi32>
      %and3A_273 = arith.constant 63 : i32
      %and3A_274 = vector.broadcast %and3A_273 : i32 to vector<16xi32>
      %and3A_275 = arith.andi %add3A_272, %and3A_274 : vector<16xi32>
      %gather3A_276 = tpu.vector_load_idx %arg11[%add3A_240, %and3A_275] : memref<256x128xf32, #tpu.memory_space<vmem>>[vector<16xi32>, vector<16xi32>], vector<16xf32>,
      %gather3A_277 = tpu.vector_load_idx %arg12[%add3A_240, %and3A_275] : memref<256x128xf32, #tpu.memory_space<vmem>>[vector<16xi32>, vector<16xi32>], vector<16xf32>,
      %mul3A_278 = arith.mulf %gather3A_276, %gather3A_277 : vector<16xf32>
      %add3A_279 = arith.addf %add3A_269, %mul3A_278 : vector<16xf32>
      %add3A_280 = arith.constant 3 : i32
      %add3A_281 = vector.broadcast %add3A_280 : i32 to vector<16xi32>
      %add3A_282 = arith.addi %iota3A, %add3A_281 : vector<16xi32>
      %and3A_283 = arith.constant 63 : i32
      %and3A_284 = vector.broadcast %and3A_283 : i32 to vector<16xi32>
      %and3A_285 = arith.andi %add3A_282, %and3A_284 : vector<16xi32>
      %gather3A_286 = tpu.vector_load_idx %arg11[%add3A_240, %and3A_285] : memref<256x128xf32, #tpu.memory_space<vmem>>[vector<16xi32>, vector<16xi32>], vector<16xf32>,
      %gather3A_287 = tpu.vector_load_idx %arg12[%add3A_240, %and3A_285] : memref<256x128xf32, #tpu.memory_space<vmem>>[vector<16xi32>, vector<16xi32>], vector<16xf32>,
      %mul3A_288 = arith.mulf %gather3A_286, %gather3A_287 : vector<16xf32>
      %add3A_289 = arith.addf %add3A_279, %mul3A_288 : vector<16xf32>
      %add3A_290 = arith.constant 4 : i32
      %add3A_291 = vector.broadcast %add3A_290 : i32 to vector<16xi32>
      %add3A_292 = arith.addi %iota3A, %add3A_291 : vector<16xi32>
      %and3A_293 = arith.constant 63 : i32
      %and3A_294 = vector.broadcast %and3A_293 : i32 to vector<16xi32>
      %and3A_295 = arith.andi %add3A_292, %and3A_294 : vector<16xi32>
      %gather3A_296 = tpu.vector_load_idx %arg11[%add3A_240, %and3A_295] : memref<256x128xf32, #tpu.memory_space<vmem>>[vector<16xi32>, vector<16xi32>], vector<16xf32>,
      %gather3A_297 = tpu.vector_load_idx %arg12[%add3A_240, %and3A_295] : memref<256x128xf32, #tpu.memory_space<vmem>>[vector<16xi32>, vector<16xi32>], vector<16xf32>,
      %mul3A_298 = arith.mulf %gather3A_296, %gather3A_297 : vector<16xf32>
      %add3A_299 = arith.addf %add3A_289, %mul3A_298 : vector<16xf32>
      %add3A_300 = arith.constant 5 : i32
      %add3A_301 = vector.broadcast %add3A_300 : i32 to vector<16xi32>
      %add3A_302 = arith.addi %iota3A, %add3A_301 : vector<16xi32>
      %and3A_303 = arith.constant 63 : i32
      %and3A_304 = vector.broadcast %and3A_303 : i32 to vector<16xi32>
      %and3A_305 = arith.andi %add3A_302, %and3A_304 : vector<16xi32>
      %gather3A_306 = tpu.vector_load_idx %arg11[%add3A_240, %and3A_305] : memref<256x128xf32, #tpu.memory_space<vmem>>[vector<16xi32>, vector<16xi32>], vector<16xf32>,
      %gather3A_307 = tpu.vector_load_idx %arg12[%add3A_240, %and3A_305] : memref<256x128xf32, #tpu.memory_space<vmem>>[vector<16xi32>, vector<16xi32>], vector<16xf32>,
      %mul3A_308 = arith.mulf %gather3A_306, %gather3A_307 : vector<16xf32>
      %add3A_309 = arith.addf %add3A_299, %mul3A_308 : vector<16xf32>
      %add3A_310 = arith.constant 6 : i32
      %add3A_311 = vector.broadcast %add3A_310 : i32 to vector<16xi32>
      %add3A_312 = arith.addi %iota3A, %add3A_311 : vector<16xi32>
      %and3A_313 = arith.constant 63 : i32
      %and3A_314 = vector.broadcast %and3A_313 : i32 to vector<16xi32>
      %and3A_315 = arith.andi %add3A_312, %and3A_314 : vector<16xi32>
      %gather3A_316 = tpu.vector_load_idx %arg11[%add3A_240, %and3A_315] : memref<256x128xf32, #tpu.memory_space<vmem>>[vector<16xi32>, vector<16xi32>], vector<16xf32>,
      %gather3A_317 = tpu.vector_load_idx %arg12[%add3A_240, %and3A_315] : memref<256x128xf32, #tpu.memory_space<vmem>>[vector<16xi32>, vector<16xi32>], vector<16xf32>,
      %mul3A_318 = arith.mulf %gather3A_316, %gather3A_317 : vector<16xf32>
      %add3A_319 = arith.addf %add3A_309, %mul3A_318 : vector<16xf32>
      %add3A_320 = arith.constant 7 : i32
      %add3A_321 = vector.broadcast %add3A_320 : i32 to vector<16xi32>
      %add3A_322 = arith.addi %iota3A, %add3A_321 : vector<16xi32>
      %and3A_323 = arith.constant 63 : i32
      %and3A_324 = vector.broadcast %and3A_323 : i32 to vector<16xi32>
      %and3A_325 = arith.andi %add3A_322, %and3A_324 : vector<16xi32>
      %gather3A_326 = tpu.vector_load_idx %arg11[%add3A_240, %and3A_325] : memref<256x128xf32, #tpu.memory_space<vmem>>[vector<16xi32>, vector<16xi32>], vector<16xf32>,
      %gather3A_327 = tpu.vector_load_idx %arg12[%add3A_240, %and3A_325] : memref<256x128xf32, #tpu.memory_space<vmem>>[vector<16xi32>, vector<16xi32>], vector<16xf32>,
      %mul3A_328 = arith.mulf %gather3A_326, %gather3A_327 : vector<16xf32>
      %add3A_329 = arith.addf %add3A_319, %mul3A_328 : vector<16xf32>
      %add3A_330 = arith.constant 8 : i32
      %add3A_331 = vector.broadcast %add3A_330 : i32 to vector<16xi32>
      %add3A_332 = arith.addi %iota3A, %add3A_331 : vector<16xi32>
      %and3A_333 = arith.constant 63 : i32
      %and3A_334 = vector.broadcast %and3A_333 : i32 to vector<16xi32>
      %and3A_335 = arith.andi %add3A_332, %and3A_334 : vector<16xi32>
      %gather3A_336 = tpu.vector_load_idx %arg11[%add3A_240, %and3A_335] : memref<256x128xf32, #tpu.memory_space<vmem>>[vector<16xi32>, vector<16xi32>], vector<16xf32>,
      %gather3A_337 = tpu.vector_load_idx %arg12[%add3A_240, %and3A_335] : memref<256x128xf32, #tpu.memory_space<vmem>>[vector<16xi32>, vector<16xi32>], vector<16xf32>,
      %mul3A_338 = arith.mulf %gather3A_336, %gather3A_337 : vector<16xf32>
      %add3A_339 = arith.addf %add3A_329, %mul3A_338 : vector<16xf32>
      %add3A_340 = arith.constant 9 : i32
      %add3A_341 = vector.broadcast %add3A_340 : i32 to vector<16xi32>
      %add3A_342 = arith.addi %iota3A, %add3A_341 : vector<16xi32>
      %and3A_343 = arith.constant 63 : i32
      %and3A_344 = vector.broadcast %and3A_343 : i32 to vector<16xi32>
      %and3A_345 = arith.andi %add3A_342, %and3A_344 : vector<16xi32>
      %gather3A_346 = tpu.vector_load_idx %arg11[%add3A_240, %and3A_345] : memref<256x128xf32, #tpu.memory_space<vmem>>[vector<16xi32>, vector<16xi32>], vector<16xf32>,
      %gather3A_347 = tpu.vector_load_idx %arg12[%add3A_240, %and3A_345] : memref<256x128xf32, #tpu.memory_space<vmem>>[vector<16xi32>, vector<16xi32>], vector<16xf32>,
      %mul3A_348 = arith.mulf %gather3A_346, %gather3A_347 : vector<16xf32>
      %add3A_349 = arith.addf %add3A_339, %mul3A_348 : vector<16xf32>
      %add3A_350 = arith.constant 10 : i32
      %add3A_351 = vector.broadcast %add3A_350 : i32 to vector<16xi32>
      %add3A_352 = arith.addi %iota3A, %add3A_351 : vector<16xi32>
      %and3A_353 = arith.constant 63 : i32
      %and3A_354 = vector.broadcast %and3A_353 : i32 to vector<16xi32>
      %and3A_355 = arith.andi %add3A_352, %and3A_354 : vector<16xi32>
      %gather3A_356 = tpu.vector_load_idx %arg11[%add3A_240, %and3A_355] : memref<256x128xf32, #tpu.memory_space<vmem>>[vector<16xi32>, vector<16xi32>], vector<16xf32>,
      %gather3A_357 = tpu.vector_load_idx %arg12[%add3A_240, %and3A_355] : memref<256x128xf32, #tpu.memory_space<vmem>>[vector<16xi32>, vector<16xi32>], vector<16xf32>,
      %mul3A_358 = arith.mulf %gather3A_356, %gather3A_357 : vector<16xf32>
      %add3A_359 = arith.addf %add3A_349, %mul3A_358 : vector<16xf32>
      %add3A_360 = arith.constant 11 : i32
      %add3A_361 = vector.broadcast %add3A_360 : i32 to vector<16xi32>
      %add3A_362 = arith.addi %iota3A, %add3A_361 : vector<16xi32>
      %and3A_363 = arith.constant 63 : i32
      %and3A_364 = vector.broadcast %and3A_363 : i32 to vector<16xi32>
      %and3A_365 = arith.andi %add3A_362, %and3A_364 : vector<16xi32>
      %gather3A_366 = tpu.vector_load_idx %arg11[%add3A_240, %and3A_365] : memref<256x128xf32, #tpu.memory_space<vmem>>[vector<16xi32>, vector<16xi32>], vector<16xf32>,
      %gather3A_367 = tpu.vector_load_idx %arg12[%add3A_240, %and3A_365] : memref<256x128xf32, #tpu.memory_space<vmem>>[vector<16xi32>, vector<16xi32>], vector<16xf32>,
      %mul3A_368 = arith.mulf %gather3A_366, %gather3A_367 : vector<16xf32>
      %add3A_369 = arith.addf %add3A_359, %mul3A_368 : vector<16xf32>
      %add3A_370 = arith.constant 12 : i32
      %add3A_371 = vector.broadcast %add3A_370 : i32 to vector<16xi32>
      %add3A_372 = arith.addi %iota3A, %add3A_371 : vector<16xi32>
      %and3A_373 = arith.constant 63 : i32
      %and3A_374 = vector.broadcast %and3A_373 : i32 to vector<16xi32>
      %and3A_375 = arith.andi %add3A_372, %and3A_374 : vector<16xi32>
      %gather3A_376 = tpu.vector_load_idx %arg11[%add3A_240, %and3A_375] : memref<256x128xf32, #tpu.memory_space<vmem>>[vector<16xi32>, vector<16xi32>], vector<16xf32>,
      %gather3A_377 = tpu.vector_load_idx %arg12[%add3A_240, %and3A_375] : memref<256x128xf32, #tpu.memory_space<vmem>>[vector<16xi32>, vector<16xi32>], vector<16xf32>,
      %mul3A_378 = arith.mulf %gather3A_376, %gather3A_377 : vector<16xf32>
      %add3A_379 = arith.addf %add3A_369, %mul3A_378 : vector<16xf32>
      %add3A_380 = arith.constant 13 : i32
      %add3A_381 = vector.broadcast %add3A_380 : i32 to vector<16xi32>
      %add3A_382 = arith.addi %iota3A, %add3A_381 : vector<16xi32>
      %and3A_383 = arith.constant 63 : i32
      %and3A_384 = vector.broadcast %and3A_383 : i32 to vector<16xi32>
      %and3A_385 = arith.andi %add3A_382, %and3A_384 : vector<16xi32>
      %gather3A_386 = tpu.vector_load_idx %arg11[%add3A_240, %and3A_385] : memref<256x128xf32, #tpu.memory_space<vmem>>[vector<16xi32>, vector<16xi32>], vector<16xf32>,
      %gather3A_387 = tpu.vector_load_idx %arg12[%add3A_240, %and3A_385] : memref<256x128xf32, #tpu.memory_space<vmem>>[vector<16xi32>, vector<16xi32>], vector<16xf32>,
      %mul3A_388 = arith.mulf %gather3A_386, %gather3A_387 : vector<16xf32>
      %add3A_389 = arith.addf %add3A_379, %mul3A_388 : vector<16xf32>
      %add3A_390 = arith.constant 14 : i32
      %add3A_391 = vector.broadcast %add3A_390 : i32 to vector<16xi32>
      %add3A_392 = arith.addi %iota3A, %add3A_391 : vector<16xi32>
      %and3A_393 = arith.constant 63 : i32
      %and3A_394 = vector.broadcast %and3A_393 : i32 to vector<16xi32>
      %and3A_395 = arith.andi %add3A_392, %and3A_394 : vector<16xi32>
      %gather3A_396 = tpu.vector_load_idx %arg11[%add3A_240, %and3A_395] : memref<256x128xf32, #tpu.memory_space<vmem>>[vector<16xi32>, vector<16xi32>], vector<16xf32>,
      %gather3A_397 = tpu.vector_load_idx %arg12[%add3A_240, %and3A_395] : memref<256x128xf32, #tpu.memory_space<vmem>>[vector<16xi32>, vector<16xi32>], vector<16xf32>,
      %mul3A_398 = arith.mulf %gather3A_396, %gather3A_397 : vector<16xf32>
      %add3A_399 = arith.addf %add3A_389, %mul3A_398 : vector<16xf32>
      %add3A_400 = arith.constant 15 : i32
      %add3A_401 = vector.broadcast %add3A_400 : i32 to vector<16xi32>
      %add3A_402 = arith.addi %iota3A, %add3A_401 : vector<16xi32>
      %and3A_403 = arith.constant 63 : i32
      %and3A_404 = vector.broadcast %and3A_403 : i32 to vector<16xi32>
      %and3A_405 = arith.andi %add3A_402, %and3A_404 : vector<16xi32>
      %gather3A_406 = tpu.vector_load_idx %arg11[%add3A_240, %and3A_405] : memref<256x128xf32, #tpu.memory_space<vmem>>[vector<16xi32>, vector<16xi32>], vector<16xf32>,
      %gather3A_407 = tpu.vector_load_idx %arg12[%add3A_240, %and3A_405] : memref<256x128xf32, #tpu.memory_space<vmem>>[vector<16xi32>, vector<16xi32>], vector<16xf32>,
      %mul3A_408 = arith.mulf %gather3A_406, %gather3A_407 : vector<16xf32>
      %add3A_409 = arith.addf %add3A_399, %mul3A_408 : vector<16xf32>
      %add3A_410 = arith.constant 16 : i32
      %add3A_411 = vector.broadcast %add3A_410 : i32 to vector<16xi32>
      %add3A_412 = arith.addi %iota3A, %add3A_411 : vector<16xi32>
      %and3A_413 = arith.constant 63 : i32
      %and3A_414 = vector.broadcast %and3A_413 : i32 to vector<16xi32>
      %and3A_415 = arith.andi %add3A_412, %and3A_414 : vector<16xi32>
      %gather3A_416 = tpu.vector_load_idx %arg11[%add3A_240, %and3A_415] : memref<256x128xf32, #tpu.memory_space<vmem>>[vector<16xi32>, vector<16xi32>], vector<16xf32>,
      %gather3A_417 = tpu.vector_load_idx %arg12[%add3A_240, %and3A_415] : memref<256x128xf32, #tpu.memory_space<vmem>>[vector<16xi32>, vector<16xi32>], vector<16xf32>,
      %mul3A_418 = arith.mulf %gather3A_416, %gather3A_417 : vector<16xf32>
      %add3A_419 = arith.addf %add3A_409, %mul3A_418 : vector<16xf32>
      %add3A_420 = arith.constant 17 : i32
      %add3A_421 = vector.broadcast %add3A_420 : i32 to vector<16xi32>
      %add3A_422 = arith.addi %iota3A, %add3A_421 : vector<16xi32>
      %and3A_423 = arith.constant 63 : i32
      %and3A_424 = vector.broadcast %and3A_423 : i32 to vector<16xi32>
      %and3A_425 = arith.andi %add3A_422, %and3A_424 : vector<16xi32>
      %gather3A_426 = tpu.vector_load_idx %arg11[%add3A_240, %and3A_425] : memref<256x128xf32, #tpu.memory_space<vmem>>[vector<16xi32>, vector<16xi32>], vector<16xf32>,
      %gather3A_427 = tpu.vector_load_idx %arg12[%add3A_240, %and3A_425] : memref<256x128xf32, #tpu.memory_space<vmem>>[vector<16xi32>, vector<16xi32>], vector<16xf32>,
      %mul3A_428 = arith.mulf %gather3A_426, %gather3A_427 : vector<16xf32>
      %add3A_429 = arith.addf %add3A_419, %mul3A_428 : vector<16xf32>
      %add3A_430 = arith.constant 18 : i32
      %add3A_431 = vector.broadcast %add3A_430 : i32 to vector<16xi32>
      %add3A_432 = arith.addi %iota3A, %add3A_431 : vector<16xi32>
      %and3A_433 = arith.constant 63 : i32
      %and3A_434 = vector.broadcast %and3A_433 : i32 to vector<16xi32>
      %and3A_435 = arith.andi %add3A_432, %and3A_434 : vector<16xi32>
      %gather3A_436 = tpu.vector_load_idx %arg11[%add3A_240, %and3A_435] : memref<256x128xf32, #tpu.memory_space<vmem>>[vector<16xi32>, vector<16xi32>], vector<16xf32>,
      %gather3A_437 = tpu.vector_load_idx %arg12[%add3A_240, %and3A_435] : memref<256x128xf32, #tpu.memory_space<vmem>>[vector<16xi32>, vector<16xi32>], vector<16xf32>,
      %mul3A_438 = arith.mulf %gather3A_436, %gather3A_437 : vector<16xf32>
      %add3A_439 = arith.addf %add3A_429, %mul3A_438 : vector<16xf32>
      %add3A_440 = arith.constant 19 : i32
      %add3A_441 = vector.broadcast %add3A_440 : i32 to vector<16xi32>
      %add3A_442 = arith.addi %iota3A, %add3A_441 : vector<16xi32>
      %and3A_443 = arith.constant 63 : i32
      %and3A_444 = vector.broadcast %and3A_443 : i32 to vector<16xi32>
      %and3A_445 = arith.andi %add3A_442, %and3A_444 : vector<16xi32>
      %gather3A_446 = tpu.vector_load_idx %arg11[%add3A_240, %and3A_445] : memref<256x128xf32, #tpu.memory_space<vmem>>[vector<16xi32>, vector<16xi32>], vector<16xf32>,
      %gather3A_447 = tpu.vector_load_idx %arg12[%add3A_240, %and3A_445] : memref<256x128xf32, #tpu.memory_space<vmem>>[vector<16xi32>, vector<16xi32>], vector<16xf32>,
      %mul3A_448 = arith.mulf %gather3A_446, %gather3A_447 : vector<16xf32>
      %add3A_449 = arith.addf %add3A_439, %mul3A_448 : vector<16xf32>
      %add3A_450 = arith.constant 20 : i32
      %add3A_451 = vector.broadcast %add3A_450 : i32 to vector<16xi32>
      %add3A_452 = arith.addi %iota3A, %add3A_451 : vector<16xi32>
      %and3A_453 = arith.constant 63 : i32
      %and3A_454 = vector.broadcast %and3A_453 : i32 to vector<16xi32>
      %and3A_455 = arith.andi %add3A_452, %and3A_454 : vector<16xi32>
      %gather3A_456 = tpu.vector_load_idx %arg11[%add3A_240, %and3A_455] : memref<256x128xf32, #tpu.memory_space<vmem>>[vector<16xi32>, vector<16xi32>], vector<16xf32>,
      %gather3A_457 = tpu.vector_load_idx %arg12[%add3A_240, %and3A_455] : memref<256x128xf32, #tpu.memory_space<vmem>>[vector<16xi32>, vector<16xi32>], vector<16xf32>,
      %mul3A_458 = arith.mulf %gather3A_456, %gather3A_457 : vector<16xf32>
      %add3A_459 = arith.addf %add3A_449, %mul3A_458 : vector<16xf32>
      %add3A_460 = arith.constant 21 : i32
      %add3A_461 = vector.broadcast %add3A_460 : i32 to vector<16xi32>
      %add3A_462 = arith.addi %iota3A, %add3A_461 : vector<16xi32>
      %and3A_463 = arith.constant 63 : i32
      %and3A_464 = vector.broadcast %and3A_463 : i32 to vector<16xi32>
      %and3A_465 = arith.andi %add3A_462, %and3A_464 : vector<16xi32>
      %gather3A_466 = tpu.vector_load_idx %arg11[%add3A_240, %and3A_465] : memref<256x128xf32, #tpu.memory_space<vmem>>[vector<16xi32>, vector<16xi32>], vector<16xf32>,
      %gather3A_467 = tpu.vector_load_idx %arg12[%add3A_240, %and3A_465] : memref<256x128xf32, #tpu.memory_space<vmem>>[vector<16xi32>, vector<16xi32>], vector<16xf32>,
      %mul3A_468 = arith.mulf %gather3A_466, %gather3A_467 : vector<16xf32>
      %add3A_469 = arith.addf %add3A_459, %mul3A_468 : vector<16xf32>
      %add3A_470 = arith.constant 22 : i32
      %add3A_471 = vector.broadcast %add3A_470 : i32 to vector<16xi32>
      %add3A_472 = arith.addi %iota3A, %add3A_471 : vector<16xi32>
      %and3A_473 = arith.constant 63 : i32
      %and3A_474 = vector.broadcast %and3A_473 : i32 to vector<16xi32>
      %and3A_475 = arith.andi %add3A_472, %and3A_474 : vector<16xi32>
      %gather3A_476 = tpu.vector_load_idx %arg11[%add3A_240, %and3A_475] : memref<256x128xf32, #tpu.memory_space<vmem>>[vector<16xi32>, vector<16xi32>], vector<16xf32>,
      %gather3A_477 = tpu.vector_load_idx %arg12[%add3A_240, %and3A_475] : memref<256x128xf32, #tpu.memory_space<vmem>>[vector<16xi32>, vector<16xi32>], vector<16xf32>,
      %mul3A_478 = arith.mulf %gather3A_476, %gather3A_477 : vector<16xf32>
      %add3A_479 = arith.addf %add3A_469, %mul3A_478 : vector<16xf32>
      %add3A_480 = arith.constant 23 : i32
      %add3A_481 = vector.broadcast %add3A_480 : i32 to vector<16xi32>
      %add3A_482 = arith.addi %iota3A, %add3A_481 : vector<16xi32>
      %and3A_483 = arith.constant 63 : i32
      %and3A_484 = vector.broadcast %and3A_483 : i32 to vector<16xi32>
      %and3A_485 = arith.andi %add3A_482, %and3A_484 : vector<16xi32>
      %gather3A_486 = tpu.vector_load_idx %arg11[%add3A_240, %and3A_485] : memref<256x128xf32, #tpu.memory_space<vmem>>[vector<16xi32>, vector<16xi32>], vector<16xf32>,
      %gather3A_487 = tpu.vector_load_idx %arg12[%add3A_240, %and3A_485] : memref<256x128xf32, #tpu.memory_space<vmem>>[vector<16xi32>, vector<16xi32>], vector<16xf32>,
      %mul3A_488 = arith.mulf %gather3A_486, %gather3A_487 : vector<16xf32>
      %add3A_489 = arith.addf %add3A_479, %mul3A_488 : vector<16xf32>
      %add3A_490 = arith.constant 24 : i32
      %add3A_491 = vector.broadcast %add3A_490 : i32 to vector<16xi32>
      %add3A_492 = arith.addi %iota3A, %add3A_491 : vector<16xi32>
      %and3A_493 = arith.constant 63 : i32
      %and3A_494 = vector.broadcast %and3A_493 : i32 to vector<16xi32>
      %and3A_495 = arith.andi %add3A_492, %and3A_494 : vector<16xi32>
      %gather3A_496 = tpu.vector_load_idx %arg11[%add3A_240, %and3A_495] : memref<256x128xf32, #tpu.memory_space<vmem>>[vector<16xi32>, vector<16xi32>], vector<16xf32>,
      %gather3A_497 = tpu.vector_load_idx %arg12[%add3A_240, %and3A_495] : memref<256x128xf32, #tpu.memory_space<vmem>>[vector<16xi32>, vector<16xi32>], vector<16xf32>,
      %mul3A_498 = arith.mulf %gather3A_496, %gather3A_497 : vector<16xf32>
      %add3A_499 = arith.addf %add3A_489, %mul3A_498 : vector<16xf32>
      %add3A_500 = arith.constant 25 : i32
      %add3A_501 = vector.broadcast %add3A_500 : i32 to vector<16xi32>
      %add3A_502 = arith.addi %iota3A, %add3A_501 : vector<16xi32>
      %and3A_503 = arith.constant 63 : i32
      %and3A_504 = vector.broadcast %and3A_503 : i32 to vector<16xi32>
      %and3A_505 = arith.andi %add3A_502, %and3A_504 : vector<16xi32>
      %gather3A_506 = tpu.vector_load_idx %arg11[%add3A_240, %and3A_505] : memref<256x128xf32, #tpu.memory_space<vmem>>[vector<16xi32>, vector<16xi32>], vector<16xf32>,
      %gather3A_507 = tpu.vector_load_idx %arg12[%add3A_240, %and3A_505] : memref<256x128xf32, #tpu.memory_space<vmem>>[vector<16xi32>, vector<16xi32>], vector<16xf32>,
      %mul3A_508 = arith.mulf %gather3A_506, %gather3A_507 : vector<16xf32>
      %add3A_509 = arith.addf %add3A_499, %mul3A_508 : vector<16xf32>
      %add3A_510 = arith.constant 26 : i32
      %add3A_511 = vector.broadcast %add3A_510 : i32 to vector<16xi32>
      %add3A_512 = arith.addi %iota3A, %add3A_511 : vector<16xi32>
      %and3A_513 = arith.constant 63 : i32
      %and3A_514 = vector.broadcast %and3A_513 : i32 to vector<16xi32>
      %and3A_515 = arith.andi %add3A_512, %and3A_514 : vector<16xi32>
      %gather3A_516 = tpu.vector_load_idx %arg11[%add3A_240, %and3A_515] : memref<256x128xf32, #tpu.memory_space<vmem>>[vector<16xi32>, vector<16xi32>], vector<16xf32>,
      %gather3A_517 = tpu.vector_load_idx %arg12[%add3A_240, %and3A_515] : memref<256x128xf32, #tpu.memory_space<vmem>>[vector<16xi32>, vector<16xi32>], vector<16xf32>,
      %mul3A_518 = arith.mulf %gather3A_516, %gather3A_517 : vector<16xf32>
      %add3A_519 = arith.addf %add3A_509, %mul3A_518 : vector<16xf32>
      %add3A_520 = arith.constant 27 : i32
      %add3A_521 = vector.broadcast %add3A_520 : i32 to vector<16xi32>
      %add3A_522 = arith.addi %iota3A, %add3A_521 : vector<16xi32>
      %and3A_523 = arith.constant 63 : i32
      %and3A_524 = vector.broadcast %and3A_523 : i32 to vector<16xi32>
      %and3A_525 = arith.andi %add3A_522, %and3A_524 : vector<16xi32>
      %gather3A_526 = tpu.vector_load_idx %arg11[%add3A_240, %and3A_525] : memref<256x128xf32, #tpu.memory_space<vmem>>[vector<16xi32>, vector<16xi32>], vector<16xf32>,
      %gather3A_527 = tpu.vector_load_idx %arg12[%add3A_240, %and3A_525] : memref<256x128xf32, #tpu.memory_space<vmem>>[vector<16xi32>, vector<16xi32>], vector<16xf32>,
      %mul3A_528 = arith.mulf %gather3A_526, %gather3A_527 : vector<16xf32>
      %add3A_529 = arith.addf %add3A_519, %mul3A_528 : vector<16xf32>
      %add3A_530 = arith.constant 28 : i32
      %add3A_531 = vector.broadcast %add3A_530 : i32 to vector<16xi32>
      %add3A_532 = arith.addi %iota3A, %add3A_531 : vector<16xi32>
      %and3A_533 = arith.constant 63 : i32
      %and3A_534 = vector.broadcast %and3A_533 : i32 to vector<16xi32>
      %and3A_535 = arith.andi %add3A_532, %and3A_534 : vector<16xi32>
      %gather3A_536 = tpu.vector_load_idx %arg11[%add3A_240, %and3A_535] : memref<256x128xf32, #tpu.memory_space<vmem>>[vector<16xi32>, vector<16xi32>], vector<16xf32>,
      %gather3A_537 = tpu.vector_load_idx %arg12[%add3A_240, %and3A_535] : memref<256x128xf32, #tpu.memory_space<vmem>>[vector<16xi32>, vector<16xi32>], vector<16xf32>,
      %mul3A_538 = arith.mulf %gather3A_536, %gather3A_537 : vector<16xf32>
      %add3A_539 = arith.addf %add3A_529, %mul3A_538 : vector<16xf32>
      %add3A_540 = arith.constant 29 : i32
      %add3A_541 = vector.broadcast %add3A_540 : i32 to vector<16xi32>
      %add3A_542 = arith.addi %iota3A, %add3A_541 : vector<16xi32>
      %and3A_543 = arith.constant 63 : i32
      %and3A_544 = vector.broadcast %and3A_543 : i32 to vector<16xi32>
      %and3A_545 = arith.andi %add3A_542, %and3A_544 : vector<16xi32>
      %gather3A_546 = tpu.vector_load_idx %arg11[%add3A_240, %and3A_545] : memref<256x128xf32, #tpu.memory_space<vmem>>[vector<16xi32>, vector<16xi32>], vector<16xf32>,
      %gather3A_547 = tpu.vector_load_idx %arg12[%add3A_240, %and3A_545] : memref<256x128xf32, #tpu.memory_space<vmem>>[vector<16xi32>, vector<16xi32>], vector<16xf32>,
      %mul3A_548 = arith.mulf %gather3A_546, %gather3A_547 : vector<16xf32>
      %add3A_549 = arith.addf %add3A_539, %mul3A_548 : vector<16xf32>
      %add3A_550 = arith.constant 30 : i32
      %add3A_551 = vector.broadcast %add3A_550 : i32 to vector<16xi32>
      %add3A_552 = arith.addi %iota3A, %add3A_551 : vector<16xi32>
      %and3A_553 = arith.constant 63 : i32
      %and3A_554 = vector.broadcast %and3A_553 : i32 to vector<16xi32>
      %and3A_555 = arith.andi %add3A_552, %and3A_554 : vector<16xi32>
      %gather3A_556 = tpu.vector_load_idx %arg11[%add3A_240, %and3A_555] : memref<256x128xf32, #tpu.memory_space<vmem>>[vector<16xi32>, vector<16xi32>], vector<16xf32>,
      %gather3A_557 = tpu.vector_load_idx %arg12[%add3A_240, %and3A_555] : memref<256x128xf32, #tpu.memory_space<vmem>>[vector<16xi32>, vector<16xi32>], vector<16xf32>,
      %mul3A_558 = arith.mulf %gather3A_556, %gather3A_557 : vector<16xf32>
      %add3A_559 = arith.addf %add3A_549, %mul3A_558 : vector<16xf32>
      %add3A_560 = arith.constant 31 : i32
      %add3A_561 = vector.broadcast %add3A_560 : i32 to vector<16xi32>
      %add3A_562 = arith.addi %iota3A, %add3A_561 : vector<16xi32>
      %and3A_563 = arith.constant 63 : i32
      %and3A_564 = vector.broadcast %and3A_563 : i32 to vector<16xi32>
      %and3A_565 = arith.andi %add3A_562, %and3A_564 : vector<16xi32>
      %gather3A_566 = tpu.vector_load_idx %arg11[%add3A_240, %and3A_565] : memref<256x128xf32, #tpu.memory_space<vmem>>[vector<16xi32>, vector<16xi32>], vector<16xf32>,
      %gather3A_567 = tpu.vector_load_idx %arg12[%add3A_240, %and3A_565] : memref<256x128xf32, #tpu.memory_space<vmem>>[vector<16xi32>, vector<16xi32>], vector<16xf32>,
      %mul3A_568 = arith.mulf %gather3A_566, %gather3A_567 : vector<16xf32>
      %add3A_569 = arith.addf %add3A_559, %mul3A_568 : vector<16xf32>
      %add3A_570 = arith.constant 32 : i32
      %add3A_571 = vector.broadcast %add3A_570 : i32 to vector<16xi32>
      %add3A_572 = arith.addi %iota3A, %add3A_571 : vector<16xi32>
      %and3A_573 = arith.constant 63 : i32
      %and3A_574 = vector.broadcast %and3A_573 : i32 to vector<16xi32>
      %and3A_575 = arith.andi %add3A_572, %and3A_574 : vector<16xi32>
      %gather3A_576 = tpu.vector_load_idx %arg11[%add3A_240, %and3A_575] : memref<256x128xf32, #tpu.memory_space<vmem>>[vector<16xi32>, vector<16xi32>], vector<16xf32>,
      %gather3A_577 = tpu.vector_load_idx %arg12[%add3A_240, %and3A_575] : memref<256x128xf32, #tpu.memory_space<vmem>>[vector<16xi32>, vector<16xi32>], vector<16xf32>,
      %mul3A_578 = arith.mulf %gather3A_576, %gather3A_577 : vector<16xf32>
      %add3A_579 = arith.addf %add3A_569, %mul3A_578 : vector<16xf32>
      %add3A_580 = arith.constant 33 : i32
      %add3A_581 = vector.broadcast %add3A_580 : i32 to vector<16xi32>
      %add3A_582 = arith.addi %iota3A, %add3A_581 : vector<16xi32>
      %and3A_583 = arith.constant 63 : i32
      %and3A_584 = vector.broadcast %and3A_583 : i32 to vector<16xi32>
      %and3A_585 = arith.andi %add3A_582, %and3A_584 : vector<16xi32>
      %gather3A_586 = tpu.vector_load_idx %arg11[%add3A_240, %and3A_585] : memref<256x128xf32, #tpu.memory_space<vmem>>[vector<16xi32>, vector<16xi32>], vector<16xf32>,
      %gather3A_587 = tpu.vector_load_idx %arg12[%add3A_240, %and3A_585] : memref<256x128xf32, #tpu.memory_space<vmem>>[vector<16xi32>, vector<16xi32>], vector<16xf32>,
      %mul3A_588 = arith.mulf %gather3A_586, %gather3A_587 : vector<16xf32>
      %add3A_589 = arith.addf %add3A_579, %mul3A_588 : vector<16xf32>
      %add3A_590 = arith.constant 34 : i32
      %add3A_591 = vector.broadcast %add3A_590 : i32 to vector<16xi32>
      %add3A_592 = arith.addi %iota3A, %add3A_591 : vector<16xi32>
      %and3A_593 = arith.constant 63 : i32
      %and3A_594 = vector.broadcast %and3A_593 : i32 to vector<16xi32>
      %and3A_595 = arith.andi %add3A_592, %and3A_594 : vector<16xi32>
      %gather3A_596 = tpu.vector_load_idx %arg11[%add3A_240, %and3A_595] : memref<256x128xf32, #tpu.memory_space<vmem>>[vector<16xi32>, vector<16xi32>], vector<16xf32>,
      %gather3A_597 = tpu.vector_load_idx %arg12[%add3A_240, %and3A_595] : memref<256x128xf32, #tpu.memory_space<vmem>>[vector<16xi32>, vector<16xi32>], vector<16xf32>,
      %mul3A_598 = arith.mulf %gather3A_596, %gather3A_597 : vector<16xf32>
      %add3A_599 = arith.addf %add3A_589, %mul3A_598 : vector<16xf32>
      %add3A_600 = arith.constant 35 : i32
      %add3A_601 = vector.broadcast %add3A_600 : i32 to vector<16xi32>
      %add3A_602 = arith.addi %iota3A, %add3A_601 : vector<16xi32>
      %and3A_603 = arith.constant 63 : i32
      %and3A_604 = vector.broadcast %and3A_603 : i32 to vector<16xi32>
      %and3A_605 = arith.andi %add3A_602, %and3A_604 : vector<16xi32>
      %gather3A_606 = tpu.vector_load_idx %arg11[%add3A_240, %and3A_605] : memref<256x128xf32, #tpu.memory_space<vmem>>[vector<16xi32>, vector<16xi32>], vector<16xf32>,
      %gather3A_607 = tpu.vector_load_idx %arg12[%add3A_240, %and3A_605] : memref<256x128xf32, #tpu.memory_space<vmem>>[vector<16xi32>, vector<16xi32>], vector<16xf32>,
      %mul3A_608 = arith.mulf %gather3A_606, %gather3A_607 : vector<16xf32>
      %add3A_609 = arith.addf %add3A_599, %mul3A_608 : vector<16xf32>
      %add3A_610 = arith.constant 36 : i32
      %add3A_611 = vector.broadcast %add3A_610 : i32 to vector<16xi32>
      %add3A_612 = arith.addi %iota3A, %add3A_611 : vector<16xi32>
      %and3A_613 = arith.constant 63 : i32
      %and3A_614 = vector.broadcast %and3A_613 : i32 to vector<16xi32>
      %and3A_615 = arith.andi %add3A_612, %and3A_614 : vector<16xi32>
      %gather3A_616 = tpu.vector_load_idx %arg11[%add3A_240, %and3A_615] : memref<256x128xf32, #tpu.memory_space<vmem>>[vector<16xi32>, vector<16xi32>], vector<16xf32>,
      %gather3A_617 = tpu.vector_load_idx %arg12[%add3A_240, %and3A_615] : memref<256x128xf32, #tpu.memory_space<vmem>>[vector<16xi32>, vector<16xi32>], vector<16xf32>,
      %mul3A_618 = arith.mulf %gather3A_616, %gather3A_617 : vector<16xf32>
      %add3A_619 = arith.addf %add3A_609, %mul3A_618 : vector<16xf32>
      %add3A_620 = arith.constant 37 : i32
      %add3A_621 = vector.broadcast %add3A_620 : i32 to vector<16xi32>
      %add3A_622 = arith.addi %iota3A, %add3A_621 : vector<16xi32>
      %and3A_623 = arith.constant 63 : i32
      %and3A_624 = vector.broadcast %and3A_623 : i32 to vector<16xi32>
      %and3A_625 = arith.andi %add3A_622, %and3A_624 : vector<16xi32>
      %gather3A_626 = tpu.vector_load_idx %arg11[%add3A_240, %and3A_625] : memref<256x128xf32, #tpu.memory_space<vmem>>[vector<16xi32>, vector<16xi32>], vector<16xf32>,
      %gather3A_627 = tpu.vector_load_idx %arg12[%add3A_240, %and3A_625] : memref<256x128xf32, #tpu.memory_space<vmem>>[vector<16xi32>, vector<16xi32>], vector<16xf32>,
      %mul3A_628 = arith.mulf %gather3A_626, %gather3A_627 : vector<16xf32>
      %add3A_629 = arith.addf %add3A_619, %mul3A_628 : vector<16xf32>
      %add3A_630 = arith.constant 38 : i32
      %add3A_631 = vector.broadcast %add3A_630 : i32 to vector<16xi32>
      %add3A_632 = arith.addi %iota3A, %add3A_631 : vector<16xi32>
      %and3A_633 = arith.constant 63 : i32
      %and3A_634 = vector.broadcast %and3A_633 : i32 to vector<16xi32>
      %and3A_635 = arith.andi %add3A_632, %and3A_634 : vector<16xi32>
      %gather3A_636 = tpu.vector_load_idx %arg11[%add3A_240, %and3A_635] : memref<256x128xf32, #tpu.memory_space<vmem>>[vector<16xi32>, vector<16xi32>], vector<16xf32>,
      %gather3A_637 = tpu.vector_load_idx %arg12[%add3A_240, %and3A_635] : memref<256x128xf32, #tpu.memory_space<vmem>>[vector<16xi32>, vector<16xi32>], vector<16xf32>,
      %mul3A_638 = arith.mulf %gather3A_636, %gather3A_637 : vector<16xf32>
      %add3A_639 = arith.addf %add3A_629, %mul3A_638 : vector<16xf32>
      %add3A_640 = arith.constant 39 : i32
      %add3A_641 = vector.broadcast %add3A_640 : i32 to vector<16xi32>
      %add3A_642 = arith.addi %iota3A, %add3A_641 : vector<16xi32>
      %and3A_643 = arith.constant 63 : i32
      %and3A_644 = vector.broadcast %and3A_643 : i32 to vector<16xi32>
      %and3A_645 = arith.andi %add3A_642, %and3A_644 : vector<16xi32>
      %gather3A_646 = tpu.vector_load_idx %arg11[%add3A_240, %and3A_645] : memref<256x128xf32, #tpu.memory_space<vmem>>[vector<16xi32>, vector<16xi32>], vector<16xf32>,
      %gather3A_647 = tpu.vector_load_idx %arg12[%add3A_240, %and3A_645] : memref<256x128xf32, #tpu.memory_space<vmem>>[vector<16xi32>, vector<16xi32>], vector<16xf32>,
      %mul3A_648 = arith.mulf %gather3A_646, %gather3A_647 : vector<16xf32>
      %add3A_649 = arith.addf %add3A_639, %mul3A_648 : vector<16xf32>
      %add3A_650 = arith.constant 40 : i32
      %add3A_651 = vector.broadcast %add3A_650 : i32 to vector<16xi32>
      %add3A_652 = arith.addi %iota3A, %add3A_651 : vector<16xi32>
      %and3A_653 = arith.constant 63 : i32
      %and3A_654 = vector.broadcast %and3A_653 : i32 to vector<16xi32>
      %and3A_655 = arith.andi %add3A_652, %and3A_654 : vector<16xi32>
      %gather3A_656 = tpu.vector_load_idx %arg11[%add3A_240, %and3A_655] : memref<256x128xf32, #tpu.memory_space<vmem>>[vector<16xi32>, vector<16xi32>], vector<16xf32>,
      %gather3A_657 = tpu.vector_load_idx %arg12[%add3A_240, %and3A_655] : memref<256x128xf32, #tpu.memory_space<vmem>>[vector<16xi32>, vector<16xi32>], vector<16xf32>,
      %mul3A_658 = arith.mulf %gather3A_656, %gather3A_657 : vector<16xf32>
      %add3A_659 = arith.addf %add3A_649, %mul3A_658 : vector<16xf32>
      %add3A_660 = arith.constant 41 : i32
      %add3A_661 = vector.broadcast %add3A_660 : i32 to vector<16xi32>
      %add3A_662 = arith.addi %iota3A, %add3A_661 : vector<16xi32>
      %and3A_663 = arith.constant 63 : i32
      %and3A_664 = vector.broadcast %and3A_663 : i32 to vector<16xi32>
      %and3A_665 = arith.andi %add3A_662, %and3A_664 : vector<16xi32>
      %gather3A_666 = tpu.vector_load_idx %arg11[%add3A_240, %and3A_665] : memref<256x128xf32, #tpu.memory_space<vmem>>[vector<16xi32>, vector<16xi32>], vector<16xf32>,
      %gather3A_667 = tpu.vector_load_idx %arg12[%add3A_240, %and3A_665] : memref<256x128xf32, #tpu.memory_space<vmem>>[vector<16xi32>, vector<16xi32>], vector<16xf32>,
      %mul3A_668 = arith.mulf %gather3A_666, %gather3A_667 : vector<16xf32>
      %add3A_669 = arith.addf %add3A_659, %mul3A_668 : vector<16xf32>
      %add3A_670 = arith.constant 42 : i32
      %add3A_671 = vector.broadcast %add3A_670 : i32 to vector<16xi32>
      %add3A_672 = arith.addi %iota3A, %add3A_671 : vector<16xi32>
      %and3A_673 = arith.constant 63 : i32
      %and3A_674 = vector.broadcast %and3A_673 : i32 to vector<16xi32>
      %and3A_675 = arith.andi %add3A_672, %and3A_674 : vector<16xi32>
      %gather3A_676 = tpu.vector_load_idx %arg11[%add3A_240, %and3A_675] : memref<256x128xf32, #tpu.memory_space<vmem>>[vector<16xi32>, vector<16xi32>], vector<16xf32>,
      %gather3A_677 = tpu.vector_load_idx %arg12[%add3A_240, %and3A_675] : memref<256x128xf32, #tpu.memory_space<vmem>>[vector<16xi32>, vector<16xi32>], vector<16xf32>,
      %mul3A_678 = arith.mulf %gather3A_676, %gather3A_677 : vector<16xf32>
      %add3A_679 = arith.addf %add3A_669, %mul3A_678 : vector<16xf32>
      %add3A_680 = arith.constant 43 : i32
      %add3A_681 = vector.broadcast %add3A_680 : i32 to vector<16xi32>
      %add3A_682 = arith.addi %iota3A, %add3A_681 : vector<16xi32>
      %and3A_683 = arith.constant 63 : i32
      %and3A_684 = vector.broadcast %and3A_683 : i32 to vector<16xi32>
      %and3A_685 = arith.andi %add3A_682, %and3A_684 : vector<16xi32>
      %gather3A_686 = tpu.vector_load_idx %arg11[%add3A_240, %and3A_685] : memref<256x128xf32, #tpu.memory_space<vmem>>[vector<16xi32>, vector<16xi32>], vector<16xf32>,
      %gather3A_687 = tpu.vector_load_idx %arg12[%add3A_240, %and3A_685] : memref<256x128xf32, #tpu.memory_space<vmem>>[vector<16xi32>, vector<16xi32>], vector<16xf32>,
      %mul3A_688 = arith.mulf %gather3A_686, %gather3A_687 : vector<16xf32>
      %add3A_689 = arith.addf %add3A_679, %mul3A_688 : vector<16xf32>
      %add3A_690 = arith.constant 44 : i32
      %add3A_691 = vector.broadcast %add3A_690 : i32 to vector<16xi32>
      %add3A_692 = arith.addi %iota3A, %add3A_691 : vector<16xi32>
      %and3A_693 = arith.constant 63 : i32
      %and3A_694 = vector.broadcast %and3A_693 : i32 to vector<16xi32>
      %and3A_695 = arith.andi %add3A_692, %and3A_694 : vector<16xi32>
      %gather3A_696 = tpu.vector_load_idx %arg11[%add3A_240, %and3A_695] : memref<256x128xf32, #tpu.memory_space<vmem>>[vector<16xi32>, vector<16xi32>], vector<16xf32>,
      %gather3A_697 = tpu.vector_load_idx %arg12[%add3A_240, %and3A_695] : memref<256x128xf32, #tpu.memory_space<vmem>>[vector<16xi32>, vector<16xi32>], vector<16xf32>,
      %mul3A_698 = arith.mulf %gather3A_696, %gather3A_697 : vector<16xf32>
      %add3A_699 = arith.addf %add3A_689, %mul3A_698 : vector<16xf32>
      %add3A_700 = arith.constant 45 : i32
      %add3A_701 = vector.broadcast %add3A_700 : i32 to vector<16xi32>
      %add3A_702 = arith.addi %iota3A, %add3A_701 : vector<16xi32>
      %and3A_703 = arith.constant 63 : i32
      %and3A_704 = vector.broadcast %and3A_703 : i32 to vector<16xi32>
      %and3A_705 = arith.andi %add3A_702, %and3A_704 : vector<16xi32>
      %gather3A_706 = tpu.vector_load_idx %arg11[%add3A_240, %and3A_705] : memref<256x128xf32, #tpu.memory_space<vmem>>[vector<16xi32>, vector<16xi32>], vector<16xf32>,
      %gather3A_707 = tpu.vector_load_idx %arg12[%add3A_240, %and3A_705] : memref<256x128xf32, #tpu.memory_space<vmem>>[vector<16xi32>, vector<16xi32>], vector<16xf32>,
      %mul3A_708 = arith.mulf %gather3A_706, %gather3A_707 : vector<16xf32>
      %add3A_709 = arith.addf %add3A_699, %mul3A_708 : vector<16xf32>
      %add3A_710 = arith.constant 46 : i32
      %add3A_711 = vector.broadcast %add3A_710 : i32 to vector<16xi32>
      %add3A_712 = arith.addi %iota3A, %add3A_711 : vector<16xi32>
      %and3A_713 = arith.constant 63 : i32
      %and3A_714 = vector.broadcast %and3A_713 : i32 to vector<16xi32>
      %and3A_715 = arith.andi %add3A_712, %and3A_714 : vector<16xi32>
      %gather3A_716 = tpu.vector_load_idx %arg11[%add3A_240, %and3A_715] : memref<256x128xf32, #tpu.memory_space<vmem>>[vector<16xi32>, vector<16xi32>], vector<16xf32>,
      %gather3A_717 = tpu.vector_load_idx %arg12[%add3A_240, %and3A_715] : memref<256x128xf32, #tpu.memory_space<vmem>>[vector<16xi32>, vector<16xi32>], vector<16xf32>,
      %mul3A_718 = arith.mulf %gather3A_716, %gather3A_717 : vector<16xf32>
      %add3A_719 = arith.addf %add3A_709, %mul3A_718 : vector<16xf32>
      %add3A_720 = arith.constant 47 : i32
      %add3A_721 = vector.broadcast %add3A_720 : i32 to vector<16xi32>
      %add3A_722 = arith.addi %iota3A, %add3A_721 : vector<16xi32>
      %and3A_723 = arith.constant 63 : i32
      %and3A_724 = vector.broadcast %and3A_723 : i32 to vector<16xi32>
      %and3A_725 = arith.andi %add3A_722, %and3A_724 : vector<16xi32>
      %gather3A_726 = tpu.vector_load_idx %arg11[%add3A_240, %and3A_725] : memref<256x128xf32, #tpu.memory_space<vmem>>[vector<16xi32>, vector<16xi32>], vector<16xf32>,
      %gather3A_727 = tpu.vector_load_idx %arg12[%add3A_240, %and3A_725] : memref<256x128xf32, #tpu.memory_space<vmem>>[vector<16xi32>, vector<16xi32>], vector<16xf32>,
      %mul3A_728 = arith.mulf %gather3A_726, %gather3A_727 : vector<16xf32>
      %add3A_729 = arith.addf %add3A_719, %mul3A_728 : vector<16xf32>
      %add3A_730 = arith.constant 48 : i32
      %add3A_731 = vector.broadcast %add3A_730 : i32 to vector<16xi32>
      %add3A_732 = arith.addi %iota3A, %add3A_731 : vector<16xi32>
      %and3A_733 = arith.constant 63 : i32
      %and3A_734 = vector.broadcast %and3A_733 : i32 to vector<16xi32>
      %and3A_735 = arith.andi %add3A_732, %and3A_734 : vector<16xi32>
      %gather3A_736 = tpu.vector_load_idx %arg11[%add3A_240, %and3A_735] : memref<256x128xf32, #tpu.memory_space<vmem>>[vector<16xi32>, vector<16xi32>], vector<16xf32>,
      %gather3A_737 = tpu.vector_load_idx %arg12[%add3A_240, %and3A_735] : memref<256x128xf32, #tpu.memory_space<vmem>>[vector<16xi32>, vector<16xi32>], vector<16xf32>,
      %mul3A_738 = arith.mulf %gather3A_736, %gather3A_737 : vector<16xf32>
      %add3A_739 = arith.addf %add3A_729, %mul3A_738 : vector<16xf32>
      %add3A_740 = arith.constant 49 : i32
      %add3A_741 = vector.broadcast %add3A_740 : i32 to vector<16xi32>
      %add3A_742 = arith.addi %iota3A, %add3A_741 : vector<16xi32>
      %and3A_743 = arith.constant 63 : i32
      %and3A_744 = vector.broadcast %and3A_743 : i32 to vector<16xi32>
      %and3A_745 = arith.andi %add3A_742, %and3A_744 : vector<16xi32>
      %gather3A_746 = tpu.vector_load_idx %arg11[%add3A_240, %and3A_745] : memref<256x128xf32, #tpu.memory_space<vmem>>[vector<16xi32>, vector<16xi32>], vector<16xf32>,
      %gather3A_747 = tpu.vector_load_idx %arg12[%add3A_240, %and3A_745] : memref<256x128xf32, #tpu.memory_space<vmem>>[vector<16xi32>, vector<16xi32>], vector<16xf32>,
      %mul3A_748 = arith.mulf %gather3A_746, %gather3A_747 : vector<16xf32>
      %add3A_749 = arith.addf %add3A_739, %mul3A_748 : vector<16xf32>
      %add3A_750 = arith.constant 50 : i32
      %add3A_751 = vector.broadcast %add3A_750 : i32 to vector<16xi32>
      %add3A_752 = arith.addi %iota3A, %add3A_751 : vector<16xi32>
      %and3A_753 = arith.constant 63 : i32
      %and3A_754 = vector.broadcast %and3A_753 : i32 to vector<16xi32>
      %and3A_755 = arith.andi %add3A_752, %and3A_754 : vector<16xi32>
      %gather3A_756 = tpu.vector_load_idx %arg11[%add3A_240, %and3A_755] : memref<256x128xf32, #tpu.memory_space<vmem>>[vector<16xi32>, vector<16xi32>], vector<16xf32>,
      %gather3A_757 = tpu.vector_load_idx %arg12[%add3A_240, %and3A_755] : memref<256x128xf32, #tpu.memory_space<vmem>>[vector<16xi32>, vector<16xi32>], vector<16xf32>,
      %mul3A_758 = arith.mulf %gather3A_756, %gather3A_757 : vector<16xf32>
      %add3A_759 = arith.addf %add3A_749, %mul3A_758 : vector<16xf32>
      %add3A_760 = arith.constant 51 : i32
      %add3A_761 = vector.broadcast %add3A_760 : i32 to vector<16xi32>
      %add3A_762 = arith.addi %iota3A, %add3A_761 : vector<16xi32>
      %and3A_763 = arith.constant 63 : i32
      %and3A_764 = vector.broadcast %and3A_763 : i32 to vector<16xi32>
      %and3A_765 = arith.andi %add3A_762, %and3A_764 : vector<16xi32>
      %gather3A_766 = tpu.vector_load_idx %arg11[%add3A_240, %and3A_765] : memref<256x128xf32, #tpu.memory_space<vmem>>[vector<16xi32>, vector<16xi32>], vector<16xf32>,
      %gather3A_767 = tpu.vector_load_idx %arg12[%add3A_240, %and3A_765] : memref<256x128xf32, #tpu.memory_space<vmem>>[vector<16xi32>, vector<16xi32>], vector<16xf32>,
      %mul3A_768 = arith.mulf %gather3A_766, %gather3A_767 : vector<16xf32>
      %add3A_769 = arith.addf %add3A_759, %mul3A_768 : vector<16xf32>
      %add3A_770 = arith.constant 52 : i32
      %add3A_771 = vector.broadcast %add3A_770 : i32 to vector<16xi32>
      %add3A_772 = arith.addi %iota3A, %add3A_771 : vector<16xi32>
      %and3A_773 = arith.constant 63 : i32
      %and3A_774 = vector.broadcast %and3A_773 : i32 to vector<16xi32>
      %and3A_775 = arith.andi %add3A_772, %and3A_774 : vector<16xi32>
      %gather3A_776 = tpu.vector_load_idx %arg11[%add3A_240, %and3A_775] : memref<256x128xf32, #tpu.memory_space<vmem>>[vector<16xi32>, vector<16xi32>], vector<16xf32>,
      %gather3A_777 = tpu.vector_load_idx %arg12[%add3A_240, %and3A_775] : memref<256x128xf32, #tpu.memory_space<vmem>>[vector<16xi32>, vector<16xi32>], vector<16xf32>,
      %mul3A_778 = arith.mulf %gather3A_776, %gather3A_777 : vector<16xf32>
      %add3A_779 = arith.addf %add3A_769, %mul3A_778 : vector<16xf32>
      %add3A_780 = arith.constant 53 : i32
      %add3A_781 = vector.broadcast %add3A_780 : i32 to vector<16xi32>
      %add3A_782 = arith.addi %iota3A, %add3A_781 : vector<16xi32>
      %and3A_783 = arith.constant 63 : i32
      %and3A_784 = vector.broadcast %and3A_783 : i32 to vector<16xi32>
      %and3A_785 = arith.andi %add3A_782, %and3A_784 : vector<16xi32>
      %gather3A_786 = tpu.vector_load_idx %arg11[%add3A_240, %and3A_785] : memref<256x128xf32, #tpu.memory_space<vmem>>[vector<16xi32>, vector<16xi32>], vector<16xf32>,
      %gather3A_787 = tpu.vector_load_idx %arg12[%add3A_240, %and3A_785] : memref<256x128xf32, #tpu.memory_space<vmem>>[vector<16xi32>, vector<16xi32>], vector<16xf32>,
      %mul3A_788 = arith.mulf %gather3A_786, %gather3A_787 : vector<16xf32>
      %add3A_789 = arith.addf %add3A_779, %mul3A_788 : vector<16xf32>
      %add3A_790 = arith.constant 54 : i32
      %add3A_791 = vector.broadcast %add3A_790 : i32 to vector<16xi32>
      %add3A_792 = arith.addi %iota3A, %add3A_791 : vector<16xi32>
      %and3A_793 = arith.constant 63 : i32
      %and3A_794 = vector.broadcast %and3A_793 : i32 to vector<16xi32>
      %and3A_795 = arith.andi %add3A_792, %and3A_794 : vector<16xi32>
      %gather3A_796 = tpu.vector_load_idx %arg11[%add3A_240, %and3A_795] : memref<256x128xf32, #tpu.memory_space<vmem>>[vector<16xi32>, vector<16xi32>], vector<16xf32>,
      %gather3A_797 = tpu.vector_load_idx %arg12[%add3A_240, %and3A_795] : memref<256x128xf32, #tpu.memory_space<vmem>>[vector<16xi32>, vector<16xi32>], vector<16xf32>,
      %mul3A_798 = arith.mulf %gather3A_796, %gather3A_797 : vector<16xf32>
      %add3A_799 = arith.addf %add3A_789, %mul3A_798 : vector<16xf32>
      %add3A_800 = arith.constant 55 : i32
      %add3A_801 = vector.broadcast %add3A_800 : i32 to vector<16xi32>
      %add3A_802 = arith.addi %iota3A, %add3A_801 : vector<16xi32>
      %and3A_803 = arith.constant 63 : i32
      %and3A_804 = vector.broadcast %and3A_803 : i32 to vector<16xi32>
      %and3A_805 = arith.andi %add3A_802, %and3A_804 : vector<16xi32>
      %gather3A_806 = tpu.vector_load_idx %arg11[%add3A_240, %and3A_805] : memref<256x128xf32, #tpu.memory_space<vmem>>[vector<16xi32>, vector<16xi32>], vector<16xf32>,
      %gather3A_807 = tpu.vector_load_idx %arg12[%add3A_240, %and3A_805] : memref<256x128xf32, #tpu.memory_space<vmem>>[vector<16xi32>, vector<16xi32>], vector<16xf32>,
      %mul3A_808 = arith.mulf %gather3A_806, %gather3A_807 : vector<16xf32>
      %add3A_809 = arith.addf %add3A_799, %mul3A_808 : vector<16xf32>
      %add3A_810 = arith.constant 56 : i32
      %add3A_811 = vector.broadcast %add3A_810 : i32 to vector<16xi32>
      %add3A_812 = arith.addi %iota3A, %add3A_811 : vector<16xi32>
      %and3A_813 = arith.constant 63 : i32
      %and3A_814 = vector.broadcast %and3A_813 : i32 to vector<16xi32>
      %and3A_815 = arith.andi %add3A_812, %and3A_814 : vector<16xi32>
      %gather3A_816 = tpu.vector_load_idx %arg11[%add3A_240, %and3A_815] : memref<256x128xf32, #tpu.memory_space<vmem>>[vector<16xi32>, vector<16xi32>], vector<16xf32>,
      %gather3A_817 = tpu.vector_load_idx %arg12[%add3A_240, %and3A_815] : memref<256x128xf32, #tpu.memory_space<vmem>>[vector<16xi32>, vector<16xi32>], vector<16xf32>,
      %mul3A_818 = arith.mulf %gather3A_816, %gather3A_817 : vector<16xf32>
      %add3A_819 = arith.addf %add3A_809, %mul3A_818 : vector<16xf32>
      %add3A_820 = arith.constant 57 : i32
      %add3A_821 = vector.broadcast %add3A_820 : i32 to vector<16xi32>
      %add3A_822 = arith.addi %iota3A, %add3A_821 : vector<16xi32>
      %and3A_823 = arith.constant 63 : i32
      %and3A_824 = vector.broadcast %and3A_823 : i32 to vector<16xi32>
      %and3A_825 = arith.andi %add3A_822, %and3A_824 : vector<16xi32>
      %gather3A_826 = tpu.vector_load_idx %arg11[%add3A_240, %and3A_825] : memref<256x128xf32, #tpu.memory_space<vmem>>[vector<16xi32>, vector<16xi32>], vector<16xf32>,
      %gather3A_827 = tpu.vector_load_idx %arg12[%add3A_240, %and3A_825] : memref<256x128xf32, #tpu.memory_space<vmem>>[vector<16xi32>, vector<16xi32>], vector<16xf32>,
      %mul3A_828 = arith.mulf %gather3A_826, %gather3A_827 : vector<16xf32>
      %add3A_829 = arith.addf %add3A_819, %mul3A_828 : vector<16xf32>
      %add3A_830 = arith.constant 58 : i32
      %add3A_831 = vector.broadcast %add3A_830 : i32 to vector<16xi32>
      %add3A_832 = arith.addi %iota3A, %add3A_831 : vector<16xi32>
      %and3A_833 = arith.constant 63 : i32
      %and3A_834 = vector.broadcast %and3A_833 : i32 to vector<16xi32>
      %and3A_835 = arith.andi %add3A_832, %and3A_834 : vector<16xi32>
      %gather3A_836 = tpu.vector_load_idx %arg11[%add3A_240, %and3A_835] : memref<256x128xf32, #tpu.memory_space<vmem>>[vector<16xi32>, vector<16xi32>], vector<16xf32>,
      %gather3A_837 = tpu.vector_load_idx %arg12[%add3A_240, %and3A_835] : memref<256x128xf32, #tpu.memory_space<vmem>>[vector<16xi32>, vector<16xi32>], vector<16xf32>,
      %mul3A_838 = arith.mulf %gather3A_836, %gather3A_837 : vector<16xf32>
      %add3A_839 = arith.addf %add3A_829, %mul3A_838 : vector<16xf32>
      %add3A_840 = arith.constant 59 : i32
      %add3A_841 = vector.broadcast %add3A_840 : i32 to vector<16xi32>
      %add3A_842 = arith.addi %iota3A, %add3A_841 : vector<16xi32>
      %and3A_843 = arith.constant 63 : i32
      %and3A_844 = vector.broadcast %and3A_843 : i32 to vector<16xi32>
      %and3A_845 = arith.andi %add3A_842, %and3A_844 : vector<16xi32>
      %gather3A_846 = tpu.vector_load_idx %arg11[%add3A_240, %and3A_845] : memref<256x128xf32, #tpu.memory_space<vmem>>[vector<16xi32>, vector<16xi32>], vector<16xf32>,
      %gather3A_847 = tpu.vector_load_idx %arg12[%add3A_240, %and3A_845] : memref<256x128xf32, #tpu.memory_space<vmem>>[vector<16xi32>, vector<16xi32>], vector<16xf32>,
      %mul3A_848 = arith.mulf %gather3A_846, %gather3A_847 : vector<16xf32>
      %add3A_849 = arith.addf %add3A_839, %mul3A_848 : vector<16xf32>
      %add3A_850 = arith.constant 60 : i32
      %add3A_851 = vector.broadcast %add3A_850 : i32 to vector<16xi32>
      %add3A_852 = arith.addi %iota3A, %add3A_851 : vector<16xi32>
      %and3A_853 = arith.constant 63 : i32
      %and3A_854 = vector.broadcast %and3A_853 : i32 to vector<16xi32>
      %and3A_855 = arith.andi %add3A_852, %and3A_854 : vector<16xi32>
      %gather3A_856 = tpu.vector_load_idx %arg11[%add3A_240, %and3A_855] : memref<256x128xf32, #tpu.memory_space<vmem>>[vector<16xi32>, vector<16xi32>], vector<16xf32>,
      %gather3A_857 = tpu.vector_load_idx %arg12[%add3A_240, %and3A_855] : memref<256x128xf32, #tpu.memory_space<vmem>>[vector<16xi32>, vector<16xi32>], vector<16xf32>,
      %mul3A_858 = arith.mulf %gather3A_856, %gather3A_857 : vector<16xf32>
      %add3A_859 = arith.addf %add3A_849, %mul3A_858 : vector<16xf32>
      %add3A_860 = arith.constant 61 : i32
      %add3A_861 = vector.broadcast %add3A_860 : i32 to vector<16xi32>
      %add3A_862 = arith.addi %iota3A, %add3A_861 : vector<16xi32>
      %and3A_863 = arith.constant 63 : i32
      %and3A_864 = vector.broadcast %and3A_863 : i32 to vector<16xi32>
      %and3A_865 = arith.andi %add3A_862, %and3A_864 : vector<16xi32>
      %gather3A_866 = tpu.vector_load_idx %arg11[%add3A_240, %and3A_865] : memref<256x128xf32, #tpu.memory_space<vmem>>[vector<16xi32>, vector<16xi32>], vector<16xf32>,
      %gather3A_867 = tpu.vector_load_idx %arg12[%add3A_240, %and3A_865] : memref<256x128xf32, #tpu.memory_space<vmem>>[vector<16xi32>, vector<16xi32>], vector<16xf32>,
      %mul3A_868 = arith.mulf %gather3A_866, %gather3A_867 : vector<16xf32>
      %add3A_869 = arith.addf %add3A_859, %mul3A_868 : vector<16xf32>
      %add3A_870 = arith.constant 62 : i32
      %add3A_871 = vector.broadcast %add3A_870 : i32 to vector<16xi32>
      %add3A_872 = arith.addi %iota3A, %add3A_871 : vector<16xi32>
      %and3A_873 = arith.constant 63 : i32
      %and3A_874 = vector.broadcast %and3A_873 : i32 to vector<16xi32>
      %and3A_875 = arith.andi %add3A_872, %and3A_874 : vector<16xi32>
      %gather3A_876 = tpu.vector_load_idx %arg11[%add3A_240, %and3A_875] : memref<256x128xf32, #tpu.memory_space<vmem>>[vector<16xi32>, vector<16xi32>], vector<16xf32>,
      %gather3A_877 = tpu.vector_load_idx %arg12[%add3A_240, %and3A_875] : memref<256x128xf32, #tpu.memory_space<vmem>>[vector<16xi32>, vector<16xi32>], vector<16xf32>,
      %mul3A_878 = arith.mulf %gather3A_876, %gather3A_877 : vector<16xf32>
      %add3A_879 = arith.addf %add3A_869, %mul3A_878 : vector<16xf32>
      %add3A_880 = arith.constant 63 : i32
      %add3A_881 = vector.broadcast %add3A_880 : i32 to vector<16xi32>
      %add3A_882 = arith.addi %iota3A, %add3A_881 : vector<16xi32>
      %and3A_883 = arith.constant 63 : i32
      %and3A_884 = vector.broadcast %and3A_883 : i32 to vector<16xi32>
      %and3A_885 = arith.andi %add3A_882, %and3A_884 : vector<16xi32>
      %gather3A_886 = tpu.vector_load_idx %arg11[%add3A_240, %and3A_885] : memref<256x128xf32, #tpu.memory_space<vmem>>[vector<16xi32>, vector<16xi32>], vector<16xf32>,
      %gather3A_887 = tpu.vector_load_idx %arg12[%add3A_240, %and3A_885] : memref<256x128xf32, #tpu.memory_space<vmem>>[vector<16xi32>, vector<16xi32>], vector<16xf32>,
      %mul3A_888 = arith.mulf %gather3A_886, %gather3A_887 : vector<16xf32>
      %add3A_889 = arith.addf %add3A_879, %mul3A_888 : vector<16xf32>
      %swap3A = arith.index_cast %add3A_244 : i32 to index
      %swap3A_890 = tpu.vector_load %arg15[%swap3A] {strides = array<i32>} : memref<512xf32, #tpu.memory_space<vmem>>, vector<16xf32>,
      tpu.vector_store %arg15[%swap3A], %add3A_889 {strides = array<i32>} : memref<512xf32, #tpu.memory_space<vmem>>, vector<16xf32>,
    }
    %scan3A_165 = arith.constant 16 : i32
    %dma_start3A_166 = arith.constant 0 : i32
    %dma_start3A_167 = arith.constant 0 : i32
    %dma_start3A_168 = tpu.memref_slice %arg11[%dma_start3A_166, %dma_start3A_167] : memref<256x128xf32, #tpu.memory_space<vmem>> -> memref<128x128xf32, #tpu.memory_space<vmem>>
    %dma_start3A_169 = arith.constant 256 : i32
    %dma_start3A_170 = tpu.memref_slice %arg9[%dma_start3A_169] : memref<512xi32, #tpu.memory_space<vmem>> -> memref<128xi32, #tpu.memory_space<vmem>>
    %dma_start3A_171 = arith.constant 0 : i32
    %dma_start3A_172 = arith.constant 0 : i32
    %dma_start3A_173 = tpu.memref_slice %arg4[%dma_start3A_171, %dma_start3A_172] : memref<100000x128xf32, #tpu.memory_space<hbm>> -> memref<100000x128xf32, #tpu.memory_space<hbm>>
    tpu.enqueue_indirect_dma source(%dma_start3A_173 : memref<100000x128xf32, #tpu.memory_space<hbm>>) target(%dma_start3A_168 : memref<128x128xf32, #tpu.memory_space<vmem>>) offsets(%dma_start3A_170 : memref<128xi32, #tpu.memory_space<vmem>>) semaphore(%arg16 : memref<!tpu.dma_semaphore, #tpu.memory_space<semaphore_mem>>)
    %dma_start3A_174 = arith.constant 0 : i32
    %dma_start3A_175 = arith.constant 0 : i32
    %dma_start3A_176 = tpu.memref_slice %arg12[%dma_start3A_174, %dma_start3A_175] : memref<256x128xf32, #tpu.memory_space<vmem>> -> memref<128x128xf32, #tpu.memory_space<vmem>>
    %dma_start3A_177 = arith.constant 256 : i32
    %dma_start3A_178 = tpu.memref_slice %arg10[%dma_start3A_177] : memref<512xi32, #tpu.memory_space<vmem>> -> memref<128xi32, #tpu.memory_space<vmem>>
    %dma_start3A_179 = arith.constant 0 : i32
    %dma_start3A_180 = arith.constant 0 : i32
    %dma_start3A_181 = tpu.memref_slice %arg5[%dma_start3A_179, %dma_start3A_180] : memref<100000x128xf32, #tpu.memory_space<hbm>> -> memref<100000x128xf32, #tpu.memory_space<hbm>>
    tpu.enqueue_indirect_dma source(%dma_start3A_181 : memref<100000x128xf32, #tpu.memory_space<hbm>>) target(%dma_start3A_176 : memref<128x128xf32, #tpu.memory_space<vmem>>) offsets(%dma_start3A_178 : memref<128xi32, #tpu.memory_space<vmem>>) semaphore(%arg16 : memref<!tpu.dma_semaphore, #tpu.memory_space<semaphore_mem>>)
    %dma_start3A_182 = arith.constant 128 : i32
    %dma_start3A_183 = arith.constant 0 : i32
    %dma_start3A_184 = tpu.memref_slice %arg11[%dma_start3A_182, %dma_start3A_183] : memref<256x128xf32, #tpu.memory_space<vmem>> -> memref<128x128xf32, #tpu.memory_space<vmem>>
    %dma_start3A_185 = arith.constant 384 : i32
    %dma_start3A_186 = tpu.memref_slice %arg9[%dma_start3A_185] : memref<512xi32, #tpu.memory_space<vmem>> -> memref<128xi32, #tpu.memory_space<vmem>>
    %dma_start3A_187 = arith.constant 0 : i32
    %dma_start3A_188 = arith.constant 0 : i32
    %dma_start3A_189 = tpu.memref_slice %arg4[%dma_start3A_187, %dma_start3A_188] : memref<100000x128xf32, #tpu.memory_space<hbm>> -> memref<100000x128xf32, #tpu.memory_space<hbm>>
    tpu.enqueue_indirect_dma source(%dma_start3A_189 : memref<100000x128xf32, #tpu.memory_space<hbm>>) target(%dma_start3A_184 : memref<128x128xf32, #tpu.memory_space<vmem>>) offsets(%dma_start3A_186 : memref<128xi32, #tpu.memory_space<vmem>>) semaphore(%arg16 : memref<!tpu.dma_semaphore, #tpu.memory_space<semaphore_mem>>)
    %dma_start3A_190 = arith.constant 128 : i32
    %dma_start3A_191 = arith.constant 0 : i32
    %dma_start3A_192 = tpu.memref_slice %arg12[%dma_start3A_190, %dma_start3A_191] : memref<256x128xf32, #tpu.memory_space<vmem>> -> memref<128x128xf32, #tpu.memory_space<vmem>>
    %dma_start3A_193 = arith.constant 384 : i32
    %dma_start3A_194 = tpu.memref_slice %arg10[%dma_start3A_193] : memref<512xi32, #tpu.memory_space<vmem>> -> memref<128xi32, #tpu.memory_space<vmem>>
    %dma_start3A_195 = arith.constant 0 : i32
    %dma_start3A_196 = arith.constant 0 : i32
    %dma_start3A_197 = tpu.memref_slice %arg5[%dma_start3A_195, %dma_start3A_196] : memref<100000x128xf32, #tpu.memory_space<hbm>> -> memref<100000x128xf32, #tpu.memory_space<hbm>>
    tpu.enqueue_indirect_dma source(%dma_start3A_197 : memref<100000x128xf32, #tpu.memory_space<hbm>>) target(%dma_start3A_192 : memref<128x128xf32, #tpu.memory_space<vmem>>) offsets(%dma_start3A_194 : memref<128xi32, #tpu.memory_space<vmem>>) semaphore(%arg16 : memref<!tpu.dma_semaphore, #tpu.memory_space<semaphore_mem>>)
    %dma_wait3A_198 = arith.constant 0 : i32
    %dma_wait3A_199 = arith.constant 0 : i32
    %dma_wait3A_200 = tpu.memref_slice %arg11[%dma_wait3A_198, %dma_wait3A_199] : memref<256x128xf32, #tpu.memory_space<vmem>> -> memref<128x128xf32, #tpu.memory_space<vmem>>
    %dma_wait3A_201 = arith.constant 256 : i32
    %dma_wait3A_202 = tpu.memref_slice %arg9[%dma_wait3A_201] : memref<512xi32, #tpu.memory_space<vmem>> -> memref<128xi32, #tpu.memory_space<vmem>>
    %dma_wait3A_203 = arith.constant 0 : i32
    %dma_wait3A_204 = arith.constant 0 : i32
    %dma_wait3A_205 = tpu.memref_slice %arg4[%dma_wait3A_203, %dma_wait3A_204] : memref<100000x128xf32, #tpu.memory_space<hbm>> -> memref<100000x128xf32, #tpu.memory_space<hbm>>
    tpu.wait_indirect_dma semaphore(%arg16 : memref<!tpu.dma_semaphore, #tpu.memory_space<semaphore_mem>>) src(%dma_wait3A_205 : memref<100000x128xf32, #tpu.memory_space<hbm>>) dst(%dma_wait3A_200 : memref<128x128xf32, #tpu.memory_space<vmem>>)
    %dma_wait3A_206 = arith.constant 0 : i32
    %dma_wait3A_207 = arith.constant 0 : i32
    %dma_wait3A_208 = tpu.memref_slice %arg12[%dma_wait3A_206, %dma_wait3A_207] : memref<256x128xf32, #tpu.memory_space<vmem>> -> memref<128x128xf32, #tpu.memory_space<vmem>>
    %dma_wait3A_209 = arith.constant 256 : i32
    %dma_wait3A_210 = tpu.memref_slice %arg10[%dma_wait3A_209] : memref<512xi32, #tpu.memory_space<vmem>> -> memref<128xi32, #tpu.memory_space<vmem>>
    %dma_wait3A_211 = arith.constant 0 : i32
    %dma_wait3A_212 = arith.constant 0 : i32
    %dma_wait3A_213 = tpu.memref_slice %arg5[%dma_wait3A_211, %dma_wait3A_212] : memref<100000x128xf32, #tpu.memory_space<hbm>> -> memref<100000x128xf32, #tpu.memory_space<hbm>>
    tpu.wait_indirect_dma semaphore(%arg16 : memref<!tpu.dma_semaphore, #tpu.memory_space<semaphore_mem>>) src(%dma_wait3A_213 : memref<100000x128xf32, #tpu.memory_space<hbm>>) dst(%dma_wait3A_208 : memref<128x128xf32, #tpu.memory_space<vmem>>)
    %dma_wait3A_214 = arith.constant 128 : i32
    %dma_wait3A_215 = arith.constant 0 : i32
    %dma_wait3A_216 = tpu.memref_slice %arg11[%dma_wait3A_214, %dma_wait3A_215] : memref<256x128xf32, #tpu.memory_space<vmem>> -> memref<128x128xf32, #tpu.memory_space<vmem>>
    %dma_wait3A_217 = arith.constant 384 : i32
    %dma_wait3A_218 = tpu.memref_slice %arg9[%dma_wait3A_217] : memref<512xi32, #tpu.memory_space<vmem>> -> memref<128xi32, #tpu.memory_space<vmem>>
    %dma_wait3A_219 = arith.constant 0 : i32
    %dma_wait3A_220 = arith.constant 0 : i32
    %dma_wait3A_221 = tpu.memref_slice %arg4[%dma_wait3A_219, %dma_wait3A_220] : memref<100000x128xf32, #tpu.memory_space<hbm>> -> memref<100000x128xf32, #tpu.memory_space<hbm>>
    tpu.wait_indirect_dma semaphore(%arg16 : memref<!tpu.dma_semaphore, #tpu.memory_space<semaphore_mem>>) src(%dma_wait3A_221 : memref<100000x128xf32, #tpu.memory_space<hbm>>) dst(%dma_wait3A_216 : memref<128x128xf32, #tpu.memory_space<vmem>>)
    %dma_wait3A_222 = arith.constant 128 : i32
    %dma_wait3A_223 = arith.constant 0 : i32
    %dma_wait3A_224 = tpu.memref_slice %arg12[%dma_wait3A_222, %dma_wait3A_223] : memref<256x128xf32, #tpu.memory_space<vmem>> -> memref<128x128xf32, #tpu.memory_space<vmem>>
    %dma_wait3A_225 = arith.constant 384 : i32
    %dma_wait3A_226 = tpu.memref_slice %arg10[%dma_wait3A_225] : memref<512xi32, #tpu.memory_space<vmem>> -> memref<128xi32, #tpu.memory_space<vmem>>
    %dma_wait3A_227 = arith.constant 0 : i32
    %dma_wait3A_228 = arith.constant 0 : i32
    %dma_wait3A_229 = tpu.memref_slice %arg5[%dma_wait3A_227, %dma_wait3A_228] : memref<100000x128xf32, #tpu.memory_space<hbm>> -> memref<100000x128xf32, #tpu.memory_space<hbm>>
    tpu.wait_indirect_dma semaphore(%arg16 : memref<!tpu.dma_semaphore, #tpu.memory_space<semaphore_mem>>) src(%dma_wait3A_229 : memref<100000x128xf32, #tpu.memory_space<hbm>>) dst(%dma_wait3A_224 : memref<128x128xf32, #tpu.memory_space<vmem>>)
    %scan3A_230 = arith.constant 0 : i32
    %scan3A_231 = arith.constant 0 : i32
    %scan3A_232 = arith.constant 16 : i32
    %scan3A_233 = arith.addi %scan3A_231, %scan3A_232 : i32
    %scan3A_234 = arith.constant 1 : i32
    scf.for %scan3A_236 = %scan3A_231 to %scan3A_233 step %scan3A_234  : i32 {
      %mul3A_237 = arith.constant 16 : i32
      %mul3A_238 = arith.muli %scan3A_236, %mul3A_237 : i32
      %add3A_239 = vector.broadcast %mul3A_238 : i32 to vector<16xi32>
      %add3A_240 = arith.addi %iota3A, %add3A_239 : vector<16xi32>
      %mul3A_241 = arith.constant 16 : i32
      %mul3A_242 = arith.muli %scan3A_236, %mul3A_241 : i32
      %add3A_243 = arith.constant 256 : i32
      %add3A_244 = arith.addi %add3A_243, %mul3A_242 : i32
      %get3A = arith.index_cast %add3A_244 : i32 to index
      %get3A_245 = tpu.vector_load %arg13[%get3A] {strides = array<i32>} : memref<512xf32, #tpu.memory_space<vmem>>, vector<16xf32>,
      %get3A_246 = arith.index_cast %add3A_244 : i32 to index
      %get3A_247 = tpu.vector_load %arg14[%get3A_246] {strides = array<i32>} : memref<512xf32, #tpu.memory_space<vmem>>, vector<16xf32>,
      %add3A_248 = arith.addf %get3A_245, %get3A_247 : vector<16xf32>
      %add3A_249 = arith.constant 3.500000e+00 : f32
      %add3A_250 = vector.broadcast %add3A_249 : f32 to vector<16xf32>
      %add3A_251 = arith.addf %add3A_248, %add3A_250 : vector<16xf32>
      %add3A_252 = arith.constant 0 : i32
      %add3A_253 = vector.broadcast %add3A_252 : i32 to vector<16xi32>
      %add3A_254 = arith.addi %iota3A, %add3A_253 : vector<16xi32>
      %and3A = arith.constant 63 : i32
      %and3A_255 = vector.broadcast %and3A : i32 to vector<16xi32>
      %and3A_256 = arith.andi %add3A_254, %and3A_255 : vector<16xi32>
      %gather3A = tpu.vector_load_idx %arg11[%add3A_240, %and3A_256] : memref<256x128xf32, #tpu.memory_space<vmem>>[vector<16xi32>, vector<16xi32>], vector<16xf32>,
      %gather3A_257 = tpu.vector_load_idx %arg12[%add3A_240, %and3A_256] : memref<256x128xf32, #tpu.memory_space<vmem>>[vector<16xi32>, vector<16xi32>], vector<16xf32>,
      %mul3A_258 = arith.mulf %gather3A, %gather3A_257 : vector<16xf32>
      %add3A_259 = arith.addf %add3A_251, %mul3A_258 : vector<16xf32>
      %add3A_260 = arith.constant 1 : i32
      %add3A_261 = vector.broadcast %add3A_260 : i32 to vector<16xi32>
      %add3A_262 = arith.addi %iota3A, %add3A_261 : vector<16xi32>
      %and3A_263 = arith.constant 63 : i32
      %and3A_264 = vector.broadcast %and3A_263 : i32 to vector<16xi32>
      %and3A_265 = arith.andi %add3A_262, %and3A_264 : vector<16xi32>
      %gather3A_266 = tpu.vector_load_idx %arg11[%add3A_240, %and3A_265] : memref<256x128xf32, #tpu.memory_space<vmem>>[vector<16xi32>, vector<16xi32>], vector<16xf32>,
      %gather3A_267 = tpu.vector_load_idx %arg12[%add3A_240, %and3A_265] : memref<256x128xf32, #tpu.memory_space<vmem>>[vector<16xi32>, vector<16xi32>], vector<16xf32>,
      %mul3A_268 = arith.mulf %gather3A_266, %gather3A_267 : vector<16xf32>
      %add3A_269 = arith.addf %add3A_259, %mul3A_268 : vector<16xf32>
      %add3A_270 = arith.constant 2 : i32
      %add3A_271 = vector.broadcast %add3A_270 : i32 to vector<16xi32>
      %add3A_272 = arith.addi %iota3A, %add3A_271 : vector<16xi32>
      %and3A_273 = arith.constant 63 : i32
      %and3A_274 = vector.broadcast %and3A_273 : i32 to vector<16xi32>
      %and3A_275 = arith.andi %add3A_272, %and3A_274 : vector<16xi32>
      %gather3A_276 = tpu.vector_load_idx %arg11[%add3A_240, %and3A_275] : memref<256x128xf32, #tpu.memory_space<vmem>>[vector<16xi32>, vector<16xi32>], vector<16xf32>,
      %gather3A_277 = tpu.vector_load_idx %arg12[%add3A_240, %and3A_275] : memref<256x128xf32, #tpu.memory_space<vmem>>[vector<16xi32>, vector<16xi32>], vector<16xf32>,
      %mul3A_278 = arith.mulf %gather3A_276, %gather3A_277 : vector<16xf32>
      %add3A_279 = arith.addf %add3A_269, %mul3A_278 : vector<16xf32>
      %add3A_280 = arith.constant 3 : i32
      %add3A_281 = vector.broadcast %add3A_280 : i32 to vector<16xi32>
      %add3A_282 = arith.addi %iota3A, %add3A_281 : vector<16xi32>
      %and3A_283 = arith.constant 63 : i32
      %and3A_284 = vector.broadcast %and3A_283 : i32 to vector<16xi32>
      %and3A_285 = arith.andi %add3A_282, %and3A_284 : vector<16xi32>
      %gather3A_286 = tpu.vector_load_idx %arg11[%add3A_240, %and3A_285] : memref<256x128xf32, #tpu.memory_space<vmem>>[vector<16xi32>, vector<16xi32>], vector<16xf32>,
      %gather3A_287 = tpu.vector_load_idx %arg12[%add3A_240, %and3A_285] : memref<256x128xf32, #tpu.memory_space<vmem>>[vector<16xi32>, vector<16xi32>], vector<16xf32>,
      %mul3A_288 = arith.mulf %gather3A_286, %gather3A_287 : vector<16xf32>
      %add3A_289 = arith.addf %add3A_279, %mul3A_288 : vector<16xf32>
      %add3A_290 = arith.constant 4 : i32
      %add3A_291 = vector.broadcast %add3A_290 : i32 to vector<16xi32>
      %add3A_292 = arith.addi %iota3A, %add3A_291 : vector<16xi32>
      %and3A_293 = arith.constant 63 : i32
      %and3A_294 = vector.broadcast %and3A_293 : i32 to vector<16xi32>
      %and3A_295 = arith.andi %add3A_292, %and3A_294 : vector<16xi32>
      %gather3A_296 = tpu.vector_load_idx %arg11[%add3A_240, %and3A_295] : memref<256x128xf32, #tpu.memory_space<vmem>>[vector<16xi32>, vector<16xi32>], vector<16xf32>,
      %gather3A_297 = tpu.vector_load_idx %arg12[%add3A_240, %and3A_295] : memref<256x128xf32, #tpu.memory_space<vmem>>[vector<16xi32>, vector<16xi32>], vector<16xf32>,
      %mul3A_298 = arith.mulf %gather3A_296, %gather3A_297 : vector<16xf32>
      %add3A_299 = arith.addf %add3A_289, %mul3A_298 : vector<16xf32>
      %add3A_300 = arith.constant 5 : i32
      %add3A_301 = vector.broadcast %add3A_300 : i32 to vector<16xi32>
      %add3A_302 = arith.addi %iota3A, %add3A_301 : vector<16xi32>
      %and3A_303 = arith.constant 63 : i32
      %and3A_304 = vector.broadcast %and3A_303 : i32 to vector<16xi32>
      %and3A_305 = arith.andi %add3A_302, %and3A_304 : vector<16xi32>
      %gather3A_306 = tpu.vector_load_idx %arg11[%add3A_240, %and3A_305] : memref<256x128xf32, #tpu.memory_space<vmem>>[vector<16xi32>, vector<16xi32>], vector<16xf32>,
      %gather3A_307 = tpu.vector_load_idx %arg12[%add3A_240, %and3A_305] : memref<256x128xf32, #tpu.memory_space<vmem>>[vector<16xi32>, vector<16xi32>], vector<16xf32>,
      %mul3A_308 = arith.mulf %gather3A_306, %gather3A_307 : vector<16xf32>
      %add3A_309 = arith.addf %add3A_299, %mul3A_308 : vector<16xf32>
      %add3A_310 = arith.constant 6 : i32
      %add3A_311 = vector.broadcast %add3A_310 : i32 to vector<16xi32>
      %add3A_312 = arith.addi %iota3A, %add3A_311 : vector<16xi32>
      %and3A_313 = arith.constant 63 : i32
      %and3A_314 = vector.broadcast %and3A_313 : i32 to vector<16xi32>
      %and3A_315 = arith.andi %add3A_312, %and3A_314 : vector<16xi32>
      %gather3A_316 = tpu.vector_load_idx %arg11[%add3A_240, %and3A_315] : memref<256x128xf32, #tpu.memory_space<vmem>>[vector<16xi32>, vector<16xi32>], vector<16xf32>,
      %gather3A_317 = tpu.vector_load_idx %arg12[%add3A_240, %and3A_315] : memref<256x128xf32, #tpu.memory_space<vmem>>[vector<16xi32>, vector<16xi32>], vector<16xf32>,
      %mul3A_318 = arith.mulf %gather3A_316, %gather3A_317 : vector<16xf32>
      %add3A_319 = arith.addf %add3A_309, %mul3A_318 : vector<16xf32>
      %add3A_320 = arith.constant 7 : i32
      %add3A_321 = vector.broadcast %add3A_320 : i32 to vector<16xi32>
      %add3A_322 = arith.addi %iota3A, %add3A_321 : vector<16xi32>
      %and3A_323 = arith.constant 63 : i32
      %and3A_324 = vector.broadcast %and3A_323 : i32 to vector<16xi32>
      %and3A_325 = arith.andi %add3A_322, %and3A_324 : vector<16xi32>
      %gather3A_326 = tpu.vector_load_idx %arg11[%add3A_240, %and3A_325] : memref<256x128xf32, #tpu.memory_space<vmem>>[vector<16xi32>, vector<16xi32>], vector<16xf32>,
      %gather3A_327 = tpu.vector_load_idx %arg12[%add3A_240, %and3A_325] : memref<256x128xf32, #tpu.memory_space<vmem>>[vector<16xi32>, vector<16xi32>], vector<16xf32>,
      %mul3A_328 = arith.mulf %gather3A_326, %gather3A_327 : vector<16xf32>
      %add3A_329 = arith.addf %add3A_319, %mul3A_328 : vector<16xf32>
      %add3A_330 = arith.constant 8 : i32
      %add3A_331 = vector.broadcast %add3A_330 : i32 to vector<16xi32>
      %add3A_332 = arith.addi %iota3A, %add3A_331 : vector<16xi32>
      %and3A_333 = arith.constant 63 : i32
      %and3A_334 = vector.broadcast %and3A_333 : i32 to vector<16xi32>
      %and3A_335 = arith.andi %add3A_332, %and3A_334 : vector<16xi32>
      %gather3A_336 = tpu.vector_load_idx %arg11[%add3A_240, %and3A_335] : memref<256x128xf32, #tpu.memory_space<vmem>>[vector<16xi32>, vector<16xi32>], vector<16xf32>,
      %gather3A_337 = tpu.vector_load_idx %arg12[%add3A_240, %and3A_335] : memref<256x128xf32, #tpu.memory_space<vmem>>[vector<16xi32>, vector<16xi32>], vector<16xf32>,
      %mul3A_338 = arith.mulf %gather3A_336, %gather3A_337 : vector<16xf32>
      %add3A_339 = arith.addf %add3A_329, %mul3A_338 : vector<16xf32>
      %add3A_340 = arith.constant 9 : i32
      %add3A_341 = vector.broadcast %add3A_340 : i32 to vector<16xi32>
      %add3A_342 = arith.addi %iota3A, %add3A_341 : vector<16xi32>
      %and3A_343 = arith.constant 63 : i32
      %and3A_344 = vector.broadcast %and3A_343 : i32 to vector<16xi32>
      %and3A_345 = arith.andi %add3A_342, %and3A_344 : vector<16xi32>
      %gather3A_346 = tpu.vector_load_idx %arg11[%add3A_240, %and3A_345] : memref<256x128xf32, #tpu.memory_space<vmem>>[vector<16xi32>, vector<16xi32>], vector<16xf32>,
      %gather3A_347 = tpu.vector_load_idx %arg12[%add3A_240, %and3A_345] : memref<256x128xf32, #tpu.memory_space<vmem>>[vector<16xi32>, vector<16xi32>], vector<16xf32>,
      %mul3A_348 = arith.mulf %gather3A_346, %gather3A_347 : vector<16xf32>
      %add3A_349 = arith.addf %add3A_339, %mul3A_348 : vector<16xf32>
      %add3A_350 = arith.constant 10 : i32
      %add3A_351 = vector.broadcast %add3A_350 : i32 to vector<16xi32>
      %add3A_352 = arith.addi %iota3A, %add3A_351 : vector<16xi32>
      %and3A_353 = arith.constant 63 : i32
      %and3A_354 = vector.broadcast %and3A_353 : i32 to vector<16xi32>
      %and3A_355 = arith.andi %add3A_352, %and3A_354 : vector<16xi32>
      %gather3A_356 = tpu.vector_load_idx %arg11[%add3A_240, %and3A_355] : memref<256x128xf32, #tpu.memory_space<vmem>>[vector<16xi32>, vector<16xi32>], vector<16xf32>,
      %gather3A_357 = tpu.vector_load_idx %arg12[%add3A_240, %and3A_355] : memref<256x128xf32, #tpu.memory_space<vmem>>[vector<16xi32>, vector<16xi32>], vector<16xf32>,
      %mul3A_358 = arith.mulf %gather3A_356, %gather3A_357 : vector<16xf32>
      %add3A_359 = arith.addf %add3A_349, %mul3A_358 : vector<16xf32>
      %add3A_360 = arith.constant 11 : i32
      %add3A_361 = vector.broadcast %add3A_360 : i32 to vector<16xi32>
      %add3A_362 = arith.addi %iota3A, %add3A_361 : vector<16xi32>
      %and3A_363 = arith.constant 63 : i32
      %and3A_364 = vector.broadcast %and3A_363 : i32 to vector<16xi32>
      %and3A_365 = arith.andi %add3A_362, %and3A_364 : vector<16xi32>
      %gather3A_366 = tpu.vector_load_idx %arg11[%add3A_240, %and3A_365] : memref<256x128xf32, #tpu.memory_space<vmem>>[vector<16xi32>, vector<16xi32>], vector<16xf32>,
      %gather3A_367 = tpu.vector_load_idx %arg12[%add3A_240, %and3A_365] : memref<256x128xf32, #tpu.memory_space<vmem>>[vector<16xi32>, vector<16xi32>], vector<16xf32>,
      %mul3A_368 = arith.mulf %gather3A_366, %gather3A_367 : vector<16xf32>
      %add3A_369 = arith.addf %add3A_359, %mul3A_368 : vector<16xf32>
      %add3A_370 = arith.constant 12 : i32
      %add3A_371 = vector.broadcast %add3A_370 : i32 to vector<16xi32>
      %add3A_372 = arith.addi %iota3A, %add3A_371 : vector<16xi32>
      %and3A_373 = arith.constant 63 : i32
      %and3A_374 = vector.broadcast %and3A_373 : i32 to vector<16xi32>
      %and3A_375 = arith.andi %add3A_372, %and3A_374 : vector<16xi32>
      %gather3A_376 = tpu.vector_load_idx %arg11[%add3A_240, %and3A_375] : memref<256x128xf32, #tpu.memory_space<vmem>>[vector<16xi32>, vector<16xi32>], vector<16xf32>,
      %gather3A_377 = tpu.vector_load_idx %arg12[%add3A_240, %and3A_375] : memref<256x128xf32, #tpu.memory_space<vmem>>[vector<16xi32>, vector<16xi32>], vector<16xf32>,
      %mul3A_378 = arith.mulf %gather3A_376, %gather3A_377 : vector<16xf32>
      %add3A_379 = arith.addf %add3A_369, %mul3A_378 : vector<16xf32>
      %add3A_380 = arith.constant 13 : i32
      %add3A_381 = vector.broadcast %add3A_380 : i32 to vector<16xi32>
      %add3A_382 = arith.addi %iota3A, %add3A_381 : vector<16xi32>
      %and3A_383 = arith.constant 63 : i32
      %and3A_384 = vector.broadcast %and3A_383 : i32 to vector<16xi32>
      %and3A_385 = arith.andi %add3A_382, %and3A_384 : vector<16xi32>
      %gather3A_386 = tpu.vector_load_idx %arg11[%add3A_240, %and3A_385] : memref<256x128xf32, #tpu.memory_space<vmem>>[vector<16xi32>, vector<16xi32>], vector<16xf32>,
      %gather3A_387 = tpu.vector_load_idx %arg12[%add3A_240, %and3A_385] : memref<256x128xf32, #tpu.memory_space<vmem>>[vector<16xi32>, vector<16xi32>], vector<16xf32>,
      %mul3A_388 = arith.mulf %gather3A_386, %gather3A_387 : vector<16xf32>
      %add3A_389 = arith.addf %add3A_379, %mul3A_388 : vector<16xf32>
      %add3A_390 = arith.constant 14 : i32
      %add3A_391 = vector.broadcast %add3A_390 : i32 to vector<16xi32>
      %add3A_392 = arith.addi %iota3A, %add3A_391 : vector<16xi32>
      %and3A_393 = arith.constant 63 : i32
      %and3A_394 = vector.broadcast %and3A_393 : i32 to vector<16xi32>
      %and3A_395 = arith.andi %add3A_392, %and3A_394 : vector<16xi32>
      %gather3A_396 = tpu.vector_load_idx %arg11[%add3A_240, %and3A_395] : memref<256x128xf32, #tpu.memory_space<vmem>>[vector<16xi32>, vector<16xi32>], vector<16xf32>,
      %gather3A_397 = tpu.vector_load_idx %arg12[%add3A_240, %and3A_395] : memref<256x128xf32, #tpu.memory_space<vmem>>[vector<16xi32>, vector<16xi32>], vector<16xf32>,
      %mul3A_398 = arith.mulf %gather3A_396, %gather3A_397 : vector<16xf32>
      %add3A_399 = arith.addf %add3A_389, %mul3A_398 : vector<16xf32>
      %add3A_400 = arith.constant 15 : i32
      %add3A_401 = vector.broadcast %add3A_400 : i32 to vector<16xi32>
      %add3A_402 = arith.addi %iota3A, %add3A_401 : vector<16xi32>
      %and3A_403 = arith.constant 63 : i32
      %and3A_404 = vector.broadcast %and3A_403 : i32 to vector<16xi32>
      %and3A_405 = arith.andi %add3A_402, %and3A_404 : vector<16xi32>
      %gather3A_406 = tpu.vector_load_idx %arg11[%add3A_240, %and3A_405] : memref<256x128xf32, #tpu.memory_space<vmem>>[vector<16xi32>, vector<16xi32>], vector<16xf32>,
      %gather3A_407 = tpu.vector_load_idx %arg12[%add3A_240, %and3A_405] : memref<256x128xf32, #tpu.memory_space<vmem>>[vector<16xi32>, vector<16xi32>], vector<16xf32>,
      %mul3A_408 = arith.mulf %gather3A_406, %gather3A_407 : vector<16xf32>
      %add3A_409 = arith.addf %add3A_399, %mul3A_408 : vector<16xf32>
      %add3A_410 = arith.constant 16 : i32
      %add3A_411 = vector.broadcast %add3A_410 : i32 to vector<16xi32>
      %add3A_412 = arith.addi %iota3A, %add3A_411 : vector<16xi32>
      %and3A_413 = arith.constant 63 : i32
      %and3A_414 = vector.broadcast %and3A_413 : i32 to vector<16xi32>
      %and3A_415 = arith.andi %add3A_412, %and3A_414 : vector<16xi32>
      %gather3A_416 = tpu.vector_load_idx %arg11[%add3A_240, %and3A_415] : memref<256x128xf32, #tpu.memory_space<vmem>>[vector<16xi32>, vector<16xi32>], vector<16xf32>,
      %gather3A_417 = tpu.vector_load_idx %arg12[%add3A_240, %and3A_415] : memref<256x128xf32, #tpu.memory_space<vmem>>[vector<16xi32>, vector<16xi32>], vector<16xf32>,
      %mul3A_418 = arith.mulf %gather3A_416, %gather3A_417 : vector<16xf32>
      %add3A_419 = arith.addf %add3A_409, %mul3A_418 : vector<16xf32>
      %add3A_420 = arith.constant 17 : i32
      %add3A_421 = vector.broadcast %add3A_420 : i32 to vector<16xi32>
      %add3A_422 = arith.addi %iota3A, %add3A_421 : vector<16xi32>
      %and3A_423 = arith.constant 63 : i32
      %and3A_424 = vector.broadcast %and3A_423 : i32 to vector<16xi32>
      %and3A_425 = arith.andi %add3A_422, %and3A_424 : vector<16xi32>
      %gather3A_426 = tpu.vector_load_idx %arg11[%add3A_240, %and3A_425] : memref<256x128xf32, #tpu.memory_space<vmem>>[vector<16xi32>, vector<16xi32>], vector<16xf32>,
      %gather3A_427 = tpu.vector_load_idx %arg12[%add3A_240, %and3A_425] : memref<256x128xf32, #tpu.memory_space<vmem>>[vector<16xi32>, vector<16xi32>], vector<16xf32>,
      %mul3A_428 = arith.mulf %gather3A_426, %gather3A_427 : vector<16xf32>
      %add3A_429 = arith.addf %add3A_419, %mul3A_428 : vector<16xf32>
      %add3A_430 = arith.constant 18 : i32
      %add3A_431 = vector.broadcast %add3A_430 : i32 to vector<16xi32>
      %add3A_432 = arith.addi %iota3A, %add3A_431 : vector<16xi32>
      %and3A_433 = arith.constant 63 : i32
      %and3A_434 = vector.broadcast %and3A_433 : i32 to vector<16xi32>
      %and3A_435 = arith.andi %add3A_432, %and3A_434 : vector<16xi32>
      %gather3A_436 = tpu.vector_load_idx %arg11[%add3A_240, %and3A_435] : memref<256x128xf32, #tpu.memory_space<vmem>>[vector<16xi32>, vector<16xi32>], vector<16xf32>,
      %gather3A_437 = tpu.vector_load_idx %arg12[%add3A_240, %and3A_435] : memref<256x128xf32, #tpu.memory_space<vmem>>[vector<16xi32>, vector<16xi32>], vector<16xf32>,
      %mul3A_438 = arith.mulf %gather3A_436, %gather3A_437 : vector<16xf32>
      %add3A_439 = arith.addf %add3A_429, %mul3A_438 : vector<16xf32>
      %add3A_440 = arith.constant 19 : i32
      %add3A_441 = vector.broadcast %add3A_440 : i32 to vector<16xi32>
      %add3A_442 = arith.addi %iota3A, %add3A_441 : vector<16xi32>
      %and3A_443 = arith.constant 63 : i32
      %and3A_444 = vector.broadcast %and3A_443 : i32 to vector<16xi32>
      %and3A_445 = arith.andi %add3A_442, %and3A_444 : vector<16xi32>
      %gather3A_446 = tpu.vector_load_idx %arg11[%add3A_240, %and3A_445] : memref<256x128xf32, #tpu.memory_space<vmem>>[vector<16xi32>, vector<16xi32>], vector<16xf32>,
      %gather3A_447 = tpu.vector_load_idx %arg12[%add3A_240, %and3A_445] : memref<256x128xf32, #tpu.memory_space<vmem>>[vector<16xi32>, vector<16xi32>], vector<16xf32>,
      %mul3A_448 = arith.mulf %gather3A_446, %gather3A_447 : vector<16xf32>
      %add3A_449 = arith.addf %add3A_439, %mul3A_448 : vector<16xf32>
      %add3A_450 = arith.constant 20 : i32
      %add3A_451 = vector.broadcast %add3A_450 : i32 to vector<16xi32>
      %add3A_452 = arith.addi %iota3A, %add3A_451 : vector<16xi32>
      %and3A_453 = arith.constant 63 : i32
      %and3A_454 = vector.broadcast %and3A_453 : i32 to vector<16xi32>
      %and3A_455 = arith.andi %add3A_452, %and3A_454 : vector<16xi32>
      %gather3A_456 = tpu.vector_load_idx %arg11[%add3A_240, %and3A_455] : memref<256x128xf32, #tpu.memory_space<vmem>>[vector<16xi32>, vector<16xi32>], vector<16xf32>,
      %gather3A_457 = tpu.vector_load_idx %arg12[%add3A_240, %and3A_455] : memref<256x128xf32, #tpu.memory_space<vmem>>[vector<16xi32>, vector<16xi32>], vector<16xf32>,
      %mul3A_458 = arith.mulf %gather3A_456, %gather3A_457 : vector<16xf32>
      %add3A_459 = arith.addf %add3A_449, %mul3A_458 : vector<16xf32>
      %add3A_460 = arith.constant 21 : i32
      %add3A_461 = vector.broadcast %add3A_460 : i32 to vector<16xi32>
      %add3A_462 = arith.addi %iota3A, %add3A_461 : vector<16xi32>
      %and3A_463 = arith.constant 63 : i32
      %and3A_464 = vector.broadcast %and3A_463 : i32 to vector<16xi32>
      %and3A_465 = arith.andi %add3A_462, %and3A_464 : vector<16xi32>
      %gather3A_466 = tpu.vector_load_idx %arg11[%add3A_240, %and3A_465] : memref<256x128xf32, #tpu.memory_space<vmem>>[vector<16xi32>, vector<16xi32>], vector<16xf32>,
      %gather3A_467 = tpu.vector_load_idx %arg12[%add3A_240, %and3A_465] : memref<256x128xf32, #tpu.memory_space<vmem>>[vector<16xi32>, vector<16xi32>], vector<16xf32>,
      %mul3A_468 = arith.mulf %gather3A_466, %gather3A_467 : vector<16xf32>
      %add3A_469 = arith.addf %add3A_459, %mul3A_468 : vector<16xf32>
      %add3A_470 = arith.constant 22 : i32
      %add3A_471 = vector.broadcast %add3A_470 : i32 to vector<16xi32>
      %add3A_472 = arith.addi %iota3A, %add3A_471 : vector<16xi32>
      %and3A_473 = arith.constant 63 : i32
      %and3A_474 = vector.broadcast %and3A_473 : i32 to vector<16xi32>
      %and3A_475 = arith.andi %add3A_472, %and3A_474 : vector<16xi32>
      %gather3A_476 = tpu.vector_load_idx %arg11[%add3A_240, %and3A_475] : memref<256x128xf32, #tpu.memory_space<vmem>>[vector<16xi32>, vector<16xi32>], vector<16xf32>,
      %gather3A_477 = tpu.vector_load_idx %arg12[%add3A_240, %and3A_475] : memref<256x128xf32, #tpu.memory_space<vmem>>[vector<16xi32>, vector<16xi32>], vector<16xf32>,
      %mul3A_478 = arith.mulf %gather3A_476, %gather3A_477 : vector<16xf32>
      %add3A_479 = arith.addf %add3A_469, %mul3A_478 : vector<16xf32>
      %add3A_480 = arith.constant 23 : i32
      %add3A_481 = vector.broadcast %add3A_480 : i32 to vector<16xi32>
      %add3A_482 = arith.addi %iota3A, %add3A_481 : vector<16xi32>
      %and3A_483 = arith.constant 63 : i32
      %and3A_484 = vector.broadcast %and3A_483 : i32 to vector<16xi32>
      %and3A_485 = arith.andi %add3A_482, %and3A_484 : vector<16xi32>
      %gather3A_486 = tpu.vector_load_idx %arg11[%add3A_240, %and3A_485] : memref<256x128xf32, #tpu.memory_space<vmem>>[vector<16xi32>, vector<16xi32>], vector<16xf32>,
      %gather3A_487 = tpu.vector_load_idx %arg12[%add3A_240, %and3A_485] : memref<256x128xf32, #tpu.memory_space<vmem>>[vector<16xi32>, vector<16xi32>], vector<16xf32>,
      %mul3A_488 = arith.mulf %gather3A_486, %gather3A_487 : vector<16xf32>
      %add3A_489 = arith.addf %add3A_479, %mul3A_488 : vector<16xf32>
      %add3A_490 = arith.constant 24 : i32
      %add3A_491 = vector.broadcast %add3A_490 : i32 to vector<16xi32>
      %add3A_492 = arith.addi %iota3A, %add3A_491 : vector<16xi32>
      %and3A_493 = arith.constant 63 : i32
      %and3A_494 = vector.broadcast %and3A_493 : i32 to vector<16xi32>
      %and3A_495 = arith.andi %add3A_492, %and3A_494 : vector<16xi32>
      %gather3A_496 = tpu.vector_load_idx %arg11[%add3A_240, %and3A_495] : memref<256x128xf32, #tpu.memory_space<vmem>>[vector<16xi32>, vector<16xi32>], vector<16xf32>,
      %gather3A_497 = tpu.vector_load_idx %arg12[%add3A_240, %and3A_495] : memref<256x128xf32, #tpu.memory_space<vmem>>[vector<16xi32>, vector<16xi32>], vector<16xf32>,
      %mul3A_498 = arith.mulf %gather3A_496, %gather3A_497 : vector<16xf32>
      %add3A_499 = arith.addf %add3A_489, %mul3A_498 : vector<16xf32>
      %add3A_500 = arith.constant 25 : i32
      %add3A_501 = vector.broadcast %add3A_500 : i32 to vector<16xi32>
      %add3A_502 = arith.addi %iota3A, %add3A_501 : vector<16xi32>
      %and3A_503 = arith.constant 63 : i32
      %and3A_504 = vector.broadcast %and3A_503 : i32 to vector<16xi32>
      %and3A_505 = arith.andi %add3A_502, %and3A_504 : vector<16xi32>
      %gather3A_506 = tpu.vector_load_idx %arg11[%add3A_240, %and3A_505] : memref<256x128xf32, #tpu.memory_space<vmem>>[vector<16xi32>, vector<16xi32>], vector<16xf32>,
      %gather3A_507 = tpu.vector_load_idx %arg12[%add3A_240, %and3A_505] : memref<256x128xf32, #tpu.memory_space<vmem>>[vector<16xi32>, vector<16xi32>], vector<16xf32>,
      %mul3A_508 = arith.mulf %gather3A_506, %gather3A_507 : vector<16xf32>
      %add3A_509 = arith.addf %add3A_499, %mul3A_508 : vector<16xf32>
      %add3A_510 = arith.constant 26 : i32
      %add3A_511 = vector.broadcast %add3A_510 : i32 to vector<16xi32>
      %add3A_512 = arith.addi %iota3A, %add3A_511 : vector<16xi32>
      %and3A_513 = arith.constant 63 : i32
      %and3A_514 = vector.broadcast %and3A_513 : i32 to vector<16xi32>
      %and3A_515 = arith.andi %add3A_512, %and3A_514 : vector<16xi32>
      %gather3A_516 = tpu.vector_load_idx %arg11[%add3A_240, %and3A_515] : memref<256x128xf32, #tpu.memory_space<vmem>>[vector<16xi32>, vector<16xi32>], vector<16xf32>,
      %gather3A_517 = tpu.vector_load_idx %arg12[%add3A_240, %and3A_515] : memref<256x128xf32, #tpu.memory_space<vmem>>[vector<16xi32>, vector<16xi32>], vector<16xf32>,
      %mul3A_518 = arith.mulf %gather3A_516, %gather3A_517 : vector<16xf32>
      %add3A_519 = arith.addf %add3A_509, %mul3A_518 : vector<16xf32>
      %add3A_520 = arith.constant 27 : i32
      %add3A_521 = vector.broadcast %add3A_520 : i32 to vector<16xi32>
      %add3A_522 = arith.addi %iota3A, %add3A_521 : vector<16xi32>
      %and3A_523 = arith.constant 63 : i32
      %and3A_524 = vector.broadcast %and3A_523 : i32 to vector<16xi32>
      %and3A_525 = arith.andi %add3A_522, %and3A_524 : vector<16xi32>
      %gather3A_526 = tpu.vector_load_idx %arg11[%add3A_240, %and3A_525] : memref<256x128xf32, #tpu.memory_space<vmem>>[vector<16xi32>, vector<16xi32>], vector<16xf32>,
      %gather3A_527 = tpu.vector_load_idx %arg12[%add3A_240, %and3A_525] : memref<256x128xf32, #tpu.memory_space<vmem>>[vector<16xi32>, vector<16xi32>], vector<16xf32>,
      %mul3A_528 = arith.mulf %gather3A_526, %gather3A_527 : vector<16xf32>
      %add3A_529 = arith.addf %add3A_519, %mul3A_528 : vector<16xf32>
      %add3A_530 = arith.constant 28 : i32
      %add3A_531 = vector.broadcast %add3A_530 : i32 to vector<16xi32>
      %add3A_532 = arith.addi %iota3A, %add3A_531 : vector<16xi32>
      %and3A_533 = arith.constant 63 : i32
      %and3A_534 = vector.broadcast %and3A_533 : i32 to vector<16xi32>
      %and3A_535 = arith.andi %add3A_532, %and3A_534 : vector<16xi32>
      %gather3A_536 = tpu.vector_load_idx %arg11[%add3A_240, %and3A_535] : memref<256x128xf32, #tpu.memory_space<vmem>>[vector<16xi32>, vector<16xi32>], vector<16xf32>,
      %gather3A_537 = tpu.vector_load_idx %arg12[%add3A_240, %and3A_535] : memref<256x128xf32, #tpu.memory_space<vmem>>[vector<16xi32>, vector<16xi32>], vector<16xf32>,
      %mul3A_538 = arith.mulf %gather3A_536, %gather3A_537 : vector<16xf32>
      %add3A_539 = arith.addf %add3A_529, %mul3A_538 : vector<16xf32>
      %add3A_540 = arith.constant 29 : i32
      %add3A_541 = vector.broadcast %add3A_540 : i32 to vector<16xi32>
      %add3A_542 = arith.addi %iota3A, %add3A_541 : vector<16xi32>
      %and3A_543 = arith.constant 63 : i32
      %and3A_544 = vector.broadcast %and3A_543 : i32 to vector<16xi32>
      %and3A_545 = arith.andi %add3A_542, %and3A_544 : vector<16xi32>
      %gather3A_546 = tpu.vector_load_idx %arg11[%add3A_240, %and3A_545] : memref<256x128xf32, #tpu.memory_space<vmem>>[vector<16xi32>, vector<16xi32>], vector<16xf32>,
      %gather3A_547 = tpu.vector_load_idx %arg12[%add3A_240, %and3A_545] : memref<256x128xf32, #tpu.memory_space<vmem>>[vector<16xi32>, vector<16xi32>], vector<16xf32>,
      %mul3A_548 = arith.mulf %gather3A_546, %gather3A_547 : vector<16xf32>
      %add3A_549 = arith.addf %add3A_539, %mul3A_548 : vector<16xf32>
      %add3A_550 = arith.constant 30 : i32
      %add3A_551 = vector.broadcast %add3A_550 : i32 to vector<16xi32>
      %add3A_552 = arith.addi %iota3A, %add3A_551 : vector<16xi32>
      %and3A_553 = arith.constant 63 : i32
      %and3A_554 = vector.broadcast %and3A_553 : i32 to vector<16xi32>
      %and3A_555 = arith.andi %add3A_552, %and3A_554 : vector<16xi32>
      %gather3A_556 = tpu.vector_load_idx %arg11[%add3A_240, %and3A_555] : memref<256x128xf32, #tpu.memory_space<vmem>>[vector<16xi32>, vector<16xi32>], vector<16xf32>,
      %gather3A_557 = tpu.vector_load_idx %arg12[%add3A_240, %and3A_555] : memref<256x128xf32, #tpu.memory_space<vmem>>[vector<16xi32>, vector<16xi32>], vector<16xf32>,
      %mul3A_558 = arith.mulf %gather3A_556, %gather3A_557 : vector<16xf32>
      %add3A_559 = arith.addf %add3A_549, %mul3A_558 : vector<16xf32>
      %add3A_560 = arith.constant 31 : i32
      %add3A_561 = vector.broadcast %add3A_560 : i32 to vector<16xi32>
      %add3A_562 = arith.addi %iota3A, %add3A_561 : vector<16xi32>
      %and3A_563 = arith.constant 63 : i32
      %and3A_564 = vector.broadcast %and3A_563 : i32 to vector<16xi32>
      %and3A_565 = arith.andi %add3A_562, %and3A_564 : vector<16xi32>
      %gather3A_566 = tpu.vector_load_idx %arg11[%add3A_240, %and3A_565] : memref<256x128xf32, #tpu.memory_space<vmem>>[vector<16xi32>, vector<16xi32>], vector<16xf32>,
      %gather3A_567 = tpu.vector_load_idx %arg12[%add3A_240, %and3A_565] : memref<256x128xf32, #tpu.memory_space<vmem>>[vector<16xi32>, vector<16xi32>], vector<16xf32>,
      %mul3A_568 = arith.mulf %gather3A_566, %gather3A_567 : vector<16xf32>
      %add3A_569 = arith.addf %add3A_559, %mul3A_568 : vector<16xf32>
      %add3A_570 = arith.constant 32 : i32
      %add3A_571 = vector.broadcast %add3A_570 : i32 to vector<16xi32>
      %add3A_572 = arith.addi %iota3A, %add3A_571 : vector<16xi32>
      %and3A_573 = arith.constant 63 : i32
      %and3A_574 = vector.broadcast %and3A_573 : i32 to vector<16xi32>
      %and3A_575 = arith.andi %add3A_572, %and3A_574 : vector<16xi32>
      %gather3A_576 = tpu.vector_load_idx %arg11[%add3A_240, %and3A_575] : memref<256x128xf32, #tpu.memory_space<vmem>>[vector<16xi32>, vector<16xi32>], vector<16xf32>,
      %gather3A_577 = tpu.vector_load_idx %arg12[%add3A_240, %and3A_575] : memref<256x128xf32, #tpu.memory_space<vmem>>[vector<16xi32>, vector<16xi32>], vector<16xf32>,
      %mul3A_578 = arith.mulf %gather3A_576, %gather3A_577 : vector<16xf32>
      %add3A_579 = arith.addf %add3A_569, %mul3A_578 : vector<16xf32>
      %add3A_580 = arith.constant 33 : i32
      %add3A_581 = vector.broadcast %add3A_580 : i32 to vector<16xi32>
      %add3A_582 = arith.addi %iota3A, %add3A_581 : vector<16xi32>
      %and3A_583 = arith.constant 63 : i32
      %and3A_584 = vector.broadcast %and3A_583 : i32 to vector<16xi32>
      %and3A_585 = arith.andi %add3A_582, %and3A_584 : vector<16xi32>
      %gather3A_586 = tpu.vector_load_idx %arg11[%add3A_240, %and3A_585] : memref<256x128xf32, #tpu.memory_space<vmem>>[vector<16xi32>, vector<16xi32>], vector<16xf32>,
      %gather3A_587 = tpu.vector_load_idx %arg12[%add3A_240, %and3A_585] : memref<256x128xf32, #tpu.memory_space<vmem>>[vector<16xi32>, vector<16xi32>], vector<16xf32>,
      %mul3A_588 = arith.mulf %gather3A_586, %gather3A_587 : vector<16xf32>
      %add3A_589 = arith.addf %add3A_579, %mul3A_588 : vector<16xf32>
      %add3A_590 = arith.constant 34 : i32
      %add3A_591 = vector.broadcast %add3A_590 : i32 to vector<16xi32>
      %add3A_592 = arith.addi %iota3A, %add3A_591 : vector<16xi32>
      %and3A_593 = arith.constant 63 : i32
      %and3A_594 = vector.broadcast %and3A_593 : i32 to vector<16xi32>
      %and3A_595 = arith.andi %add3A_592, %and3A_594 : vector<16xi32>
      %gather3A_596 = tpu.vector_load_idx %arg11[%add3A_240, %and3A_595] : memref<256x128xf32, #tpu.memory_space<vmem>>[vector<16xi32>, vector<16xi32>], vector<16xf32>,
      %gather3A_597 = tpu.vector_load_idx %arg12[%add3A_240, %and3A_595] : memref<256x128xf32, #tpu.memory_space<vmem>>[vector<16xi32>, vector<16xi32>], vector<16xf32>,
      %mul3A_598 = arith.mulf %gather3A_596, %gather3A_597 : vector<16xf32>
      %add3A_599 = arith.addf %add3A_589, %mul3A_598 : vector<16xf32>
      %add3A_600 = arith.constant 35 : i32
      %add3A_601 = vector.broadcast %add3A_600 : i32 to vector<16xi32>
      %add3A_602 = arith.addi %iota3A, %add3A_601 : vector<16xi32>
      %and3A_603 = arith.constant 63 : i32
      %and3A_604 = vector.broadcast %and3A_603 : i32 to vector<16xi32>
      %and3A_605 = arith.andi %add3A_602, %and3A_604 : vector<16xi32>
      %gather3A_606 = tpu.vector_load_idx %arg11[%add3A_240, %and3A_605] : memref<256x128xf32, #tpu.memory_space<vmem>>[vector<16xi32>, vector<16xi32>], vector<16xf32>,
      %gather3A_607 = tpu.vector_load_idx %arg12[%add3A_240, %and3A_605] : memref<256x128xf32, #tpu.memory_space<vmem>>[vector<16xi32>, vector<16xi32>], vector<16xf32>,
      %mul3A_608 = arith.mulf %gather3A_606, %gather3A_607 : vector<16xf32>
      %add3A_609 = arith.addf %add3A_599, %mul3A_608 : vector<16xf32>
      %add3A_610 = arith.constant 36 : i32
      %add3A_611 = vector.broadcast %add3A_610 : i32 to vector<16xi32>
      %add3A_612 = arith.addi %iota3A, %add3A_611 : vector<16xi32>
      %and3A_613 = arith.constant 63 : i32
      %and3A_614 = vector.broadcast %and3A_613 : i32 to vector<16xi32>
      %and3A_615 = arith.andi %add3A_612, %and3A_614 : vector<16xi32>
      %gather3A_616 = tpu.vector_load_idx %arg11[%add3A_240, %and3A_615] : memref<256x128xf32, #tpu.memory_space<vmem>>[vector<16xi32>, vector<16xi32>], vector<16xf32>,
      %gather3A_617 = tpu.vector_load_idx %arg12[%add3A_240, %and3A_615] : memref<256x128xf32, #tpu.memory_space<vmem>>[vector<16xi32>, vector<16xi32>], vector<16xf32>,
      %mul3A_618 = arith.mulf %gather3A_616, %gather3A_617 : vector<16xf32>
      %add3A_619 = arith.addf %add3A_609, %mul3A_618 : vector<16xf32>
      %add3A_620 = arith.constant 37 : i32
      %add3A_621 = vector.broadcast %add3A_620 : i32 to vector<16xi32>
      %add3A_622 = arith.addi %iota3A, %add3A_621 : vector<16xi32>
      %and3A_623 = arith.constant 63 : i32
      %and3A_624 = vector.broadcast %and3A_623 : i32 to vector<16xi32>
      %and3A_625 = arith.andi %add3A_622, %and3A_624 : vector<16xi32>
      %gather3A_626 = tpu.vector_load_idx %arg11[%add3A_240, %and3A_625] : memref<256x128xf32, #tpu.memory_space<vmem>>[vector<16xi32>, vector<16xi32>], vector<16xf32>,
      %gather3A_627 = tpu.vector_load_idx %arg12[%add3A_240, %and3A_625] : memref<256x128xf32, #tpu.memory_space<vmem>>[vector<16xi32>, vector<16xi32>], vector<16xf32>,
      %mul3A_628 = arith.mulf %gather3A_626, %gather3A_627 : vector<16xf32>
      %add3A_629 = arith.addf %add3A_619, %mul3A_628 : vector<16xf32>
      %add3A_630 = arith.constant 38 : i32
      %add3A_631 = vector.broadcast %add3A_630 : i32 to vector<16xi32>
      %add3A_632 = arith.addi %iota3A, %add3A_631 : vector<16xi32>
      %and3A_633 = arith.constant 63 : i32
      %and3A_634 = vector.broadcast %and3A_633 : i32 to vector<16xi32>
      %and3A_635 = arith.andi %add3A_632, %and3A_634 : vector<16xi32>
      %gather3A_636 = tpu.vector_load_idx %arg11[%add3A_240, %and3A_635] : memref<256x128xf32, #tpu.memory_space<vmem>>[vector<16xi32>, vector<16xi32>], vector<16xf32>,
      %gather3A_637 = tpu.vector_load_idx %arg12[%add3A_240, %and3A_635] : memref<256x128xf32, #tpu.memory_space<vmem>>[vector<16xi32>, vector<16xi32>], vector<16xf32>,
      %mul3A_638 = arith.mulf %gather3A_636, %gather3A_637 : vector<16xf32>
      %add3A_639 = arith.addf %add3A_629, %mul3A_638 : vector<16xf32>
      %add3A_640 = arith.constant 39 : i32
      %add3A_641 = vector.broadcast %add3A_640 : i32 to vector<16xi32>
      %add3A_642 = arith.addi %iota3A, %add3A_641 : vector<16xi32>
      %and3A_643 = arith.constant 63 : i32
      %and3A_644 = vector.broadcast %and3A_643 : i32 to vector<16xi32>
      %and3A_645 = arith.andi %add3A_642, %and3A_644 : vector<16xi32>
      %gather3A_646 = tpu.vector_load_idx %arg11[%add3A_240, %and3A_645] : memref<256x128xf32, #tpu.memory_space<vmem>>[vector<16xi32>, vector<16xi32>], vector<16xf32>,
      %gather3A_647 = tpu.vector_load_idx %arg12[%add3A_240, %and3A_645] : memref<256x128xf32, #tpu.memory_space<vmem>>[vector<16xi32>, vector<16xi32>], vector<16xf32>,
      %mul3A_648 = arith.mulf %gather3A_646, %gather3A_647 : vector<16xf32>
      %add3A_649 = arith.addf %add3A_639, %mul3A_648 : vector<16xf32>
      %add3A_650 = arith.constant 40 : i32
      %add3A_651 = vector.broadcast %add3A_650 : i32 to vector<16xi32>
      %add3A_652 = arith.addi %iota3A, %add3A_651 : vector<16xi32>
      %and3A_653 = arith.constant 63 : i32
      %and3A_654 = vector.broadcast %and3A_653 : i32 to vector<16xi32>
      %and3A_655 = arith.andi %add3A_652, %and3A_654 : vector<16xi32>
      %gather3A_656 = tpu.vector_load_idx %arg11[%add3A_240, %and3A_655] : memref<256x128xf32, #tpu.memory_space<vmem>>[vector<16xi32>, vector<16xi32>], vector<16xf32>,
      %gather3A_657 = tpu.vector_load_idx %arg12[%add3A_240, %and3A_655] : memref<256x128xf32, #tpu.memory_space<vmem>>[vector<16xi32>, vector<16xi32>], vector<16xf32>,
      %mul3A_658 = arith.mulf %gather3A_656, %gather3A_657 : vector<16xf32>
      %add3A_659 = arith.addf %add3A_649, %mul3A_658 : vector<16xf32>
      %add3A_660 = arith.constant 41 : i32
      %add3A_661 = vector.broadcast %add3A_660 : i32 to vector<16xi32>
      %add3A_662 = arith.addi %iota3A, %add3A_661 : vector<16xi32>
      %and3A_663 = arith.constant 63 : i32
      %and3A_664 = vector.broadcast %and3A_663 : i32 to vector<16xi32>
      %and3A_665 = arith.andi %add3A_662, %and3A_664 : vector<16xi32>
      %gather3A_666 = tpu.vector_load_idx %arg11[%add3A_240, %and3A_665] : memref<256x128xf32, #tpu.memory_space<vmem>>[vector<16xi32>, vector<16xi32>], vector<16xf32>,
      %gather3A_667 = tpu.vector_load_idx %arg12[%add3A_240, %and3A_665] : memref<256x128xf32, #tpu.memory_space<vmem>>[vector<16xi32>, vector<16xi32>], vector<16xf32>,
      %mul3A_668 = arith.mulf %gather3A_666, %gather3A_667 : vector<16xf32>
      %add3A_669 = arith.addf %add3A_659, %mul3A_668 : vector<16xf32>
      %add3A_670 = arith.constant 42 : i32
      %add3A_671 = vector.broadcast %add3A_670 : i32 to vector<16xi32>
      %add3A_672 = arith.addi %iota3A, %add3A_671 : vector<16xi32>
      %and3A_673 = arith.constant 63 : i32
      %and3A_674 = vector.broadcast %and3A_673 : i32 to vector<16xi32>
      %and3A_675 = arith.andi %add3A_672, %and3A_674 : vector<16xi32>
      %gather3A_676 = tpu.vector_load_idx %arg11[%add3A_240, %and3A_675] : memref<256x128xf32, #tpu.memory_space<vmem>>[vector<16xi32>, vector<16xi32>], vector<16xf32>,
      %gather3A_677 = tpu.vector_load_idx %arg12[%add3A_240, %and3A_675] : memref<256x128xf32, #tpu.memory_space<vmem>>[vector<16xi32>, vector<16xi32>], vector<16xf32>,
      %mul3A_678 = arith.mulf %gather3A_676, %gather3A_677 : vector<16xf32>
      %add3A_679 = arith.addf %add3A_669, %mul3A_678 : vector<16xf32>
      %add3A_680 = arith.constant 43 : i32
      %add3A_681 = vector.broadcast %add3A_680 : i32 to vector<16xi32>
      %add3A_682 = arith.addi %iota3A, %add3A_681 : vector<16xi32>
      %and3A_683 = arith.constant 63 : i32
      %and3A_684 = vector.broadcast %and3A_683 : i32 to vector<16xi32>
      %and3A_685 = arith.andi %add3A_682, %and3A_684 : vector<16xi32>
      %gather3A_686 = tpu.vector_load_idx %arg11[%add3A_240, %and3A_685] : memref<256x128xf32, #tpu.memory_space<vmem>>[vector<16xi32>, vector<16xi32>], vector<16xf32>,
      %gather3A_687 = tpu.vector_load_idx %arg12[%add3A_240, %and3A_685] : memref<256x128xf32, #tpu.memory_space<vmem>>[vector<16xi32>, vector<16xi32>], vector<16xf32>,
      %mul3A_688 = arith.mulf %gather3A_686, %gather3A_687 : vector<16xf32>
      %add3A_689 = arith.addf %add3A_679, %mul3A_688 : vector<16xf32>
      %add3A_690 = arith.constant 44 : i32
      %add3A_691 = vector.broadcast %add3A_690 : i32 to vector<16xi32>
      %add3A_692 = arith.addi %iota3A, %add3A_691 : vector<16xi32>
      %and3A_693 = arith.constant 63 : i32
      %and3A_694 = vector.broadcast %and3A_693 : i32 to vector<16xi32>
      %and3A_695 = arith.andi %add3A_692, %and3A_694 : vector<16xi32>
      %gather3A_696 = tpu.vector_load_idx %arg11[%add3A_240, %and3A_695] : memref<256x128xf32, #tpu.memory_space<vmem>>[vector<16xi32>, vector<16xi32>], vector<16xf32>,
      %gather3A_697 = tpu.vector_load_idx %arg12[%add3A_240, %and3A_695] : memref<256x128xf32, #tpu.memory_space<vmem>>[vector<16xi32>, vector<16xi32>], vector<16xf32>,
      %mul3A_698 = arith.mulf %gather3A_696, %gather3A_697 : vector<16xf32>
      %add3A_699 = arith.addf %add3A_689, %mul3A_698 : vector<16xf32>
      %add3A_700 = arith.constant 45 : i32
      %add3A_701 = vector.broadcast %add3A_700 : i32 to vector<16xi32>
      %add3A_702 = arith.addi %iota3A, %add3A_701 : vector<16xi32>
      %and3A_703 = arith.constant 63 : i32
      %and3A_704 = vector.broadcast %and3A_703 : i32 to vector<16xi32>
      %and3A_705 = arith.andi %add3A_702, %and3A_704 : vector<16xi32>
      %gather3A_706 = tpu.vector_load_idx %arg11[%add3A_240, %and3A_705] : memref<256x128xf32, #tpu.memory_space<vmem>>[vector<16xi32>, vector<16xi32>], vector<16xf32>,
      %gather3A_707 = tpu.vector_load_idx %arg12[%add3A_240, %and3A_705] : memref<256x128xf32, #tpu.memory_space<vmem>>[vector<16xi32>, vector<16xi32>], vector<16xf32>,
      %mul3A_708 = arith.mulf %gather3A_706, %gather3A_707 : vector<16xf32>
      %add3A_709 = arith.addf %add3A_699, %mul3A_708 : vector<16xf32>
      %add3A_710 = arith.constant 46 : i32
      %add3A_711 = vector.broadcast %add3A_710 : i32 to vector<16xi32>
      %add3A_712 = arith.addi %iota3A, %add3A_711 : vector<16xi32>
      %and3A_713 = arith.constant 63 : i32
      %and3A_714 = vector.broadcast %and3A_713 : i32 to vector<16xi32>
      %and3A_715 = arith.andi %add3A_712, %and3A_714 : vector<16xi32>
      %gather3A_716 = tpu.vector_load_idx %arg11[%add3A_240, %and3A_715] : memref<256x128xf32, #tpu.memory_space<vmem>>[vector<16xi32>, vector<16xi32>], vector<16xf32>,
      %gather3A_717 = tpu.vector_load_idx %arg12[%add3A_240, %and3A_715] : memref<256x128xf32, #tpu.memory_space<vmem>>[vector<16xi32>, vector<16xi32>], vector<16xf32>,
      %mul3A_718 = arith.mulf %gather3A_716, %gather3A_717 : vector<16xf32>
      %add3A_719 = arith.addf %add3A_709, %mul3A_718 : vector<16xf32>
      %add3A_720 = arith.constant 47 : i32
      %add3A_721 = vector.broadcast %add3A_720 : i32 to vector<16xi32>
      %add3A_722 = arith.addi %iota3A, %add3A_721 : vector<16xi32>
      %and3A_723 = arith.constant 63 : i32
      %and3A_724 = vector.broadcast %and3A_723 : i32 to vector<16xi32>
      %and3A_725 = arith.andi %add3A_722, %and3A_724 : vector<16xi32>
      %gather3A_726 = tpu.vector_load_idx %arg11[%add3A_240, %and3A_725] : memref<256x128xf32, #tpu.memory_space<vmem>>[vector<16xi32>, vector<16xi32>], vector<16xf32>,
      %gather3A_727 = tpu.vector_load_idx %arg12[%add3A_240, %and3A_725] : memref<256x128xf32, #tpu.memory_space<vmem>>[vector<16xi32>, vector<16xi32>], vector<16xf32>,
      %mul3A_728 = arith.mulf %gather3A_726, %gather3A_727 : vector<16xf32>
      %add3A_729 = arith.addf %add3A_719, %mul3A_728 : vector<16xf32>
      %add3A_730 = arith.constant 48 : i32
      %add3A_731 = vector.broadcast %add3A_730 : i32 to vector<16xi32>
      %add3A_732 = arith.addi %iota3A, %add3A_731 : vector<16xi32>
      %and3A_733 = arith.constant 63 : i32
      %and3A_734 = vector.broadcast %and3A_733 : i32 to vector<16xi32>
      %and3A_735 = arith.andi %add3A_732, %and3A_734 : vector<16xi32>
      %gather3A_736 = tpu.vector_load_idx %arg11[%add3A_240, %and3A_735] : memref<256x128xf32, #tpu.memory_space<vmem>>[vector<16xi32>, vector<16xi32>], vector<16xf32>,
      %gather3A_737 = tpu.vector_load_idx %arg12[%add3A_240, %and3A_735] : memref<256x128xf32, #tpu.memory_space<vmem>>[vector<16xi32>, vector<16xi32>], vector<16xf32>,
      %mul3A_738 = arith.mulf %gather3A_736, %gather3A_737 : vector<16xf32>
      %add3A_739 = arith.addf %add3A_729, %mul3A_738 : vector<16xf32>
      %add3A_740 = arith.constant 49 : i32
      %add3A_741 = vector.broadcast %add3A_740 : i32 to vector<16xi32>
      %add3A_742 = arith.addi %iota3A, %add3A_741 : vector<16xi32>
      %and3A_743 = arith.constant 63 : i32
      %and3A_744 = vector.broadcast %and3A_743 : i32 to vector<16xi32>
      %and3A_745 = arith.andi %add3A_742, %and3A_744 : vector<16xi32>
      %gather3A_746 = tpu.vector_load_idx %arg11[%add3A_240, %and3A_745] : memref<256x128xf32, #tpu.memory_space<vmem>>[vector<16xi32>, vector<16xi32>], vector<16xf32>,
      %gather3A_747 = tpu.vector_load_idx %arg12[%add3A_240, %and3A_745] : memref<256x128xf32, #tpu.memory_space<vmem>>[vector<16xi32>, vector<16xi32>], vector<16xf32>,
      %mul3A_748 = arith.mulf %gather3A_746, %gather3A_747 : vector<16xf32>
      %add3A_749 = arith.addf %add3A_739, %mul3A_748 : vector<16xf32>
      %add3A_750 = arith.constant 50 : i32
      %add3A_751 = vector.broadcast %add3A_750 : i32 to vector<16xi32>
      %add3A_752 = arith.addi %iota3A, %add3A_751 : vector<16xi32>
      %and3A_753 = arith.constant 63 : i32
      %and3A_754 = vector.broadcast %and3A_753 : i32 to vector<16xi32>
      %and3A_755 = arith.andi %add3A_752, %and3A_754 : vector<16xi32>
      %gather3A_756 = tpu.vector_load_idx %arg11[%add3A_240, %and3A_755] : memref<256x128xf32, #tpu.memory_space<vmem>>[vector<16xi32>, vector<16xi32>], vector<16xf32>,
      %gather3A_757 = tpu.vector_load_idx %arg12[%add3A_240, %and3A_755] : memref<256x128xf32, #tpu.memory_space<vmem>>[vector<16xi32>, vector<16xi32>], vector<16xf32>,
      %mul3A_758 = arith.mulf %gather3A_756, %gather3A_757 : vector<16xf32>
      %add3A_759 = arith.addf %add3A_749, %mul3A_758 : vector<16xf32>
      %add3A_760 = arith.constant 51 : i32
      %add3A_761 = vector.broadcast %add3A_760 : i32 to vector<16xi32>
      %add3A_762 = arith.addi %iota3A, %add3A_761 : vector<16xi32>
      %and3A_763 = arith.constant 63 : i32
      %and3A_764 = vector.broadcast %and3A_763 : i32 to vector<16xi32>
      %and3A_765 = arith.andi %add3A_762, %and3A_764 : vector<16xi32>
      %gather3A_766 = tpu.vector_load_idx %arg11[%add3A_240, %and3A_765] : memref<256x128xf32, #tpu.memory_space<vmem>>[vector<16xi32>, vector<16xi32>], vector<16xf32>,
      %gather3A_767 = tpu.vector_load_idx %arg12[%add3A_240, %and3A_765] : memref<256x128xf32, #tpu.memory_space<vmem>>[vector<16xi32>, vector<16xi32>], vector<16xf32>,
      %mul3A_768 = arith.mulf %gather3A_766, %gather3A_767 : vector<16xf32>
      %add3A_769 = arith.addf %add3A_759, %mul3A_768 : vector<16xf32>
      %add3A_770 = arith.constant 52 : i32
      %add3A_771 = vector.broadcast %add3A_770 : i32 to vector<16xi32>
      %add3A_772 = arith.addi %iota3A, %add3A_771 : vector<16xi32>
      %and3A_773 = arith.constant 63 : i32
      %and3A_774 = vector.broadcast %and3A_773 : i32 to vector<16xi32>
      %and3A_775 = arith.andi %add3A_772, %and3A_774 : vector<16xi32>
      %gather3A_776 = tpu.vector_load_idx %arg11[%add3A_240, %and3A_775] : memref<256x128xf32, #tpu.memory_space<vmem>>[vector<16xi32>, vector<16xi32>], vector<16xf32>,
      %gather3A_777 = tpu.vector_load_idx %arg12[%add3A_240, %and3A_775] : memref<256x128xf32, #tpu.memory_space<vmem>>[vector<16xi32>, vector<16xi32>], vector<16xf32>,
      %mul3A_778 = arith.mulf %gather3A_776, %gather3A_777 : vector<16xf32>
      %add3A_779 = arith.addf %add3A_769, %mul3A_778 : vector<16xf32>
      %add3A_780 = arith.constant 53 : i32
      %add3A_781 = vector.broadcast %add3A_780 : i32 to vector<16xi32>
      %add3A_782 = arith.addi %iota3A, %add3A_781 : vector<16xi32>
      %and3A_783 = arith.constant 63 : i32
      %and3A_784 = vector.broadcast %and3A_783 : i32 to vector<16xi32>
      %and3A_785 = arith.andi %add3A_782, %and3A_784 : vector<16xi32>
      %gather3A_786 = tpu.vector_load_idx %arg11[%add3A_240, %and3A_785] : memref<256x128xf32, #tpu.memory_space<vmem>>[vector<16xi32>, vector<16xi32>], vector<16xf32>,
      %gather3A_787 = tpu.vector_load_idx %arg12[%add3A_240, %and3A_785] : memref<256x128xf32, #tpu.memory_space<vmem>>[vector<16xi32>, vector<16xi32>], vector<16xf32>,
      %mul3A_788 = arith.mulf %gather3A_786, %gather3A_787 : vector<16xf32>
      %add3A_789 = arith.addf %add3A_779, %mul3A_788 : vector<16xf32>
      %add3A_790 = arith.constant 54 : i32
      %add3A_791 = vector.broadcast %add3A_790 : i32 to vector<16xi32>
      %add3A_792 = arith.addi %iota3A, %add3A_791 : vector<16xi32>
      %and3A_793 = arith.constant 63 : i32
      %and3A_794 = vector.broadcast %and3A_793 : i32 to vector<16xi32>
      %and3A_795 = arith.andi %add3A_792, %and3A_794 : vector<16xi32>
      %gather3A_796 = tpu.vector_load_idx %arg11[%add3A_240, %and3A_795] : memref<256x128xf32, #tpu.memory_space<vmem>>[vector<16xi32>, vector<16xi32>], vector<16xf32>,
      %gather3A_797 = tpu.vector_load_idx %arg12[%add3A_240, %and3A_795] : memref<256x128xf32, #tpu.memory_space<vmem>>[vector<16xi32>, vector<16xi32>], vector<16xf32>,
      %mul3A_798 = arith.mulf %gather3A_796, %gather3A_797 : vector<16xf32>
      %add3A_799 = arith.addf %add3A_789, %mul3A_798 : vector<16xf32>
      %add3A_800 = arith.constant 55 : i32
      %add3A_801 = vector.broadcast %add3A_800 : i32 to vector<16xi32>
      %add3A_802 = arith.addi %iota3A, %add3A_801 : vector<16xi32>
      %and3A_803 = arith.constant 63 : i32
      %and3A_804 = vector.broadcast %and3A_803 : i32 to vector<16xi32>
      %and3A_805 = arith.andi %add3A_802, %and3A_804 : vector<16xi32>
      %gather3A_806 = tpu.vector_load_idx %arg11[%add3A_240, %and3A_805] : memref<256x128xf32, #tpu.memory_space<vmem>>[vector<16xi32>, vector<16xi32>], vector<16xf32>,
      %gather3A_807 = tpu.vector_load_idx %arg12[%add3A_240, %and3A_805] : memref<256x128xf32, #tpu.memory_space<vmem>>[vector<16xi32>, vector<16xi32>], vector<16xf32>,
      %mul3A_808 = arith.mulf %gather3A_806, %gather3A_807 : vector<16xf32>
      %add3A_809 = arith.addf %add3A_799, %mul3A_808 : vector<16xf32>
      %add3A_810 = arith.constant 56 : i32
      %add3A_811 = vector.broadcast %add3A_810 : i32 to vector<16xi32>
      %add3A_812 = arith.addi %iota3A, %add3A_811 : vector<16xi32>
      %and3A_813 = arith.constant 63 : i32
      %and3A_814 = vector.broadcast %and3A_813 : i32 to vector<16xi32>
      %and3A_815 = arith.andi %add3A_812, %and3A_814 : vector<16xi32>
      %gather3A_816 = tpu.vector_load_idx %arg11[%add3A_240, %and3A_815] : memref<256x128xf32, #tpu.memory_space<vmem>>[vector<16xi32>, vector<16xi32>], vector<16xf32>,
      %gather3A_817 = tpu.vector_load_idx %arg12[%add3A_240, %and3A_815] : memref<256x128xf32, #tpu.memory_space<vmem>>[vector<16xi32>, vector<16xi32>], vector<16xf32>,
      %mul3A_818 = arith.mulf %gather3A_816, %gather3A_817 : vector<16xf32>
      %add3A_819 = arith.addf %add3A_809, %mul3A_818 : vector<16xf32>
      %add3A_820 = arith.constant 57 : i32
      %add3A_821 = vector.broadcast %add3A_820 : i32 to vector<16xi32>
      %add3A_822 = arith.addi %iota3A, %add3A_821 : vector<16xi32>
      %and3A_823 = arith.constant 63 : i32
      %and3A_824 = vector.broadcast %and3A_823 : i32 to vector<16xi32>
      %and3A_825 = arith.andi %add3A_822, %and3A_824 : vector<16xi32>
      %gather3A_826 = tpu.vector_load_idx %arg11[%add3A_240, %and3A_825] : memref<256x128xf32, #tpu.memory_space<vmem>>[vector<16xi32>, vector<16xi32>], vector<16xf32>,
      %gather3A_827 = tpu.vector_load_idx %arg12[%add3A_240, %and3A_825] : memref<256x128xf32, #tpu.memory_space<vmem>>[vector<16xi32>, vector<16xi32>], vector<16xf32>,
      %mul3A_828 = arith.mulf %gather3A_826, %gather3A_827 : vector<16xf32>
      %add3A_829 = arith.addf %add3A_819, %mul3A_828 : vector<16xf32>
      %add3A_830 = arith.constant 58 : i32
      %add3A_831 = vector.broadcast %add3A_830 : i32 to vector<16xi32>
      %add3A_832 = arith.addi %iota3A, %add3A_831 : vector<16xi32>
      %and3A_833 = arith.constant 63 : i32
      %and3A_834 = vector.broadcast %and3A_833 : i32 to vector<16xi32>
      %and3A_835 = arith.andi %add3A_832, %and3A_834 : vector<16xi32>
      %gather3A_836 = tpu.vector_load_idx %arg11[%add3A_240, %and3A_835] : memref<256x128xf32, #tpu.memory_space<vmem>>[vector<16xi32>, vector<16xi32>], vector<16xf32>,
      %gather3A_837 = tpu.vector_load_idx %arg12[%add3A_240, %and3A_835] : memref<256x128xf32, #tpu.memory_space<vmem>>[vector<16xi32>, vector<16xi32>], vector<16xf32>,
      %mul3A_838 = arith.mulf %gather3A_836, %gather3A_837 : vector<16xf32>
      %add3A_839 = arith.addf %add3A_829, %mul3A_838 : vector<16xf32>
      %add3A_840 = arith.constant 59 : i32
      %add3A_841 = vector.broadcast %add3A_840 : i32 to vector<16xi32>
      %add3A_842 = arith.addi %iota3A, %add3A_841 : vector<16xi32>
      %and3A_843 = arith.constant 63 : i32
      %and3A_844 = vector.broadcast %and3A_843 : i32 to vector<16xi32>
      %and3A_845 = arith.andi %add3A_842, %and3A_844 : vector<16xi32>
      %gather3A_846 = tpu.vector_load_idx %arg11[%add3A_240, %and3A_845] : memref<256x128xf32, #tpu.memory_space<vmem>>[vector<16xi32>, vector<16xi32>], vector<16xf32>,
      %gather3A_847 = tpu.vector_load_idx %arg12[%add3A_240, %and3A_845] : memref<256x128xf32, #tpu.memory_space<vmem>>[vector<16xi32>, vector<16xi32>], vector<16xf32>,
      %mul3A_848 = arith.mulf %gather3A_846, %gather3A_847 : vector<16xf32>
      %add3A_849 = arith.addf %add3A_839, %mul3A_848 : vector<16xf32>
      %add3A_850 = arith.constant 60 : i32
      %add3A_851 = vector.broadcast %add3A_850 : i32 to vector<16xi32>
      %add3A_852 = arith.addi %iota3A, %add3A_851 : vector<16xi32>
      %and3A_853 = arith.constant 63 : i32
      %and3A_854 = vector.broadcast %and3A_853 : i32 to vector<16xi32>
      %and3A_855 = arith.andi %add3A_852, %and3A_854 : vector<16xi32>
      %gather3A_856 = tpu.vector_load_idx %arg11[%add3A_240, %and3A_855] : memref<256x128xf32, #tpu.memory_space<vmem>>[vector<16xi32>, vector<16xi32>], vector<16xf32>,
      %gather3A_857 = tpu.vector_load_idx %arg12[%add3A_240, %and3A_855] : memref<256x128xf32, #tpu.memory_space<vmem>>[vector<16xi32>, vector<16xi32>], vector<16xf32>,
      %mul3A_858 = arith.mulf %gather3A_856, %gather3A_857 : vector<16xf32>
      %add3A_859 = arith.addf %add3A_849, %mul3A_858 : vector<16xf32>
      %add3A_860 = arith.constant 61 : i32
      %add3A_861 = vector.broadcast %add3A_860 : i32 to vector<16xi32>
      %add3A_862 = arith.addi %iota3A, %add3A_861 : vector<16xi32>
      %and3A_863 = arith.constant 63 : i32
      %and3A_864 = vector.broadcast %and3A_863 : i32 to vector<16xi32>
      %and3A_865 = arith.andi %add3A_862, %and3A_864 : vector<16xi32>
      %gather3A_866 = tpu.vector_load_idx %arg11[%add3A_240, %and3A_865] : memref<256x128xf32, #tpu.memory_space<vmem>>[vector<16xi32>, vector<16xi32>], vector<16xf32>,
      %gather3A_867 = tpu.vector_load_idx %arg12[%add3A_240, %and3A_865] : memref<256x128xf32, #tpu.memory_space<vmem>>[vector<16xi32>, vector<16xi32>], vector<16xf32>,
      %mul3A_868 = arith.mulf %gather3A_866, %gather3A_867 : vector<16xf32>
      %add3A_869 = arith.addf %add3A_859, %mul3A_868 : vector<16xf32>
      %add3A_870 = arith.constant 62 : i32
      %add3A_871 = vector.broadcast %add3A_870 : i32 to vector<16xi32>
      %add3A_872 = arith.addi %iota3A, %add3A_871 : vector<16xi32>
      %and3A_873 = arith.constant 63 : i32
      %and3A_874 = vector.broadcast %and3A_873 : i32 to vector<16xi32>
      %and3A_875 = arith.andi %add3A_872, %and3A_874 : vector<16xi32>
      %gather3A_876 = tpu.vector_load_idx %arg11[%add3A_240, %and3A_875] : memref<256x128xf32, #tpu.memory_space<vmem>>[vector<16xi32>, vector<16xi32>], vector<16xf32>,
      %gather3A_877 = tpu.vector_load_idx %arg12[%add3A_240, %and3A_875] : memref<256x128xf32, #tpu.memory_space<vmem>>[vector<16xi32>, vector<16xi32>], vector<16xf32>,
      %mul3A_878 = arith.mulf %gather3A_876, %gather3A_877 : vector<16xf32>
      %add3A_879 = arith.addf %add3A_869, %mul3A_878 : vector<16xf32>
      %add3A_880 = arith.constant 63 : i32
      %add3A_881 = vector.broadcast %add3A_880 : i32 to vector<16xi32>
      %add3A_882 = arith.addi %iota3A, %add3A_881 : vector<16xi32>
      %and3A_883 = arith.constant 63 : i32
      %and3A_884 = vector.broadcast %and3A_883 : i32 to vector<16xi32>
      %and3A_885 = arith.andi %add3A_882, %and3A_884 : vector<16xi32>
      %gather3A_886 = tpu.vector_load_idx %arg11[%add3A_240, %and3A_885] : memref<256x128xf32, #tpu.memory_space<vmem>>[vector<16xi32>, vector<16xi32>], vector<16xf32>,
      %gather3A_887 = tpu.vector_load_idx %arg12[%add3A_240, %and3A_885] : memref<256x128xf32, #tpu.memory_space<vmem>>[vector<16xi32>, vector<16xi32>], vector<16xf32>,
      %mul3A_888 = arith.mulf %gather3A_886, %gather3A_887 : vector<16xf32>
      %add3A_889 = arith.addf %add3A_879, %mul3A_888 : vector<16xf32>
      %swap3A = arith.index_cast %add3A_244 : i32 to index
      %swap3A_890 = tpu.vector_load %arg15[%swap3A] {strides = array<i32>} : memref<512xf32, #tpu.memory_space<vmem>>, vector<16xf32>,
      tpu.vector_store %arg15[%swap3A], %add3A_889 {strides = array<i32>} : memref<512xf32, #tpu.memory_space<vmem>>, vector<16xf32>,
    }
    %scan3A_235 = arith.constant 16 : i32
    "tpu.region"() ({
      %run_scoped3A = tpu.sem_alloc : memref<!tpu.dma_semaphore, #tpu.memory_space<semaphore_mem>>
      %dma_start3A_236 = tpu.memref_slice %arg8[%mul3A_2] : memref<16384xf32, #tpu.memory_space<hbm>> -> memref<512xf32, #tpu.memory_space<hbm>>
      %dma_start3A_237 = tpu.memref_slice %arg8[%mul3A_2] : memref<16384xf32, #tpu.memory_space<hbm>> -> memref<512xf32, #tpu.memory_space<hbm>>
      tpu.enqueue_dma source(%arg15 : memref<512xf32, #tpu.memory_space<vmem>>) target(%dma_start3A_237 : memref<512xf32, #tpu.memory_space<hbm>>) target_semaphore(%run_scoped3A : memref<!tpu.dma_semaphore, #tpu.memory_space<semaphore_mem>>)
      %dma_wait3A_238 = tpu.memref_slice %arg8[%mul3A_2] : memref<16384xf32, #tpu.memory_space<hbm>> -> memref<512xf32, #tpu.memory_space<hbm>>
      %dma_wait3A_239 = tpu.memref_slice %arg8[%mul3A_2] : memref<16384xf32, #tpu.memory_space<hbm>> -> memref<512xf32, #tpu.memory_space<hbm>>
      tpu.wait_dma2 semaphore(%run_scoped3A : memref<!tpu.dma_semaphore, #tpu.memory_space<semaphore_mem>>) src(%arg15 : memref<512xf32, #tpu.memory_space<vmem>>) dst(%dma_wait3A_239 : memref<512xf32, #tpu.memory_space<hbm>>)
      tpu.yield
    }) : () -> ()
    return
  }
}

</mosaic_0001>

<sc_bundles>
// kernel: kernel.3.cloned.1.call-start
scs
__scs_entry_jumppad:
0x0: {  	(pc) =	sbr.rel $0x88, $3  }
0x1: {  	(tag) =	ssettag $0x0;
	lr =	simm.s32 $0x1  }
0x2: {  	[smem:$0x3F9B] =	sst lr;
	_ =	strace $0xD0000000  }
0x3: {  	_ = 	snop  }
0x4: {  	_ = 	snop  }
0x5: {  	_ = 	snop  }
0x6: {  	_ = 	snop  }
0x7: {  	_ = 	snop  }
__scs_overlays_trampoline_lowered:
0x8: {  	[smem:$0x3FAA] =	sst s0  }
0x9: {  	[smem:$0x3FAB] =	sst s1  }
0xa: {  	[smem:$0x3FAC] =	sst s2  }
0xb: {  	[smem:$0x3FAD] =	sst s3  }
0xc: {  	[smem:$0x3FAE] =	sst s4  }
0xd: {  	[smem:$0x3FAF] =	sst s5  }
0xe: {  	[smem:$0x3FB0] =	sst s6  }
0xf: {  	[smem:$0x3FB1] =	sst s7  }
0x10: {  	[smem:$0x3FB2] =	sst s8  }
0x11: {  	[smem:$0x3FB3] =	sst s9;
	s0 =	simm.s32 @!p0 $0x0  }
0x12: {  	s1 =	sld [smem:$0x3F99];
	s0 =	simm.s32 @p0 $0x1  }
0x13: {  	[smem:$0x3FB4] =	sst s0;
	s0 =	simm.s32 @!p1 $0x0  }
0x14: {  	s2 =	sld [smem:$0x3F98];
	s0 =	simm.s32 @p1 $0x1  }
0x15: {  	[smem:$0x3FB5] =	sst s0;
	s0 =	simm.s32 @!p2 $0x0  }
0x16: {  	s3 =	sld [smem:$0x3FDB];
	s0 =	simm.s32 @p2 $0x1  }
0x17: {  	s4 =	simm.s32 $0x1BF5;
	[smem:$0x3FB7] =	sst s0  }
0x18: {  	s0 =	sld [smem:$0x3F9A];
	_ =	swait.ge [sflag:s4], $0x0  }
0x19: {  	s7 =	sld [smem:$0x3F9B]  }
0x1a: {  	s8 =	sadd.s32 $0xFFFFE003, lr  }
0x1b: {  	s9 =	sadd.s32 $0xFFFFFEF7, lr;
	s5 =	simm.s32 $0xFFFFFFFF;
	p2 =	slt.u32 s8, $0xFFFFF086  }
0x1c: {  	p1 =	slt.u32 s9, $0xF7A;
	s5 =	simm.s32 @!p2 $0x0  }
0x1d: {  	s5 =	simm.s32 @p1 $0x1;
	p0 =	seq.s32 s7, s2  }
0x1e: {  	s7 =	smul.u32 @!p0 $0xF7A, s2;
	p2 =	seq.s32 @!p0 s5, $0x0  }
0x1f: {  	s9 =	smul.u32 $0xF7A, s1;
	s8 =	simm.s32 @!p0 $0x1BF5;
	p2 =	por !p2, p0  }
0x20: {  	[sflag:s8] =	ssyncset.s32 @!p0 $0xFFFFF086;
	s6 =	sadd.s32 @!p0 s3, s7;
	s7 =	simm.s32 @!p0 $0x108  }
0x21: {  	s3 =	sadd.s32 s3, s9;
	s6 =	sadd.s32 @!p0 $0x88, s6;
	s7 =	simm.s32 @p2 $0x1082  }
0x22: {  	[simem:s7], [sflag:s8] =	dma.local @!p0 [hbm:s6], $0xF7A  }
0x23: {  	s9 =	sor.u32 $0xD0000000, s2;
	s6 =	simm.s32 $0x108;
	_ =	swait.ge @!p0 [sflag:s8], $0x0  }
0x24: {  	s3 =	sadd.s32 $0x88, s3;
	s6 =	simm.s32 @!p1 $0x1082;
	[sflag:s4] =	ssyncset.s32 $0xFFFFF086  }
0x25: {  	[simem:s6], [sflag:s4] =	dma.local [hbm:s3], $0xF7A  }
0x26: {  	[smem:$0x3F9B] =	sst s1;
	(tag) =	ssettag s2;
	_ =	strace s9  }
0x27: {  	s1 =	sld [smem:$0x3FAB]  }
0x28: {  	s2 =	sld [smem:$0x3FAC]  }
0x29: {  	s4 =	sld [smem:$0x3FAE]  }
0x2a: {  	p0 =	seq.s32 s5, $0x0;
	s5 =	sld [smem:$0x3FAF]  }
0x2b: {  	s6 =	sld [smem:$0x3FB0]  }
0x2c: {  	s7 =	sld [smem:$0x3FB1]  }
0x2d: {  	s3 =	simm.s32 $0x108;
	s8 =	sld [smem:$0x3FB2]  }
0x2e: {  	s3 =	simm.s32 @!p0 $0x1082;
	s9 =	sld [smem:$0x3FB3]  }
0x2f: {  	lr =	sadd.s32 s0, s3;
	s0 =	sld [smem:$0x3FAA]  }
0x30: {  	s3 =	sld [smem:$0x3FAD]  }
0x31: {  	[smem:$0x3FB6] =	sst s10  }
0x32: {  	s10 =	sld [smem:$0x3FB4];
	_ =	sdelay $0x3  }
0x33: {  	p0 =	seq.s32 s10, $0x1;
	s10 =	sld [smem:$0x3FB6];
	_ =	sdelay $0x3  }
0x34: {  	[smem:$0x3FB6] =	sst s10  }
0x35: {  	s10 =	sld [smem:$0x3FB5];
	_ =	sdelay $0x3  }
0x36: {  	p1 =	seq.s32 s10, $0x1;
	s10 =	sld [smem:$0x3FB6];
	_ =	sdelay $0x3  }
0x37: {  	[smem:$0x3FB6] =	sst s10  }
0x38: {  	s10 =	sld [smem:$0x3FB7]  }
0x39: {  	_ = 	snop;
	(pc) =	sbr.ind lr, $3  }
0x3a: {  	_ = 	snop  }
0x3b: {  	_ = 	snop  }
0x3c: {  	p2 =	seq.s32 s10, $0x1;
	s10 =	sld [smem:$0x3FB6]  }
0x3d: {  	_ =	shalt  }
0x3e: {  	_ =	shalt  }
0x3f: {  	_ =	shalt  }
0x40: {  	_ =	shalt  }
0x41: {  	_ =	shalt  }
0x42: {  	_ =	shalt  }
0x43: {  	_ =	shalt  }
0x44: {  	_ =	shalt  }
0x45: {  	_ =	shalt  }
0x46: {  	_ =	shalt  }
0x47: {  	_ =	shalt  }
0x48: {  	_ =	shalt  }
0x49: {  	_ =	shalt  }
0x4a: {  	_ =	shalt  }
0x4b: {  	_ =	shalt  }
0x4c: {  	_ =	shalt  }
0x4d: {  	_ =	shalt  }
0x4e: {  	_ =	shalt  }
0x4f: {  	_ =	shalt  }
0x50: {  	_ =	shalt  }
0x51: {  	_ =	shalt  }
0x52: {  	_ =	shalt  }
0x53: {  	_ =	shalt  }
0x54: {  	_ =	shalt  }
0x55: {  	_ =	shalt  }
0x56: {  	_ =	shalt  }
0x57: {  	_ =	shalt  }
0x58: {  	_ =	shalt  }
0x59: {  	_ =	shalt  }
0x5a: {  	_ =	shalt  }
0x5b: {  	_ =	shalt  }
0x5c: {  	_ =	shalt  }
0x5d: {  	_ =	shalt  }
0x5e: {  	_ =	shalt  }
0x5f: {  	_ =	shalt  }
0x60: {  	_ =	shalt  }
0x61: {  	_ =	shalt  }
0x62: {  	_ =	shalt  }
0x63: {  	_ =	shalt  }
0x64: {  	_ =	shalt  }
0x65: {  	_ =	shalt  }
0x66: {  	_ =	shalt  }
0x67: {  	_ =	shalt  }
0x68: {  	_ =	shalt  }
0x69: {  	_ =	shalt  }
0x6a: {  	_ =	shalt  }
0x6b: {  	_ =	shalt  }
0x6c: {  	_ =	shalt  }
0x6d: {  	_ =	shalt  }
0x6e: {  	_ =	shalt  }
0x6f: {  	_ =	shalt  }
0x70: {  	_ =	shalt  }
0x71: {  	_ =	shalt  }
0x72: {  	_ =	shalt  }
0x73: {  	_ =	shalt  }
0x74: {  	_ =	shalt  }
0x75: {  	_ =	shalt  }
0x76: {  	_ =	shalt  }
0x77: {  	_ =	shalt  }
0x78: {  	_ =	shalt  }
0x79: {  	_ =	shalt  }
0x7a: {  	_ =	shalt  }
0x7b: {  	_ =	shalt  }
0x7c: {  	_ =	shalt  }
0x7d: {  	_ =	shalt  }
0x7e: {  	_ =	shalt  }
0x7f: {  	_ =	shalt  }
0x80: {  	_ =	shalt  }
0x81: {  	_ =	shalt  }
0x82: {  	_ =	shalt  }
0x83: {  	_ =	shalt  }
0x84: {  	_ =	shalt  }
0x85: {  	_ =	shalt  }
0x86: {  	_ =	shalt  }
0x87: {  	_ =	shalt  }
.Lfunc_end0:
.L_simem_size_0:
called_computation_lowered:
.L_overlay_start_0:
0x88: {  	s2 =	sld [smem:$0x3FD9]  }
0x89: {  	s3 =	sld [smem:$0x3FFE];
	_ =	sdelay $0x1  }
0x8a: {  	s1 =	srdreg.scid  }
0x8b: {  	s0 =	sand.u32 $0x1, s1  }
0x8c: {  	s17 =	sshll.u32 s0, $0xA;
	s2 =	sadd.s32 s3, s2  }
0x8d: {  	s2 =	sadd.s32 s2, s17  }
0x8e: {  	[smem:$0x3FC2] =	sst s2  }
0x8f: {  	_ = 	snop  }
0x90: {  	s2 =	sld [smem:$0x3FC9]  }
0x91: {  	s18 =	sld [smem:$0x3FC8]  }
0x92: {  	s4 =	sld [smem:$0x3FD0];
	(tm) =	ssettm $0x1  }
0x93: {  	s5 =	sld [smem:$0x3FFB];
	_ =	sdelay $0x3  }
0x94: {  	_ =	strace s5  }
0x95: {  	s5 =	sld [smem:$0x3FFC];
	_ =	sdelay $0x3  }
0x96: {  	_ =	strace s5  }
0x97: {  	s5 =	sld [smem:$0x3FFD];
	_ =	sdelay $0x3  }
0x98: {  	_ =	strace s5  }
0x99: {  	_ =	strace $0x8FFFFFFF  }
0x9a: {  	s19 =	sld [smem:$0x3FDB];
	_ =	sdelay $0x1  }
0x9b: {  	s6 =	simm.s32 $_scs_section_size  }
0x9c: {  	s7 =	simm.s32 $_size__tile_overlayer_lowered;
	s8 =	simm.s32 $_tile_overlayer_lowered  }
0x9d: {  	s22 =	simm.s32 $0x1BFF;
	s21 =	sshll.u32 s8, $0x1;
	s5 =	sadd.s32 s6, s19  }
0x9e: {  	s9 =	simm.s32 $0x0;
	s20 =	sshll.u32 s7, $0x1;
	s7 =	sadd.s32 s21, s5  }
0x9f: {  	[timem:s9], [sflag:s22] =	dma.local [hbm:s7], s20  }
0xa0: {  	_ =	swait.ge [sflag:s22], s20  }
0xa1: {  	s6 =	ssub.s32 $0x0, s20;
	[sflag:s22] =	ssyncset.done $0x0  }
0xa2: {  	[sflag:s22] =	ssyncadd.s32 s6;
	_ =	sdelay $0x1  }
0xa3: {  	s23 =	simm.s32 $0x1B8B  }
0xa4: {  	_ =	swait.ge [sflag:s23], $0x1  }
0xa5: {  	[sflag:s23] =	ssyncset.done $0x0  }
0xa6: {  	s25 =	simm.s32 $0x1B8E;
	s24 =	sld [smem:$0x3FFE];
	[sflag:s23] =	ssyncadd.s32 $0xFFFFFFFF  }
0xa7: {  	s26 =	simm.s32 $execute0_lowered;
	[smem:$0x3FD2] =	sst s25  }
0xa8: {  	s7 =	sshll.u32 s26, $0x1;
	_ =	strace $0x80000046;
	[dreg:$0x1] =	wrdreg $0xFFFFFFFF  }
0xa9: {  	s28 =	simm.s32 $_size_execute0_lowered;
	s5 =	sadd.s32 s5, s7;
	[dreg:$0x0] =	wrdreg $0x0  }
0xaa: {  	s7 =	sshll.u32 s28, $0x1;
	[dreg:$0x2] =	wrdreg s5  }
0xab: {  	[dreg:$0x3] =	wrdreg s7  }
0xac: {  	[dreg:$0x4] =	wrdreg $0xC0  }
0xad: {  	_ =	task [dreg:s9], $0x5FFFF  }
0xae: {  	[dreg:$0x1] =	wrdreg $0xFFFFFFFF  }
0xaf: {  	[dreg:$0x0] =	wrdreg $0x60  }
0xb0: {  	[dreg:$0x2] =	wrdreg s2  }
0xb1: {  	[dreg:$0x3] =	wrdreg s18  }
0xb2: {  	[dreg:$0x4] =	wrdreg s24  }
0xb3: {  	[dreg:$0x5] =	wrdreg s4  }
0xb4: {  	[dreg:$0x6] =	wrdreg $0x9  }
0xb5: {  	_ =	task.clear_ibuf [dreg:s9], $0x7FFFF;
	_ =	strace $0x90000046  }
0xb6: {  	s29 =	simm.s32 $0x9;
	_ =	strace $0x80000048  }
0xb7: {  	_ =	swait.ge [sflag:s29], $0x1  }
0xb8: {  	[sflag:s29] =	ssyncadd.s32 $0xFFFFFFFF  }
0xb9: {  	_ =	strace $0x90000048  }
0xba: {  	_ =	sfence  }
0xbb: {  	s30 =	sld [smem:$0x0];
	_ =	sdelay $0x2  }
0xbc: {  	s31 =	sshll.u32 s1, $0xD;
	s1 =	sshrl.u32 s1, $0x2  }
0xbd: {  	s3 =	sand.u32 $0x4000, s31;
	s1 =	sadd.s32 s1, s30  }
0xbe: {  	s0 =	sor.u32 s3, s0;
	s1 =	sshll.u32 s1, $0x11  }
0xbf: {  	s0 =	sor.u32 s1, s0  }
0xc0: {  	s0 =	sadd.s32 $0x8F2B, s0  }
0xc1: {  	[sflag:s0] =	ssyncadd.remote.s32 $0x1  }
0xc2: {  	_ =	sfence.sel $0xFFFF  }
0xc3: {  	[dreg:$0x0] =	wrdreg $0xFFFFFFFF;
	(pc) =	sbr.abs _section_cstart, $3  }
0xc4: {  	[dreg:$0x1] =	wrdreg $0xFFFFFFFF  }
0xc5: {  	_ =	task.clear_ibuf [dreg:s9], $0x2FFFF;
	_ =	strace $0x9FFFFFFF  }
0xc6: {  	(tm) =	ssettm $0x7FFFFFFF  }
0xc7: {  	_ =	shalt  }
tec
execute0_lowered:
.L_overlay_start_1:
0x0: {  	(tag) =	ssettag $0x1  }
0x1: {  	v13 =	vlaneseq.u32  }
0x2: {  	v0 =	vadd.s32 $0x1, v13  }
0x3: {  	v55 =	vimm.s32 $0x34333231;
	v43 =	vadd.s32 $0x2, v13;
	[tilespmem:$0x1FCD0] =	vst v0  }
0x4: {  	v1 =	vimm.s32 $0x38373635;
	v2 =	vimm.s32 $0x3C3B3A39;
	v44 =	vadd.s32 $0x3, v13;
	[tilespmem:$0x1FCE0] =	vst v43  }
0x5: {  	v3 =	vimm.s32 $0x3F3E3D;
	vm0 =	vcmask $0x1F10;
	v45 =	vadd.s32 $0x4, v13;
	[tilespmem:$0x1FCF0] =	vst v44  }
0x6: {  	v56 =	vimm.s32 $0x35343332;
	v57 =	vimm.s32 $0x39383736;
	v46 =	vadd.s32 $0x5, v13;
	[tilespmem:$0x1FD00] =	vst v45  }
0x7: {  	v37 =	vimm.s32 $0x3D3C3B3A;
	v38 =	vimm.s32 $0x1003F3E;
	v47 =	vadd.s32 $0x6, v13;
	[tilespmem:$0x1FD10] =	vst v46  }
0x8: {  	v60 =	vimm.s32 $0x36353433;
	v61 =	vimm.s32 $0x3020100;
	v48 =	vadd.s32 $0x7, v13;
	[tilespmem:$0x1FD20] =	vst v47  }
0x9: {  	v62 =	vimm.s32 $0x3A393837;
	v40 =	vimm.s32 $0x201003F;
	v49 =	vadd.s32 $0x8, v13;
	[tilespmem:$0x1FD30] =	vst v48  }
0xa: {  	v41 =	vimm.s32 $0x3F3E3D3C;
	v50 =	vadd.s32 $0x9, v13;
	v51 =	vadd.s32 $0xA, v13;
	[tilespmem:$0x1FD40] =	vst v49  }
0xb: {  	v52 =	vadd.s32 $0xB, v13;
	v53 =	vadd.s32 $0xC, v13;
	v54 =	vadd.s32 $0xD, v13;
	[tilespmem:$0x1FD50] =	vst v50  }
0xc: {  	v4 =	vunpack.c.0.s8.s32 v1;
	v5 =	vunpack.c.0.s8.s32 v2;
	v1 =	vunpack.c.0.s8.s32 v3;
	[tilespmem:$0x1FD60] =	vst v51  }
0xd: {  	v2 =	vunpack.c.0.s8.s32 v56;
	v58 =	vunpack.c.0.s8.s32 v57;
	v6 =	vunpack.c.0.s8.s32 v37;
	[tilespmem:$0x1FD70] =	vst v52  }
0xe: {  	v37 =	vunpack.c.0.s8.s32 v61;
	v63 =	vunpack.c.0.s8.s32 v41;
	v7 =	vunpack.c.0.s8.s32 v62;
	[tilespmem:$0x1FD80] =	vst v53  }
0xf: {  	v8 =	vunpack.c.0.s8.s32 v40;
	[tilespmem:$0x1FD90] =	vst v54;
	v46 =	vimm.s32 $0x37363534;
	v47 =	vimm.s32 $0x3B3A3938  }
0x10: {  	v0 =	vunpack.c.0.s8.s32 v55;
	v50 =	vimm.s32 $0x87654321;
	v52 =	vimm.s32 $0x4030201;
	[tilespmem:$0x1FDA0] =	vst v4  }
0x11: {  	v54 =	vimm.s32 $0x5040302;
	[tilespmem:$0x1FDB0] =	vst v5;
	v48 =	vunpack.c.0.s8.s32 v46;
	v49 =	vunpack.c.0.s8.s32 v47  }
0x12: {  	v53 =	vimm.s32 $0x32107654;
	[tilespmem:$0x1FDC0] =	vst v58;
	v37 =	vsel vm0, v37, v63;
	v41 =	vunpack.c.0.s8.s32 v54  }
0x13: {  	[tilespmem:$0x1FDD0] =	vst v6;
	v0 =	vsel vm0, v4, v0;
	v4 =	vunpack.c.0.s8.s32 v38;
	v51 =	vsel vm0, v49, v48  }
0x14: {  	s0 =	rddreg [dreg:$0x0];
	[tilespmem:$0x1FE10] =	vst v63;
	v38 =	vunpack.c.l.s4.s8 v50;
	v50 =	vcombine.low v51, v37;
	v37 =	vunpack.c.0.s8.s32 v52  }
0x15: {  	s4 =	rddreg [dreg:$0x1];
	v3 =	vsel vm0, v1, v5;
	v40 =	vunpack.c.l.s4.s8 v53;
	[tilespmem:$0x1FDE0] =	vst v49;
	v57 =	vsel vm0, v41, v4  }
0x16: {  	s6 =	rddreg [dreg:$0x2];
	s1 =	simm.s32 $0x0;
	v44 =	vcombine.low v0, v3;
	v0 =	vunpack.c.0.s8.s32 v60;
	[tilespmem:$0x1FE00] =	vst v57;
	v56 =	vsel vm0, v37, v1  }
0x17: {  	v11 =	vimm.s32 $0x6050403;
	[smem:$0x7FF] =	sst s1;
	v59 =	vsel vm0, v58, v2;
	v40 =	vunpack.c.0.s8.s32 v40;
	[tilespmem:$0x1FDF0] =	vst v56  }
0x18: {  	s9 =	rddreg [dreg:$0x3];
	v2 =	vsel vm0, v4, v6;
	v51 =	vunpack.c.0.s8.s32 v11;
	v0 =	vsel vm0, v7, v0;
	_ =	strace $0x80000047;
	[tilespmem:$0x1FE20] =	vst v7  }
0x19: {  	v61 =	vimm.s32 $0xB0A0908;
	v45 =	vcombine.low v59, v2;
	[tilespmem:$0x1FE30] =	vst v0  }
0x1a: {  	v59 =	vand.u32 $0xF, v40;
	v40 =	vunpack.c.0.s8.s32 v61;
	v61 =	vsel vm0, v51, v8;
	[tilespmem:$0x1FE50] =	vst v8  }
0x1b: {  	vm1 =	vcmask $0x2F10;
	vm2 =	vcmask $0x3F30;
	v28 =	vadd.s32 $0xE, v13;
	[tilespmem:$0x1FE60] =	vst v61  }
0x1c: {  	v9 =	vimm.s32 $0xC0B0A09;
	v10 =	vimm.s32 $0x6543A987;
	v29 =	vadd.s32 $0xF, v13;
	[tilespmem:$0x1FE90] =	vst v28  }
0x1d: {  	v14 =	vmul.u32 $0x80, v13;
	v15 =	vor.u32 $0x10, v13;
	v30 =	vadd.s32 $0x11, v13;
	[tilespmem:$0x1FEA0] =	vst v29  }
0x1e: {  	v16 =	vadd.s32 $0x12, v13;
	v31 =	vadd.s32 $0x13, v13;
	v17 =	vadd.s32 $0x14, v13;
	[tilespmem:$0x1FEB0] =	vst v15  }
0x1f: {  	v32 =	vadd.s32 $0x15, v13;
	v18 =	vadd.s32 $0x16, v13;
	v33 =	vadd.s32 $0x17, v13;
	[tilespmem:$0x1FEC0] =	vst v30  }
0x20: {  	v19 =	vadd.s32 $0x18, v13;
	v34 =	vadd.s32 $0x19, v13;
	v20 =	vadd.s32 $0x1A, v13;
	[tilespmem:$0x1FED0] =	vst v16  }
0x21: {  	v21 =	vadd.s32 $0x1B, v13;
	v35 =	vadd.s32 $0x1C, v13;
	v22 =	vadd.s32 $0x1D, v13;
	[tilespmem:$0x1FEE0] =	vst v31  }
0x22: {  	v36 =	vadd.s32 $0x1E, v13;
	v23 =	vadd.s32 $0x1F, v13;
	v24 =	vor.u32 $0x20, v13;
	[tilespmem:$0x1FEF0] =	vst v17  }
0x23: {  	v25 =	vadd.s32 $0x21, v13;
	v26 =	vadd.s32 $0x22, v13;
	v27 =	vadd.s32 $0x23, v13;
	[tilespmem:$0x1FF00] =	vst v32  }
0x24: {  	v39 =	vadd.s32 $0x24, v13;
	v42 =	vadd.s32 $0x25, v13;
	v55 =	vimm.s32 $0x98765432;
	[tilespmem:$0x1FF10] =	vst v18  }
0x25: {  	v62 =	vimm.s32 $0x54329876;
	v43 =	vadd.s32 $0x26, v13;
	v46 =	vunpack.c.l.s4.s8 v55;
	[tilespmem:$0x1FF20] =	vst v33  }
0x26: {  	v60 =	vimm.s32 $0x43218765;
	v48 =	vimm.s32 $0xD0C0B0A;
	v38 =	vunpack.c.0.s8.s32 v38;
	[tilespmem:$0x1FF30] =	vst v19  }
0x27: {  	v58 =	vunpack.c.0.s8.s32 v46;
	v49 =	vimm.s32 $0xE0D0C0B;
	v41 =	vimm.s32 $0xA9876543;
	[tilespmem:$0x1FF40] =	vst v34  }
0x28: {  	v52 =	vimm.s32 $0x76543210;
	v38 =	vand.u32 $0xF, v38;
	v37 =	vsel vm1, v59, v63;
	[tilespmem:$0x1FF50] =	vst v20  }
0x29: {  	v63 =	vunpack.c.l.s4.s8 v62;
	v53 =	vcombine.low v3, v38;
	v38 =	vunpack.c.l.s4.s8 v60;
	[tilespmem:$0x1FF60] =	vst v21  }
0x2a: {  	s7 =	srdreg.scid;
	s10 =	stileid.u32;
	v59 =	vimm.s32 $0x3E3D3C3B;
	v51 =	vadd.s32 $0x27, v13;
	v3 =	vand.u32 $0xF, v58;
	[tilespmem:$0x1FF70] =	vst v35  }
0x2b: {  	s12 =	simm.s32 $0x200;
	s13 =	simm.s32 $0x80;
	s15 =	simm.s32 $0x280;
	v55 =	vsel vm2, v40, v37;
	v37 =	vunpack.c.0.s8.s32 v9;
	[tilespmem:$0x1FF80] =	vst v22;
	v38 =	vunpack.c.0.s8.s32 v38  }
0x2c: {  	s17 =	simm.s32 $0x100;
	s19 =	simm.s32 $0x300;
	s21 =	simm.s32 $0x180;
	v60 =	vunpack.c.0.s8.s32 v59;
	v54 =	vcombine.low v2, v3;
	v2 =	vunpack.c.0.s8.s32 v63;
	[tilespmem:$0x1FF90] =	vst v36  }
0x2d: {  	s22 =	simm.s32 $0x10580;
	s23 =	simm.s32 $0x380;
	s24 =	simm.s32 $0x10780;
	v40 =	vadd.s32 $0x2B, v13;
	v3 =	vunpack.c.l.s4.s8 v41;
	[tilespmem:$0x1FFA0] =	vst v23;
	v6 =	vand.u32 $0xF, v38  }
0x2e: {  	s25 =	simm.s32 $0x2;
	s26 =	simm.s32 $0x400;
	s28 =	simm.s32 $0x8400;
	[tilespmem:$0x1FFB0] =	vst v24;
	v46 =	vand.u32 $0xF, v2;
	v38 =	vunpack.c.l.s4.s8 v10;
	v1 =	vsel vm1, v6, v1  }
0x2f: {  	s29 =	simm.s32 $0x4400;
	s30 =	simm.s32 $0xC400;
	s31 =	simm.s32 $0x1;
	[tilespmem:$0x1FFC0] =	vst v25;
	v56 =	vsel vm2, v37, v1;
	v1 =	vsel vm1, v46, v4;
	v4 =	vunpack.c.0.s8.s32 v48  }
0x30: {  	s2 =	sadd.s32 $0x30EE00, s6;
	s3 =	sadd.s32 $0x1A00, s6;
	s7 =	sand.u32 $0x1, s7;
	v59 =	vadd.s32 $0x2F, v13;
	v41 =	vadd.s32 $0x2C, v13;
	[tilespmem:$0x1FFD0] =	vst v26;
	v3 =	vunpack.c.0.s8.s32 v3  }
0x31: {  	s10 =	sshll.u32 s10, $0x7;
	s8 =	ssub.s32 $0x2, s7;
	s7 =	sshll.u32 s7, $0x6;
	[tilespmem:$0x1FFE0] =	vst v27;
	v47 =	vunpack.c.0.s8.s32 v38;
	v57 =	vsel vm2, v4, v1;
	v1 =	vunpack.c.l.s4.s8 v52  }
0x32: {  	s5 =	sadd.s32 $0x188400, s6;
	s11 =	sshrl.u32 s8, $0x1;
	s10 =	sor.u32 s7, s10;
	v61 =	vor.u32 $0x30, v13;
	[tilespmem:$0x1FFF0] =	vst v14;
	v63 =	vand.u32 $0xF, v3;
	v37 =	vunpack.c.0.s8.s32 v49  }
0x33: {  	s6 =	sadd.s32 $0x18B600, s6;
	s11 =	ssub.s32 s8, s11;
	s7 =	sadd.s32 s0, s10;
	[tilespmem:$0x1FE40] =	vst v60;
	v38 =	vadd.s32 $0x2A, v13;
	v2 =	vand.u32 $0xF, v47;
	v62 =	vunpack.c.0.s8.s32 v1  }
0x34: {  	s8 =	sadd.s32 s4, s10;
	s9 =	sadd.s32 s9, s10;
	s0 =	simm.s32 $0x10800;
	[tilespmem:$0x1FE80] =	vst v63;
	v48 =	vadd.s32 $0x2E, v13;
	v52 =	vadd.s32 $0x28, v13;
	v2 =	vsel vm1, v2, v8  }
0x35: {  	s4 =	simm.s32 $0x0;
	s10 =	smax.u32 s11, $0x1;
	s11 =	simm.s32 $0x3;
	v47 =	vadd.s32 $0x2D, v13;
	v58 =	vsel vm2, v37, v2;
	v37 =	vadd.s32 $0x29, v13;
	[tilespmem:$0x1FE70] =	vst v62  }
.LBB2_1:
0x36: {  	[tilespmem:s1], [sflag:$0x3] =	stream.linear.gather [hbm4b:s7+s1], $0x200, $0x38;
	[tilespmem:$0x10A00] =	vst v63  }
0x37: {  	_ =	swait.ge [sflag:s11], $0x200  }
0x38: {  	[sflag:s11] =	ssyncset.done $0x0  }
0x39: {  	[sflag:s11] =	ssyncadd.s32 $0xFFFFFE00  }
0x3a: {  	[tilespmem:s12], [sflag:$0x3] =	stream.linear.gather [hbm4b:s8+s1], $0x200, $0x38;
	[tilespmem:$0x10A00] =	vst v63  }
0x3b: {  	_ =	swait.ge [sflag:s11], $0x200  }
0x3c: {  	[sflag:s11] =	ssyncset.done $0x0  }
0x3d: {  	s14 =	simm.s32 $0x10400;
	[sflag:s11] =	ssyncadd.s32 $0xFFFFFE00  }
0x3e: {  	[tilespmem:s14], [sflag:$0x2] =	stream.indirect.gather [hbm4b:s5+s13], $0x1, s1, s13, $0xb8;
	[tilespmem:$0x10A00] =	vst v63  }
0x3f: {  	s16 =	simm.s32 $0x10600  }
0x40: {  	[tilespmem:s16], [sflag:$0x2] =	stream.indirect.gather [hbm4b:s6+s13], $0x1, s12, s13, $0xb8;
	[tilespmem:$0x10A00] =	vst v63  }
0x41: {  	s18 =	simm.s32 $0x10480  }
0x42: {  	[tilespmem:s18], [sflag:$0x2] =	stream.indirect.gather [hbm4b:s5+s13], $0x1, s13, s13, $0xb8;
	[tilespmem:$0x10A00] =	vst v63  }
0x43: {  	s20 =	simm.s32 $0x10680  }
0x44: {  	[tilespmem:s20], [sflag:$0x2] =	stream.indirect.gather [hbm4b:s6+s13], $0x1, s15, s13, $0xb8;
	[tilespmem:$0x10A00] =	vst v63  }
0x45: {  	s20 =	simm.s32 $0x10500  }
0x46: {  	[tilespmem:s20], [sflag:$0x2] =	stream.indirect.gather [hbm4b:s5+s13], $0x1, s17, s13, $0xb8;
	[tilespmem:$0x10A00] =	vst v63  }
0x47: {  	s20 =	simm.s32 $0x10700  }
0x48: {  	[tilespmem:s20], [sflag:$0x2] =	stream.indirect.gather [hbm4b:s6+s13], $0x1, s19, s13, $0xb8;
	[tilespmem:$0x10A00] =	vst v63  }
0x49: {  	_ = 	snop  }
0x4a: {  	[tilespmem:s22], [sflag:$0x2] =	stream.indirect.gather [hbm4b:s5+s13], $0x1, s21, s13, $0xb8;
	[tilespmem:$0x10A00] =	vst v63  }
0x4b: {  	_ = 	snop  }
0x4c: {  	[tilespmem:s24], [sflag:$0x2] =	stream.indirect.gather [hbm4b:s6+s13], $0x1, s23, s13, $0xb8;
	[tilespmem:$0x10A00] =	vst v63  }
0x4d: {  	_ =	swait.ge [sflag:s25], $0x80  }
0x4e: {  	[sflag:s25] =	ssyncset.done $0x0  }
0x4f: {  	[sflag:s25] =	ssyncadd.s32 $0xFFFFFF80  }
0x50: {  	_ =	swait.ge [sflag:s25], $0x80  }
0x51: {  	[sflag:s25] =	ssyncset.done $0x0  }
0x52: {  	[sflag:s25] =	ssyncadd.s32 $0xFFFFFF80  }
0x53: {  	_ =	swait.ge [sflag:s25], $0x80  }
0x54: {  	[sflag:s25] =	ssyncset.done $0x0  }
0x55: {  	[sflag:s25] =	ssyncadd.s32 $0xFFFFFF80  }
0x56: {  	_ =	swait.ge [sflag:s25], $0x80  }
0x57: {  	[sflag:s25] =	ssyncset.done $0x0  }
0x58: {  	[sflag:s25] =	ssyncadd.s32 $0xFFFFFF80  }
0x59: {  	_ =	swait.ge [sflag:s25], $0x80  }
0x5a: {  	[sflag:s25] =	ssyncset.done $0x0  }
0x5b: {  	[sflag:s25] =	ssyncadd.s32 $0xFFFFFF80  }
0x5c: {  	_ =	swait.ge [sflag:s25], $0x80  }
0x5d: {  	[sflag:s25] =	ssyncset.done $0x0  }
0x5e: {  	[sflag:s25] =	ssyncadd.s32 $0xFFFFFF80  }
0x5f: {  	_ =	swait.ge [sflag:s25], $0x80  }
0x60: {  	[sflag:s25] =	ssyncset.done $0x0  }
0x61: {  	[sflag:s25] =	ssyncadd.s32 $0xFFFFFF80  }
0x62: {  	_ =	swait.ge [sflag:s25], $0x80  }
0x63: {  	[sflag:s25] =	ssyncset.done $0x0  }
0x64: {  	[sflag:s25] =	ssyncadd.s32 $0xFFFFFF80  }
0x65: {  	[tilespmem:s26], [sflag:$0x1] =	stream.indirect.gather [hbm4b:s2+s13], $0x80, s1, s13, $0xb8;
	[tilespmem:$0x10A00] =	vst v63  }
0x66: {  	_ = 	snop  }
0x67: {  	[tilespmem:s28], [sflag:$0x1] =	stream.indirect.gather [hbm4b:s3+s13], $0x80, s12, s13, $0xb8;
	[tilespmem:$0x10A00] =	vst v63  }
0x68: {  	_ = 	snop  }
0x69: {  	[tilespmem:s29], [sflag:$0x1] =	stream.indirect.gather [hbm4b:s2+s13], $0x80, s13, s13, $0xb8;
	[tilespmem:$0x10A00] =	vst v63  }
0x6a: {  	_ = 	snop  }
0x6b: {  	[tilespmem:s30], [sflag:$0x1] =	stream.indirect.gather [hbm4b:s3+s13], $0x80, s15, s13, $0xb8;
	[tilespmem:$0x10A00] =	vst v63  }
0x6c: {  	_ =	swait.ge [sflag:s31], $0x4000  }
0x6d: {  	[sflag:s31] =	ssyncset.done $0x0  }
0x6e: {  	[sflag:s31] =	ssyncadd.s32 $0xFFFFC000  }
0x6f: {  	_ =	swait.ge [sflag:s31], $0x4000  }
0x70: {  	[sflag:s31] =	ssyncset.done $0x0  }
0x71: {  	[sflag:s31] =	ssyncadd.s32 $0xFFFFC000  }
0x72: {  	_ =	swait.ge [sflag:s31], $0x4000  }
0x73: {  	[sflag:s31] =	ssyncset.done $0x0  }
0x74: {  	[sflag:s31] =	ssyncadd.s32 $0xFFFFC000  }
0x75: {  	_ =	swait.ge [sflag:s31], $0x4000  }
0x76: {  	v0 =	vmov s1;
	v9 =	vld [tilespmem:$0x1FCD0]  }
0x77: {  	v0 =	vshll.u32 v0, $0x7;
	v5 =	vld [tilespmem:$0x1FCF0]  }
0x78: {  	v1 =	vor.u32 v14, v0  }
0x79: {  	v0 =	vor.u32 v13, v1;
	[sflag:s31] =	ssyncset.done $0x0;
	v4 =	vld [tilespmem:$0x1FCE0]  }
0x7a: {  	v6 =	vld [tilespmem:$0x1FD20];
	[sflag:s31] =	ssyncadd.s32 $0xFFFFC000  }
0x7b: {  	v3 =	vld [tilespmem:s16+$0x0];
	v2 =	vor.u32 v9, v1  }
0x7c: {  	v60 =	vor.u32 v5, v1;
	v5 =	vld [tilespmem:$0x1FD00]  }
0x7d: {  	v46 =	vld [tilespmem:s14+$0x0]  }
0x7e: {  	v49 =	vld.idx.msk [tilespmem:v0+s26+$0x0], $0xffff;
	v4 =	vor.u32 v4, v1  }
0x7f: {  	v0 =	vld.idx.msk [tilespmem:v0+s28+$0x0], $0xffff  }
0x80: {  	v62 =	vld.idx.msk [tilespmem:v2+s26+$0x0], $0xffff  }
0x81: {  	v63 =	vor.u32 v5, v1;
	v5 =	vld [tilespmem:$0x1FD10]  }
0x82: {  	v2 =	vld.idx.msk [tilespmem:v2+s28+$0x0], $0xffff  }
0x83: {  	v3 =	vadd.f32 v3, v46;
	v7 =	vld.idx.msk [tilespmem:v4+s26+$0x0], $0xffff  }
0x84: {  	v4 =	vld.idx.msk [tilespmem:v4+s28+$0x0], $0xffff  }
0x85: {  	v0 =	vmul.f32 v0, v49;
	v3 =	vadd.f32 $3.500000000e+00, v3;
	v49 =	vld.idx.msk [tilespmem:v60+s28+$0x0], $0xffff  }
0x86: {  	v46 =	vor.u32 v5, v1;
	v5 =	vld.idx.msk [tilespmem:v60+s26+$0x0], $0xffff  }
0x87: {  	v8 =	vld [tilespmem:$0x1FD30];
	v0 =	vadd.f32 v0, v3;
	v2 =	vmul.f32 v2, v62  }
0x88: {  	v14 =	vld [tilespmem:$0x1FD50]  }
0x89: {  	v0 =	vadd.f32 v2, v0;
	v2 =	vmul.f32 v4, v7;
	v7 =	vld [tilespmem:$0x1FD40]  }
0x8a: {  	v60 =	vor.u32 v6, v1;
	v6 =	vld.idx.msk [tilespmem:v63+s26+$0x0], $0xffff  }
0x8b: {  	v0 =	vadd.f32 v2, v0;
	v2 =	vmul.f32 v49, v5;
	v5 =	vld [tilespmem:$0x1FD60]  }
0x8c: {  	v3 =	vld.idx.msk [tilespmem:v63+s28+$0x0], $0xffff  }
0x8d: {  	v63 =	vld.idx.msk [tilespmem:v46+s26+$0x0], $0xffff  }
0x8e: {  	v4 =	vld.idx.msk [tilespmem:v46+s28+$0x0], $0xffff;
	v46 =	vor.u32 v7, v1;
	_ =	sdelay $0x1  }
0x8f: {  	v10 =	vor.u32 v5, v1;
	v5 =	vld [tilespmem:$0x1FD70]  }
0x90: {  	v62 =	vor.u32 v8, v1;
	v49 =	vld.idx.msk [tilespmem:v60+s28+$0x0], $0xffff  }
0x91: {  	v7 =	vld.idx.msk [tilespmem:v60+s26+$0x0], $0xffff;
	v0 =	vadd.f32 v2, v0;
	v2 =	vmul.f32 v3, v6  }
0x92: {  	v60 =	vor.u32 v14, v1;
	v6 =	vld.idx.msk [tilespmem:v46+s26+$0x0], $0xffff  }
0x93: {  	v0 =	vadd.f32 v2, v0;
	v2 =	vmul.f32 v4, v63;
	v4 =	vld.idx.msk [tilespmem:v46+s28+$0x0], $0xffff  }
0x94: {  	v46 =	vor.u32 v5, v1;
	v5 =	vld [tilespmem:$0x1FD80]  }
0x95: {  	v8 =	vld.idx.msk [tilespmem:v62+s26+$0x0], $0xffff  }
0x96: {  	v3 =	vld.idx.msk [tilespmem:v62+s28+$0x0], $0xffff  }
0x97: {  	v63 =	vld.idx.msk [tilespmem:v60+s26+$0x0], $0xffff  }
0x98: {  	v0 =	vadd.f32 v2, v0;
	v2 =	vmul.f32 v49, v7;
	v49 =	vld.idx.msk [tilespmem:v60+s28+$0x0], $0xffff  }
0x99: {  	v60 =	vor.u32 v5, v1;
	v5 =	vld [tilespmem:$0x1FD90];
	_ =	sdelay $0x3  }
0x9a: {  	v0 =	vadd.f32 v2, v0;
	v2 =	vmul.f32 v3, v8;
	v7 =	vld.idx.msk [tilespmem:v10+s26+$0x0], $0xffff  }
0x9b: {  	v3 =	vld.idx.msk [tilespmem:v10+s28+$0x0], $0xffff;
	v62 =	vor.u32 v5, v1  }
0x9c: {  	v0 =	vadd.f32 v2, v0;
	v2 =	vmul.f32 v4, v6;
	v8 =	vld.idx.msk [tilespmem:v46+s26+$0x0], $0xffff  }
0x9d: {  	v11 =	vor.u32 v28, v1;
	v4 =	vld.idx.msk [tilespmem:v46+s28+$0x0], $0xffff  }
0x9e: {  	v0 =	vadd.f32 v2, v0;
	v2 =	vmul.f32 v49, v63;
	v6 =	vld.idx.msk [tilespmem:v60+s26+$0x0], $0xffff  }
0x9f: {  	v49 =	vld.idx.msk [tilespmem:v60+s28+$0x0], $0xffff;
	v60 =	vor.u32 v29, v1  }
0xa0: {  	v0 =	vadd.f32 v2, v0;
	v2 =	vmul.f32 v3, v7;
	v63 =	vld.idx.msk [tilespmem:v62+s26+$0x0], $0xffff  }
0xa1: {  	v3 =	vld.idx.msk [tilespmem:v62+s28+$0x0], $0xffff;
	v62 =	vor.u32 v15, v1  }
0xa2: {  	v7 =	vld.idx.msk [tilespmem:v11+s26+$0x0], $0xffff;
	v0 =	vadd.f32 v2, v0;
	v2 =	vmul.f32 v4, v8  }
0xa3: {  	v46 =	vor.u32 v30, v1;
	v4 =	vld.idx.msk [tilespmem:v11+s28+$0x0], $0xffff  }
0xa4: {  	v0 =	vadd.f32 v2, v0;
	v8 =	vld.idx.msk [tilespmem:v60+s26+$0x0], $0xffff;
	v2 =	vmul.f32 v49, v6  }
0xa5: {  	v11 =	vor.u32 v16, v1;
	v10 =	vld.idx.msk [tilespmem:v60+s28+$0x0], $0xffff  }
0xa6: {  	v0 =	vadd.f32 v2, v0;
	v6 =	vld.idx.msk [tilespmem:v62+s26+$0x0], $0xffff;
	v2 =	vmul.f32 v3, v63  }
0xa7: {  	v3 =	vld.idx.msk [tilespmem:v62+s28+$0x0], $0xffff;
	v62 =	vor.u32 v31, v1  }
0xa8: {  	v63 =	vld.idx.msk [tilespmem:v46+s26+$0x0], $0xffff;
	v0 =	vadd.f32 v2, v0;
	v2 =	vmul.f32 v4, v7  }
0xa9: {  	v4 =	vld.idx.msk [tilespmem:v46+s28+$0x0], $0xffff;
	v46 =	vor.u32 v17, v1  }
0xaa: {  	v49 =	vld.idx.msk [tilespmem:v11+s28+$0x0], $0xffff;
	v0 =	vadd.f32 v2, v0;
	v2 =	vmul.f32 v10, v8  }
0xab: {  	v60 =	vor.u32 v32, v1;
	v7 =	vld.idx.msk [tilespmem:v11+s26+$0x0], $0xffff  }
0xac: {  	v8 =	vld.idx.msk [tilespmem:v62+s26+$0x0], $0xffff;
	v0 =	vadd.f32 v2, v0;
	v2 =	vmul.f32 v3, v6  }
0xad: {  	v10 =	vor.u32 v18, v1;
	v3 =	vld.idx.msk [tilespmem:v62+s28+$0x0], $0xffff  }
0xae: {  	v6 =	vld.idx.msk [tilespmem:v46+s26+$0x0], $0xffff;
	v0 =	vadd.f32 v2, v0;
	v2 =	vmul.f32 v4, v63  }
0xaf: {  	v4 =	vld.idx.msk [tilespmem:v46+s28+$0x0], $0xffff;
	v46 =	vor.u32 v33, v1  }
0xb0: {  	v63 =	vld.idx.msk [tilespmem:v60+s26+$0x0], $0xffff;
	v0 =	vadd.f32 v2, v0;
	v2 =	vmul.f32 v49, v7  }
0xb1: {  	v49 =	vld.idx.msk [tilespmem:v60+s28+$0x0], $0xffff;
	v60 =	vor.u32 v19, v1  }
0xb2: {  	v7 =	vld.idx.msk [tilespmem:v10+s26+$0x0], $0xffff;
	v0 =	vadd.f32 v2, v0;
	v2 =	vmul.f32 v3, v8  }
0xb3: {  	v62 =	vor.u32 v34, v1;
	v3 =	vld.idx.msk [tilespmem:v10+s28+$0x0], $0xffff  }
0xb4: {  	v8 =	vld.idx.msk [tilespmem:v46+s26+$0x0], $0xffff;
	v0 =	vadd.f32 v2, v0;
	v2 =	vmul.f32 v4, v6  }
0xb5: {  	v11 =	vor.u32 v20, v1;
	v4 =	vld.idx.msk [tilespmem:v46+s28+$0x0], $0xffff  }
0xb6: {  	v6 =	vld.idx.msk [tilespmem:v60+s26+$0x0], $0xffff;
	v0 =	vadd.f32 v2, v0;
	v2 =	vmul.f32 v49, v63  }
0xb7: {  	v49 =	vld.idx.msk [tilespmem:v60+s28+$0x0], $0xffff;
	v60 =	vor.u32 v21, v1  }
0xb8: {  	v63 =	vld.idx.msk [tilespmem:v62+s26+$0x0], $0xffff;
	v0 =	vadd.f32 v2, v0;
	v2 =	vmul.f32 v3, v7  }
0xb9: {  	v3 =	vld.idx.msk [tilespmem:v62+s28+$0x0], $0xffff;
	v62 =	vor.u32 v35, v1  }
0xba: {  	v7 =	vld.idx.msk [tilespmem:v11+s26+$0x0], $0xffff;
	v0 =	vadd.f32 v2, v0;
	v2 =	vmul.f32 v4, v8  }
0xbb: {  	v46 =	vor.u32 v22, v1;
	v4 =	vld.idx.msk [tilespmem:v11+s28+$0x0], $0xffff  }
0xbc: {  	v8 =	vld.idx.msk [tilespmem:v60+s26+$0x0], $0xffff;
	v0 =	vadd.f32 v2, v0;
	v2 =	vmul.f32 v49, v6  }
0xbd: {  	v11 =	vor.u32 v36, v1;
	v10 =	vld.idx.msk [tilespmem:v60+s28+$0x0], $0xffff  }
0xbe: {  	v6 =	vld.idx.msk [tilespmem:v62+s26+$0x0], $0xffff;
	v0 =	vadd.f32 v2, v0;
	v2 =	vmul.f32 v3, v63  }
0xbf: {  	v3 =	vld.idx.msk [tilespmem:v62+s28+$0x0], $0xffff;
	v62 =	vor.u32 v23, v1  }
0xc0: {  	v63 =	vld.idx.msk [tilespmem:v46+s26+$0x0], $0xffff;
	v0 =	vadd.f32 v2, v0;
	v2 =	vmul.f32 v4, v7  }
0xc1: {  	v4 =	vld.idx.msk [tilespmem:v46+s28+$0x0], $0xffff;
	v46 =	vor.u32 v24, v1  }
0xc2: {  	v49 =	vld.idx.msk [tilespmem:v11+s28+$0x0], $0xffff;
	v0 =	vadd.f32 v2, v0;
	v2 =	vmul.f32 v10, v8  }
0xc3: {  	v60 =	vor.u32 v25, v1;
	v7 =	vld.idx.msk [tilespmem:v11+s26+$0x0], $0xffff  }
0xc4: {  	v8 =	vld.idx.msk [tilespmem:v62+s26+$0x0], $0xffff;
	v0 =	vadd.f32 v2, v0;
	v2 =	vmul.f32 v3, v6  }
0xc5: {  	v10 =	vor.u32 v26, v1;
	v3 =	vld.idx.msk [tilespmem:v62+s28+$0x0], $0xffff  }
0xc6: {  	v6 =	vld.idx.msk [tilespmem:v46+s26+$0x0], $0xffff;
	v0 =	vadd.f32 v2, v0;
	v2 =	vmul.f32 v4, v63  }
0xc7: {  	v4 =	vld.idx.msk [tilespmem:v46+s28+$0x0], $0xffff;
	v46 =	vor.u32 v27, v1  }
0xc8: {  	v63 =	vld.idx.msk [tilespmem:v60+s26+$0x0], $0xffff;
	v0 =	vadd.f32 v2, v0;
	v2 =	vmul.f32 v49, v7  }
0xc9: {  	v11 =	vor.u32 v39, v1;
	v49 =	vld.idx.msk [tilespmem:v60+s28+$0x0], $0xffff  }
0xca: {  	v5 =	vld.idx.msk [tilespmem:v10+s26+$0x0], $0xffff;
	v0 =	vadd.f32 v2, v0;
	v2 =	vmul.f32 v3, v8  }
0xcb: {  	v3 =	vld.idx.msk [tilespmem:v10+s28+$0x0], $0xffff;
	v10 =	vor.u32 v42, v1  }
0xcc: {  	v7 =	vld.idx.msk [tilespmem:v46+s26+$0x0], $0xffff;
	v0 =	vadd.f32 v2, v0;
	v2 =	vmul.f32 v4, v6  }
0xcd: {  	v4 =	vld.idx.msk [tilespmem:v46+s28+$0x0], $0xffff;
	v46 =	vor.u32 v43, v1  }
0xce: {  	v6 =	vld.idx.msk [tilespmem:v11+s26+$0x0], $0xffff;
	v0 =	vadd.f32 v2, v0;
	v2 =	vmul.f32 v49, v63  }
0xcf: {  	v60 =	vor.u32 v51, v1;
	v49 =	vld.idx.msk [tilespmem:v11+s28+$0x0], $0xffff  }
0xd0: {  	v11 =	vld.idx.msk [tilespmem:v10+s26+$0x0], $0xffff;
	v0 =	vadd.f32 v2, v0;
	v2 =	vmul.f32 v3, v5  }
0xd1: {  	v3 =	vld.idx.msk [tilespmem:v10+s28+$0x0], $0xffff;
	v10 =	vor.u32 v52, v1  }
0xd2: {  	v5 =	vld.idx.msk [tilespmem:v46+s26+$0x0], $0xffff;
	v0 =	vadd.f32 v2, v0;
	v2 =	vmul.f32 v4, v7  }
0xd3: {  	v4 =	vld.idx.msk [tilespmem:v46+s28+$0x0], $0xffff;
	v46 =	vor.u32 v37, v1  }
0xd4: {  	v7 =	vld.idx.msk [tilespmem:v60+s26+$0x0], $0xffff;
	v0 =	vadd.f32 v2, v0;
	v2 =	vmul.f32 v49, v6  }
0xd5: {  	v49 =	vld.idx.msk [tilespmem:v60+s28+$0x0], $0xffff;
	v60 =	vor.u32 v38, v1  }
0xd6: {  	v6 =	vld.idx.msk [tilespmem:v10+s26+$0x0], $0xffff;
	v0 =	vadd.f32 v2, v0;
	v2 =	vmul.f32 v3, v11  }
0xd7: {  	v3 =	vld.idx.msk [tilespmem:v10+s28+$0x0], $0xffff  }
0xd8: {  	v8 =	vld.idx.msk [tilespmem:v46+s26+$0x0], $0xffff;
	v0 =	vadd.f32 v2, v0;
	v2 =	vmul.f32 v4, v5  }
0xd9: {  	v4 =	vld.idx.msk [tilespmem:v46+s28+$0x0], $0xffff  }
0xda: {  	v5 =	vld.idx.msk [tilespmem:v60+s26+$0x0], $0xffff;
	v0 =	vadd.f32 v2, v0;
	v2 =	vmul.f32 v49, v7;
	_ =	sdelay $0x1  }
0xdb: {  	v62 =	vor.u32 v40, v1;
	v0 =	vadd.f32 v2, v0;
	v2 =	vmul.f32 v3, v6;
	_ =	sdelay $0x1  }
0xdc: {  	v46 =	vor.u32 v41, v1;
	v0 =	vadd.f32 v2, v0;
	v2 =	vmul.f32 v4, v8  }
0xdd: {  	v49 =	vld.idx.msk [tilespmem:v60+s28+$0x0], $0xffff;
	[tilespmem:$0x1FB00] =	vst v5  }
0xde: {  	v0 =	vadd.f32 v2, v0;
	v2 =	vld [tilespmem:$0x1FB00]  }
0xdf: {  	v11 =	vld.idx.msk [tilespmem:v62+s28+$0x0], $0xffff  }
0xe0: {  	v7 =	vld.idx.msk [tilespmem:v62+s26+$0x0], $0xffff  }
0xe1: {  	v3 =	vld.idx.msk [tilespmem:v46+s26+$0x0], $0xffff;
	_ =	sdelay $0x1  }
0xe2: {  	v2 =	vmul.f32 v49, v2;
	_ =	sdelay $0x1  }
0xe3: {  	v4 =	vadd.f32 v2, v0;
	v2 =	vmul.f32 v11, v7  }
0xe4: {  	v6 =	vld.idx.msk [tilespmem:v46+s28+$0x0], $0xffff;
	v46 =	vor.u32 v59, v1;
	[tilespmem:$0x1FB10] =	vst v3  }
0xe5: {  	v2 =	vadd.f32 v2, v4;
	v4 =	vld [tilespmem:$0x1FB10];
	_ =	sdelay $0x1  }
0xe6: {  	v10 =	vor.u32 v48, v1;
	v62 =	vld [tilespmem:$0x1FE50]  }
0xe7: {  	v60 =	vor.u32 v47, v1;
	v8 =	vld [tilespmem:$0x1FE40]  }
0xe8: {  	v7 =	vld.idx.msk [tilespmem:v46+s26+$0x0], $0xffff  }
0xe9: {  	v6 =	vmul.f32 v6, v4;
	v4 =	vld [tilespmem:$0x1FE30];
	_ =	sdelay $0x1  }
0xea: {  	v3 =	vld.idx.msk [tilespmem:v10+s26+$0x0], $0xffff  }
0xeb: {  	v5 =	vld.idx.msk [tilespmem:v60+s26+$0x0], $0xffff  }
0xec: {  	v49 =	vld.idx.msk [tilespmem:v60+s28+$0x0], $0xffff;
	v0 =	vsel vm0, v62, v8  }
0xed: {  	v60 =	vor.u32 v61, v1;
	[tilespmem:$0x1FB30] =	vst v7;
	v7 =	vmov v0;
	v62 =	vcombine.low v4, v0;
	v0 =	vld.idx.msk [tilespmem:v46+s28+$0x0], $0xffff;
	_ =	sdelay $0x1  }
0xee: {  	[tilespmem:$0x1FB20] =	vst v3;
	v3 =	vor.u32 v44, v1;
	_ =	sdelay $0x2  }
0xef: {  	[tilespmem:$0x1FB40] =	vst v0;
	v0 =	vld.idx.msk [tilespmem:v60+s26+$0x0], $0xffff;
	_ =	sdelay $0x1  }
0xf0: {  	v11 =	vadd.f32 v6, v2;
	v6 =	vld.idx.msk [tilespmem:v3+s26+$0x0], $0xffff;
	_ =	sdelay $0x2  }
0xf1: {  	v63 =	vld.idx.msk [tilespmem:v10+s28+$0x0], $0xffff;
	[tilespmem:$0x1FB50] =	vst v0;
	v0 =	vmul.f32 v49, v5  }
0xf2: {  	v2 =	vld.idx.msk [tilespmem:v60+s28+$0x0], $0xffff  }
0xf3: {  	[tilespmem:$0x1FB70] =	vst v6;
	v6 =	vadd.f32 v0, v11;
	v0 =	vld [tilespmem:$0x1FB20];
	_ =	sdelay $0x2  }
0xf4: {  	v10 =	vld [tilespmem:$0x1FDB0]  }
0xf5: {  	[tilespmem:$0x1FB60] =	vst v2;
	v2 =	vld [tilespmem:$0x1FDA0]  }
0xf6: {  	v11 =	vmul.f32 v63, v0;
	v0 =	vld.idx.msk [tilespmem:v3+s28+$0x0], $0xffff  }
0xf7: {  	v63 =	vld [tilespmem:$0x1FDF0];
	_ =	sdelay $0x3  }
0xf8: {  	v2 =	vsel vm0, v10, v2;
	[tilespmem:$0x1FB80] =	vst v0;
	v0 =	vld [tilespmem:$0x1FDC0]  }
0xf9: {  	v4 =	vor.u32 v45, v1;
	v63 =	vcombine.low v2, v63;
	v2 =	vld [tilespmem:$0x1FDD0];
	_ =	sdelay $0x4  }
0xfa: {  	v0 =	vsel vm0, v2, v0;
	v2 =	vld.idx.msk [tilespmem:v4+s26+$0x0], $0xffff;
	_ =	sdelay $0x3  }
0xfb: {  	v3 =	vld [tilespmem:$0x1FB40]  }
0xfc: {  	[tilespmem:$0x1FB90] =	vst v2;
	v2 =	vld [tilespmem:$0x1FB30];
	_ =	sdelay $0x4  }
0xfd: {  	v2 =	vmul.f32 v3, v2;
	v3 =	vld [tilespmem:$0x1FE00];
	_ =	sdelay $0x4  }
0xfe: {  	v46 =	vcombine.low v0, v3;
	v0 =	vld.idx.msk [tilespmem:v4+s28+$0x0], $0xffff;
	_ =	sdelay $0x4  }
0xff: {  	[tilespmem:$0x1FBA0] =	vst v0;
	v0 =	vld [tilespmem:$0x1FE20];
	_ =	sdelay $0x2  }
0x100: {  	v10 =	vadd.f32 v11, v6  }
0x101: {  	v4 =	vld [tilespmem:$0x1FB60]  }
0x102: {  	v0 =	vsel vm0, v8, v0;
	v8 =	vadd.f32 v2, v10;
	v2 =	vld [tilespmem:$0x1FB50];
	_ =	sdelay $0x4  }
0x103: {  	v2 =	vmul.f32 v4, v2;
	v4 =	vld [tilespmem:$0x1FE60];
	_ =	sdelay $0x2  }
0x104: {  	v60 =	vor.u32 v62, v1  }
0x105: {  	v11 =	vld [tilespmem:$0x1FDE0]  }
0x106: {  	v49 =	vcombine.low v0, v4;
	v4 =	vld [tilespmem:$0x1FE10];
	_ =	sdelay $0x2  }
0x107: {  	v6 =	vld.idx.msk [tilespmem:v60+s26+$0x0], $0xffff  }
0x108: {  	v0 =	vld.idx.msk [tilespmem:v60+s28+$0x0], $0xffff  }
0x109: {  	v60 =	vsel vm0, v4, v11;
	v11 =	vadd.f32 v2, v8;
	v2 =	vld [tilespmem:$0x1FB70]  }
0x10a: {  	v4 =	vld [tilespmem:$0x1FB80];
	_ =	sdelay $0x1  }
0x10b: {  	v3 =	vor.u32 v63, v1;
	_ =	sdelay $0x1  }
0x10c: {  	v5 =	vor.u32 v50, v1  }
0x10d: {  	v4 =	vmul.f32 v4, v2;
	_ =	sdelay $0x1  }
0x10e: {  	v11 =	vadd.f32 v4, v11;
	v4 =	vld.idx.msk [tilespmem:v3+s26+$0x0], $0xffff;
	_ =	sdelay $0x1  }
0x10f: {  	v10 =	vld.idx.msk [tilespmem:v5+s28+$0x0], $0xffff  }
0x110: {  	v8 =	vld.idx.msk [tilespmem:v5+s26+$0x0], $0xffff  }
0x111: {  	v5 =	vld [tilespmem:$0x1FBA0]  }
0x112: {  	[tilespmem:$0x1FBC0] =	vst v4;
	v4 =	vld [tilespmem:$0x1FB90];
	_ =	sdelay $0x1  }
0x113: {  	[tilespmem:$0x1FBB0] =	vst v0;
	v0 =	vor.u32 v46, v1;
	_ =	sdelay $0x2  }
0x114: {  	v4 =	vmul.f32 v5, v4;
	_ =	sdelay $0x1  }
0x115: {  	v5 =	vadd.f32 v4, v11;
	v4 =	vld.idx.msk [tilespmem:v0+s26+$0x0], $0xffff;
	_ =	sdelay $0x4  }
0x116: {  	[tilespmem:$0x1FBE0] =	vst v4;
	v4 =	vld [tilespmem:$0x1FBB0];
	_ =	sdelay $0x3  }
0x117: {  	v3 =	vld.idx.msk [tilespmem:v3+s28+$0x0], $0xffff  }
0x118: {  	v6 =	vmul.f32 v4, v6  }
0x119: {  	v2 =	vld [tilespmem:$0x1FE70]  }
0x11a: {  	v8 =	vmul.f32 v10, v8;
	v5 =	vadd.f32 v6, v5  }
0x11b: {  	v0 =	vld.idx.msk [tilespmem:v0+s28+$0x0], $0xffff  }
0x11c: {  	[tilespmem:$0x1FBD0] =	vst v3;
	v10 =	vadd.f32 v8, v5;
	v5 =	vld [tilespmem:$0x1FBC0]  }
0x11d: {  	v8 =	vld [tilespmem:$0x1FBD0]  }
0x11e: {  	v60 =	vcombine.low v60, v2;
	v2 =	vor.u32 v49, v1;
	_ =	sdelay $0x3  }
0x11f: {  	[tilespmem:$0x1FBF0] =	vst v0;
	v0 =	vld [tilespmem:$0x1FE80];
	v5 =	vmul.f32 v8, v5  }
0x120: {  	v3 =	vor.u32 v60, v1;
	v6 =	vld.idx.msk [tilespmem:v2+s26+$0x0], $0xffff  }
0x121: {  	v11 =	vadd.f32 v5, v10;
	v5 =	vld [tilespmem:$0x1FBE0]  }
0x122: {  	v4 =	vor.u32 v53, v1;
	v10 =	vld [tilespmem:$0x1FBF0]  }
0x123: {  	v2 =	vld.idx.msk [tilespmem:v2+s28+$0x0], $0xffff;
	_ =	sdelay $0x1  }
0x124: {  	v0 =	vcombine.low v7, v0;
	v7 =	vld.idx.msk [tilespmem:v3+s26+$0x0], $0xffff  }
0x125: {  	v3 =	vld.idx.msk [tilespmem:v3+s28+$0x0], $0xffff  }
0x126: {  	v8 =	vld.idx.msk [tilespmem:v4+s26+$0x0], $0xffff;
	v10 =	vmul.f32 v10, v5  }
0x127: {  	[tilespmem:$0x1FC00] =	vst v2;
	v2 =	vor.u32 v54, v1;
	v4 =	vld.idx.msk [tilespmem:v4+s28+$0x0], $0xffff  }
0x128: {  	v11 =	vadd.f32 v10, v11;
	v10 =	vld [tilespmem:$0x1FC00];
	_ =	sdelay $0x3  }
0x129: {  	[tilespmem:$0x1FC20] =	vst v4;
	v4 =	vld.idx.msk [tilespmem:v2+s26+$0x0], $0xffff  }
0x12a: {  	[tilespmem:$0x1FC10] =	vst v3;
	v6 =	vmul.f32 v10, v6;
	v10 =	vld.idx.msk [tilespmem:v2+s28+$0x0], $0xffff  }
0x12b: {  	v2 =	vld [tilespmem:$0x1FC10]  }
0x12c: {  	v3 =	vor.u32 v0, v1;
	_ =	sdelay $0x3  }
0x12d: {  	v11 =	vadd.f32 v6, v11;
	v7 =	vmul.f32 v2, v7  }
0x12e: {  	v6 =	vld.idx.msk [tilespmem:v3+s26+$0x0], $0xffff  }
0x12f: {  	v5 =	vor.u32 v55, v1;
	v2 =	vld.idx.msk [tilespmem:v3+s28+$0x0], $0xffff;
	v3 =	vadd.f32 v7, v11  }
0x130: {  	[tilespmem:$0x1FC40] =	vst v4  }
0x131: {  	v4 =	vor.u32 v56, v1;
	[tilespmem:$0x1FC30] =	vst v3;
	v3 =	vld [tilespmem:$0x1FC20];
	_ =	sdelay $0x2  }
0x132: {  	v7 =	vld.idx.msk [tilespmem:v5+s26+$0x0], $0xffff  }
0x133: {  	v11 =	vld.idx.msk [tilespmem:v5+s28+$0x0], $0xffff  }
0x134: {  	v3 =	vmul.f32 v3, v8;
	v8 =	vld.idx.msk [tilespmem:v4+s26+$0x0], $0xffff  }
0x135: {  	v5 =	vmov v4;
	v4 =	vld [tilespmem:$0x1FC30];
	_ =	sdelay $0x4  }
0x136: {  	v4 =	vadd.f32 v3, v4;
	v3 =	vld [tilespmem:$0x1FC40];
	_ =	sdelay $0x4  }
0x137: {  	v3 =	vmul.f32 v10, v3  }
0x138: {  	[tilespmem:$0x1FC50] =	vst v2  }
0x139: {  	v2 =	vor.u32 v57, v1;
	v3 =	vadd.f32 v3, v4;
	v4 =	vld [tilespmem:$0x1FC50];
	_ =	sdelay $0x1  }
0x13a: {  	v1 =	vor.u32 v58, v1;
	_ =	sdelay $0x1  }
0x13b: {  	v10 =	vld.idx.msk [tilespmem:v5+s28+$0x0], $0xffff  }
0x13c: {  	v5 =	vld.idx.msk [tilespmem:v2+s26+$0x0], $0xffff;
	v4 =	vmul.f32 v4, v6  }
0x13d: {  	v2 =	vld.idx.msk [tilespmem:v2+s28+$0x0], $0xffff  }
0x13e: {  	v6 =	vld.idx.msk [tilespmem:v1+s26+$0x0], $0xffff;
	v3 =	vadd.f32 v4, v3;
	v4 =	vmul.f32 v11, v7  }
0x13f: {  	v1 =	vld.idx.msk [tilespmem:v1+s28+$0x0], $0xffff  }
0x140: {  	v3 =	vadd.f32 v4, v3;
	v4 =	vmul.f32 v10, v8;
	_ =	sdelay $0x1  }
0x141: {  	v2 =	vmul.f32 v2, v5;
	v3 =	vadd.f32 v4, v3  }
0x142: {  	v5 =	vld [tilespmem:$0x1FFF0]  }
0x143: {  	v2 =	vadd.f32 v2, v3;
	v3 =	vmul.f32 v1, v6  }
0x144: {  	s18 =	simm.s32 $0x10  }
0x145: {  	v4 =	vmov s18;
	v2 =	vadd.f32 v3, v2  }
0x146: {  	v4 =	vshll.u32 v4, $0x7  }
0x147: {  	s14 =	simm.s32 $0x10610;
	v1 =	vor.u32 v5, v4;
	[tilespmem:s0+$0x0] =	vst v2  }
0x148: {  	s16 =	simm.s32 $0x10410;
	v4 =	vor.u32 v13, v1;
	v6 =	vld [tilespmem:s14+$0x0]  }
0x149: {  	v10 =	vld [tilespmem:s16+$0x0]  }
0x14a: {  	v3 =	vor.u32 v9, v1;
	_ =	sdelay $0x2  }
0x14b: {  	v8 =	vld.idx.msk [tilespmem:v4+s26+$0x0], $0xffff  }
0x14c: {  	v11 =	vld.idx.msk [tilespmem:v4+s28+$0x0], $0xffff;
	v6 =	vadd.f32 v6, v10  }
0x14d: {  	v9 =	vld.idx.msk [tilespmem:v3+s26+$0x0], $0xffff  }
0x14e: {  	v3 =	vld.idx.msk [tilespmem:v3+s28+$0x0], $0xffff;
	[tilespmem:$0x1FC60] =	vst v6  }
0x14f: {  	v12 =	vld [tilespmem:$0x1FC60]  }
0x150: {  	v2 =	vld [tilespmem:$0x1FCE0];
	_ =	sdelay $0x1  }
0x151: {  	v4 =	vld [tilespmem:$0x1FCF0]  }
0x152: {  	[tilespmem:$0x1FC70] =	vst v3  }
0x153: {  	v8 =	vmul.f32 v11, v8;
	v11 =	vld [tilespmem:$0x1FC70];
	v12 =	vadd.f32 $3.500000000e+00, v12  }
0x154: {  	v2 =	vor.u32 v2, v1  }
0x155: {  	v8 =	vadd.f32 v8, v12  }
0x156: {  	v4 =	vor.u32 v4, v1  }
0x157: {  	v3 =	vld [tilespmem:$0x1FD00];
	[tilespmem:$0x1FC80] =	vst v8  }
0x158: {  	v11 =	vmul.f32 v11, v9;
	v9 =	vld [tilespmem:$0x1FC80]  }
0x159: {  	v7 =	vld.idx.msk [tilespmem:v2+s26+$0x0], $0xffff  }
0x15a: {  	v10 =	vld.idx.msk [tilespmem:v2+s28+$0x0], $0xffff  }
0x15b: {  	v6 =	vld.idx.msk [tilespmem:v4+s26+$0x0], $0xffff  }
0x15c: {  	v4 =	vld.idx.msk [tilespmem:v4+s28+$0x0], $0xffff  }
0x15d: {  	v3 =	vor.u32 v3, v1;
	v9 =	vadd.f32 v11, v9;
	_ =	sdelay $0x1  }
0x15e: {  	v2 =	vld [tilespmem:$0x1FD10];
	[tilespmem:$0x1FC90] =	vst v9  }
0x15f: {  	v10 =	vmul.f32 v10, v7;
	v7 =	vld [tilespmem:$0x1FC90]  }
0x160: {  	[tilespmem:$0x1FCA0] =	vst v4;
	v4 =	vld [tilespmem:$0x1FD20]  }
0x161: {  	v8 =	vld.idx.msk [tilespmem:v3+s26+$0x0], $0xffff  }
0x162: {  	v3 =	vld.idx.msk [tilespmem:v3+s28+$0x0], $0xffff  }
0x163: {  	v2 =	vor.u32 v2, v1  }
0x164: {  	v7 =	vadd.f32 v10, v7;
	v10 =	vld [tilespmem:$0x1FCA0];
	_ =	sdelay $0x2  }
0x165: {  	v4 =	vor.u32 v4, v1;
	[tilespmem:$0x1FCC0] =	vst v3;
	v3 =	vld [tilespmem:$0x1FD30]  }
0x166: {  	v11 =	vld.idx.msk [tilespmem:v2+s28+$0x0], $0xffff;
	[tilespmem:$0x1FCB0] =	vst v7  }
0x167: {  	v10 =	vmul.f32 v10, v6;
	v6 =	vld [tilespmem:$0x1FCB0]  }
0x168: {  	v9 =	vld.idx.msk [tilespmem:v2+s26+$0x0], $0xffff  }
0x169: {  	v2 =	vld [tilespmem:$0x1FD40]  }
0x16a: {  	v12 =	vld.idx.msk [tilespmem:v4+s28+$0x0], $0xffff  }
0x16b: {  	v3 =	vor.u32 v3, v1;
	v7 =	vld.idx.msk [tilespmem:v4+s26+$0x0], $0xffff  }
0x16c: {  	v4 =	vor.u32 v14, v1;
	v14 =	vadd.f32 v10, v6;
	v10 =	vld [tilespmem:$0x1FCC0];
	_ =	sdelay $0x1  }
0x16d: {  	v2 =	vor.u32 v2, v1;
	_ =	sdelay $0x1  }
0x16e: {  	v6 =	vld.idx.msk [tilespmem:v3+s26+$0x0], $0xffff  }
0x16f: {  	v8 =	vmul.f32 v10, v8;
	v10 =	vld.idx.msk [tilespmem:v3+s28+$0x0], $0xffff  }
0x170: {  	v3 =	vld [tilespmem:$0x1FD60]  }
0x171: {  	v9 =	vmul.f32 v11, v9;
	v11 =	vld.idx.msk [tilespmem:v2+s28+$0x0], $0xffff  }
0x172: {  	v14 =	vadd.f32 v8, v14;
	v8 =	vld.idx.msk [tilespmem:v2+s26+$0x0], $0xffff  }
0x173: {  	v2 =	vld [tilespmem:$0x1FD70];
	_ =	sdelay $0x1  }
0x174: {  	v3 =	vor.u32 v3, v1;
	_ =	sdelay $0x1  }
0x175: {  	v7 =	vmul.f32 v12, v7;
	v12 =	vld.idx.msk [tilespmem:v4+s28+$0x0], $0xffff  }
0x176: {  	v14 =	vadd.f32 v9, v14;
	v9 =	vld.idx.msk [tilespmem:v4+s26+$0x0], $0xffff;
	v2 =	vor.u32 v2, v1  }
0x177: {  	v4 =	vld [tilespmem:$0x1FD80]  }
0x178: {  	v14 =	vadd.f32 v7, v14;
	v7 =	vld.idx.msk [tilespmem:v3+s26+$0x0], $0xffff  }
0x179: {  	v6 =	vmul.f32 v10, v6;
	v10 =	vld.idx.msk [tilespmem:v3+s28+$0x0], $0xffff  }
0x17a: {  	v3 =	vld [tilespmem:$0x1FD90]  }
0x17b: {  	v14 =	vadd.f32 v6, v14;
	v6 =	vld.idx.msk [tilespmem:v2+s26+$0x0], $0xffff  }
0x17c: {  	v8 =	vmul.f32 v11, v8;
	v4 =	vor.u32 v4, v1;
	v11 =	vld.idx.msk [tilespmem:v2+s28+$0x0], $0xffff  }
0x17d: {  	v2 =	vld [tilespmem:$0x1FE90];
	_ =	sdelay $0x1  }
0x17e: {  	v3 =	vor.u32 v3, v1;
	_ =	sdelay $0x1  }
0x17f: {  	v14 =	vadd.f32 v8, v14;
	v8 =	vld.idx.msk [tilespmem:v4+s26+$0x0], $0xffff  }
0x180: {  	v9 =	vmul.f32 v12, v9;
	v12 =	vld.idx.msk [tilespmem:v4+s28+$0x0], $0xffff;
	v2 =	vor.u32 v2, v1  }
0x181: {  	v4 =	vld [tilespmem:$0x1FEA0]  }
0x182: {  	v14 =	vadd.f32 v9, v14;
	v9 =	vld.idx.msk [tilespmem:v3+s26+$0x0], $0xffff  }
0x183: {  	v7 =	vmul.f32 v10, v7;
	v10 =	vld.idx.msk [tilespmem:v3+s28+$0x0], $0xffff  }
0x184: {  	v3 =	vld [tilespmem:$0x1FEB0]  }
0x185: {  	v14 =	vadd.f32 v7, v14;
	v7 =	vld.idx.msk [tilespmem:v2+s26+$0x0], $0xffff  }
0x186: {  	v6 =	vmul.f32 v11, v6;
	v4 =	vor.u32 v4, v1;
	v11 =	vld.idx.msk [tilespmem:v2+s28+$0x0], $0xffff  }
0x187: {  	v2 =	vld [tilespmem:$0x1FEC0];
	_ =	sdelay $0x1  }
0x188: {  	v3 =	vor.u32 v3, v1;
	_ =	sdelay $0x1  }
0x189: {  	v14 =	vadd.f32 v6, v14;
	v6 =	vld.idx.msk [tilespmem:v4+s26+$0x0], $0xffff  }
0x18a: {  	v8 =	vmul.f32 v12, v8;
	v12 =	vld.idx.msk [tilespmem:v4+s28+$0x0], $0xffff;
	v2 =	vor.u32 v2, v1  }
0x18b: {  	v4 =	vld [tilespmem:$0x1FED0]  }
0x18c: {  	v14 =	vadd.f32 v8, v14;
	v8 =	vld.idx.msk [tilespmem:v3+s26+$0x0], $0xffff  }
0x18d: {  	v9 =	vmul.f32 v10, v9;
	v10 =	vld.idx.msk [tilespmem:v3+s28+$0x0], $0xffff  }
0x18e: {  	v3 =	vld [tilespmem:$0x1FEE0]  }
0x18f: {  	v14 =	vadd.f32 v9, v14;
	v9 =	vld.idx.msk [tilespmem:v2+s26+$0x0], $0xffff  }
0x190: {  	v7 =	vmul.f32 v11, v7;
	v4 =	vor.u32 v4, v1;
	v11 =	vld.idx.msk [tilespmem:v2+s28+$0x0], $0xffff  }
0x191: {  	v2 =	vld [tilespmem:$0x1FEF0];
	_ =	sdelay $0x1  }
0x192: {  	v3 =	vor.u32 v3, v1;
	_ =	sdelay $0x1  }
0x193: {  	v14 =	vadd.f32 v7, v14;
	v7 =	vld.idx.msk [tilespmem:v4+s26+$0x0], $0xffff  }
0x194: {  	v6 =	vmul.f32 v12, v6;
	v12 =	vld.idx.msk [tilespmem:v4+s28+$0x0], $0xffff;
	v2 =	vor.u32 v2, v1  }
0x195: {  	v4 =	vld [tilespmem:$0x1FF00]  }
0x196: {  	v14 =	vadd.f32 v6, v14;
	v6 =	vld.idx.msk [tilespmem:v3+s26+$0x0], $0xffff  }
0x197: {  	v8 =	vmul.f32 v10, v8;
	v10 =	vld.idx.msk [tilespmem:v3+s28+$0x0], $0xffff  }
0x198: {  	v3 =	vld [tilespmem:$0x1FF10]  }
0x199: {  	v14 =	vadd.f32 v8, v14;
	v8 =	vld.idx.msk [tilespmem:v2+s26+$0x0], $0xffff  }
0x19a: {  	v9 =	vmul.f32 v11, v9;
	v4 =	vor.u32 v4, v1;
	v11 =	vld.idx.msk [tilespmem:v2+s28+$0x0], $0xffff  }
0x19b: {  	v2 =	vld [tilespmem:$0x1FF20];
	_ =	sdelay $0x1  }
0x19c: {  	v3 =	vor.u32 v3, v1;
	_ =	sdelay $0x1  }
0x19d: {  	v14 =	vadd.f32 v9, v14;
	v9 =	vld.idx.msk [tilespmem:v4+s26+$0x0], $0xffff  }
0x19e: {  	v7 =	vmul.f32 v12, v7;
	v12 =	vld.idx.msk [tilespmem:v4+s28+$0x0], $0xffff;
	v2 =	vor.u32 v2, v1  }
0x19f: {  	v4 =	vld [tilespmem:$0x1FF30]  }
0x1a0: {  	v14 =	vadd.f32 v7, v14;
	v7 =	vld.idx.msk [tilespmem:v3+s26+$0x0], $0xffff  }
0x1a1: {  	v6 =	vmul.f32 v10, v6;
	v10 =	vld.idx.msk [tilespmem:v3+s28+$0x0], $0xffff  }
0x1a2: {  	v3 =	vld [tilespmem:$0x1FF40]  }
0x1a3: {  	v14 =	vadd.f32 v6, v14;
	v6 =	vld.idx.msk [tilespmem:v2+s26+$0x0], $0xffff  }
0x1a4: {  	v8 =	vmul.f32 v11, v8;
	v4 =	vor.u32 v4, v1;
	v11 =	vld.idx.msk [tilespmem:v2+s28+$0x0], $0xffff  }
0x1a5: {  	v2 =	vld [tilespmem:$0x1FF50];
	_ =	sdelay $0x1  }
0x1a6: {  	v3 =	vor.u32 v3, v1;
	_ =	sdelay $0x1  }
0x1a7: {  	v14 =	vadd.f32 v8, v14;
	v8 =	vld.idx.msk [tilespmem:v4+s26+$0x0], $0xffff  }
0x1a8: {  	v9 =	vmul.f32 v12, v9;
	v12 =	vld.idx.msk [tilespmem:v4+s28+$0x0], $0xffff;
	v2 =	vor.u32 v2, v1  }
0x1a9: {  	v4 =	vld [tilespmem:$0x1FF60]  }
0x1aa: {  	v14 =	vadd.f32 v9, v14;
	v9 =	vld.idx.msk [tilespmem:v3+s26+$0x0], $0xffff  }
0x1ab: {  	v7 =	vmul.f32 v10, v7;
	v10 =	vld.idx.msk [tilespmem:v3+s28+$0x0], $0xffff  }
0x1ac: {  	v3 =	vld [tilespmem:$0x1FF70]  }
0x1ad: {  	v14 =	vadd.f32 v7, v14;
	v7 =	vld.idx.msk [tilespmem:v2+s26+$0x0], $0xffff  }
0x1ae: {  	v6 =	vmul.f32 v11, v6;
	v4 =	vor.u32 v4, v1;
	v11 =	vld.idx.msk [tilespmem:v2+s28+$0x0], $0xffff  }
0x1af: {  	v2 =	vld [tilespmem:$0x1FF80];
	_ =	sdelay $0x1  }
0x1b0: {  	v3 =	vor.u32 v3, v1;
	_ =	sdelay $0x1  }
0x1b1: {  	v14 =	vadd.f32 v6, v14;
	v6 =	vld.idx.msk [tilespmem:v4+s26+$0x0], $0xffff  }
0x1b2: {  	v8 =	vmul.f32 v12, v8;
	v12 =	vld.idx.msk [tilespmem:v4+s28+$0x0], $0xffff;
	v2 =	vor.u32 v2, v1  }
0x1b3: {  	v4 =	vld [tilespmem:$0x1FF90]  }
0x1b4: {  	v14 =	vadd.f32 v8, v14;
	v8 =	vld.idx.msk [tilespmem:v3+s26+$0x0], $0xffff  }
0x1b5: {  	v9 =	vmul.f32 v10, v9;
	v10 =	vld.idx.msk [tilespmem:v3+s28+$0x0], $0xffff  }
0x1b6: {  	v3 =	vld [tilespmem:$0x1FFA0]  }
0x1b7: {  	v14 =	vadd.f32 v9, v14;
	v9 =	vld.idx.msk [tilespmem:v2+s26+$0x0], $0xffff  }
0x1b8: {  	v7 =	vmul.f32 v11, v7;
	v4 =	vor.u32 v4, v1;
	v11 =	vld.idx.msk [tilespmem:v2+s28+$0x0], $0xffff  }
0x1b9: {  	v2 =	vld [tilespmem:$0x1FFB0];
	_ =	sdelay $0x1  }
0x1ba: {  	v3 =	vor.u32 v3, v1;
	_ =	sdelay $0x1  }
0x1bb: {  	v14 =	vadd.f32 v7, v14;
	v7 =	vld.idx.msk [tilespmem:v4+s26+$0x0], $0xffff  }
0x1bc: {  	v6 =	vmul.f32 v12, v6;
	v12 =	vld.idx.msk [tilespmem:v4+s28+$0x0], $0xffff;
	v2 =	vor.u32 v2, v1  }
0x1bd: {  	v4 =	vld [tilespmem:$0x1FFC0]  }
0x1be: {  	v14 =	vadd.f32 v6, v14;
	v6 =	vld.idx.msk [tilespmem:v3+s26+$0x0], $0xffff  }
0x1bf: {  	v8 =	vmul.f32 v10, v8;
	v10 =	vld.idx.msk [tilespmem:v3+s28+$0x0], $0xffff  }
0x1c0: {  	v3 =	vld [tilespmem:$0x1FFD0]  }
0x1c1: {  	v14 =	vadd.f32 v8, v14;
	v8 =	vld.idx.msk [tilespmem:v2+s26+$0x0], $0xffff  }
0x1c2: {  	v9 =	vmul.f32 v11, v9;
	v11 =	vld.idx.msk [tilespmem:v2+s28+$0x0], $0xffff  }
0x1c3: {  	v2 =	vld [tilespmem:$0x1FFE0]  }
0x1c4: {  	v4 =	vor.u32 v4, v1;
	_ =	sdelay $0x1  }
0x1c5: {  	v3 =	vor.u32 v3, v1;
	_ =	sdelay $0x1  }
0x1c6: {  	v2 =	vor.u32 v2, v1  }
0x1c7: {  	v14 =	vadd.f32 v9, v14;
	v7 =	vmul.f32 v12, v7;
	v9 =	vld.idx.msk [tilespmem:v4+s26+$0x0], $0xffff  }
0x1c8: {  	v12 =	vld.idx.msk [tilespmem:v4+s28+$0x0], $0xffff;
	v4 =	vor.u32 v39, v1  }
0x1c9: {  	v14 =	vadd.f32 v7, v14;
	v6 =	vmul.f32 v10, v6;
	v7 =	vld.idx.msk [tilespmem:v3+s26+$0x0], $0xffff  }
0x1ca: {  	v10 =	vld.idx.msk [tilespmem:v3+s28+$0x0], $0xffff;
	v3 =	vor.u32 v42, v1  }
0x1cb: {  	v14 =	vadd.f32 v6, v14;
	v8 =	vmul.f32 v11, v8;
	v6 =	vld.idx.msk [tilespmem:v2+s26+$0x0], $0xffff  }
0x1cc: {  	v11 =	vld.idx.msk [tilespmem:v2+s28+$0x0], $0xffff;
	v2 =	vor.u32 v43, v1  }
0x1cd: {  	v14 =	vadd.f32 v8, v14;
	v8 =	vld.idx.msk [tilespmem:v4+s26+$0x0], $0xffff;
	v9 =	vmul.f32 v12, v9  }
0x1ce: {  	v12 =	vld.idx.msk [tilespmem:v4+s28+$0x0], $0xffff;
	v4 =	vor.u32 v51, v1  }
0x1cf: {  	v14 =	vadd.f32 v9, v14;
	v9 =	vld.idx.msk [tilespmem:v3+s26+$0x0], $0xffff;
	v7 =	vmul.f32 v10, v7  }
0x1d0: {  	v10 =	vld.idx.msk [tilespmem:v3+s28+$0x0], $0xffff;
	v3 =	vor.u32 v52, v1  }
0x1d1: {  	v14 =	vadd.f32 v7, v14;
	v7 =	vld.idx.msk [tilespmem:v2+s26+$0x0], $0xffff;
	v6 =	vmul.f32 v11, v6  }
0x1d2: {  	v11 =	vld.idx.msk [tilespmem:v2+s28+$0x0], $0xffff;
	v2 =	vor.u32 v37, v1  }
0x1d3: {  	v8 =	vmul.f32 v12, v8;
	v12 =	vld.idx.msk [tilespmem:v4+s28+$0x0], $0xffff;
	v14 =	vadd.f32 v6, v14  }
0x1d4: {  	v6 =	vld.idx.msk [tilespmem:v4+s26+$0x0], $0xffff;
	v4 =	vor.u32 v38, v1  }
0x1d5: {  	v9 =	vmul.f32 v10, v9;
	v10 =	vld.idx.msk [tilespmem:v3+s28+$0x0], $0xffff;
	v14 =	vadd.f32 v8, v14  }
0x1d6: {  	v8 =	vld.idx.msk [tilespmem:v3+s26+$0x0], $0xffff;
	v3 =	vor.u32 v40, v1  }
0x1d7: {  	v7 =	vmul.f32 v11, v7;
	v11 =	vld.idx.msk [tilespmem:v2+s28+$0x0], $0xffff;
	v14 =	vadd.f32 v9, v14  }
0x1d8: {  	v9 =	vld.idx.msk [tilespmem:v2+s26+$0x0], $0xffff;
	v2 =	vor.u32 v41, v1  }
0x1d9: {  	v6 =	vmul.f32 v12, v6;
	v12 =	vld.idx.msk [tilespmem:v4+s28+$0x0], $0xffff;
	v14 =	vadd.f32 v7, v14  }
0x1da: {  	v7 =	vld.idx.msk [tilespmem:v4+s26+$0x0], $0xffff;
	v4 =	vor.u32 v47, v1  }
0x1db: {  	v8 =	vmul.f32 v10, v8;
	v10 =	vld.idx.msk [tilespmem:v3+s28+$0x0], $0xffff;
	v14 =	vadd.f32 v6, v14  }
0x1dc: {  	v6 =	vld.idx.msk [tilespmem:v3+s26+$0x0], $0xffff;
	v3 =	vor.u32 v48, v1  }
0x1dd: {  	v9 =	vmul.f32 v11, v9;
	v11 =	vld.idx.msk [tilespmem:v2+s28+$0x0], $0xffff;
	v14 =	vadd.f32 v8, v14  }
0x1de: {  	v8 =	vld.idx.msk [tilespmem:v2+s26+$0x0], $0xffff;
	v2 =	vor.u32 v59, v1  }
0x1df: {  	v7 =	vmul.f32 v12, v7;
	v12 =	vld.idx.msk [tilespmem:v4+s28+$0x0], $0xffff;
	v14 =	vadd.f32 v9, v14  }
0x1e0: {  	v9 =	vld.idx.msk [tilespmem:v4+s26+$0x0], $0xffff;
	v4 =	vor.u32 v61, v1  }
0x1e1: {  	v6 =	vmul.f32 v10, v6;
	v10 =	vld.idx.msk [tilespmem:v3+s28+$0x0], $0xffff;
	v14 =	vadd.f32 v7, v14  }
0x1e2: {  	v7 =	vld.idx.msk [tilespmem:v3+s26+$0x0], $0xffff;
	v3 =	vor.u32 v44, v1  }
0x1e3: {  	v8 =	vmul.f32 v11, v8;
	v11 =	vld.idx.msk [tilespmem:v2+s28+$0x0], $0xffff;
	v14 =	vadd.f32 v6, v14  }
0x1e4: {  	v6 =	vld.idx.msk [tilespmem:v2+s26+$0x0], $0xffff;
	v2 =	vor.u32 v45, v1  }
0x1e5: {  	v9 =	vmul.f32 v12, v9;
	v12 =	vld.idx.msk [tilespmem:v4+s28+$0x0], $0xffff;
	v14 =	vadd.f32 v8, v14  }
0x1e6: {  	v8 =	vld.idx.msk [tilespmem:v4+s26+$0x0], $0xffff;
	v4 =	vor.u32 v62, v1  }
0x1e7: {  	v7 =	vmul.f32 v10, v7;
	v10 =	vld.idx.msk [tilespmem:v3+s28+$0x0], $0xffff;
	v14 =	vadd.f32 v9, v14  }
0x1e8: {  	v9 =	vld.idx.msk [tilespmem:v3+s26+$0x0], $0xffff;
	v3 =	vor.u32 v50, v1  }
0x1e9: {  	v6 =	vmul.f32 v11, v6;
	v11 =	vld.idx.msk [tilespmem:v2+s28+$0x0], $0xffff;
	v14 =	vadd.f32 v7, v14  }
0x1ea: {  	v7 =	vld.idx.msk [tilespmem:v2+s26+$0x0], $0xffff;
	v2 =	vor.u32 v63, v1  }
0x1eb: {  	v8 =	vmul.f32 v12, v8;
	v12 =	vld.idx.msk [tilespmem:v4+s28+$0x0], $0xffff;
	v14 =	vadd.f32 v6, v14  }
0x1ec: {  	v6 =	vld.idx.msk [tilespmem:v4+s26+$0x0], $0xffff;
	v4 =	vor.u32 v46, v1  }
0x1ed: {  	v9 =	vmul.f32 v10, v9;
	v10 =	vld.idx.msk [tilespmem:v3+s28+$0x0], $0xffff;
	v14 =	vadd.f32 v8, v14  }
0x1ee: {  	v8 =	vld.idx.msk [tilespmem:v3+s26+$0x0], $0xffff;
	v3 =	vor.u32 v49, v1  }
0x1ef: {  	v7 =	vmul.f32 v11, v7;
	v11 =	vld.idx.msk [tilespmem:v2+s28+$0x0], $0xffff;
	v14 =	vadd.f32 v9, v14  }
0x1f0: {  	v9 =	vld.idx.msk [tilespmem:v2+s26+$0x0], $0xffff;
	v2 =	vor.u32 v60, v1  }
0x1f1: {  	v6 =	vmul.f32 v12, v6;
	v12 =	vld.idx.msk [tilespmem:v4+s28+$0x0], $0xffff;
	v14 =	vadd.f32 v7, v14  }
0x1f2: {  	v7 =	vld.idx.msk [tilespmem:v4+s26+$0x0], $0xffff;
	v4 =	vor.u32 v53, v1  }
0x1f3: {  	v8 =	vmul.f32 v10, v8;
	v10 =	vld.idx.msk [tilespmem:v3+s28+$0x0], $0xffff;
	v14 =	vadd.f32 v6, v14  }
0x1f4: {  	v6 =	vld.idx.msk [tilespmem:v3+s26+$0x0], $0xffff;
	v3 =	vor.u32 v54, v1  }
0x1f5: {  	v9 =	vmul.f32 v11, v9;
	v11 =	vld.idx.msk [tilespmem:v2+s28+$0x0], $0xffff;
	v14 =	vadd.f32 v8, v14  }
0x1f6: {  	v8 =	vld.idx.msk [tilespmem:v2+s26+$0x0], $0xffff;
	v2 =	vor.u32 v0, v1  }
0x1f7: {  	v7 =	vmul.f32 v12, v7;
	v12 =	vld.idx.msk [tilespmem:v4+s28+$0x0], $0xffff;
	v14 =	vadd.f32 v9, v14  }
0x1f8: {  	v9 =	vld.idx.msk [tilespmem:v4+s26+$0x0], $0xffff;
	v4 =	vor.u32 v55, v1  }
0x1f9: {  	v6 =	vmul.f32 v10, v6;
	v10 =	vld.idx.msk [tilespmem:v3+s28+$0x0], $0xffff;
	v14 =	vadd.f32 v7, v14  }
0x1fa: {  	v7 =	vld.idx.msk [tilespmem:v3+s26+$0x0], $0xffff;
	v3 =	vor.u32 v56, v1  }
0x1fb: {  	v11 =	vmul.f32 v11, v8;
	v8 =	vld.idx.msk [tilespmem:v2+s28+$0x0], $0xffff;
	v14 =	vadd.f32 v6, v14  }
0x1fc: {  	v6 =	vld.idx.msk [tilespmem:v2+s26+$0x0], $0xffff;
	v2 =	vor.u32 v57, v1  }
0x1fd: {  	v12 =	vmul.f32 v12, v9;
	v9 =	vld.idx.msk [tilespmem:v4+s26+$0x0], $0xffff;
	v14 =	vadd.f32 v11, v14  }
0x1fe: {  	v1 =	vor.u32 v58, v1;
	v11 =	vld.idx.msk [tilespmem:v4+s28+$0x0], $0xffff  }
0x1ff: {  	v4 =	vmul.f32 v10, v7;
	v7 =	vld.idx.msk [tilespmem:v3+s26+$0x0], $0xffff;
	v12 =	vadd.f32 v12, v14  }
0x200: {  	v10 =	vld.idx.msk [tilespmem:v3+s28+$0x0], $0xffff  }
0x201: {  	v3 =	vmul.f32 v8, v6;
	v6 =	vld.idx.msk [tilespmem:v2+s26+$0x0], $0xffff;
	v4 =	vadd.f32 v4, v12  }
0x202: {  	v2 =	vld.idx.msk [tilespmem:v2+s28+$0x0], $0xffff  }
0x203: {  	v8 =	vld.idx.msk [tilespmem:v1+s26+$0x0], $0xffff;
	v3 =	vadd.f32 v3, v4;
	v4 =	vmul.f32 v11, v9  }
0x204: {  	v9 =	vld.idx.msk [tilespmem:v1+s28+$0x0], $0xffff  }
0x205: {  	s20 =	simm.s32 $0x20;
	v1 =	vadd.f32 v4, v3;
	v3 =	vmul.f32 v10, v7  }
0x206: {  	v4 =	vmov s20  }
0x207: {  	v2 =	vmul.f32 v2, v6;
	v3 =	vadd.f32 v3, v1;
	v1 =	vshll.u32 v4, $0x7  }
0x208: {  	v1 =	vor.u32 v5, v1  }
0x209: {  	s18 =	simm.s32 $0x10800;
	v14 =	vmovc v5;
	s20 =	simm.s32 $0x30;
	v4 =	vmul.f32 v9, v8;
	v3 =	vadd.f32 v2, v3;
	v2 =	vor.u32 v13, v1  }
.LBB2_2:
0x20a: {  	_ = 	snop  }
0x20b: {  	v8 =	vld [tilespmem:$0x1FCF0];
	v3 =	vadd.f32 v4, v3  }
0x20c: {  	s18 =	sadd.s32 $0x10, s18;
	v4 =	vld [tilespmem:$0x1FCD0]  }
0x20d: {  	s14 =	sadd.s32 $0x10, s14;
	[tilespmem:s18+$0x0] =	vst v3  }
0x20e: {  	s16 =	sadd.s32 $0x10, s16;
	v5 =	vld [tilespmem:s14+$0x0]  }
0x20f: {  	v7 =	vld [tilespmem:s16+$0x0]  }
0x210: {  	v6 =	vld [tilespmem:$0x1FCE0];
	v8 =	vor.u32 v8, v1  }
0x211: {  	v10 =	vld [tilespmem:$0x1FD00];
	v4 =	vor.u32 v4, v1  }
0x212: {  	v3 =	vld.idx.msk [tilespmem:v2+s26+$0x0], $0xffff  }
0x213: {  	v2 =	vld.idx.msk [tilespmem:v2+s28+$0x0], $0xffff  }
0x214: {  	v5 =	vadd.f32 v5, v7;
	v7 =	vld [tilespmem:$0x1FD10]  }
0x215: {  	v6 =	vor.u32 v6, v1;
	v12 =	vld.idx.msk [tilespmem:v8+s26+$0x0], $0xffff  }
0x216: {  	v9 =	vld.idx.msk [tilespmem:v4+s26+$0x0], $0xffff  }
0x217: {  	v4 =	vld.idx.msk [tilespmem:v4+s28+$0x0], $0xffff  }
0x218: {  	v2 =	vmul.f32 v2, v3;
	v3 =	vld.idx.msk [tilespmem:v8+s28+$0x0], $0xffff  }
0x219: {  	v10 =	vor.u32 v10, v1;
	v8 =	vld [tilespmem:$0x1FD20]  }
0x21a: {  	v11 =	vld.idx.msk [tilespmem:v6+s26+$0x0], $0xffff  }
0x21b: {  	v6 =	vld.idx.msk [tilespmem:v6+s28+$0x0], $0xffff;
	v7 =	vor.u32 v7, v1  }
0x21c: {  	v4 =	vmul.f32 v4, v9;
	v9 =	vld [tilespmem:$0x1FD30]  }
0x21d: {  	v5 =	vadd.f32 $3.500000000e+00, v5  }
0x21e: {  	v13 =	vld.idx.msk [tilespmem:v10+s26+$0x0], $0xffff;
	v8 =	vor.u32 v8, v1  }
0x21f: {  	v2 =	vadd.f32 v2, v5;
	v5 =	vld.idx.msk [tilespmem:v10+s28+$0x0], $0xffff  }
0x220: {  	v10 =	vld.idx.msk [tilespmem:v7+s26+$0x0], $0xffff  }
0x221: {  	v2 =	vadd.f32 v4, v2;
	v4 =	vmul.f32 v6, v11;
	v6 =	vld.idx.msk [tilespmem:v7+s28+$0x0], $0xffff;
	v9 =	vor.u32 v9, v1  }
0x222: {  	v7 =	vld [tilespmem:$0x1FD40]  }
0x223: {  	v11 =	vld.idx.msk [tilespmem:v8+s26+$0x0], $0xffff  }
0x224: {  	v2 =	vadd.f32 v4, v2;
	v4 =	vld.idx.msk [tilespmem:v8+s28+$0x0], $0xffff  }
0x225: {  	v3 =	vmul.f32 v3, v12;
	v8 =	vld [tilespmem:$0x1FD50]  }
0x226: {  	v12 =	vld.idx.msk [tilespmem:v9+s26+$0x0], $0xffff  }
0x227: {  	v2 =	vadd.f32 v3, v2;
	v3 =	vmul.f32 v5, v13;
	v7 =	vor.u32 v7, v1;
	v5 =	vld.idx.msk [tilespmem:v9+s28+$0x0], $0xffff  }
0x228: {  	v9 =	vld [tilespmem:$0x1FD60];
	_ =	sdelay $0x1  }
0x229: {  	v8 =	vor.u32 v8, v1;
	_ =	sdelay $0x1  }
0x22a: {  	v13 =	vld.idx.msk [tilespmem:v7+s26+$0x0], $0xffff  }
0x22b: {  	v2 =	vadd.f32 v3, v2;
	v3 =	vmul.f32 v6, v10;
	v6 =	vld.idx.msk [tilespmem:v7+s28+$0x0], $0xffff;
	v9 =	vor.u32 v9, v1  }
0x22c: {  	v7 =	vld [tilespmem:$0x1FD70]  }
0x22d: {  	v10 =	vld.idx.msk [tilespmem:v8+s26+$0x0], $0xffff  }
0x22e: {  	v2 =	vadd.f32 v3, v2;
	v3 =	vmul.f32 v4, v11;
	v4 =	vld.idx.msk [tilespmem:v8+s28+$0x0], $0xffff  }
0x22f: {  	v8 =	vld [tilespmem:$0x1FD80]  }
0x230: {  	v11 =	vld.idx.msk [tilespmem:v9+s26+$0x0], $0xffff  }
0x231: {  	v2 =	vadd.f32 v3, v2;
	v3 =	vmul.f32 v5, v12;
	v5 =	vld.idx.msk [tilespmem:v9+s28+$0x0], $0xffff  }
0x232: {  	v9 =	vld [tilespmem:$0x1FD90]  }
0x233: {  	v7 =	vor.u32 v7, v1;
	_ =	sdelay $0x1  }
0x234: {  	v8 =	vor.u32 v8, v1;
	_ =	sdelay $0x1  }
0x235: {  	v9 =	vor.u32 v9, v1  }
0x236: {  	v2 =	vadd.f32 v3, v2;
	v3 =	vmul.f32 v6, v13;
	v12 =	vld.idx.msk [tilespmem:v7+s26+$0x0], $0xffff  }
0x237: {  	v6 =	vld.idx.msk [tilespmem:v7+s28+$0x0], $0xffff;
	v7 =	vor.u32 v28, v1  }
0x238: {  	v2 =	vadd.f32 v3, v2;
	v3 =	vmul.f32 v4, v10;
	v13 =	vld.idx.msk [tilespmem:v8+s26+$0x0], $0xffff  }
0x239: {  	v4 =	vld.idx.msk [tilespmem:v8+s28+$0x0], $0xffff;
	v8 =	vor.u32 v29, v1  }
0x23a: {  	v2 =	vadd.f32 v3, v2;
	v3 =	vmul.f32 v5, v11;
	v10 =	vld.idx.msk [tilespmem:v9+s26+$0x0], $0xffff  }
0x23b: {  	v5 =	vld.idx.msk [tilespmem:v9+s28+$0x0], $0xffff;
	v9 =	vor.u32 v15, v1  }
0x23c: {  	v2 =	vadd.f32 v3, v2;
	v11 =	vld.idx.msk [tilespmem:v7+s26+$0x0], $0xffff;
	v3 =	vmul.f32 v6, v12  }
0x23d: {  	v6 =	vld.idx.msk [tilespmem:v7+s28+$0x0], $0xffff;
	v7 =	vor.u32 v30, v1  }
0x23e: {  	v12 =	vld.idx.msk [tilespmem:v8+s26+$0x0], $0xffff;
	v2 =	vadd.f32 v3, v2;
	v3 =	vmul.f32 v4, v13  }
0x23f: {  	v4 =	vld.idx.msk [tilespmem:v8+s28+$0x0], $0xffff;
	v8 =	vor.u32 v16, v1  }
0x240: {  	v2 =	vadd.f32 v3, v2;
	v13 =	vld.idx.msk [tilespmem:v9+s26+$0x0], $0xffff;
	v3 =	vmul.f32 v5, v10  }
0x241: {  	v5 =	vld.idx.msk [tilespmem:v9+s28+$0x0], $0xffff;
	v9 =	vor.u32 v31, v1  }
0x242: {  	v10 =	vld.idx.msk [tilespmem:v7+s26+$0x0], $0xffff;
	v2 =	vadd.f32 v3, v2;
	v3 =	vmul.f32 v6, v11  }
0x243: {  	v6 =	vld.idx.msk [tilespmem:v7+s28+$0x0], $0xffff;
	v7 =	vor.u32 v17, v1  }
0x244: {  	v11 =	vld.idx.msk [tilespmem:v8+s26+$0x0], $0xffff;
	v2 =	vadd.f32 v3, v2;
	v3 =	vmul.f32 v4, v12  }
0x245: {  	v4 =	vld.idx.msk [tilespmem:v8+s28+$0x0], $0xffff;
	v8 =	vor.u32 v32, v1  }
0x246: {  	v12 =	vld.idx.msk [tilespmem:v9+s26+$0x0], $0xffff;
	v2 =	vadd.f32 v3, v2;
	v3 =	vmul.f32 v5, v13  }
0x247: {  	v5 =	vld.idx.msk [tilespmem:v9+s28+$0x0], $0xffff;
	v9 =	vor.u32 v18, v1  }
0x248: {  	v13 =	vld.idx.msk [tilespmem:v7+s26+$0x0], $0xffff;
	v2 =	vadd.f32 v3, v2;
	v3 =	vmul.f32 v6, v10  }
0x249: {  	v6 =	vld.idx.msk [tilespmem:v7+s28+$0x0], $0xffff;
	v7 =	vor.u32 v33, v1  }
0x24a: {  	v10 =	vld.idx.msk [tilespmem:v8+s26+$0x0], $0xffff;
	v2 =	vadd.f32 v3, v2;
	v3 =	vmul.f32 v4, v11  }
0x24b: {  	v4 =	vld.idx.msk [tilespmem:v8+s28+$0x0], $0xffff;
	v8 =	vor.u32 v19, v1  }
0x24c: {  	v11 =	vld.idx.msk [tilespmem:v9+s26+$0x0], $0xffff;
	v2 =	vadd.f32 v3, v2;
	v3 =	vmul.f32 v5, v12  }
0x24d: {  	v5 =	vld.idx.msk [tilespmem:v9+s28+$0x0], $0xffff;
	v9 =	vor.u32 v34, v1  }
0x24e: {  	v12 =	vld.idx.msk [tilespmem:v7+s26+$0x0], $0xffff;
	v2 =	vadd.f32 v3, v2;
	v3 =	vmul.f32 v6, v13  }
0x24f: {  	v6 =	vld.idx.msk [tilespmem:v7+s28+$0x0], $0xffff;
	v7 =	vor.u32 v20, v1  }
0x250: {  	v13 =	vld.idx.msk [tilespmem:v8+s26+$0x0], $0xffff;
	v2 =	vadd.f32 v3, v2;
	v3 =	vmul.f32 v4, v10  }
0x251: {  	v4 =	vld.idx.msk [tilespmem:v8+s28+$0x0], $0xffff;
	v8 =	vor.u32 v21, v1  }
0x252: {  	v10 =	vld.idx.msk [tilespmem:v9+s26+$0x0], $0xffff;
	v2 =	vadd.f32 v3, v2;
	v3 =	vmul.f32 v5, v11  }
0x253: {  	v5 =	vld.idx.msk [tilespmem:v9+s28+$0x0], $0xffff;
	v9 =	vor.u32 v35, v1  }
0x254: {  	v11 =	vld.idx.msk [tilespmem:v7+s26+$0x0], $0xffff;
	v2 =	vadd.f32 v3, v2;
	v3 =	vmul.f32 v6, v12  }
0x255: {  	v6 =	vld.idx.msk [tilespmem:v7+s28+$0x0], $0xffff;
	v7 =	vor.u32 v22, v1  }
0x256: {  	v12 =	vld.idx.msk [tilespmem:v8+s26+$0x0], $0xffff;
	v2 =	vadd.f32 v3, v2;
	v3 =	vmul.f32 v4, v13  }
0x257: {  	v4 =	vld.idx.msk [tilespmem:v8+s28+$0x0], $0xffff;
	v8 =	vor.u32 v36, v1  }
0x258: {  	v13 =	vld.idx.msk [tilespmem:v9+s26+$0x0], $0xffff;
	v2 =	vadd.f32 v3, v2;
	v3 =	vmul.f32 v5, v10  }
0x259: {  	v5 =	vld.idx.msk [tilespmem:v9+s28+$0x0], $0xffff;
	v9 =	vor.u32 v23, v1  }
0x25a: {  	v10 =	vld.idx.msk [tilespmem:v7+s26+$0x0], $0xffff;
	v2 =	vadd.f32 v3, v2;
	v3 =	vmul.f32 v6, v11  }
0x25b: {  	v6 =	vld.idx.msk [tilespmem:v7+s28+$0x0], $0xffff;
	v7 =	vor.u32 v24, v1  }
0x25c: {  	v11 =	vld.idx.msk [tilespmem:v8+s26+$0x0], $0xffff;
	v2 =	vadd.f32 v3, v2;
	v3 =	vmul.f32 v4, v12  }
0x25d: {  	v4 =	vld.idx.msk [tilespmem:v8+s28+$0x0], $0xffff;
	v8 =	vor.u32 v25, v1  }
0x25e: {  	v12 =	vld.idx.msk [tilespmem:v9+s26+$0x0], $0xffff;
	v2 =	vadd.f32 v3, v2;
	v3 =	vmul.f32 v5, v13  }
0x25f: {  	v5 =	vld.idx.msk [tilespmem:v9+s28+$0x0], $0xffff;
	v9 =	vor.u32 v26, v1  }
0x260: {  	v13 =	vld.idx.msk [tilespmem:v7+s26+$0x0], $0xffff;
	v2 =	vadd.f32 v3, v2;
	v3 =	vmul.f32 v6, v10  }
0x261: {  	v6 =	vld.idx.msk [tilespmem:v7+s28+$0x0], $0xffff;
	v7 =	vor.u32 v27, v1  }
0x262: {  	v10 =	vld.idx.msk [tilespmem:v8+s26+$0x0], $0xffff;
	v2 =	vadd.f32 v3, v2;
	v3 =	vmul.f32 v4, v11  }
0x263: {  	v4 =	vld.idx.msk [tilespmem:v8+s28+$0x0], $0xffff;
	v8 =	vor.u32 v39, v1  }
0x264: {  	v11 =	vld.idx.msk [tilespmem:v9+s26+$0x0], $0xffff;
	v2 =	vadd.f32 v3, v2;
	v3 =	vmul.f32 v5, v12  }
0x265: {  	v5 =	vld.idx.msk [tilespmem:v9+s28+$0x0], $0xffff;
	v9 =	vor.u32 v42, v1  }
0x266: {  	v12 =	vld.idx.msk [tilespmem:v7+s26+$0x0], $0xffff;
	v2 =	vadd.f32 v3, v2;
	v3 =	vmul.f32 v6, v13  }
0x267: {  	v6 =	vld.idx.msk [tilespmem:v7+s28+$0x0], $0xffff;
	v7 =	vor.u32 v43, v1  }
0x268: {  	v13 =	vld.idx.msk [tilespmem:v8+s26+$0x0], $0xffff;
	v2 =	vadd.f32 v3, v2;
	v3 =	vmul.f32 v4, v10  }
0x269: {  	v4 =	vld.idx.msk [tilespmem:v8+s28+$0x0], $0xffff;
	v8 =	vor.u32 v51, v1  }
0x26a: {  	v10 =	vld.idx.msk [tilespmem:v9+s26+$0x0], $0xffff;
	v2 =	vadd.f32 v3, v2;
	v3 =	vmul.f32 v5, v11  }
0x26b: {  	v5 =	vld.idx.msk [tilespmem:v9+s28+$0x0], $0xffff;
	v9 =	vor.u32 v52, v1  }
0x26c: {  	v11 =	vld.idx.msk [tilespmem:v7+s26+$0x0], $0xffff;
	v2 =	vadd.f32 v3, v2;
	v3 =	vmul.f32 v6, v12  }
0x26d: {  	v6 =	vld.idx.msk [tilespmem:v7+s28+$0x0], $0xffff;
	v7 =	vor.u32 v37, v1  }
0x26e: {  	v12 =	vld.idx.msk [tilespmem:v8+s26+$0x0], $0xffff;
	v2 =	vadd.f32 v3, v2;
	v3 =	vmul.f32 v4, v13  }
0x26f: {  	v4 =	vld.idx.msk [tilespmem:v8+s28+$0x0], $0xffff;
	v8 =	vor.u32 v38, v1  }
0x270: {  	v13 =	vld.idx.msk [tilespmem:v9+s26+$0x0], $0xffff;
	v2 =	vadd.f32 v3, v2;
	v3 =	vmul.f32 v5, v10  }
0x271: {  	v5 =	vld.idx.msk [tilespmem:v9+s28+$0x0], $0xffff;
	v9 =	vor.u32 v40, v1  }
0x272: {  	v10 =	vld.idx.msk [tilespmem:v7+s26+$0x0], $0xffff;
	v2 =	vadd.f32 v3, v2;
	v3 =	vmul.f32 v6, v11  }
0x273: {  	v6 =	vld.idx.msk [tilespmem:v7+s28+$0x0], $0xffff;
	v7 =	vor.u32 v41, v1  }
0x274: {  	v11 =	vld.idx.msk [tilespmem:v8+s26+$0x0], $0xffff;
	v2 =	vadd.f32 v3, v2;
	v3 =	vmul.f32 v4, v12  }
0x275: {  	v4 =	vld.idx.msk [tilespmem:v8+s28+$0x0], $0xffff;
	v8 =	vor.u32 v47, v1  }
0x276: {  	v12 =	vld.idx.msk [tilespmem:v9+s26+$0x0], $0xffff;
	v2 =	vadd.f32 v3, v2;
	v3 =	vmul.f32 v5, v13  }
0x277: {  	v5 =	vld.idx.msk [tilespmem:v9+s28+$0x0], $0xffff;
	v9 =	vor.u32 v48, v1  }
0x278: {  	v13 =	vld.idx.msk [tilespmem:v7+s26+$0x0], $0xffff;
	v2 =	vadd.f32 v3, v2;
	v3 =	vmul.f32 v6, v10  }
0x279: {  	v6 =	vld.idx.msk [tilespmem:v7+s28+$0x0], $0xffff;
	v7 =	vor.u32 v59, v1  }
0x27a: {  	v10 =	vld.idx.msk [tilespmem:v8+s26+$0x0], $0xffff;
	v2 =	vadd.f32 v3, v2;
	v3 =	vmul.f32 v4, v11  }
0x27b: {  	v4 =	vld.idx.msk [tilespmem:v8+s28+$0x0], $0xffff;
	v8 =	vor.u32 v61, v1  }
0x27c: {  	v11 =	vld.idx.msk [tilespmem:v9+s26+$0x0], $0xffff;
	v2 =	vadd.f32 v3, v2;
	v3 =	vmul.f32 v5, v12  }
0x27d: {  	v5 =	vld.idx.msk [tilespmem:v9+s28+$0x0], $0xffff;
	v9 =	vor.u32 v44, v1  }
0x27e: {  	v12 =	vld.idx.msk [tilespmem:v7+s26+$0x0], $0xffff;
	v2 =	vadd.f32 v3, v2;
	v3 =	vmul.f32 v6, v13  }
0x27f: {  	v6 =	vld.idx.msk [tilespmem:v7+s28+$0x0], $0xffff;
	v7 =	vor.u32 v45, v1  }
0x280: {  	v13 =	vld.idx.msk [tilespmem:v8+s26+$0x0], $0xffff;
	v2 =	vadd.f32 v3, v2;
	v3 =	vmul.f32 v4, v10  }
0x281: {  	v4 =	vld.idx.msk [tilespmem:v8+s28+$0x0], $0xffff;
	v8 =	vor.u32 v62, v1  }
0x282: {  	v10 =	vld.idx.msk [tilespmem:v9+s26+$0x0], $0xffff;
	v2 =	vadd.f32 v3, v2;
	v3 =	vmul.f32 v5, v11  }
0x283: {  	v5 =	vld.idx.msk [tilespmem:v9+s28+$0x0], $0xffff;
	v9 =	vor.u32 v50, v1  }
0x284: {  	v11 =	vld.idx.msk [tilespmem:v7+s26+$0x0], $0xffff;
	v2 =	vadd.f32 v3, v2;
	v3 =	vmul.f32 v6, v12  }
0x285: {  	v6 =	vld.idx.msk [tilespmem:v7+s28+$0x0], $0xffff;
	v7 =	vor.u32 v63, v1  }
0x286: {  	v12 =	vld.idx.msk [tilespmem:v8+s26+$0x0], $0xffff;
	v2 =	vadd.f32 v3, v2;
	v3 =	vmul.f32 v4, v13  }
0x287: {  	v4 =	vld.idx.msk [tilespmem:v8+s28+$0x0], $0xffff;
	v8 =	vor.u32 v46, v1  }
0x288: {  	v13 =	vld.idx.msk [tilespmem:v9+s26+$0x0], $0xffff;
	v2 =	vadd.f32 v3, v2;
	v3 =	vmul.f32 v5, v10  }
0x289: {  	v5 =	vld.idx.msk [tilespmem:v9+s28+$0x0], $0xffff;
	v9 =	vor.u32 v49, v1  }
0x28a: {  	v10 =	vld.idx.msk [tilespmem:v7+s26+$0x0], $0xffff;
	v2 =	vadd.f32 v3, v2;
	v3 =	vmul.f32 v6, v11  }
0x28b: {  	v6 =	vld.idx.msk [tilespmem:v7+s28+$0x0], $0xffff;
	v7 =	vor.u32 v60, v1  }
0x28c: {  	v11 =	vld.idx.msk [tilespmem:v8+s26+$0x0], $0xffff;
	v2 =	vadd.f32 v3, v2;
	v3 =	vmul.f32 v4, v12  }
0x28d: {  	v4 =	vld.idx.msk [tilespmem:v8+s28+$0x0], $0xffff;
	v8 =	vor.u32 v53, v1  }
0x28e: {  	v12 =	vld.idx.msk [tilespmem:v9+s26+$0x0], $0xffff;
	v2 =	vadd.f32 v3, v2;
	v3 =	vmul.f32 v5, v13  }
0x28f: {  	v5 =	vld.idx.msk [tilespmem:v9+s28+$0x0], $0xffff;
	v9 =	vor.u32 v54, v1  }
0x290: {  	v13 =	vld.idx.msk [tilespmem:v7+s26+$0x0], $0xffff;
	v2 =	vadd.f32 v3, v2;
	v3 =	vmul.f32 v6, v10  }
0x291: {  	v6 =	vld.idx.msk [tilespmem:v7+s28+$0x0], $0xffff;
	v7 =	vor.u32 v0, v1  }
0x292: {  	v10 =	vld.idx.msk [tilespmem:v8+s26+$0x0], $0xffff;
	v2 =	vadd.f32 v3, v2;
	v3 =	vmul.f32 v4, v11  }
0x293: {  	v4 =	vld.idx.msk [tilespmem:v8+s28+$0x0], $0xffff;
	v8 =	vor.u32 v55, v1  }
0x294: {  	v11 =	vld.idx.msk [tilespmem:v9+s26+$0x0], $0xffff;
	v2 =	vadd.f32 v3, v2;
	v3 =	vmul.f32 v5, v12  }
0x295: {  	v5 =	vld.idx.msk [tilespmem:v9+s28+$0x0], $0xffff;
	v9 =	vor.u32 v56, v1  }
0x296: {  	v12 =	vld.idx.msk [tilespmem:v7+s26+$0x0], $0xffff;
	v2 =	vadd.f32 v3, v2;
	v3 =	vmul.f32 v6, v13  }
0x297: {  	v6 =	vld.idx.msk [tilespmem:v7+s28+$0x0], $0xffff;
	v7 =	vor.u32 v57, v1  }
0x298: {  	v13 =	vld.idx.msk [tilespmem:v8+s26+$0x0], $0xffff;
	v2 =	vadd.f32 v3, v2;
	v3 =	vmul.f32 v4, v10  }
0x299: {  	v1 =	vor.u32 v58, v1;
	v4 =	vld.idx.msk [tilespmem:v8+s28+$0x0], $0xffff  }
0x29a: {  	v8 =	vld.idx.msk [tilespmem:v9+s26+$0x0], $0xffff;
	v2 =	vadd.f32 v3, v2;
	v3 =	vmul.f32 v5, v11  }
0x29b: {  	v5 =	vld.idx.msk [tilespmem:v9+s28+$0x0], $0xffff  }
0x29c: {  	v9 =	vld.idx.msk [tilespmem:v7+s26+$0x0], $0xffff;
	v2 =	vadd.f32 v3, v2;
	v3 =	vmul.f32 v6, v12  }
0x29d: {  	v6 =	vld.idx.msk [tilespmem:v7+s28+$0x0], $0xffff  }
0x29e: {  	v7 =	vld.idx.msk [tilespmem:v1+s26+$0x0], $0xffff;
	v2 =	vadd.f32 v3, v2;
	v3 =	vmul.f32 v4, v13  }
0x29f: {  	p0 =	sne.s32 s20, $0xF0;
	v4 =	vld.idx.msk [tilespmem:v1+s28+$0x0], $0xffff  }
.Ltmp0:
0x2a0: {  	v1 =	vadd.f32 v3, v2;
	v2 =	vmul.f32 v5, v8;
	(pc) =	sbr.rel @p0 .LBB2_2-.Ltmp0, $4  }
0x2a1: {  	v3 =	vmov s20  }
0x2a2: {  	v3 =	vshll.u32 v3, $0x7;
	v6 =	vmul.f32 v6, v9;
	v5 =	vadd.f32 v2, v1  }
0x2a3: {  	v13 =	vlaneseq.u32;
	v1 =	vor.u32 v14, v3  }
0x2a4: {  	s20 =	sadd.s32 $0x10, s20;
	v2 =	vor.u32 v13, v1;
	v4 =	vmul.f32 v4, v7;
	v3 =	vadd.f32 v6, v5  }
0x2a5: {  	_ = 	snop  }
0x2a6: {  	v3 =	vadd.f32 v4, v3;
	v4 =	vld [tilespmem:$0x1FCD0];
	_ =	sdelay $0x4  }
0x2a7: {  	v4 =	vor.u32 v4, v1;
	_ =	sdelay $0x2  }
0x2a8: {  	s18 =	sadd.s32 $0x10, s18  }
0x2a9: {  	[tilespmem:s18+$0x0] =	vst v3  }
0x2aa: {  	v9 =	vld.idx.msk [tilespmem:v4+s26+$0x0], $0xffff;
	_ =	sdelay $0x3  }
0x2ab: {  	v8 =	vld [tilespmem:$0x1FCF0]  }
0x2ac: {  	[tilespmem:$0x1FA00] =	vst v9;
	v9 =	vld.idx.msk [tilespmem:v4+s28+$0x0], $0xffff  }
0x2ad: {  	s14 =	sadd.s32 $0x10, s14;
	v4 =	vld [tilespmem:$0x1FD00]  }
0x2ae: {  	s16 =	sadd.s32 $0x10, s16;
	v3 =	vld [tilespmem:s14+$0x0]  }
0x2af: {  	v6 =	vld [tilespmem:s16+$0x0]  }
0x2b0: {  	v7 =	vld.idx.msk [tilespmem:v2+s26+$0x0], $0xffff  }
0x2b1: {  	v2 =	vld.idx.msk [tilespmem:v2+s28+$0x0], $0xffff  }
0x2b2: {  	v10 =	vor.u32 v4, v1;
	v4 =	vld [tilespmem:$0x1FD10];
	_ =	sdelay $0x2  }
0x2b3: {  	v8 =	vor.u32 v8, v1;
	v3 =	vadd.f32 v3, v6  }
0x2b4: {  	v5 =	vld [tilespmem:$0x1FCE0]  }
0x2b5: {  	v6 =	vor.u32 v4, v1;
	v4 =	vadd.f32 $3.500000000e+00, v3;
	v3 =	vmul.f32 v2, v7;
	v2 =	vld [tilespmem:$0x1FD20];
	_ =	sdelay $0x2  }
0x2b6: {  	v12 =	vld.idx.msk [tilespmem:v8+s26+$0x0], $0xffff  }
0x2b7: {  	v5 =	vor.u32 v5, v1;
	v7 =	vld.idx.msk [tilespmem:v8+s28+$0x0], $0xffff  }
0x2b8: {  	v8 =	vor.u32 v2, v1;
	v2 =	vld.idx.msk [tilespmem:v10+s26+$0x0], $0xffff;
	_ =	sdelay $0x3  }
0x2b9: {  	v11 =	vld.idx.msk [tilespmem:v5+s26+$0x0], $0xffff  }
0x2ba: {  	v5 =	vld.idx.msk [tilespmem:v5+s28+$0x0], $0xffff;
	[tilespmem:$0x1FA10] =	vst v2  }
0x2bb: {  	v2 =	vld [tilespmem:$0x1FA00];
	_ =	sdelay $0x4  }
0x2bc: {  	v3 =	vadd.f32 v3, v4;
	v4 =	vmul.f32 v9, v2;
	v2 =	vld [tilespmem:$0x1FD30];
	_ =	sdelay $0x3  }
0x2bd: {  	v9 =	vld.idx.msk [tilespmem:v10+s28+$0x0], $0xffff  }
0x2be: {  	v10 =	vor.u32 v2, v1;
	v2 =	vadd.f32 v4, v3;
	v3 =	vld.idx.msk [tilespmem:v6+s26+$0x0], $0xffff;
	_ =	sdelay $0x4  }
0x2bf: {  	v5 =	vmul.f32 v5, v11;
	[tilespmem:$0x1FA20] =	vst v3;
	v3 =	vld [tilespmem:$0x1FD40];
	_ =	sdelay $0x1  }
0x2c0: {  	v7 =	vmul.f32 v7, v12;
	v2 =	vadd.f32 v5, v2;
	_ =	sdelay $0x1  }
0x2c1: {  	v4 =	vadd.f32 v7, v2;
	v2 =	vld [tilespmem:$0x1FA10]  }
0x2c2: {  	v11 =	vor.u32 v3, v1;
	v3 =	vld [tilespmem:$0x1FD50];
	_ =	sdelay $0x4  }
0x2c3: {  	v12 =	vor.u32 v3, v1;
	v3 =	vmul.f32 v9, v2;
	v2 =	vld [tilespmem:$0x1FD60];
	_ =	sdelay $0x2  }
0x2c4: {  	v7 =	vld.idx.msk [tilespmem:v10+s26+$0x0], $0xffff  }
0x2c5: {  	v9 =	vld.idx.msk [tilespmem:v10+s28+$0x0], $0xffff  }
0x2c6: {  	v10 =	vor.u32 v2, v1;
	v2 =	vld.idx.msk [tilespmem:v11+s26+$0x0], $0xffff;
	_ =	sdelay $0x3  }
0x2c7: {  	v6 =	vld.idx.msk [tilespmem:v6+s28+$0x0], $0xffff  }
0x2c8: {  	[tilespmem:$0x1FA30] =	vst v2;
	v2 =	vld [tilespmem:$0x1FA20];
	_ =	sdelay $0x4  }
0x2c9: {  	v3 =	vadd.f32 v3, v4;
	v4 =	vmul.f32 v6, v2;
	v2 =	vld [tilespmem:$0x1FD70];
	_ =	sdelay $0x1  }
0x2ca: {  	v5 =	vld.idx.msk [tilespmem:v8+s26+$0x0], $0xffff  }
0x2cb: {  	v8 =	vld.idx.msk [tilespmem:v8+s28+$0x0], $0xffff  }
0x2cc: {  	v6 =	vld.idx.msk [tilespmem:v11+s28+$0x0], $0xffff  }
0x2cd: {  	v11 =	vor.u32 v2, v1;
	v2 =	vadd.f32 v4, v3;
	v3 =	vld.idx.msk [tilespmem:v12+s26+$0x0], $0xffff;
	_ =	sdelay $0x4  }
0x2ce: {  	v5 =	vmul.f32 v8, v5;
	[tilespmem:$0x1FA40] =	vst v3;
	v3 =	vld [tilespmem:$0x1FD80];
	_ =	sdelay $0x1  }
0x2cf: {  	v7 =	vmul.f32 v9, v7;
	v2 =	vadd.f32 v5, v2  }
0x2d0: {  	v8 =	vld.idx.msk [tilespmem:v12+s28+$0x0], $0xffff  }
0x2d1: {  	v4 =	vadd.f32 v7, v2;
	v2 =	vld [tilespmem:$0x1FA30]  }
0x2d2: {  	v12 =	vor.u32 v3, v1;
	v3 =	vld [tilespmem:$0x1FD90];
	_ =	sdelay $0x2  }
0x2d3: {  	v9 =	vld.idx.msk [tilespmem:v10+s28+$0x0], $0xffff  }
0x2d4: {  	v5 =	vld.idx.msk [tilespmem:v10+s26+$0x0], $0xffff  }
0x2d5: {  	v10 =	vor.u32 v3, v1;
	v3 =	vmul.f32 v6, v2;
	v2 =	vld.idx.msk [tilespmem:v12+s26+$0x0], $0xffff;
	_ =	sdelay $0x4  }
0x2d6: {  	[tilespmem:$0x1FA50] =	vst v2;
	v2 =	vld [tilespmem:$0x1FA40];
	_ =	sdelay $0x2  }
0x2d7: {  	v7 =	vld.idx.msk [tilespmem:v11+s26+$0x0], $0xffff  }
0x2d8: {  	v6 =	vld.idx.msk [tilespmem:v11+s28+$0x0], $0xffff  }
0x2d9: {  	v3 =	vadd.f32 v3, v4;
	v4 =	vmul.f32 v8, v2;
	_ =	sdelay $0x1  }
0x2da: {  	v5 =	vmul.f32 v9, v5;
	v2 =	vadd.f32 v4, v3  }
0x2db: {  	v9 =	vld.idx.msk [tilespmem:v10+s28+$0x0], $0xffff  }
0x2dc: {  	v6 =	vmul.f32 v6, v7;
	v8 =	vld.idx.msk [tilespmem:v12+s28+$0x0], $0xffff;
	v2 =	vadd.f32 v5, v2  }
0x2dd: {  	v3 =	vld.idx.msk [tilespmem:v10+s26+$0x0], $0xffff  }
0x2de: {  	v10 =	vor.u32 v15, v1;
	v4 =	vadd.f32 v6, v2;
	v2 =	vld [tilespmem:$0x1FA50];
	_ =	sdelay $0x4  }
0x2df: {  	[tilespmem:$0x1FA60] =	vst v3;
	v3 =	vmul.f32 v8, v2;
	v2 =	vld.idx.msk [tilespmem:v10+s26+$0x0], $0xffff  }
0x2e0: {  	v11 =	vor.u32 v28, v1;
	_ =	sdelay $0x1  }
0x2e1: {  	v12 =	vor.u32 v29, v1;
	_ =	sdelay $0x1  }
0x2e2: {  	[tilespmem:$0x1FA70] =	vst v2;
	v2 =	vld [tilespmem:$0x1FA60]  }
0x2e3: {  	v7 =	vld.idx.msk [tilespmem:v11+s28+$0x0], $0xffff  }
0x2e4: {  	v5 =	vld.idx.msk [tilespmem:v11+s26+$0x0], $0xffff  }
0x2e5: {  	v11 =	vor.u32 v30, v1;
	v6 =	vld.idx.msk [tilespmem:v12+s26+$0x0], $0xffff  }
0x2e6: {  	v8 =	vld.idx.msk [tilespmem:v12+s28+$0x0], $0xffff  }
0x2e7: {  	v3 =	vadd.f32 v3, v4;
	v4 =	vmul.f32 v9, v2;
	_ =	sdelay $0x1  }
0x2e8: {  	v5 =	vmul.f32 v7, v5;
	v2 =	vadd.f32 v4, v3  }
0x2e9: {  	v7 =	vld.idx.msk [tilespmem:v11+s28+$0x0], $0xffff  }
0x2ea: {  	v6 =	vmul.f32 v8, v6;
	v9 =	vld.idx.msk [tilespmem:v10+s28+$0x0], $0xffff;
	v2 =	vadd.f32 v5, v2  }
0x2eb: {  	v3 =	vld.idx.msk [tilespmem:v11+s26+$0x0], $0xffff  }
0x2ec: {  	v11 =	vor.u32 v17, v1;
	v4 =	vadd.f32 v6, v2;
	v2 =	vld [tilespmem:$0x1FA70];
	_ =	sdelay $0x4  }
0x2ed: {  	[tilespmem:$0x1FA80] =	vst v3;
	v3 =	vmul.f32 v9, v2;
	v2 =	vld.idx.msk [tilespmem:v11+s26+$0x0], $0xffff  }
0x2ee: {  	v12 =	vor.u32 v16, v1;
	_ =	sdelay $0x1  }
0x2ef: {  	v10 =	vor.u32 v31, v1;
	_ =	sdelay $0x1  }
0x2f0: {  	[tilespmem:$0x1FA90] =	vst v2;
	v2 =	vld [tilespmem:$0x1FA80]  }
0x2f1: {  	v8 =	vld.idx.msk [tilespmem:v12+s28+$0x0], $0xffff  }
0x2f2: {  	v5 =	vld.idx.msk [tilespmem:v12+s26+$0x0], $0xffff  }
0x2f3: {  	v12 =	vor.u32 v32, v1;
	v6 =	vld.idx.msk [tilespmem:v10+s26+$0x0], $0xffff  }
0x2f4: {  	v9 =	vld.idx.msk [tilespmem:v10+s28+$0x0], $0xffff  }
0x2f5: {  	v3 =	vadd.f32 v3, v4;
	v4 =	vmul.f32 v7, v2;
	_ =	sdelay $0x1  }
0x2f6: {  	v5 =	vmul.f32 v8, v5;
	v2 =	vadd.f32 v4, v3  }
0x2f7: {  	v8 =	vld.idx.msk [tilespmem:v12+s28+$0x0], $0xffff  }
0x2f8: {  	v6 =	vmul.f32 v9, v6;
	v7 =	vld.idx.msk [tilespmem:v11+s28+$0x0], $0xffff;
	v2 =	vadd.f32 v5, v2  }
0x2f9: {  	v3 =	vld.idx.msk [tilespmem:v12+s26+$0x0], $0xffff  }
0x2fa: {  	v12 =	vor.u32 v19, v1;
	v4 =	vadd.f32 v6, v2;
	v2 =	vld [tilespmem:$0x1FA90];
	_ =	sdelay $0x4  }
0x2fb: {  	[tilespmem:$0x1FAA0] =	vst v3;
	v3 =	vmul.f32 v7, v2;
	v2 =	vld.idx.msk [tilespmem:v12+s26+$0x0], $0xffff  }
0x2fc: {  	v10 =	vor.u32 v18, v1;
	_ =	sdelay $0x1  }
0x2fd: {  	v11 =	vor.u32 v33, v1;
	_ =	sdelay $0x1  }
0x2fe: {  	[tilespmem:$0x1FAB0] =	vst v2;
	v2 =	vld [tilespmem:$0x1FAA0]  }
0x2ff: {  	v9 =	vld.idx.msk [tilespmem:v10+s28+$0x0], $0xffff  }
0x300: {  	v5 =	vld.idx.msk [tilespmem:v10+s26+$0x0], $0xffff  }
0x301: {  	v10 =	vor.u32 v34, v1;
	v6 =	vld.idx.msk [tilespmem:v11+s26+$0x0], $0xffff  }
0x302: {  	v7 =	vld.idx.msk [tilespmem:v11+s28+$0x0], $0xffff  }
0x303: {  	v3 =	vadd.f32 v3, v4;
	v4 =	vmul.f32 v8, v2;
	_ =	sdelay $0x1  }
0x304: {  	v5 =	vmul.f32 v9, v5;
	v2 =	vadd.f32 v4, v3  }
0x305: {  	v9 =	vld.idx.msk [tilespmem:v10+s28+$0x0], $0xffff  }
0x306: {  	v6 =	vmul.f32 v7, v6;
	v8 =	vld.idx.msk [tilespmem:v12+s28+$0x0], $0xffff;
	v2 =	vadd.f32 v5, v2  }
0x307: {  	v3 =	vld.idx.msk [tilespmem:v10+s26+$0x0], $0xffff  }
0x308: {  	v10 =	vor.u32 v35, v1;
	v4 =	vadd.f32 v6, v2;
	v2 =	vld [tilespmem:$0x1FAB0];
	_ =	sdelay $0x4  }
0x309: {  	[tilespmem:$0x1FAC0] =	vst v3;
	v3 =	vmul.f32 v8, v2;
	v2 =	vld.idx.msk [tilespmem:v10+s26+$0x0], $0xffff  }
0x30a: {  	v11 =	vor.u32 v20, v1;
	_ =	sdelay $0x1  }
0x30b: {  	v12 =	vor.u32 v21, v1;
	_ =	sdelay $0x1  }
0x30c: {  	[tilespmem:$0x1FAD0] =	vst v2;
	v2 =	vld [tilespmem:$0x1FAC0]  }
0x30d: {  	v7 =	vld.idx.msk [tilespmem:v11+s28+$0x0], $0xffff  }
0x30e: {  	v5 =	vld.idx.msk [tilespmem:v11+s26+$0x0], $0xffff  }
0x30f: {  	v11 =	vor.u32 v22, v1;
	v6 =	vld.idx.msk [tilespmem:v12+s26+$0x0], $0xffff  }
0x310: {  	v8 =	vld.idx.msk [tilespmem:v12+s28+$0x0], $0xffff  }
0x311: {  	v3 =	vadd.f32 v3, v4;
	v4 =	vmul.f32 v9, v2;
	_ =	sdelay $0x1  }
0x312: {  	v5 =	vmul.f32 v7, v5;
	v2 =	vadd.f32 v4, v3  }
0x313: {  	v7 =	vld.idx.msk [tilespmem:v11+s28+$0x0], $0xffff  }
0x314: {  	v6 =	vmul.f32 v8, v6;
	v9 =	vld.idx.msk [tilespmem:v10+s28+$0x0], $0xffff;
	v2 =	vadd.f32 v5, v2  }
0x315: {  	v3 =	vld.idx.msk [tilespmem:v11+s26+$0x0], $0xffff  }
0x316: {  	v11 =	vor.u32 v24, v1;
	v4 =	vadd.f32 v6, v2;
	v2 =	vld [tilespmem:$0x1FAD0];
	_ =	sdelay $0x4  }
0x317: {  	[tilespmem:$0x1FAE0] =	vst v3;
	v3 =	vmul.f32 v9, v2;
	v2 =	vld.idx.msk [tilespmem:v11+s26+$0x0], $0xffff;
	_ =	sdelay $0x1  }
0x318: {  	v12 =	vor.u32 v36, v1;
	_ =	sdelay $0x1  }
0x319: {  	v10 =	vor.u32 v23, v1  }
0x31a: {  	[tilespmem:$0x1FAF0] =	vst v2;
	v2 =	vld [tilespmem:$0x1FAE0];
	_ =	sdelay $0x1  }
0x31b: {  	v8 =	vld.idx.msk [tilespmem:v12+s28+$0x0], $0xffff  }
0x31c: {  	v5 =	vld.idx.msk [tilespmem:v12+s26+$0x0], $0xffff;
	v12 =	vor.u32 v25, v1  }
0x31d: {  	v6 =	vld.idx.msk [tilespmem:v10+s26+$0x0], $0xffff  }
0x31e: {  	v9 =	vld.idx.msk [tilespmem:v10+s28+$0x0], $0xffff;
	v10 =	vor.u32 v26, v1;
	v3 =	vadd.f32 v3, v4;
	v4 =	vmul.f32 v7, v2  }
0x31f: {  	v7 =	vld.idx.msk [tilespmem:v11+s28+$0x0], $0xffff  }
0x320: {  	v11 =	vor.u32 v27, v1;
	v2 =	vadd.f32 v4, v3;
	v3 =	vld [tilespmem:$0x1FAF0]  }
0x321: {  	v5 =	vmul.f32 v8, v5;
	v8 =	vld.idx.msk [tilespmem:v12+s28+$0x0], $0xffff  }
0x322: {  	v4 =	vld.idx.msk [tilespmem:v12+s26+$0x0], $0xffff;
	v12 =	vor.u32 v39, v1  }
0x323: {  	v6 =	vmul.f32 v9, v6;
	v9 =	vld.idx.msk [tilespmem:v10+s28+$0x0], $0xffff;
	v2 =	vadd.f32 v5, v2  }
0x324: {  	v5 =	vld.idx.msk [tilespmem:v10+s26+$0x0], $0xffff;
	v10 =	vor.u32 v42, v1  }
0x325: {  	v2 =	vadd.f32 v6, v2;
	v6 =	vld.idx.msk [tilespmem:v11+s26+$0x0], $0xffff;
	v3 =	vmul.f32 v7, v3  }
0x326: {  	v7 =	vld.idx.msk [tilespmem:v11+s28+$0x0], $0xffff;
	v11 =	vor.u32 v43, v1  }
0x327: {  	v4 =	vmul.f32 v8, v4;
	v8 =	vld.idx.msk [tilespmem:v12+s28+$0x0], $0xffff;
	v2 =	vadd.f32 v3, v2  }
0x328: {  	v3 =	vld.idx.msk [tilespmem:v12+s26+$0x0], $0xffff;
	v12 =	vor.u32 v51, v1  }
0x329: {  	v5 =	vmul.f32 v9, v5;
	v9 =	vld.idx.msk [tilespmem:v10+s28+$0x0], $0xffff;
	v2 =	vadd.f32 v4, v2  }
0x32a: {  	v4 =	vld.idx.msk [tilespmem:v10+s26+$0x0], $0xffff;
	v10 =	vor.u32 v52, v1  }
0x32b: {  	v6 =	vmul.f32 v7, v6;
	v7 =	vld.idx.msk [tilespmem:v11+s28+$0x0], $0xffff;
	v2 =	vadd.f32 v5, v2  }
0x32c: {  	v5 =	vld.idx.msk [tilespmem:v11+s26+$0x0], $0xffff;
	v11 =	vor.u32 v37, v1  }
0x32d: {  	v3 =	vmul.f32 v8, v3;
	v8 =	vld.idx.msk [tilespmem:v12+s28+$0x0], $0xffff;
	v2 =	vadd.f32 v6, v2  }
0x32e: {  	v6 =	vld.idx.msk [tilespmem:v12+s26+$0x0], $0xffff;
	v12 =	vor.u32 v38, v1  }
0x32f: {  	v4 =	vmul.f32 v9, v4;
	v9 =	vld.idx.msk [tilespmem:v10+s28+$0x0], $0xffff;
	v2 =	vadd.f32 v3, v2  }
0x330: {  	v3 =	vld.idx.msk [tilespmem:v10+s26+$0x0], $0xffff;
	v10 =	vor.u32 v40, v1  }
0x331: {  	v5 =	vmul.f32 v7, v5;
	v7 =	vld.idx.msk [tilespmem:v11+s28+$0x0], $0xffff;
	v2 =	vadd.f32 v4, v2  }
0x332: {  	v4 =	vld.idx.msk [tilespmem:v11+s26+$0x0], $0xffff;
	v11 =	vor.u32 v41, v1  }
0x333: {  	v6 =	vmul.f32 v8, v6;
	v8 =	vld.idx.msk [tilespmem:v12+s28+$0x0], $0xffff;
	v2 =	vadd.f32 v5, v2  }
0x334: {  	v5 =	vld.idx.msk [tilespmem:v12+s26+$0x0], $0xffff;
	v12 =	vor.u32 v47, v1  }
0x335: {  	v3 =	vmul.f32 v9, v3;
	v9 =	vld.idx.msk [tilespmem:v10+s28+$0x0], $0xffff;
	v2 =	vadd.f32 v6, v2  }
0x336: {  	v6 =	vld.idx.msk [tilespmem:v10+s26+$0x0], $0xffff;
	v10 =	vor.u32 v48, v1  }
0x337: {  	v4 =	vmul.f32 v7, v4;
	v7 =	vld.idx.msk [tilespmem:v11+s28+$0x0], $0xffff;
	v2 =	vadd.f32 v3, v2  }
0x338: {  	v3 =	vld.idx.msk [tilespmem:v11+s26+$0x0], $0xffff;
	v11 =	vor.u32 v59, v1  }
0x339: {  	v5 =	vmul.f32 v8, v5;
	v8 =	vld.idx.msk [tilespmem:v12+s28+$0x0], $0xffff;
	v2 =	vadd.f32 v4, v2  }
0x33a: {  	v4 =	vld.idx.msk [tilespmem:v12+s26+$0x0], $0xffff;
	v12 =	vor.u32 v61, v1  }
0x33b: {  	v6 =	vmul.f32 v9, v6;
	v9 =	vld.idx.msk [tilespmem:v10+s28+$0x0], $0xffff;
	v2 =	vadd.f32 v5, v2  }
0x33c: {  	v5 =	vld.idx.msk [tilespmem:v10+s26+$0x0], $0xffff;
	v10 =	vor.u32 v44, v1  }
0x33d: {  	v3 =	vmul.f32 v7, v3;
	v7 =	vld.idx.msk [tilespmem:v11+s28+$0x0], $0xffff;
	v2 =	vadd.f32 v6, v2  }
0x33e: {  	v6 =	vld.idx.msk [tilespmem:v11+s26+$0x0], $0xffff;
	v11 =	vor.u32 v45, v1  }
0x33f: {  	v4 =	vmul.f32 v8, v4;
	v8 =	vld.idx.msk [tilespmem:v12+s28+$0x0], $0xffff;
	v2 =	vadd.f32 v3, v2  }
0x340: {  	v3 =	vld.idx.msk [tilespmem:v12+s26+$0x0], $0xffff;
	v12 =	vor.u32 v62, v1  }
0x341: {  	v5 =	vmul.f32 v9, v5;
	v9 =	vld.idx.msk [tilespmem:v10+s28+$0x0], $0xffff;
	v2 =	vadd.f32 v4, v2  }
0x342: {  	v4 =	vld.idx.msk [tilespmem:v10+s26+$0x0], $0xffff;
	v10 =	vor.u32 v50, v1  }
0x343: {  	v6 =	vmul.f32 v7, v6;
	v7 =	vld.idx.msk [tilespmem:v11+s28+$0x0], $0xffff;
	v2 =	vadd.f32 v5, v2  }
0x344: {  	v5 =	vld.idx.msk [tilespmem:v11+s26+$0x0], $0xffff;
	v11 =	vor.u32 v63, v1  }
0x345: {  	v3 =	vmul.f32 v8, v3;
	v8 =	vld.idx.msk [tilespmem:v12+s28+$0x0], $0xffff;
	v2 =	vadd.f32 v6, v2  }
0x346: {  	v6 =	vld.idx.msk [tilespmem:v12+s26+$0x0], $0xffff;
	v12 =	vor.u32 v46, v1  }
0x347: {  	v4 =	vmul.f32 v9, v4;
	v9 =	vld.idx.msk [tilespmem:v10+s28+$0x0], $0xffff;
	v2 =	vadd.f32 v3, v2  }
0x348: {  	v3 =	vld.idx.msk [tilespmem:v10+s26+$0x0], $0xffff;
	v10 =	vor.u32 v49, v1  }
0x349: {  	v5 =	vmul.f32 v7, v5;
	v7 =	vld.idx.msk [tilespmem:v11+s28+$0x0], $0xffff;
	v2 =	vadd.f32 v4, v2  }
0x34a: {  	v4 =	vld.idx.msk [tilespmem:v11+s26+$0x0], $0xffff;
	v11 =	vor.u32 v60, v1  }
0x34b: {  	v6 =	vmul.f32 v8, v6;
	v8 =	vld.idx.msk [tilespmem:v12+s28+$0x0], $0xffff;
	v2 =	vadd.f32 v5, v2  }
0x34c: {  	v5 =	vld.idx.msk [tilespmem:v12+s26+$0x0], $0xffff;
	v12 =	vor.u32 v53, v1  }
0x34d: {  	v3 =	vmul.f32 v9, v3;
	v9 =	vld.idx.msk [tilespmem:v10+s28+$0x0], $0xffff;
	v2 =	vadd.f32 v6, v2  }
0x34e: {  	v6 =	vld.idx.msk [tilespmem:v10+s26+$0x0], $0xffff;
	v10 =	vor.u32 v54, v1  }
0x34f: {  	v4 =	vmul.f32 v7, v4;
	v7 =	vld.idx.msk [tilespmem:v11+s28+$0x0], $0xffff;
	v2 =	vadd.f32 v3, v2  }
0x350: {  	v3 =	vld.idx.msk [tilespmem:v11+s26+$0x0], $0xffff;
	v11 =	vor.u32 v0, v1  }
0x351: {  	v5 =	vmul.f32 v8, v5;
	v8 =	vld.idx.msk [tilespmem:v12+s28+$0x0], $0xffff;
	v2 =	vadd.f32 v4, v2  }
0x352: {  	v4 =	vld.idx.msk [tilespmem:v12+s26+$0x0], $0xffff;
	v12 =	vor.u32 v55, v1  }
0x353: {  	v6 =	vmul.f32 v9, v6;
	v9 =	vld.idx.msk [tilespmem:v10+s28+$0x0], $0xffff;
	v2 =	vadd.f32 v5, v2  }
0x354: {  	v5 =	vld.idx.msk [tilespmem:v10+s26+$0x0], $0xffff;
	v10 =	vor.u32 v56, v1  }
0x355: {  	v3 =	vmul.f32 v7, v3;
	v7 =	vld.idx.msk [tilespmem:v11+s28+$0x0], $0xffff;
	v2 =	vadd.f32 v6, v2  }
0x356: {  	v6 =	vld.idx.msk [tilespmem:v11+s26+$0x0], $0xffff;
	v11 =	vor.u32 v57, v1  }
0x357: {  	v4 =	vmul.f32 v8, v4;
	v8 =	vld.idx.msk [tilespmem:v12+s28+$0x0], $0xffff;
	v2 =	vadd.f32 v3, v2  }
0x358: {  	v1 =	vor.u32 v58, v1;
	v3 =	vld.idx.msk [tilespmem:v12+s26+$0x0], $0xffff  }
0x359: {  	v12 =	vld.idx.msk [tilespmem:v10+s26+$0x0], $0xffff;
	v2 =	vadd.f32 v4, v2;
	v4 =	vmul.f32 v9, v5  }
0x35a: {  	v5 =	vld.idx.msk [tilespmem:v10+s28+$0x0], $0xffff  }
0x35b: {  	v9 =	vld.idx.msk [tilespmem:v11+s26+$0x0], $0xffff;
	v2 =	vadd.f32 v4, v2;
	v4 =	vmul.f32 v7, v6  }
0x35c: {  	v6 =	vld.idx.msk [tilespmem:v11+s28+$0x0], $0xffff  }
0x35d: {  	v7 =	vld.idx.msk [tilespmem:v1+s26+$0x0], $0xffff;
	v3 =	vmul.f32 v8, v3;
	v2 =	vadd.f32 v4, v2  }
0x35e: {  	v1 =	vld.idx.msk [tilespmem:v1+s28+$0x0], $0xffff  }
0x35f: {  	v2 =	vadd.f32 v3, v2;
	v3 =	vmul.f32 v5, v12;
	_ =	sdelay $0x1  }
0x360: {  	v2 =	vadd.f32 v3, v2;
	v3 =	vmul.f32 v6, v9;
	_ =	sdelay $0x1  }
0x361: {  	v1 =	vmul.f32 v1, v7;
	v2 =	vadd.f32 v3, v2;
	_ =	sdelay $0x1  }
0x362: {  	v1 =	vadd.f32 v1, v2  }
0x363: {  	s18 =	sadd.s32 $0x10, s18  }
0x364: {  	[tilespmem:s18+$0x0] =	vst v1  }
0x365: {  	[tilespmem:s26], [sflag:$0x1] =	stream.indirect.gather [hbm4b:s2+s13], $0x80, s17, s13, $0xb8;
	[tilespmem:$0x10A00] =	vst v63  }
0x366: {  	_ = 	snop  }
0x367: {  	[tilespmem:s28], [sflag:$0x1] =	stream.indirect.gather [hbm4b:s3+s13], $0x80, s19, s13, $0xb8;
	[tilespmem:$0x10A00] =	vst v63  }
0x368: {  	_ = 	snop  }
0x369: {  	[tilespmem:s29], [sflag:$0x1] =	stream.indirect.gather [hbm4b:s2+s13], $0x80, s21, s13, $0xb8;
	[tilespmem:$0x10A00] =	vst v63  }
0x36a: {  	_ = 	snop  }
0x36b: {  	[tilespmem:s30], [sflag:$0x1] =	stream.indirect.gather [hbm4b:s3+s13], $0x80, s23, s13, $0xb8;
	[tilespmem:$0x10A00] =	vst v63  }
0x36c: {  	_ =	swait.ge [sflag:s31], $0x4000  }
0x36d: {  	[sflag:s31] =	ssyncset.done $0x0  }
0x36e: {  	[sflag:s31] =	ssyncadd.s32 $0xFFFFC000  }
0x36f: {  	_ =	swait.ge [sflag:s31], $0x4000  }
0x370: {  	[sflag:s31] =	ssyncset.done $0x0  }
0x371: {  	[sflag:s31] =	ssyncadd.s32 $0xFFFFC000  }
0x372: {  	_ =	swait.ge [sflag:s31], $0x4000  }
0x373: {  	[sflag:s31] =	ssyncset.done $0x0  }
0x374: {  	s20 =	simm.s32 $0x0;
	[sflag:s31] =	ssyncadd.s32 $0xFFFFC000  }
0x375: {  	v1 =	vmov s20;
	_ =	swait.ge [sflag:s31], $0x4000  }
0x376: {  	v1 =	vshll.u32 v1, $0x7;
	v3 =	vld [tilespmem:$0x1FCD0]  }
0x377: {  	v1 =	vor.u32 v14, v1;
	[sflag:s31] =	ssyncset.done $0x0;
	v5 =	vld [tilespmem:$0x1FCE0]  }
0x378: {  	s16 =	simm.s32 $0x10700;
	v2 =	vor.u32 v13, v1;
	v8 =	vld [tilespmem:$0x1FCF0];
	[sflag:s31] =	ssyncadd.s32 $0xFFFFC000  }
0x379: {  	s18 =	simm.s32 $0x10500;
	v4 =	vld [tilespmem:s16+$0x0]  }
0x37a: {  	v6 =	vld [tilespmem:s18+$0x0]  }
0x37b: {  	v3 =	vor.u32 v3, v1  }
0x37c: {  	v10 =	vld [tilespmem:$0x1FD00]  }
0x37d: {  	v7 =	vld.idx.msk [tilespmem:v2+s26+$0x0], $0xffff;
	v5 =	vor.u32 v5, v1  }
0x37e: {  	v2 =	vld.idx.msk [tilespmem:v2+s28+$0x0], $0xffff  }
0x37f: {  	v8 =	vor.u32 v8, v1;
	v4 =	vadd.f32 v4, v6;
	v6 =	vld [tilespmem:$0x1FD10]  }
0x380: {  	v9 =	vld.idx.msk [tilespmem:v3+s26+$0x0], $0xffff  }
0x381: {  	v3 =	vld.idx.msk [tilespmem:v3+s28+$0x0], $0xffff  }
0x382: {  	v10 =	vor.u32 v10, v1;
	v11 =	vld.idx.msk [tilespmem:v5+s26+$0x0], $0xffff  }
0x383: {  	v5 =	vld.idx.msk [tilespmem:v5+s28+$0x0], $0xffff  }
0x384: {  	v12 =	vld.idx.msk [tilespmem:v8+s26+$0x0], $0xffff  }
0x385: {  	v2 =	vmul.f32 v2, v7;
	v4 =	vadd.f32 $3.500000000e+00, v4;
	v7 =	vld.idx.msk [tilespmem:v8+s28+$0x0], $0xffff  }
0x386: {  	v8 =	vld [tilespmem:$0x1FD20]  }
0x387: {  	v2 =	vadd.f32 v2, v4;
	v4 =	vld.idx.msk [tilespmem:v10+s26+$0x0], $0xffff  }
0x388: {  	v3 =	vmul.f32 v3, v9;
	v9 =	vld.idx.msk [tilespmem:v10+s28+$0x0], $0xffff  }
0x389: {  	v10 =	vld [tilespmem:$0x1FD30]  }
0x38a: {  	v6 =	vor.u32 v6, v1;
	_ =	sdelay $0x1  }
0x38b: {  	v8 =	vor.u32 v8, v1;
	v5 =	vmul.f32 v5, v11;
	v11 =	vld [tilespmem:$0x1FD40];
	_ =	sdelay $0x1  }
0x38c: {  	v7 =	vmul.f32 v7, v12;
	v12 =	vld [tilespmem:$0x1FD50];
	v10 =	vor.u32 v10, v1  }
0x38d: {  	v2 =	vadd.f32 v3, v2;
	v3 =	vld.idx.msk [tilespmem:v6+s26+$0x0], $0xffff  }
0x38e: {  	v6 =	vld.idx.msk [tilespmem:v6+s28+$0x0], $0xffff  }
0x38f: {  	v2 =	vadd.f32 v5, v2;
	v11 =	vor.u32 v11, v1;
	v5 =	vld.idx.msk [tilespmem:v8+s26+$0x0], $0xffff  }
0x390: {  	v8 =	vld.idx.msk [tilespmem:v8+s28+$0x0], $0xffff  }
0x391: {  	v2 =	vadd.f32 v7, v2;
	v7 =	vld.idx.msk [tilespmem:v10+s26+$0x0], $0xffff  }
0x392: {  	v4 =	vmul.f32 v9, v4;
	v9 =	vld.idx.msk [tilespmem:v10+s28+$0x0], $0xffff  }
0x393: {  	v10 =	vld [tilespmem:$0x1FD60]  }
0x394: {  	v2 =	vadd.f32 v4, v2;
	v4 =	vld.idx.msk [tilespmem:v11+s26+$0x0], $0xffff  }
0x395: {  	v12 =	vor.u32 v12, v1;
	v3 =	vmul.f32 v6, v3;
	v6 =	vld.idx.msk [tilespmem:v11+s28+$0x0], $0xffff  }
0x396: {  	v11 =	vld [tilespmem:$0x1FD70];
	_ =	sdelay $0x1  }
0x397: {  	v10 =	vor.u32 v10, v1;
	_ =	sdelay $0x1  }
0x398: {  	v2 =	vadd.f32 v3, v2;
	v3 =	vld.idx.msk [tilespmem:v12+s26+$0x0], $0xffff  }
0x399: {  	v5 =	vmul.f32 v8, v5;
	v8 =	vld.idx.msk [tilespmem:v12+s28+$0x0], $0xffff;
	v11 =	vor.u32 v11, v1  }
0x39a: {  	v12 =	vld [tilespmem:$0x1FD80]  }
0x39b: {  	v2 =	vadd.f32 v5, v2;
	v5 =	vld.idx.msk [tilespmem:v10+s26+$0x0], $0xffff  }
0x39c: {  	v7 =	vmul.f32 v9, v7;
	v9 =	vld.idx.msk [tilespmem:v10+s28+$0x0], $0xffff  }
0x39d: {  	v10 =	vld [tilespmem:$0x1FD90]  }
0x39e: {  	v2 =	vadd.f32 v7, v2;
	v7 =	vld.idx.msk [tilespmem:v11+s26+$0x0], $0xffff  }
0x39f: {  	v12 =	vor.u32 v12, v1;
	v4 =	vmul.f32 v6, v4;
	v6 =	vld.idx.msk [tilespmem:v11+s28+$0x0], $0xffff  }
0x3a0: {  	v11 =	vld [tilespmem:$0x1FE90];
	_ =	sdelay $0x1  }
0x3a1: {  	v10 =	vor.u32 v10, v1;
	_ =	sdelay $0x1  }
0x3a2: {  	v2 =	vadd.f32 v4, v2;
	v4 =	vld.idx.msk [tilespmem:v12+s26+$0x0], $0xffff  }
0x3a3: {  	v3 =	vmul.f32 v8, v3;
	v8 =	vld.idx.msk [tilespmem:v12+s28+$0x0], $0xffff;
	v11 =	vor.u32 v11, v1  }
0x3a4: {  	v12 =	vld [tilespmem:$0x1FEA0]  }
0x3a5: {  	v2 =	vadd.f32 v3, v2;
	v3 =	vld.idx.msk [tilespmem:v10+s26+$0x0], $0xffff  }
0x3a6: {  	v5 =	vmul.f32 v9, v5;
	v9 =	vld.idx.msk [tilespmem:v10+s28+$0x0], $0xffff  }
0x3a7: {  	v10 =	vld [tilespmem:$0x1FEB0]  }
0x3a8: {  	v2 =	vadd.f32 v5, v2;
	v5 =	vld.idx.msk [tilespmem:v11+s26+$0x0], $0xffff  }
0x3a9: {  	v12 =	vor.u32 v12, v1;
	v6 =	vmul.f32 v6, v7;
	v7 =	vld.idx.msk [tilespmem:v11+s28+$0x0], $0xffff  }
0x3aa: {  	v11 =	vld [tilespmem:$0x1FEC0];
	_ =	sdelay $0x1  }
0x3ab: {  	v10 =	vor.u32 v10, v1;
	_ =	sdelay $0x1  }
0x3ac: {  	v2 =	vadd.f32 v6, v2;
	v6 =	vld.idx.msk [tilespmem:v12+s26+$0x0], $0xffff  }
0x3ad: {  	v4 =	vmul.f32 v8, v4;
	v8 =	vld.idx.msk [tilespmem:v12+s28+$0x0], $0xffff;
	v11 =	vor.u32 v11, v1  }
0x3ae: {  	v12 =	vld [tilespmem:$0x1FED0]  }
0x3af: {  	v2 =	vadd.f32 v4, v2;
	v4 =	vld.idx.msk [tilespmem:v10+s26+$0x0], $0xffff  }
0x3b0: {  	v3 =	vmul.f32 v9, v3;
	v9 =	vld.idx.msk [tilespmem:v10+s28+$0x0], $0xffff  }
0x3b1: {  	v10 =	vld [tilespmem:$0x1FEE0]  }
0x3b2: {  	v2 =	vadd.f32 v3, v2;
	v3 =	vld.idx.msk [tilespmem:v11+s26+$0x0], $0xffff  }
0x3b3: {  	v12 =	vor.u32 v12, v1;
	v5 =	vmul.f32 v7, v5;
	v7 =	vld.idx.msk [tilespmem:v11+s28+$0x0], $0xffff  }
0x3b4: {  	v11 =	vld [tilespmem:$0x1FEF0];
	_ =	sdelay $0x1  }
0x3b5: {  	v10 =	vor.u32 v10, v1;
	_ =	sdelay $0x1  }
0x3b6: {  	v2 =	vadd.f32 v5, v2;
	v5 =	vld.idx.msk [tilespmem:v12+s26+$0x0], $0xffff  }
0x3b7: {  	v6 =	vmul.f32 v8, v6;
	v8 =	vld.idx.msk [tilespmem:v12+s28+$0x0], $0xffff;
	v11 =	vor.u32 v11, v1  }
0x3b8: {  	v12 =	vld [tilespmem:$0x1FF00]  }
0x3b9: {  	v2 =	vadd.f32 v6, v2;
	v6 =	vld.idx.msk [tilespmem:v10+s26+$0x0], $0xffff  }
0x3ba: {  	v4 =	vmul.f32 v9, v4;
	v9 =	vld.idx.msk [tilespmem:v10+s28+$0x0], $0xffff  }
0x3bb: {  	v10 =	vld [tilespmem:$0x1FF10]  }
0x3bc: {  	v2 =	vadd.f32 v4, v2;
	v4 =	vld.idx.msk [tilespmem:v11+s26+$0x0], $0xffff  }
0x3bd: {  	v12 =	vor.u32 v12, v1;
	v3 =	vmul.f32 v7, v3;
	v7 =	vld.idx.msk [tilespmem:v11+s28+$0x0], $0xffff  }
0x3be: {  	v11 =	vld [tilespmem:$0x1FF20];
	_ =	sdelay $0x1  }
0x3bf: {  	v10 =	vor.u32 v10, v1;
	_ =	sdelay $0x1  }
0x3c0: {  	v2 =	vadd.f32 v3, v2;
	v3 =	vld.idx.msk [tilespmem:v12+s26+$0x0], $0xffff  }
0x3c1: {  	v5 =	vmul.f32 v8, v5;
	v8 =	vld.idx.msk [tilespmem:v12+s28+$0x0], $0xffff;
	v11 =	vor.u32 v11, v1  }
0x3c2: {  	v12 =	vld [tilespmem:$0x1FF30]  }
0x3c3: {  	v2 =	vadd.f32 v5, v2;
	v5 =	vld.idx.msk [tilespmem:v10+s26+$0x0], $0xffff  }
0x3c4: {  	v6 =	vmul.f32 v9, v6;
	v9 =	vld.idx.msk [tilespmem:v10+s28+$0x0], $0xffff  }
0x3c5: {  	v10 =	vld [tilespmem:$0x1FF40]  }
0x3c6: {  	v2 =	vadd.f32 v6, v2;
	v6 =	vld.idx.msk [tilespmem:v11+s26+$0x0], $0xffff  }
0x3c7: {  	v12 =	vor.u32 v12, v1;
	v4 =	vmul.f32 v7, v4;
	v7 =	vld.idx.msk [tilespmem:v11+s28+$0x0], $0xffff  }
0x3c8: {  	v11 =	vld [tilespmem:$0x1FF50];
	_ =	sdelay $0x1  }
0x3c9: {  	v10 =	vor.u32 v10, v1;
	_ =	sdelay $0x1  }
0x3ca: {  	v2 =	vadd.f32 v4, v2;
	v4 =	vld.idx.msk [tilespmem:v12+s26+$0x0], $0xffff  }
0x3cb: {  	v3 =	vmul.f32 v8, v3;
	v8 =	vld.idx.msk [tilespmem:v12+s28+$0x0], $0xffff;
	v11 =	vor.u32 v11, v1  }
0x3cc: {  	v12 =	vld [tilespmem:$0x1FF60]  }
0x3cd: {  	v2 =	vadd.f32 v3, v2;
	v3 =	vld.idx.msk [tilespmem:v10+s26+$0x0], $0xffff  }
0x3ce: {  	v5 =	vmul.f32 v9, v5;
	v9 =	vld.idx.msk [tilespmem:v10+s28+$0x0], $0xffff  }
0x3cf: {  	v10 =	vld [tilespmem:$0x1FF70]  }
0x3d0: {  	v2 =	vadd.f32 v5, v2;
	v5 =	vld.idx.msk [tilespmem:v11+s26+$0x0], $0xffff  }
0x3d1: {  	v12 =	vor.u32 v12, v1;
	v6 =	vmul.f32 v7, v6;
	v7 =	vld.idx.msk [tilespmem:v11+s28+$0x0], $0xffff  }
0x3d2: {  	v11 =	vld [tilespmem:$0x1FF80];
	_ =	sdelay $0x1  }
0x3d3: {  	v10 =	vor.u32 v10, v1;
	_ =	sdelay $0x1  }
0x3d4: {  	v2 =	vadd.f32 v6, v2;
	v6 =	vld.idx.msk [tilespmem:v12+s26+$0x0], $0xffff  }
0x3d5: {  	v4 =	vmul.f32 v8, v4;
	v8 =	vld.idx.msk [tilespmem:v12+s28+$0x0], $0xffff;
	v11 =	vor.u32 v11, v1  }
0x3d6: {  	v12 =	vld [tilespmem:$0x1FF90]  }
0x3d7: {  	v2 =	vadd.f32 v4, v2;
	v4 =	vld.idx.msk [tilespmem:v10+s26+$0x0], $0xffff  }
0x3d8: {  	v3 =	vmul.f32 v9, v3;
	v9 =	vld.idx.msk [tilespmem:v10+s28+$0x0], $0xffff  }
0x3d9: {  	v10 =	vld [tilespmem:$0x1FFA0]  }
0x3da: {  	v2 =	vadd.f32 v3, v2;
	v3 =	vld.idx.msk [tilespmem:v11+s26+$0x0], $0xffff  }
0x3db: {  	v12 =	vor.u32 v12, v1;
	v5 =	vmul.f32 v7, v5;
	v7 =	vld.idx.msk [tilespmem:v11+s28+$0x0], $0xffff  }
0x3dc: {  	v11 =	vld [tilespmem:$0x1FFB0];
	_ =	sdelay $0x1  }
0x3dd: {  	v10 =	vor.u32 v10, v1;
	_ =	sdelay $0x1  }
0x3de: {  	v2 =	vadd.f32 v5, v2;
	v5 =	vld.idx.msk [tilespmem:v12+s26+$0x0], $0xffff  }
0x3df: {  	v6 =	vmul.f32 v8, v6;
	v8 =	vld.idx.msk [tilespmem:v12+s28+$0x0], $0xffff;
	v11 =	vor.u32 v11, v1  }
0x3e0: {  	v12 =	vld [tilespmem:$0x1FFC0]  }
0x3e1: {  	v2 =	vadd.f32 v6, v2;
	v6 =	vld.idx.msk [tilespmem:v10+s26+$0x0], $0xffff  }
0x3e2: {  	v4 =	vmul.f32 v9, v4;
	v9 =	vld.idx.msk [tilespmem:v10+s28+$0x0], $0xffff  }
0x3e3: {  	v10 =	vld [tilespmem:$0x1FFD0]  }
0x3e4: {  	v2 =	vadd.f32 v4, v2;
	v4 =	vld.idx.msk [tilespmem:v11+s26+$0x0], $0xffff  }
0x3e5: {  	v3 =	vmul.f32 v7, v3;
	v7 =	vld.idx.msk [tilespmem:v11+s28+$0x0], $0xffff  }
0x3e6: {  	v11 =	vld [tilespmem:$0x1FFE0]  }
0x3e7: {  	v12 =	vor.u32 v12, v1;
	_ =	sdelay $0x1  }
0x3e8: {  	v10 =	vor.u32 v10, v1;
	_ =	sdelay $0x1  }
0x3e9: {  	v11 =	vor.u32 v11, v1  }
0x3ea: {  	v5 =	vmul.f32 v8, v5;
	v2 =	vadd.f32 v3, v2;
	v3 =	vld.idx.msk [tilespmem:v12+s26+$0x0], $0xffff  }
0x3eb: {  	v8 =	vld.idx.msk [tilespmem:v12+s28+$0x0], $0xffff;
	v12 =	vor.u32 v39, v1  }
0x3ec: {  	v2 =	vadd.f32 v5, v2;
	v6 =	vmul.f32 v9, v6;
	v5 =	vld.idx.msk [tilespmem:v10+s26+$0x0], $0xffff  }
0x3ed: {  	v9 =	vld.idx.msk [tilespmem:v10+s28+$0x0], $0xffff;
	v10 =	vor.u32 v42, v1  }
0x3ee: {  	v4 =	vmul.f32 v7, v4;
	v2 =	vadd.f32 v6, v2;
	v6 =	vld.idx.msk [tilespmem:v11+s26+$0x0], $0xffff  }
0x3ef: {  	v7 =	vld.idx.msk [tilespmem:v11+s28+$0x0], $0xffff;
	v11 =	vor.u32 v43, v1  }
0x3f0: {  	v3 =	vmul.f32 v8, v3;
	v8 =	vld.idx.msk [tilespmem:v12+s28+$0x0], $0xffff;
	v2 =	vadd.f32 v4, v2  }
0x3f1: {  	v4 =	vld.idx.msk [tilespmem:v12+s26+$0x0], $0xffff;
	v12 =	vor.u32 v51, v1  }
0x3f2: {  	v2 =	vadd.f32 v3, v2;
	v3 =	vld.idx.msk [tilespmem:v10+s26+$0x0], $0xffff;
	v5 =	vmul.f32 v9, v5  }
0x3f3: {  	v9 =	vld.idx.msk [tilespmem:v10+s28+$0x0], $0xffff;
	v10 =	vor.u32 v52, v1  }
0x3f4: {  	v6 =	vmul.f32 v7, v6;
	v7 =	vld.idx.msk [tilespmem:v11+s28+$0x0], $0xffff;
	v2 =	vadd.f32 v5, v2  }
0x3f5: {  	v5 =	vld.idx.msk [tilespmem:v11+s26+$0x0], $0xffff;
	v11 =	vor.u32 v37, v1  }
0x3f6: {  	v4 =	vmul.f32 v8, v4;
	v8 =	vld.idx.msk [tilespmem:v12+s28+$0x0], $0xffff;
	v2 =	vadd.f32 v6, v2  }
0x3f7: {  	v6 =	vld.idx.msk [tilespmem:v12+s26+$0x0], $0xffff;
	v12 =	vor.u32 v38, v1  }
0x3f8: {  	v3 =	vmul.f32 v9, v3;
	v9 =	vld.idx.msk [tilespmem:v10+s28+$0x0], $0xffff;
	v2 =	vadd.f32 v4, v2  }
0x3f9: {  	v4 =	vld.idx.msk [tilespmem:v10+s26+$0x0], $0xffff;
	v10 =	vor.u32 v40, v1  }
0x3fa: {  	v5 =	vmul.f32 v7, v5;
	v7 =	vld.idx.msk [tilespmem:v11+s28+$0x0], $0xffff;
	v2 =	vadd.f32 v3, v2  }
0x3fb: {  	v3 =	vld.idx.msk [tilespmem:v11+s26+$0x0], $0xffff;
	v11 =	vor.u32 v41, v1  }
0x3fc: {  	v6 =	vmul.f32 v8, v6;
	v8 =	vld.idx.msk [tilespmem:v12+s28+$0x0], $0xffff;
	v2 =	vadd.f32 v5, v2  }
0x3fd: {  	v5 =	vld.idx.msk [tilespmem:v12+s26+$0x0], $0xffff;
	v12 =	vor.u32 v47, v1  }
0x3fe: {  	v4 =	vmul.f32 v9, v4;
	v9 =	vld.idx.msk [tilespmem:v10+s28+$0x0], $0xffff;
	v2 =	vadd.f32 v6, v2  }
0x3ff: {  	v6 =	vld.idx.msk [tilespmem:v10+s26+$0x0], $0xffff;
	v10 =	vor.u32 v48, v1  }
0x400: {  	v3 =	vmul.f32 v7, v3;
	v7 =	vld.idx.msk [tilespmem:v11+s28+$0x0], $0xffff;
	v2 =	vadd.f32 v4, v2  }
0x401: {  	v4 =	vld.idx.msk [tilespmem:v11+s26+$0x0], $0xffff;
	v11 =	vor.u32 v59, v1  }
0x402: {  	v5 =	vmul.f32 v8, v5;
	v8 =	vld.idx.msk [tilespmem:v12+s28+$0x0], $0xffff;
	v2 =	vadd.f32 v3, v2  }
0x403: {  	v3 =	vld.idx.msk [tilespmem:v12+s26+$0x0], $0xffff;
	v12 =	vor.u32 v61, v1  }
0x404: {  	v6 =	vmul.f32 v9, v6;
	v9 =	vld.idx.msk [tilespmem:v10+s28+$0x0], $0xffff;
	v2 =	vadd.f32 v5, v2  }
0x405: {  	v5 =	vld.idx.msk [tilespmem:v10+s26+$0x0], $0xffff;
	v10 =	vor.u32 v44, v1  }
0x406: {  	v4 =	vmul.f32 v7, v4;
	v7 =	vld.idx.msk [tilespmem:v11+s28+$0x0], $0xffff;
	v2 =	vadd.f32 v6, v2  }
0x407: {  	v6 =	vld.idx.msk [tilespmem:v11+s26+$0x0], $0xffff;
	v11 =	vor.u32 v45, v1  }
0x408: {  	v3 =	vmul.f32 v8, v3;
	v8 =	vld.idx.msk [tilespmem:v12+s28+$0x0], $0xffff;
	v2 =	vadd.f32 v4, v2  }
0x409: {  	v4 =	vld.idx.msk [tilespmem:v12+s26+$0x0], $0xffff;
	v12 =	vor.u32 v62, v1  }
0x40a: {  	v5 =	vmul.f32 v9, v5;
	v9 =	vld.idx.msk [tilespmem:v10+s28+$0x0], $0xffff;
	v2 =	vadd.f32 v3, v2  }
0x40b: {  	v3 =	vld.idx.msk [tilespmem:v10+s26+$0x0], $0xffff;
	v10 =	vor.u32 v50, v1  }
0x40c: {  	v6 =	vmul.f32 v7, v6;
	v7 =	vld.idx.msk [tilespmem:v11+s28+$0x0], $0xffff;
	v2 =	vadd.f32 v5, v2  }
0x40d: {  	v5 =	vld.idx.msk [tilespmem:v11+s26+$0x0], $0xffff;
	v11 =	vor.u32 v63, v1  }
0x40e: {  	v4 =	vmul.f32 v8, v4;
	v8 =	vld.idx.msk [tilespmem:v12+s28+$0x0], $0xffff;
	v2 =	vadd.f32 v6, v2  }
0x40f: {  	v6 =	vld.idx.msk [tilespmem:v12+s26+$0x0], $0xffff;
	v12 =	vor.u32 v46, v1  }
0x410: {  	v3 =	vmul.f32 v9, v3;
	v9 =	vld.idx.msk [tilespmem:v10+s28+$0x0], $0xffff;
	v2 =	vadd.f32 v4, v2  }
0x411: {  	v4 =	vld.idx.msk [tilespmem:v10+s26+$0x0], $0xffff;
	v10 =	vor.u32 v49, v1  }
0x412: {  	v5 =	vmul.f32 v7, v5;
	v7 =	vld.idx.msk [tilespmem:v11+s28+$0x0], $0xffff;
	v2 =	vadd.f32 v3, v2  }
0x413: {  	v3 =	vld.idx.msk [tilespmem:v11+s26+$0x0], $0xffff;
	v11 =	vor.u32 v60, v1  }
0x414: {  	v6 =	vmul.f32 v8, v6;
	v8 =	vld.idx.msk [tilespmem:v12+s28+$0x0], $0xffff;
	v2 =	vadd.f32 v5, v2  }
0x415: {  	v5 =	vld.idx.msk [tilespmem:v12+s26+$0x0], $0xffff;
	v12 =	vor.u32 v53, v1  }
0x416: {  	v4 =	vmul.f32 v9, v4;
	v9 =	vld.idx.msk [tilespmem:v10+s28+$0x0], $0xffff;
	v2 =	vadd.f32 v6, v2  }
0x417: {  	v6 =	vld.idx.msk [tilespmem:v10+s26+$0x0], $0xffff;
	v10 =	vor.u32 v54, v1  }
0x418: {  	v3 =	vmul.f32 v7, v3;
	v7 =	vld.idx.msk [tilespmem:v11+s28+$0x0], $0xffff;
	v2 =	vadd.f32 v4, v2  }
0x419: {  	v4 =	vld.idx.msk [tilespmem:v11+s26+$0x0], $0xffff;
	v11 =	vor.u32 v0, v1  }
0x41a: {  	v5 =	vmul.f32 v8, v5;
	v8 =	vld.idx.msk [tilespmem:v12+s28+$0x0], $0xffff;
	v2 =	vadd.f32 v3, v2  }
0x41b: {  	v3 =	vld.idx.msk [tilespmem:v12+s26+$0x0], $0xffff;
	v12 =	vor.u32 v55, v1  }
0x41c: {  	v6 =	vmul.f32 v9, v6;
	v9 =	vld.idx.msk [tilespmem:v10+s28+$0x0], $0xffff;
	v2 =	vadd.f32 v5, v2  }
0x41d: {  	v5 =	vld.idx.msk [tilespmem:v10+s26+$0x0], $0xffff;
	v10 =	vor.u32 v56, v1  }
0x41e: {  	v4 =	vmul.f32 v7, v4;
	v7 =	vld.idx.msk [tilespmem:v11+s28+$0x0], $0xffff;
	v2 =	vadd.f32 v6, v2  }
0x41f: {  	v6 =	vld.idx.msk [tilespmem:v11+s26+$0x0], $0xffff;
	v11 =	vor.u32 v57, v1  }
0x420: {  	v3 =	vmul.f32 v8, v3;
	v8 =	vld.idx.msk [tilespmem:v12+s28+$0x0], $0xffff;
	v2 =	vadd.f32 v4, v2  }
0x421: {  	v1 =	vor.u32 v58, v1;
	v4 =	vld.idx.msk [tilespmem:v12+s26+$0x0], $0xffff  }
0x422: {  	v12 =	vld.idx.msk [tilespmem:v10+s26+$0x0], $0xffff;
	v2 =	vadd.f32 v3, v2;
	v3 =	vmul.f32 v9, v5  }
0x423: {  	v5 =	vld.idx.msk [tilespmem:v10+s28+$0x0], $0xffff  }
0x424: {  	v9 =	vld.idx.msk [tilespmem:v11+s26+$0x0], $0xffff;
	v2 =	vadd.f32 v3, v2;
	v3 =	vmul.f32 v7, v6  }
0x425: {  	v6 =	vld.idx.msk [tilespmem:v11+s28+$0x0], $0xffff  }
0x426: {  	v7 =	vld.idx.msk [tilespmem:v1+s26+$0x0], $0xffff;
	v2 =	vadd.f32 v3, v2;
	v3 =	vmul.f32 v8, v4  }
0x427: {  	v1 =	vld.idx.msk [tilespmem:v1+s28+$0x0], $0xffff  }
0x428: {  	v2 =	vadd.f32 v3, v2;
	v3 =	vmul.f32 v5, v12;
	_ =	sdelay $0x1  }
0x429: {  	s20 =	simm.s32 $0x10;
	v2 =	vadd.f32 v3, v2;
	v3 =	vmul.f32 v6, v9  }
0x42a: {  	v4 =	vmov s20;
	v5 =	vld [tilespmem:$0x1FCE0]  }
0x42b: {  	v4 =	vshll.u32 v4, $0x7;
	v2 =	vadd.f32 v3, v2;
	v3 =	vmul.f32 v1, v7  }
0x42c: {  	v8 =	vld [tilespmem:$0x1FCF0];
	v1 =	vor.u32 v14, v4  }
0x42d: {  	v4 =	vor.u32 v13, v1;
	v2 =	vadd.f32 v3, v2  }
0x42e: {  	s14 =	simm.s32 $0x10900;
	v10 =	vld [tilespmem:$0x1FD00]  }
0x42f: {  	s16 =	simm.s32 $0x10710;
	v5 =	vor.u32 v5, v1;
	v3 =	vld [tilespmem:$0x1FCD0];
	[tilespmem:s14+$0x0] =	vst v2  }
0x430: {  	s18 =	simm.s32 $0x10510;
	v2 =	vld [tilespmem:s16+$0x0]  }
0x431: {  	v8 =	vor.u32 v8, v1;
	v6 =	vld [tilespmem:s18+$0x0]  }
0x432: {  	v7 =	vld.idx.msk [tilespmem:v4+s26+$0x0], $0xffff  }
0x433: {  	v4 =	vld.idx.msk [tilespmem:v4+s28+$0x0], $0xffff  }
0x434: {  	v11 =	vld.idx.msk [tilespmem:v5+s26+$0x0], $0xffff;
	v3 =	vor.u32 v3, v1  }
0x435: {  	v5 =	vld.idx.msk [tilespmem:v5+s28+$0x0], $0xffff  }
0x436: {  	v12 =	vld.idx.msk [tilespmem:v8+s26+$0x0], $0xffff  }
0x437: {  	v2 =	vadd.f32 v2, v6;
	v6 =	vld [tilespmem:$0x1FD10]  }
0x438: {  	v4 =	vmul.f32 v4, v7;
	v7 =	vld.idx.msk [tilespmem:v8+s28+$0x0], $0xffff  }
0x439: {  	v10 =	vor.u32 v10, v1;
	v9 =	vld.idx.msk [tilespmem:v3+s26+$0x0], $0xffff  }
0x43a: {  	v3 =	vld.idx.msk [tilespmem:v3+s28+$0x0], $0xffff  }
0x43b: {  	v8 =	vld [tilespmem:$0x1FD20]  }
0x43c: {  	v2 =	vadd.f32 $3.500000000e+00, v2  }
0x43d: {  	v5 =	vmul.f32 v5, v11;
	v11 =	vld [tilespmem:$0x1FD40];
	v6 =	vor.u32 v6, v1  }
0x43e: {  	v2 =	vadd.f32 v4, v2;
	v4 =	vld.idx.msk [tilespmem:v10+s26+$0x0], $0xffff  }
0x43f: {  	v3 =	vmul.f32 v3, v9;
	v9 =	vld.idx.msk [tilespmem:v10+s28+$0x0], $0xffff  }
0x440: {  	v8 =	vor.u32 v8, v1;
	v10 =	vld [tilespmem:$0x1FD30]  }
0x441: {  	v2 =	vadd.f32 v3, v2  }
0x442: {  	v11 =	vor.u32 v11, v1;
	v3 =	vld.idx.msk [tilespmem:v6+s26+$0x0], $0xffff  }
0x443: {  	v7 =	vmul.f32 v7, v12;
	v6 =	vld.idx.msk [tilespmem:v6+s28+$0x0], $0xffff;
	v2 =	vadd.f32 v5, v2  }
0x444: {  	v12 =	vld [tilespmem:$0x1FD50]  }
0x445: {  	v5 =	vld.idx.msk [tilespmem:v8+s26+$0x0], $0xffff;
	v10 =	vor.u32 v10, v1;
	v4 =	vmul.f32 v9, v4;
	v2 =	vadd.f32 v7, v2  }
0x446: {  	v8 =	vld.idx.msk [tilespmem:v8+s28+$0x0], $0xffff  }
0x447: {  	v2 =	vadd.f32 v4, v2;
	v4 =	vld.idx.msk [tilespmem:v11+s26+$0x0], $0xffff  }
0x448: {  	v3 =	vmul.f32 v6, v3;
	v6 =	vld.idx.msk [tilespmem:v11+s28+$0x0], $0xffff  }
0x449: {  	v11 =	vld [tilespmem:$0x1FD70]  }
0x44a: {  	v7 =	vld.idx.msk [tilespmem:v10+s26+$0x0], $0xffff  }
0x44b: {  	v12 =	vor.u32 v12, v1;
	v9 =	vld.idx.msk [tilespmem:v10+s28+$0x0], $0xffff  }
0x44c: {  	v10 =	vld [tilespmem:$0x1FD60];
	_ =	sdelay $0x1  }
0x44d: {  	v11 =	vor.u32 v11, v1  }
0x44e: {  	v5 =	vmul.f32 v8, v5;
	v2 =	vadd.f32 v3, v2  }
0x44f: {  	v8 =	vld.idx.msk [tilespmem:v12+s28+$0x0], $0xffff  }
0x450: {  	v3 =	vld.idx.msk [tilespmem:v12+s26+$0x0], $0xffff;
	v2 =	vadd.f32 v5, v2;
	v10 =	vor.u32 v10, v1;
	v7 =	vmul.f32 v9, v7  }
0x451: {  	v12 =	vld [tilespmem:$0x1FD80]  }
0x452: {  	v2 =	vadd.f32 v7, v2;
	v7 =	vld.idx.msk [tilespmem:v11+s26+$0x0], $0xffff  }
0x453: {  	v4 =	vmul.f32 v6, v4;
	v6 =	vld.idx.msk [tilespmem:v11+s28+$0x0], $0xffff  }
0x454: {  	v11 =	vld [tilespmem:$0x1FE90]  }
0x455: {  	v5 =	vld.idx.msk [tilespmem:v10+s26+$0x0], $0xffff  }
0x456: {  	v12 =	vor.u32 v12, v1;
	v9 =	vld.idx.msk [tilespmem:v10+s28+$0x0], $0xffff  }
0x457: {  	v10 =	vld [tilespmem:$0x1FD90];
	_ =	sdelay $0x1  }
0x458: {  	v11 =	vor.u32 v11, v1  }
0x459: {  	v3 =	vmul.f32 v8, v3;
	v2 =	vadd.f32 v4, v2  }
0x45a: {  	v4 =	vld.idx.msk [tilespmem:v12+s26+$0x0], $0xffff  }
0x45b: {  	v8 =	vld.idx.msk [tilespmem:v12+s28+$0x0], $0xffff;
	v2 =	vadd.f32 v3, v2;
	v10 =	vor.u32 v10, v1;
	v5 =	vmul.f32 v9, v5  }
0x45c: {  	v12 =	vld [tilespmem:$0x1FEA0]  }
0x45d: {  	v2 =	vadd.f32 v5, v2;
	v5 =	vld.idx.msk [tilespmem:v11+s26+$0x0], $0xffff  }
0x45e: {  	v6 =	vmul.f32 v6, v7;
	v7 =	vld.idx.msk [tilespmem:v11+s28+$0x0], $0xffff  }
0x45f: {  	v11 =	vld [tilespmem:$0x1FEC0]  }
0x460: {  	v3 =	vld.idx.msk [tilespmem:v10+s26+$0x0], $0xffff  }
0x461: {  	v12 =	vor.u32 v12, v1;
	v9 =	vld.idx.msk [tilespmem:v10+s28+$0x0], $0xffff  }
0x462: {  	v10 =	vld [tilespmem:$0x1FEB0];
	_ =	sdelay $0x1  }
0x463: {  	v11 =	vor.u32 v11, v1  }
0x464: {  	v4 =	vmul.f32 v8, v4;
	v2 =	vadd.f32 v6, v2  }
0x465: {  	v6 =	vld.idx.msk [tilespmem:v12+s26+$0x0], $0xffff  }
0x466: {  	v8 =	vld.idx.msk [tilespmem:v12+s28+$0x0], $0xffff;
	v2 =	vadd.f32 v4, v2;
	v10 =	vor.u32 v10, v1;
	v3 =	vmul.f32 v9, v3  }
0x467: {  	v12 =	vld [tilespmem:$0x1FED0]  }
0x468: {  	v2 =	vadd.f32 v3, v2;
	v3 =	vld.idx.msk [tilespmem:v11+s26+$0x0], $0xffff  }
0x469: {  	v5 =	vmul.f32 v7, v5;
	v7 =	vld.idx.msk [tilespmem:v11+s28+$0x0], $0xffff  }
0x46a: {  	v11 =	vld [tilespmem:$0x1FEF0]  }
0x46b: {  	v4 =	vld.idx.msk [tilespmem:v10+s26+$0x0], $0xffff  }
0x46c: {  	v12 =	vor.u32 v12, v1;
	v9 =	vld.idx.msk [tilespmem:v10+s28+$0x0], $0xffff  }
0x46d: {  	v10 =	vld [tilespmem:$0x1FEE0];
	_ =	sdelay $0x1  }
0x46e: {  	v11 =	vor.u32 v11, v1  }
0x46f: {  	v6 =	vmul.f32 v8, v6;
	v2 =	vadd.f32 v5, v2  }
0x470: {  	v5 =	vld.idx.msk [tilespmem:v12+s26+$0x0], $0xffff  }
0x471: {  	v8 =	vld.idx.msk [tilespmem:v12+s28+$0x0], $0xffff;
	v2 =	vadd.f32 v6, v2;
	v10 =	vor.u32 v10, v1;
	v4 =	vmul.f32 v9, v4  }
0x472: {  	v12 =	vld [tilespmem:$0x1FF00]  }
0x473: {  	v2 =	vadd.f32 v4, v2;
	v4 =	vld.idx.msk [tilespmem:v11+s26+$0x0], $0xffff  }
0x474: {  	v3 =	vmul.f32 v7, v3;
	v7 =	vld.idx.msk [tilespmem:v11+s28+$0x0], $0xffff  }
0x475: {  	v11 =	vld [tilespmem:$0x1FF20]  }
0x476: {  	v6 =	vld.idx.msk [tilespmem:v10+s26+$0x0], $0xffff  }
0x477: {  	v12 =	vor.u32 v12, v1;
	v9 =	vld.idx.msk [tilespmem:v10+s28+$0x0], $0xffff  }
0x478: {  	v10 =	vld [tilespmem:$0x1FF10];
	_ =	sdelay $0x1  }
0x479: {  	v11 =	vor.u32 v11, v1  }
0x47a: {  	v5 =	vmul.f32 v8, v5;
	v2 =	vadd.f32 v3, v2  }
0x47b: {  	v3 =	vld.idx.msk [tilespmem:v12+s26+$0x0], $0xffff  }
0x47c: {  	v8 =	vld.idx.msk [tilespmem:v12+s28+$0x0], $0xffff;
	v2 =	vadd.f32 v5, v2;
	v10 =	vor.u32 v10, v1;
	v6 =	vmul.f32 v9, v6  }
0x47d: {  	v12 =	vld [tilespmem:$0x1FF30]  }
0x47e: {  	v2 =	vadd.f32 v6, v2;
	v6 =	vld.idx.msk [tilespmem:v11+s26+$0x0], $0xffff  }
0x47f: {  	v4 =	vmul.f32 v7, v4;
	v7 =	vld.idx.msk [tilespmem:v11+s28+$0x0], $0xffff  }
0x480: {  	v11 =	vld [tilespmem:$0x1FF50]  }
0x481: {  	v5 =	vld.idx.msk [tilespmem:v10+s26+$0x0], $0xffff  }
0x482: {  	v12 =	vor.u32 v12, v1;
	v9 =	vld.idx.msk [tilespmem:v10+s28+$0x0], $0xffff  }
0x483: {  	v10 =	vld [tilespmem:$0x1FF40];
	_ =	sdelay $0x1  }
0x484: {  	v11 =	vor.u32 v11, v1  }
0x485: {  	v3 =	vmul.f32 v8, v3;
	v2 =	vadd.f32 v4, v2  }
0x486: {  	v4 =	vld.idx.msk [tilespmem:v12+s26+$0x0], $0xffff  }
0x487: {  	v8 =	vld.idx.msk [tilespmem:v12+s28+$0x0], $0xffff;
	v2 =	vadd.f32 v3, v2;
	v10 =	vor.u32 v10, v1;
	v5 =	vmul.f32 v9, v5  }
0x488: {  	v12 =	vld [tilespmem:$0x1FF60]  }
0x489: {  	v2 =	vadd.f32 v5, v2;
	v5 =	vld.idx.msk [tilespmem:v11+s26+$0x0], $0xffff  }
0x48a: {  	v6 =	vmul.f32 v7, v6;
	v7 =	vld.idx.msk [tilespmem:v11+s28+$0x0], $0xffff  }
0x48b: {  	v11 =	vld [tilespmem:$0x1FF80]  }
0x48c: {  	v3 =	vld.idx.msk [tilespmem:v10+s26+$0x0], $0xffff  }
0x48d: {  	v12 =	vor.u32 v12, v1;
	v9 =	vld.idx.msk [tilespmem:v10+s28+$0x0], $0xffff  }
0x48e: {  	v10 =	vld [tilespmem:$0x1FF70];
	_ =	sdelay $0x1  }
0x48f: {  	v11 =	vor.u32 v11, v1  }
0x490: {  	v4 =	vmul.f32 v8, v4;
	v2 =	vadd.f32 v6, v2  }
0x491: {  	v6 =	vld.idx.msk [tilespmem:v12+s26+$0x0], $0xffff  }
0x492: {  	v8 =	vld.idx.msk [tilespmem:v12+s28+$0x0], $0xffff;
	v2 =	vadd.f32 v4, v2;
	v10 =	vor.u32 v10, v1;
	v3 =	vmul.f32 v9, v3  }
0x493: {  	v12 =	vld [tilespmem:$0x1FF90]  }
0x494: {  	v2 =	vadd.f32 v3, v2;
	v3 =	vld.idx.msk [tilespmem:v11+s26+$0x0], $0xffff  }
0x495: {  	v5 =	vmul.f32 v7, v5;
	v7 =	vld.idx.msk [tilespmem:v11+s28+$0x0], $0xffff  }
0x496: {  	v11 =	vld [tilespmem:$0x1FFB0]  }
0x497: {  	v4 =	vld.idx.msk [tilespmem:v10+s26+$0x0], $0xffff  }
0x498: {  	v9 =	vld.idx.msk [tilespmem:v10+s28+$0x0], $0xffff  }
0x499: {  	v10 =	vld [tilespmem:$0x1FFA0]  }
0x49a: {  	v12 =	vor.u32 v12, v1;
	_ =	sdelay $0x2  }
0x49b: {  	v11 =	vor.u32 v11, v1  }
0x49c: {  	v6 =	vmul.f32 v8, v6;
	v2 =	vadd.f32 v5, v2;
	v10 =	vor.u32 v10, v1  }
0x49d: {  	v5 =	vld.idx.msk [tilespmem:v12+s26+$0x0], $0xffff  }
0x49e: {  	v8 =	vld.idx.msk [tilespmem:v12+s28+$0x0], $0xffff;
	v2 =	vadd.f32 v6, v2;
	v4 =	vmul.f32 v9, v4  }
0x49f: {  	v12 =	vld [tilespmem:$0x1FFC0]  }
0x4a0: {  	v2 =	vadd.f32 v4, v2;
	v4 =	vld.idx.msk [tilespmem:v11+s26+$0x0], $0xffff  }
0x4a1: {  	v6 =	vld.idx.msk [tilespmem:v10+s26+$0x0], $0xffff  }
0x4a2: {  	v9 =	vld.idx.msk [tilespmem:v10+s28+$0x0], $0xffff  }
0x4a3: {  	v10 =	vld [tilespmem:$0x1FFD0]  }
0x4a4: {  	v3 =	vmul.f32 v7, v3;
	v7 =	vld.idx.msk [tilespmem:v11+s28+$0x0], $0xffff  }
0x4a5: {  	v11 =	vld [tilespmem:$0x1FFE0]  }
0x4a6: {  	v12 =	vor.u32 v12, v1;
	_ =	sdelay $0x1  }
0x4a7: {  	v10 =	vor.u32 v10, v1;
	_ =	sdelay $0x1  }
0x4a8: {  	v11 =	vor.u32 v11, v1  }
0x4a9: {  	v5 =	vmul.f32 v8, v5;
	v2 =	vadd.f32 v3, v2;
	v3 =	vld.idx.msk [tilespmem:v12+s26+$0x0], $0xffff  }
0x4aa: {  	v8 =	vld.idx.msk [tilespmem:v12+s28+$0x0], $0xffff;
	v12 =	vor.u32 v39, v1  }
0x4ab: {  	v2 =	vadd.f32 v5, v2;
	v6 =	vmul.f32 v9, v6;
	v5 =	vld.idx.msk [tilespmem:v10+s26+$0x0], $0xffff  }
0x4ac: {  	v9 =	vld.idx.msk [tilespmem:v10+s28+$0x0], $0xffff;
	v10 =	vor.u32 v42, v1  }
0x4ad: {  	v4 =	vmul.f32 v7, v4;
	v2 =	vadd.f32 v6, v2;
	v6 =	vld.idx.msk [tilespmem:v11+s26+$0x0], $0xffff  }
0x4ae: {  	v7 =	vld.idx.msk [tilespmem:v11+s28+$0x0], $0xffff;
	v11 =	vor.u32 v43, v1  }
0x4af: {  	v3 =	vmul.f32 v8, v3;
	v8 =	vld.idx.msk [tilespmem:v12+s28+$0x0], $0xffff;
	v2 =	vadd.f32 v4, v2  }
0x4b0: {  	v4 =	vld.idx.msk [tilespmem:v12+s26+$0x0], $0xffff;
	v12 =	vor.u32 v51, v1  }
0x4b1: {  	v2 =	vadd.f32 v3, v2;
	v3 =	vld.idx.msk [tilespmem:v10+s26+$0x0], $0xffff;
	v5 =	vmul.f32 v9, v5  }
0x4b2: {  	v9 =	vld.idx.msk [tilespmem:v10+s28+$0x0], $0xffff;
	v10 =	vor.u32 v52, v1  }
0x4b3: {  	v6 =	vmul.f32 v7, v6;
	v7 =	vld.idx.msk [tilespmem:v11+s28+$0x0], $0xffff;
	v2 =	vadd.f32 v5, v2  }
0x4b4: {  	v5 =	vld.idx.msk [tilespmem:v11+s26+$0x0], $0xffff;
	v11 =	vor.u32 v37, v1  }
0x4b5: {  	v4 =	vmul.f32 v8, v4;
	v8 =	vld.idx.msk [tilespmem:v12+s28+$0x0], $0xffff;
	v2 =	vadd.f32 v6, v2  }
0x4b6: {  	v6 =	vld.idx.msk [tilespmem:v12+s26+$0x0], $0xffff;
	v12 =	vor.u32 v38, v1  }
0x4b7: {  	v3 =	vmul.f32 v9, v3;
	v9 =	vld.idx.msk [tilespmem:v10+s28+$0x0], $0xffff;
	v2 =	vadd.f32 v4, v2  }
0x4b8: {  	v4 =	vld.idx.msk [tilespmem:v10+s26+$0x0], $0xffff;
	v10 =	vor.u32 v40, v1  }
0x4b9: {  	v5 =	vmul.f32 v7, v5;
	v7 =	vld.idx.msk [tilespmem:v11+s28+$0x0], $0xffff;
	v2 =	vadd.f32 v3, v2  }
0x4ba: {  	v3 =	vld.idx.msk [tilespmem:v11+s26+$0x0], $0xffff;
	v11 =	vor.u32 v41, v1  }
0x4bb: {  	v6 =	vmul.f32 v8, v6;
	v8 =	vld.idx.msk [tilespmem:v12+s28+$0x0], $0xffff;
	v2 =	vadd.f32 v5, v2  }
0x4bc: {  	v5 =	vld.idx.msk [tilespmem:v12+s26+$0x0], $0xffff;
	v12 =	vor.u32 v47, v1  }
0x4bd: {  	v4 =	vmul.f32 v9, v4;
	v9 =	vld.idx.msk [tilespmem:v10+s28+$0x0], $0xffff;
	v2 =	vadd.f32 v6, v2  }
0x4be: {  	v6 =	vld.idx.msk [tilespmem:v10+s26+$0x0], $0xffff;
	v10 =	vor.u32 v48, v1  }
0x4bf: {  	v3 =	vmul.f32 v7, v3;
	v7 =	vld.idx.msk [tilespmem:v11+s28+$0x0], $0xffff;
	v2 =	vadd.f32 v4, v2  }
0x4c0: {  	v4 =	vld.idx.msk [tilespmem:v11+s26+$0x0], $0xffff;
	v11 =	vor.u32 v59, v1  }
0x4c1: {  	v5 =	vmul.f32 v8, v5;
	v8 =	vld.idx.msk [tilespmem:v12+s28+$0x0], $0xffff;
	v2 =	vadd.f32 v3, v2  }
0x4c2: {  	v3 =	vld.idx.msk [tilespmem:v12+s26+$0x0], $0xffff;
	v12 =	vor.u32 v61, v1  }
0x4c3: {  	v6 =	vmul.f32 v9, v6;
	v9 =	vld.idx.msk [tilespmem:v10+s28+$0x0], $0xffff;
	v2 =	vadd.f32 v5, v2  }
0x4c4: {  	v5 =	vld.idx.msk [tilespmem:v10+s26+$0x0], $0xffff;
	v10 =	vor.u32 v44, v1  }
0x4c5: {  	v4 =	vmul.f32 v7, v4;
	v7 =	vld.idx.msk [tilespmem:v11+s28+$0x0], $0xffff;
	v2 =	vadd.f32 v6, v2  }
0x4c6: {  	v6 =	vld.idx.msk [tilespmem:v11+s26+$0x0], $0xffff;
	v11 =	vor.u32 v45, v1  }
0x4c7: {  	v3 =	vmul.f32 v8, v3;
	v8 =	vld.idx.msk [tilespmem:v12+s28+$0x0], $0xffff;
	v2 =	vadd.f32 v4, v2  }
0x4c8: {  	v4 =	vld.idx.msk [tilespmem:v12+s26+$0x0], $0xffff;
	v12 =	vor.u32 v62, v1  }
0x4c9: {  	v5 =	vmul.f32 v9, v5;
	v9 =	vld.idx.msk [tilespmem:v10+s28+$0x0], $0xffff;
	v2 =	vadd.f32 v3, v2  }
0x4ca: {  	v3 =	vld.idx.msk [tilespmem:v10+s26+$0x0], $0xffff;
	v10 =	vor.u32 v50, v1  }
0x4cb: {  	v6 =	vmul.f32 v7, v6;
	v7 =	vld.idx.msk [tilespmem:v11+s28+$0x0], $0xffff;
	v2 =	vadd.f32 v5, v2  }
0x4cc: {  	v5 =	vld.idx.msk [tilespmem:v11+s26+$0x0], $0xffff;
	v11 =	vor.u32 v63, v1  }
0x4cd: {  	v4 =	vmul.f32 v8, v4;
	v8 =	vld.idx.msk [tilespmem:v12+s28+$0x0], $0xffff;
	v2 =	vadd.f32 v6, v2  }
0x4ce: {  	v6 =	vld.idx.msk [tilespmem:v12+s26+$0x0], $0xffff;
	v12 =	vor.u32 v46, v1  }
0x4cf: {  	v3 =	vmul.f32 v9, v3;
	v9 =	vld.idx.msk [tilespmem:v10+s28+$0x0], $0xffff;
	v2 =	vadd.f32 v4, v2  }
0x4d0: {  	v4 =	vld.idx.msk [tilespmem:v10+s26+$0x0], $0xffff;
	v10 =	vor.u32 v49, v1  }
0x4d1: {  	v5 =	vmul.f32 v7, v5;
	v7 =	vld.idx.msk [tilespmem:v11+s28+$0x0], $0xffff;
	v2 =	vadd.f32 v3, v2  }
0x4d2: {  	v3 =	vld.idx.msk [tilespmem:v11+s26+$0x0], $0xffff;
	v11 =	vor.u32 v60, v1  }
0x4d3: {  	v6 =	vmul.f32 v8, v6;
	v8 =	vld.idx.msk [tilespmem:v12+s28+$0x0], $0xffff;
	v2 =	vadd.f32 v5, v2  }
0x4d4: {  	v5 =	vld.idx.msk [tilespmem:v12+s26+$0x0], $0xffff;
	v12 =	vor.u32 v53, v1  }
0x4d5: {  	v4 =	vmul.f32 v9, v4;
	v9 =	vld.idx.msk [tilespmem:v10+s28+$0x0], $0xffff;
	v2 =	vadd.f32 v6, v2  }
0x4d6: {  	v6 =	vld.idx.msk [tilespmem:v10+s26+$0x0], $0xffff;
	v10 =	vor.u32 v54, v1  }
0x4d7: {  	v3 =	vmul.f32 v7, v3;
	v7 =	vld.idx.msk [tilespmem:v11+s28+$0x0], $0xffff;
	v2 =	vadd.f32 v4, v2  }
0x4d8: {  	v4 =	vld.idx.msk [tilespmem:v11+s26+$0x0], $0xffff;
	v11 =	vor.u32 v0, v1  }
0x4d9: {  	v5 =	vmul.f32 v8, v5;
	v8 =	vld.idx.msk [tilespmem:v12+s28+$0x0], $0xffff;
	v2 =	vadd.f32 v3, v2  }
0x4da: {  	v3 =	vld.idx.msk [tilespmem:v12+s26+$0x0], $0xffff;
	v12 =	vor.u32 v55, v1  }
0x4db: {  	v6 =	vmul.f32 v9, v6;
	v9 =	vld.idx.msk [tilespmem:v10+s28+$0x0], $0xffff;
	v2 =	vadd.f32 v5, v2  }
0x4dc: {  	v5 =	vld.idx.msk [tilespmem:v10+s26+$0x0], $0xffff;
	v10 =	vor.u32 v56, v1  }
0x4dd: {  	v4 =	vmul.f32 v7, v4;
	v7 =	vld.idx.msk [tilespmem:v11+s28+$0x0], $0xffff;
	v2 =	vadd.f32 v6, v2  }
0x4de: {  	v6 =	vld.idx.msk [tilespmem:v11+s26+$0x0], $0xffff;
	v11 =	vor.u32 v57, v1  }
0x4df: {  	v3 =	vmul.f32 v8, v3;
	v8 =	vld.idx.msk [tilespmem:v12+s28+$0x0], $0xffff;
	v2 =	vadd.f32 v4, v2  }
0x4e0: {  	v1 =	vor.u32 v58, v1;
	v4 =	vld.idx.msk [tilespmem:v12+s26+$0x0], $0xffff  }
0x4e1: {  	v2 =	vadd.f32 v3, v2;
	v3 =	vmul.f32 v9, v5;
	v5 =	vld.idx.msk [tilespmem:v10+s26+$0x0], $0xffff  }
0x4e2: {  	v9 =	vld.idx.msk [tilespmem:v10+s28+$0x0], $0xffff  }
0x4e3: {  	v2 =	vadd.f32 v3, v2;
	v3 =	vmul.f32 v7, v6;
	v6 =	vld.idx.msk [tilespmem:v11+s26+$0x0], $0xffff  }
0x4e4: {  	v7 =	vld.idx.msk [tilespmem:v11+s28+$0x0], $0xffff  }
0x4e5: {  	v2 =	vadd.f32 v3, v2;
	v3 =	vmul.f32 v8, v4;
	v4 =	vld.idx.msk [tilespmem:v1+s26+$0x0], $0xffff  }
0x4e6: {  	v8 =	vld.idx.msk [tilespmem:v1+s28+$0x0], $0xffff  }
0x4e7: {  	s20 =	simm.s32 $0x20;
	v1 =	vadd.f32 v3, v2;
	v2 =	vmul.f32 v9, v5  }
0x4e8: {  	v3 =	vmov s20  }
0x4e9: {  	v5 =	vmul.f32 v7, v6;
	v2 =	vadd.f32 v2, v1;
	v1 =	vshll.u32 v3, $0x7  }
0x4ea: {  	v1 =	vor.u32 v14, v1  }
0x4eb: {  	s20 =	simm.s32 $0x30;
	v4 =	vmul.f32 v8, v4;
	v3 =	vadd.f32 v5, v2;
	v2 =	vor.u32 v13, v1  }
.LBB2_4:
0x4ec: {  	_ = 	snop  }
0x4ed: {  	v8 =	vld [tilespmem:$0x1FCF0];
	v3 =	vadd.f32 v4, v3  }
0x4ee: {  	s14 =	sadd.s32 $0x10, s14;
	v4 =	vld [tilespmem:$0x1FCD0]  }
0x4ef: {  	s16 =	sadd.s32 $0x10, s16;
	[tilespmem:s14+$0x0] =	vst v3  }
0x4f0: {  	s18 =	sadd.s32 $0x10, s18;
	v5 =	vld [tilespmem:s16+$0x0]  }
0x4f1: {  	v7 =	vld [tilespmem:s18+$0x0]  }
0x4f2: {  	v6 =	vld [tilespmem:$0x1FCE0];
	v8 =	vor.u32 v8, v1  }
0x4f3: {  	v10 =	vld [tilespmem:$0x1FD00];
	v4 =	vor.u32 v4, v1  }
0x4f4: {  	v3 =	vld.idx.msk [tilespmem:v2+s26+$0x0], $0xffff  }
0x4f5: {  	v2 =	vld.idx.msk [tilespmem:v2+s28+$0x0], $0xffff  }
0x4f6: {  	v5 =	vadd.f32 v5, v7;
	v7 =	vld [tilespmem:$0x1FD10]  }
0x4f7: {  	v6 =	vor.u32 v6, v1;
	v12 =	vld.idx.msk [tilespmem:v8+s26+$0x0], $0xffff  }
0x4f8: {  	v9 =	vld.idx.msk [tilespmem:v4+s26+$0x0], $0xffff  }
0x4f9: {  	v4 =	vld.idx.msk [tilespmem:v4+s28+$0x0], $0xffff  }
0x4fa: {  	v2 =	vmul.f32 v2, v3;
	v3 =	vld.idx.msk [tilespmem:v8+s28+$0x0], $0xffff  }
0x4fb: {  	v10 =	vor.u32 v10, v1;
	v8 =	vld [tilespmem:$0x1FD20]  }
0x4fc: {  	v11 =	vld.idx.msk [tilespmem:v6+s26+$0x0], $0xffff  }
0x4fd: {  	v6 =	vld.idx.msk [tilespmem:v6+s28+$0x0], $0xffff;
	v7 =	vor.u32 v7, v1  }
0x4fe: {  	v4 =	vmul.f32 v4, v9;
	v9 =	vld [tilespmem:$0x1FD30]  }
0x4ff: {  	v5 =	vadd.f32 $3.500000000e+00, v5  }
0x500: {  	v13 =	vld.idx.msk [tilespmem:v10+s26+$0x0], $0xffff;
	v8 =	vor.u32 v8, v1  }
0x501: {  	v2 =	vadd.f32 v2, v5;
	v5 =	vld.idx.msk [tilespmem:v10+s28+$0x0], $0xffff  }
0x502: {  	v10 =	vld.idx.msk [tilespmem:v7+s26+$0x0], $0xffff  }
0x503: {  	v2 =	vadd.f32 v4, v2;
	v4 =	vmul.f32 v6, v11;
	v6 =	vld.idx.msk [tilespmem:v7+s28+$0x0], $0xffff;
	v9 =	vor.u32 v9, v1  }
0x504: {  	v7 =	vld [tilespmem:$0x1FD40]  }
0x505: {  	v11 =	vld.idx.msk [tilespmem:v8+s26+$0x0], $0xffff  }
0x506: {  	v2 =	vadd.f32 v4, v2;
	v4 =	vld.idx.msk [tilespmem:v8+s28+$0x0], $0xffff  }
0x507: {  	v3 =	vmul.f32 v3, v12;
	v8 =	vld [tilespmem:$0x1FD50]  }
0x508: {  	v12 =	vld.idx.msk [tilespmem:v9+s26+$0x0], $0xffff  }
0x509: {  	v2 =	vadd.f32 v3, v2;
	v3 =	vmul.f32 v5, v13;
	v7 =	vor.u32 v7, v1;
	v5 =	vld.idx.msk [tilespmem:v9+s28+$0x0], $0xffff  }
0x50a: {  	v9 =	vld [tilespmem:$0x1FD60];
	_ =	sdelay $0x1  }
0x50b: {  	v8 =	vor.u32 v8, v1;
	_ =	sdelay $0x1  }
0x50c: {  	v13 =	vld.idx.msk [tilespmem:v7+s26+$0x0], $0xffff  }
0x50d: {  	v2 =	vadd.f32 v3, v2;
	v3 =	vmul.f32 v6, v10;
	v6 =	vld.idx.msk [tilespmem:v7+s28+$0x0], $0xffff;
	v9 =	vor.u32 v9, v1  }
0x50e: {  	v7 =	vld [tilespmem:$0x1FD70]  }
0x50f: {  	v10 =	vld.idx.msk [tilespmem:v8+s26+$0x0], $0xffff  }
0x510: {  	v2 =	vadd.f32 v3, v2;
	v3 =	vmul.f32 v4, v11;
	v4 =	vld.idx.msk [tilespmem:v8+s28+$0x0], $0xffff  }
0x511: {  	v8 =	vld [tilespmem:$0x1FD80]  }
0x512: {  	v11 =	vld.idx.msk [tilespmem:v9+s26+$0x0], $0xffff  }
0x513: {  	v2 =	vadd.f32 v3, v2;
	v3 =	vmul.f32 v5, v12;
	v5 =	vld.idx.msk [tilespmem:v9+s28+$0x0], $0xffff  }
0x514: {  	v9 =	vld [tilespmem:$0x1FD90]  }
0x515: {  	v7 =	vor.u32 v7, v1;
	_ =	sdelay $0x1  }
0x516: {  	v8 =	vor.u32 v8, v1;
	_ =	sdelay $0x1  }
0x517: {  	v9 =	vor.u32 v9, v1  }
0x518: {  	v2 =	vadd.f32 v3, v2;
	v3 =	vmul.f32 v6, v13;
	v12 =	vld.idx.msk [tilespmem:v7+s26+$0x0], $0xffff  }
0x519: {  	v6 =	vld.idx.msk [tilespmem:v7+s28+$0x0], $0xffff;
	v7 =	vor.u32 v28, v1  }
0x51a: {  	v2 =	vadd.f32 v3, v2;
	v3 =	vmul.f32 v4, v10;
	v13 =	vld.idx.msk [tilespmem:v8+s26+$0x0], $0xffff  }
0x51b: {  	v4 =	vld.idx.msk [tilespmem:v8+s28+$0x0], $0xffff;
	v8 =	vor.u32 v29, v1  }
0x51c: {  	v2 =	vadd.f32 v3, v2;
	v3 =	vmul.f32 v5, v11;
	v10 =	vld.idx.msk [tilespmem:v9+s26+$0x0], $0xffff  }
0x51d: {  	v5 =	vld.idx.msk [tilespmem:v9+s28+$0x0], $0xffff;
	v9 =	vor.u32 v15, v1  }
0x51e: {  	v2 =	vadd.f32 v3, v2;
	v11 =	vld.idx.msk [tilespmem:v7+s26+$0x0], $0xffff;
	v3 =	vmul.f32 v6, v12  }
0x51f: {  	v6 =	vld.idx.msk [tilespmem:v7+s28+$0x0], $0xffff;
	v7 =	vor.u32 v30, v1  }
0x520: {  	v12 =	vld.idx.msk [tilespmem:v8+s26+$0x0], $0xffff;
	v2 =	vadd.f32 v3, v2;
	v3 =	vmul.f32 v4, v13  }
0x521: {  	v4 =	vld.idx.msk [tilespmem:v8+s28+$0x0], $0xffff;
	v8 =	vor.u32 v16, v1  }
0x522: {  	v2 =	vadd.f32 v3, v2;
	v13 =	vld.idx.msk [tilespmem:v9+s26+$0x0], $0xffff;
	v3 =	vmul.f32 v5, v10  }
0x523: {  	v5 =	vld.idx.msk [tilespmem:v9+s28+$0x0], $0xffff;
	v9 =	vor.u32 v31, v1  }
0x524: {  	v10 =	vld.idx.msk [tilespmem:v7+s26+$0x0], $0xffff;
	v2 =	vadd.f32 v3, v2;
	v3 =	vmul.f32 v6, v11  }
0x525: {  	v6 =	vld.idx.msk [tilespmem:v7+s28+$0x0], $0xffff;
	v7 =	vor.u32 v17, v1  }
0x526: {  	v11 =	vld.idx.msk [tilespmem:v8+s26+$0x0], $0xffff;
	v2 =	vadd.f32 v3, v2;
	v3 =	vmul.f32 v4, v12  }
0x527: {  	v4 =	vld.idx.msk [tilespmem:v8+s28+$0x0], $0xffff;
	v8 =	vor.u32 v32, v1  }
0x528: {  	v12 =	vld.idx.msk [tilespmem:v9+s26+$0x0], $0xffff;
	v2 =	vadd.f32 v3, v2;
	v3 =	vmul.f32 v5, v13  }
0x529: {  	v5 =	vld.idx.msk [tilespmem:v9+s28+$0x0], $0xffff;
	v9 =	vor.u32 v18, v1  }
0x52a: {  	v13 =	vld.idx.msk [tilespmem:v7+s26+$0x0], $0xffff;
	v2 =	vadd.f32 v3, v2;
	v3 =	vmul.f32 v6, v10  }
0x52b: {  	v6 =	vld.idx.msk [tilespmem:v7+s28+$0x0], $0xffff;
	v7 =	vor.u32 v33, v1  }
0x52c: {  	v10 =	vld.idx.msk [tilespmem:v8+s26+$0x0], $0xffff;
	v2 =	vadd.f32 v3, v2;
	v3 =	vmul.f32 v4, v11  }
0x52d: {  	v4 =	vld.idx.msk [tilespmem:v8+s28+$0x0], $0xffff;
	v8 =	vor.u32 v19, v1  }
0x52e: {  	v11 =	vld.idx.msk [tilespmem:v9+s26+$0x0], $0xffff;
	v2 =	vadd.f32 v3, v2;
	v3 =	vmul.f32 v5, v12  }
0x52f: {  	v5 =	vld.idx.msk [tilespmem:v9+s28+$0x0], $0xffff;
	v9 =	vor.u32 v34, v1  }
0x530: {  	v12 =	vld.idx.msk [tilespmem:v7+s26+$0x0], $0xffff;
	v2 =	vadd.f32 v3, v2;
	v3 =	vmul.f32 v6, v13  }
0x531: {  	v6 =	vld.idx.msk [tilespmem:v7+s28+$0x0], $0xffff;
	v7 =	vor.u32 v20, v1  }
0x532: {  	v13 =	vld.idx.msk [tilespmem:v8+s26+$0x0], $0xffff;
	v2 =	vadd.f32 v3, v2;
	v3 =	vmul.f32 v4, v10  }
0x533: {  	v4 =	vld.idx.msk [tilespmem:v8+s28+$0x0], $0xffff;
	v8 =	vor.u32 v21, v1  }
0x534: {  	v10 =	vld.idx.msk [tilespmem:v9+s26+$0x0], $0xffff;
	v2 =	vadd.f32 v3, v2;
	v3 =	vmul.f32 v5, v11  }
0x535: {  	v5 =	vld.idx.msk [tilespmem:v9+s28+$0x0], $0xffff;
	v9 =	vor.u32 v35, v1  }
0x536: {  	v11 =	vld.idx.msk [tilespmem:v7+s26+$0x0], $0xffff;
	v2 =	vadd.f32 v3, v2;
	v3 =	vmul.f32 v6, v12  }
0x537: {  	v6 =	vld.idx.msk [tilespmem:v7+s28+$0x0], $0xffff;
	v7 =	vor.u32 v22, v1  }
0x538: {  	v12 =	vld.idx.msk [tilespmem:v8+s26+$0x0], $0xffff;
	v2 =	vadd.f32 v3, v2;
	v3 =	vmul.f32 v4, v13  }
0x539: {  	v4 =	vld.idx.msk [tilespmem:v8+s28+$0x0], $0xffff;
	v8 =	vor.u32 v36, v1  }
0x53a: {  	v13 =	vld.idx.msk [tilespmem:v9+s26+$0x0], $0xffff;
	v2 =	vadd.f32 v3, v2;
	v3 =	vmul.f32 v5, v10  }
0x53b: {  	v5 =	vld.idx.msk [tilespmem:v9+s28+$0x0], $0xffff;
	v9 =	vor.u32 v23, v1  }
0x53c: {  	v10 =	vld.idx.msk [tilespmem:v7+s26+$0x0], $0xffff;
	v2 =	vadd.f32 v3, v2;
	v3 =	vmul.f32 v6, v11  }
0x53d: {  	v6 =	vld.idx.msk [tilespmem:v7+s28+$0x0], $0xffff;
	v7 =	vor.u32 v24, v1  }
0x53e: {  	v11 =	vld.idx.msk [tilespmem:v8+s26+$0x0], $0xffff;
	v2 =	vadd.f32 v3, v2;
	v3 =	vmul.f32 v4, v12  }
0x53f: {  	v4 =	vld.idx.msk [tilespmem:v8+s28+$0x0], $0xffff;
	v8 =	vor.u32 v25, v1  }
0x540: {  	v12 =	vld.idx.msk [tilespmem:v9+s26+$0x0], $0xffff;
	v2 =	vadd.f32 v3, v2;
	v3 =	vmul.f32 v5, v13  }
0x541: {  	v5 =	vld.idx.msk [tilespmem:v9+s28+$0x0], $0xffff;
	v9 =	vor.u32 v26, v1  }
0x542: {  	v13 =	vld.idx.msk [tilespmem:v7+s26+$0x0], $0xffff;
	v2 =	vadd.f32 v3, v2;
	v3 =	vmul.f32 v6, v10  }
0x543: {  	v6 =	vld.idx.msk [tilespmem:v7+s28+$0x0], $0xffff;
	v7 =	vor.u32 v27, v1  }
0x544: {  	v10 =	vld.idx.msk [tilespmem:v8+s26+$0x0], $0xffff;
	v2 =	vadd.f32 v3, v2;
	v3 =	vmul.f32 v4, v11  }
0x545: {  	v4 =	vld.idx.msk [tilespmem:v8+s28+$0x0], $0xffff;
	v8 =	vor.u32 v39, v1  }
0x546: {  	v11 =	vld.idx.msk [tilespmem:v9+s26+$0x0], $0xffff;
	v2 =	vadd.f32 v3, v2;
	v3 =	vmul.f32 v5, v12  }
0x547: {  	v5 =	vld.idx.msk [tilespmem:v9+s28+$0x0], $0xffff;
	v9 =	vor.u32 v42, v1  }
0x548: {  	v12 =	vld.idx.msk [tilespmem:v7+s26+$0x0], $0xffff;
	v2 =	vadd.f32 v3, v2;
	v3 =	vmul.f32 v6, v13  }
0x549: {  	v6 =	vld.idx.msk [tilespmem:v7+s28+$0x0], $0xffff;
	v7 =	vor.u32 v43, v1  }
0x54a: {  	v13 =	vld.idx.msk [tilespmem:v8+s26+$0x0], $0xffff;
	v2 =	vadd.f32 v3, v2;
	v3 =	vmul.f32 v4, v10  }
0x54b: {  	v4 =	vld.idx.msk [tilespmem:v8+s28+$0x0], $0xffff;
	v8 =	vor.u32 v51, v1  }
0x54c: {  	v10 =	vld.idx.msk [tilespmem:v9+s26+$0x0], $0xffff;
	v2 =	vadd.f32 v3, v2;
	v3 =	vmul.f32 v5, v11  }
0x54d: {  	v5 =	vld.idx.msk [tilespmem:v9+s28+$0x0], $0xffff;
	v9 =	vor.u32 v52, v1  }
0x54e: {  	v11 =	vld.idx.msk [tilespmem:v7+s26+$0x0], $0xffff;
	v2 =	vadd.f32 v3, v2;
	v3 =	vmul.f32 v6, v12  }
0x54f: {  	v6 =	vld.idx.msk [tilespmem:v7+s28+$0x0], $0xffff;
	v7 =	vor.u32 v37, v1  }
0x550: {  	v12 =	vld.idx.msk [tilespmem:v8+s26+$0x0], $0xffff;
	v2 =	vadd.f32 v3, v2;
	v3 =	vmul.f32 v4, v13  }
0x551: {  	v4 =	vld.idx.msk [tilespmem:v8+s28+$0x0], $0xffff;
	v8 =	vor.u32 v38, v1  }
0x552: {  	v13 =	vld.idx.msk [tilespmem:v9+s26+$0x0], $0xffff;
	v2 =	vadd.f32 v3, v2;
	v3 =	vmul.f32 v5, v10  }
0x553: {  	v5 =	vld.idx.msk [tilespmem:v9+s28+$0x0], $0xffff;
	v9 =	vor.u32 v40, v1  }
0x554: {  	v10 =	vld.idx.msk [tilespmem:v7+s26+$0x0], $0xffff;
	v2 =	vadd.f32 v3, v2;
	v3 =	vmul.f32 v6, v11  }
0x555: {  	v6 =	vld.idx.msk [tilespmem:v7+s28+$0x0], $0xffff;
	v7 =	vor.u32 v41, v1  }
0x556: {  	v11 =	vld.idx.msk [tilespmem:v8+s26+$0x0], $0xffff;
	v2 =	vadd.f32 v3, v2;
	v3 =	vmul.f32 v4, v12  }
0x557: {  	v4 =	vld.idx.msk [tilespmem:v8+s28+$0x0], $0xffff;
	v8 =	vor.u32 v47, v1  }
0x558: {  	v12 =	vld.idx.msk [tilespmem:v9+s26+$0x0], $0xffff;
	v2 =	vadd.f32 v3, v2;
	v3 =	vmul.f32 v5, v13  }
0x559: {  	v5 =	vld.idx.msk [tilespmem:v9+s28+$0x0], $0xffff;
	v9 =	vor.u32 v48, v1  }
0x55a: {  	v13 =	vld.idx.msk [tilespmem:v7+s26+$0x0], $0xffff;
	v2 =	vadd.f32 v3, v2;
	v3 =	vmul.f32 v6, v10  }
0x55b: {  	v6 =	vld.idx.msk [tilespmem:v7+s28+$0x0], $0xffff;
	v7 =	vor.u32 v59, v1  }
0x55c: {  	v10 =	vld.idx.msk [tilespmem:v8+s26+$0x0], $0xffff;
	v2 =	vadd.f32 v3, v2;
	v3 =	vmul.f32 v4, v11  }
0x55d: {  	v4 =	vld.idx.msk [tilespmem:v8+s28+$0x0], $0xffff;
	v8 =	vor.u32 v61, v1  }
0x55e: {  	v11 =	vld.idx.msk [tilespmem:v9+s26+$0x0], $0xffff;
	v2 =	vadd.f32 v3, v2;
	v3 =	vmul.f32 v5, v12  }
0x55f: {  	v5 =	vld.idx.msk [tilespmem:v9+s28+$0x0], $0xffff;
	v9 =	vor.u32 v44, v1  }
0x560: {  	v12 =	vld.idx.msk [tilespmem:v7+s26+$0x0], $0xffff;
	v2 =	vadd.f32 v3, v2;
	v3 =	vmul.f32 v6, v13  }
0x561: {  	v6 =	vld.idx.msk [tilespmem:v7+s28+$0x0], $0xffff;
	v7 =	vor.u32 v45, v1  }
0x562: {  	v13 =	vld.idx.msk [tilespmem:v8+s26+$0x0], $0xffff;
	v2 =	vadd.f32 v3, v2;
	v3 =	vmul.f32 v4, v10  }
0x563: {  	v4 =	vld.idx.msk [tilespmem:v8+s28+$0x0], $0xffff;
	v8 =	vor.u32 v62, v1  }
0x564: {  	v10 =	vld.idx.msk [tilespmem:v9+s26+$0x0], $0xffff;
	v2 =	vadd.f32 v3, v2;
	v3 =	vmul.f32 v5, v11  }
0x565: {  	v5 =	vld.idx.msk [tilespmem:v9+s28+$0x0], $0xffff;
	v9 =	vor.u32 v50, v1  }
0x566: {  	v11 =	vld.idx.msk [tilespmem:v7+s26+$0x0], $0xffff;
	v2 =	vadd.f32 v3, v2;
	v3 =	vmul.f32 v6, v12  }
0x567: {  	v6 =	vld.idx.msk [tilespmem:v7+s28+$0x0], $0xffff;
	v7 =	vor.u32 v63, v1  }
0x568: {  	v12 =	vld.idx.msk [tilespmem:v8+s26+$0x0], $0xffff;
	v2 =	vadd.f32 v3, v2;
	v3 =	vmul.f32 v4, v13  }
0x569: {  	v4 =	vld.idx.msk [tilespmem:v8+s28+$0x0], $0xffff;
	v8 =	vor.u32 v46, v1  }
0x56a: {  	v13 =	vld.idx.msk [tilespmem:v9+s26+$0x0], $0xffff;
	v2 =	vadd.f32 v3, v2;
	v3 =	vmul.f32 v5, v10  }
0x56b: {  	v5 =	vld.idx.msk [tilespmem:v9+s28+$0x0], $0xffff;
	v9 =	vor.u32 v49, v1  }
0x56c: {  	v10 =	vld.idx.msk [tilespmem:v7+s26+$0x0], $0xffff;
	v2 =	vadd.f32 v3, v2;
	v3 =	vmul.f32 v6, v11  }
0x56d: {  	v6 =	vld.idx.msk [tilespmem:v7+s28+$0x0], $0xffff;
	v7 =	vor.u32 v60, v1  }
0x56e: {  	v11 =	vld.idx.msk [tilespmem:v8+s26+$0x0], $0xffff;
	v2 =	vadd.f32 v3, v2;
	v3 =	vmul.f32 v4, v12  }
0x56f: {  	v4 =	vld.idx.msk [tilespmem:v8+s28+$0x0], $0xffff;
	v8 =	vor.u32 v53, v1  }
0x570: {  	v12 =	vld.idx.msk [tilespmem:v9+s26+$0x0], $0xffff;
	v2 =	vadd.f32 v3, v2;
	v3 =	vmul.f32 v5, v13  }
0x571: {  	v5 =	vld.idx.msk [tilespmem:v9+s28+$0x0], $0xffff;
	v9 =	vor.u32 v54, v1  }
0x572: {  	v13 =	vld.idx.msk [tilespmem:v7+s26+$0x0], $0xffff;
	v2 =	vadd.f32 v3, v2;
	v3 =	vmul.f32 v6, v10  }
0x573: {  	v6 =	vld.idx.msk [tilespmem:v7+s28+$0x0], $0xffff;
	v7 =	vor.u32 v0, v1  }
0x574: {  	v10 =	vld.idx.msk [tilespmem:v8+s26+$0x0], $0xffff;
	v2 =	vadd.f32 v3, v2;
	v3 =	vmul.f32 v4, v11  }
0x575: {  	v4 =	vld.idx.msk [tilespmem:v8+s28+$0x0], $0xffff;
	v8 =	vor.u32 v55, v1  }
0x576: {  	v11 =	vld.idx.msk [tilespmem:v9+s26+$0x0], $0xffff;
	v2 =	vadd.f32 v3, v2;
	v3 =	vmul.f32 v5, v12  }
0x577: {  	v5 =	vld.idx.msk [tilespmem:v9+s28+$0x0], $0xffff;
	v9 =	vor.u32 v56, v1  }
0x578: {  	v12 =	vld.idx.msk [tilespmem:v7+s26+$0x0], $0xffff;
	v2 =	vadd.f32 v3, v2;
	v3 =	vmul.f32 v6, v13  }
0x579: {  	v6 =	vld.idx.msk [tilespmem:v7+s28+$0x0], $0xffff;
	v7 =	vor.u32 v57, v1  }
0x57a: {  	v13 =	vld.idx.msk [tilespmem:v8+s26+$0x0], $0xffff;
	v2 =	vadd.f32 v3, v2;
	v3 =	vmul.f32 v4, v10  }
0x57b: {  	v1 =	vor.u32 v58, v1;
	v4 =	vld.idx.msk [tilespmem:v8+s28+$0x0], $0xffff  }
0x57c: {  	v8 =	vld.idx.msk [tilespmem:v9+s26+$0x0], $0xffff;
	v2 =	vadd.f32 v3, v2;
	v3 =	vmul.f32 v5, v11  }
0x57d: {  	v5 =	vld.idx.msk [tilespmem:v9+s28+$0x0], $0xffff  }
0x57e: {  	v9 =	vld.idx.msk [tilespmem:v7+s26+$0x0], $0xffff;
	v2 =	vadd.f32 v3, v2;
	v3 =	vmul.f32 v6, v12  }
0x57f: {  	v6 =	vld.idx.msk [tilespmem:v7+s28+$0x0], $0xffff  }
0x580: {  	v7 =	vld.idx.msk [tilespmem:v1+s26+$0x0], $0xffff;
	v2 =	vadd.f32 v3, v2;
	v3 =	vmul.f32 v4, v13  }
0x581: {  	p0 =	sne.s32 s20, $0xF0;
	v4 =	vld.idx.msk [tilespmem:v1+s28+$0x0], $0xffff  }
.Ltmp1:
0x582: {  	v1 =	vadd.f32 v3, v2;
	v2 =	vmul.f32 v5, v8;
	(pc) =	sbr.rel @p0 .LBB2_4-.Ltmp1, $4  }
0x583: {  	v3 =	vmov s20  }
0x584: {  	v3 =	vshll.u32 v3, $0x7;
	v6 =	vmul.f32 v6, v9;
	v5 =	vadd.f32 v2, v1  }
0x585: {  	v13 =	vlaneseq.u32;
	v1 =	vor.u32 v14, v3  }
0x586: {  	s20 =	sadd.s32 $0x10, s20;
	v2 =	vor.u32 v13, v1;
	v4 =	vmul.f32 v4, v7;
	v3 =	vadd.f32 v6, v5  }
0x587: {  	v11 =	vld [tilespmem:$0x1FCD0];
	_ =	sdelay $0x1  }
0x588: {  	v5 =	vld [tilespmem:$0x1FCE0];
	v3 =	vadd.f32 v4, v3  }
0x589: {  	s14 =	sadd.s32 $0x10, s14;
	v8 =	vld [tilespmem:$0x1FCF0]  }
0x58a: {  	s16 =	sadd.s32 $0x10, s16;
	v10 =	vld [tilespmem:$0x1FD00];
	[tilespmem:s14+$0x0] =	vst v3  }
0x58b: {  	s20 =	sadd.s32 $0x10, s18;
	v3 =	vld [tilespmem:s16+$0x0];
	v4 =	vor.u32 v11, v1  }
0x58c: {  	v6 =	vld [tilespmem:s20+$0x0]  }
0x58d: {  	v7 =	vld.idx.msk [tilespmem:v2+s26+$0x0], $0xffff  }
0x58e: {  	v2 =	vld.idx.msk [tilespmem:v2+s28+$0x0], $0xffff;
	v5 =	vor.u32 v5, v1;
	_ =	sdelay $0x1  }
0x58f: {  	v10 =	vor.u32 v10, v1;
	v9 =	vld.idx.msk [tilespmem:v4+s26+$0x0], $0xffff  }
0x590: {  	v3 =	vadd.f32 v3, v6;
	v4 =	vld.idx.msk [tilespmem:v4+s28+$0x0], $0xffff  }
0x591: {  	v6 =	vld [tilespmem:$0x1FD10]  }
0x592: {  	v8 =	vor.u32 v8, v1;
	v2 =	vmul.f32 v2, v7;
	v11 =	vld.idx.msk [tilespmem:v5+s26+$0x0], $0xffff;
	v3 =	vadd.f32 $3.500000000e+00, v3  }
0x593: {  	v5 =	vld.idx.msk [tilespmem:v5+s28+$0x0], $0xffff  }
0x594: {  	v2 =	vadd.f32 v2, v3;
	v3 =	vld.idx.msk [tilespmem:v10+s26+$0x0], $0xffff  }
0x595: {  	v4 =	vmul.f32 v4, v9;
	v9 =	vld.idx.msk [tilespmem:v10+s28+$0x0], $0xffff  }
0x596: {  	v10 =	vld [tilespmem:$0x1FD30]  }
0x597: {  	v12 =	vld.idx.msk [tilespmem:v8+s26+$0x0], $0xffff  }
0x598: {  	v7 =	vld.idx.msk [tilespmem:v8+s28+$0x0], $0xffff  }
0x599: {  	v8 =	vld [tilespmem:$0x1FD20];
	v6 =	vor.u32 v6, v1;
	_ =	sdelay $0x1  }
0x59a: {  	v10 =	vor.u32 v10, v1  }
0x59b: {  	v5 =	vmul.f32 v5, v11;
	v11 =	vld [tilespmem:$0x1FD40];
	v2 =	vadd.f32 v4, v2  }
0x59c: {  	v7 =	vmul.f32 v7, v12;
	v12 =	vld [tilespmem:$0x1FD50]  }
0x59d: {  	v8 =	vor.u32 v8, v1;
	v4 =	vld.idx.msk [tilespmem:v6+s26+$0x0], $0xffff;
	v2 =	vadd.f32 v5, v2  }
0x59e: {  	v6 =	vld.idx.msk [tilespmem:v6+s28+$0x0], $0xffff  }
0x59f: {  	v2 =	vadd.f32 v7, v2;
	v7 =	vld.idx.msk [tilespmem:v10+s26+$0x0], $0xffff  }
0x5a0: {  	v11 =	vor.u32 v11, v1;
	v3 =	vmul.f32 v9, v3;
	v9 =	vld.idx.msk [tilespmem:v10+s28+$0x0], $0xffff  }
0x5a1: {  	v10 =	vld [tilespmem:$0x1FD60]  }
0x5a2: {  	v5 =	vld.idx.msk [tilespmem:v8+s26+$0x0], $0xffff  }
0x5a3: {  	v8 =	vld.idx.msk [tilespmem:v8+s28+$0x0], $0xffff;
	v12 =	vor.u32 v12, v1;
	_ =	sdelay $0x1  }
0x5a4: {  	v2 =	vadd.f32 v3, v2;
	v3 =	vld.idx.msk [tilespmem:v11+s26+$0x0], $0xffff  }
0x5a5: {  	v4 =	vmul.f32 v6, v4;
	v6 =	vld.idx.msk [tilespmem:v11+s28+$0x0], $0xffff;
	v10 =	vor.u32 v10, v1  }
0x5a6: {  	v11 =	vld [tilespmem:$0x1FD70]  }
0x5a7: {  	v5 =	vmul.f32 v8, v5;
	v8 =	vld.idx.msk [tilespmem:v12+s28+$0x0], $0xffff  }
0x5a8: {  	v2 =	vadd.f32 v4, v2;
	v4 =	vld.idx.msk [tilespmem:v12+s26+$0x0], $0xffff  }
0x5a9: {  	v12 =	vld [tilespmem:$0x1FD80]  }
0x5aa: {  	v2 =	vadd.f32 v5, v2;
	v5 =	vld.idx.msk [tilespmem:v10+s26+$0x0], $0xffff  }
0x5ab: {  	v7 =	vmul.f32 v9, v7;
	v9 =	vld.idx.msk [tilespmem:v10+s28+$0x0], $0xffff  }
0x5ac: {  	v10 =	vld [tilespmem:$0x1FD90]  }
0x5ad: {  	v11 =	vor.u32 v11, v1;
	_ =	sdelay $0x1  }
0x5ae: {  	v12 =	vor.u32 v12, v1;
	_ =	sdelay $0x1  }
0x5af: {  	v10 =	vor.u32 v10, v1  }
0x5b0: {  	v3 =	vmul.f32 v6, v3;
	v2 =	vadd.f32 v7, v2;
	v7 =	vld.idx.msk [tilespmem:v11+s26+$0x0], $0xffff  }
0x5b1: {  	v6 =	vld.idx.msk [tilespmem:v11+s28+$0x0], $0xffff;
	v11 =	vor.u32 v28, v1  }
0x5b2: {  	v4 =	vmul.f32 v8, v4;
	v2 =	vadd.f32 v3, v2;
	v3 =	vld.idx.msk [tilespmem:v12+s26+$0x0], $0xffff  }
0x5b3: {  	v8 =	vld.idx.msk [tilespmem:v12+s28+$0x0], $0xffff;
	v12 =	vor.u32 v29, v1  }
0x5b4: {  	v2 =	vadd.f32 v4, v2;
	v5 =	vmul.f32 v9, v5;
	v4 =	vld.idx.msk [tilespmem:v10+s26+$0x0], $0xffff  }
0x5b5: {  	v9 =	vld.idx.msk [tilespmem:v10+s28+$0x0], $0xffff;
	v10 =	vor.u32 v15, v1  }
0x5b6: {  	v6 =	vmul.f32 v6, v7;
	v7 =	vld.idx.msk [tilespmem:v11+s28+$0x0], $0xffff;
	v2 =	vadd.f32 v5, v2  }
0x5b7: {  	v5 =	vld.idx.msk [tilespmem:v11+s26+$0x0], $0xffff;
	v11 =	vor.u32 v30, v1  }
0x5b8: {  	v3 =	vmul.f32 v8, v3;
	v8 =	vld.idx.msk [tilespmem:v12+s28+$0x0], $0xffff;
	v2 =	vadd.f32 v6, v2  }
0x5b9: {  	v6 =	vld.idx.msk [tilespmem:v12+s26+$0x0], $0xffff;
	v12 =	vor.u32 v16, v1  }
0x5ba: {  	v2 =	vadd.f32 v3, v2;
	v3 =	vld.idx.msk [tilespmem:v10+s26+$0x0], $0xffff;
	v4 =	vmul.f32 v9, v4  }
0x5bb: {  	v9 =	vld.idx.msk [tilespmem:v10+s28+$0x0], $0xffff;
	v10 =	vor.u32 v31, v1  }
0x5bc: {  	v5 =	vmul.f32 v7, v5;
	v7 =	vld.idx.msk [tilespmem:v11+s28+$0x0], $0xffff;
	v2 =	vadd.f32 v4, v2  }
0x5bd: {  	v4 =	vld.idx.msk [tilespmem:v11+s26+$0x0], $0xffff;
	v11 =	vor.u32 v17, v1  }
0x5be: {  	v6 =	vmul.f32 v8, v6;
	v8 =	vld.idx.msk [tilespmem:v12+s28+$0x0], $0xffff;
	v2 =	vadd.f32 v5, v2  }
0x5bf: {  	v5 =	vld.idx.msk [tilespmem:v12+s26+$0x0], $0xffff;
	v12 =	vor.u32 v32, v1  }
0x5c0: {  	v3 =	vmul.f32 v9, v3;
	v9 =	vld.idx.msk [tilespmem:v10+s28+$0x0], $0xffff;
	v2 =	vadd.f32 v6, v2  }
0x5c1: {  	v6 =	vld.idx.msk [tilespmem:v10+s26+$0x0], $0xffff;
	v10 =	vor.u32 v18, v1  }
0x5c2: {  	v4 =	vmul.f32 v7, v4;
	v7 =	vld.idx.msk [tilespmem:v11+s28+$0x0], $0xffff;
	v2 =	vadd.f32 v3, v2  }
0x5c3: {  	v3 =	vld.idx.msk [tilespmem:v11+s26+$0x0], $0xffff;
	v11 =	vor.u32 v33, v1  }
0x5c4: {  	v5 =	vmul.f32 v8, v5;
	v8 =	vld.idx.msk [tilespmem:v12+s28+$0x0], $0xffff;
	v2 =	vadd.f32 v4, v2  }
0x5c5: {  	v4 =	vld.idx.msk [tilespmem:v12+s26+$0x0], $0xffff;
	v12 =	vor.u32 v19, v1  }
0x5c6: {  	v6 =	vmul.f32 v9, v6;
	v9 =	vld.idx.msk [tilespmem:v10+s28+$0x0], $0xffff;
	v2 =	vadd.f32 v5, v2  }
0x5c7: {  	v5 =	vld.idx.msk [tilespmem:v10+s26+$0x0], $0xffff;
	v10 =	vor.u32 v34, v1  }
0x5c8: {  	v3 =	vmul.f32 v7, v3;
	v7 =	vld.idx.msk [tilespmem:v11+s28+$0x0], $0xffff;
	v2 =	vadd.f32 v6, v2  }
0x5c9: {  	v6 =	vld.idx.msk [tilespmem:v11+s26+$0x0], $0xffff;
	v11 =	vor.u32 v20, v1  }
0x5ca: {  	v4 =	vmul.f32 v8, v4;
	v8 =	vld.idx.msk [tilespmem:v12+s28+$0x0], $0xffff;
	v2 =	vadd.f32 v3, v2  }
0x5cb: {  	v3 =	vld.idx.msk [tilespmem:v12+s26+$0x0], $0xffff;
	v12 =	vor.u32 v21, v1  }
0x5cc: {  	v5 =	vmul.f32 v9, v5;
	v9 =	vld.idx.msk [tilespmem:v10+s28+$0x0], $0xffff;
	v2 =	vadd.f32 v4, v2  }
0x5cd: {  	v4 =	vld.idx.msk [tilespmem:v10+s26+$0x0], $0xffff;
	v10 =	vor.u32 v35, v1  }
0x5ce: {  	v6 =	vmul.f32 v7, v6;
	v7 =	vld.idx.msk [tilespmem:v11+s28+$0x0], $0xffff;
	v2 =	vadd.f32 v5, v2  }
0x5cf: {  	v5 =	vld.idx.msk [tilespmem:v11+s26+$0x0], $0xffff;
	v11 =	vor.u32 v22, v1  }
0x5d0: {  	v3 =	vmul.f32 v8, v3;
	v8 =	vld.idx.msk [tilespmem:v12+s28+$0x0], $0xffff;
	v2 =	vadd.f32 v6, v2  }
0x5d1: {  	v6 =	vld.idx.msk [tilespmem:v12+s26+$0x0], $0xffff;
	v12 =	vor.u32 v36, v1  }
0x5d2: {  	v4 =	vmul.f32 v9, v4;
	v9 =	vld.idx.msk [tilespmem:v10+s28+$0x0], $0xffff;
	v2 =	vadd.f32 v3, v2  }
0x5d3: {  	v3 =	vld.idx.msk [tilespmem:v10+s26+$0x0], $0xffff;
	v10 =	vor.u32 v23, v1  }
0x5d4: {  	v5 =	vmul.f32 v7, v5;
	v7 =	vld.idx.msk [tilespmem:v11+s28+$0x0], $0xffff;
	v2 =	vadd.f32 v4, v2  }
0x5d5: {  	v4 =	vld.idx.msk [tilespmem:v11+s26+$0x0], $0xffff;
	v11 =	vor.u32 v24, v1  }
0x5d6: {  	v6 =	vmul.f32 v8, v6;
	v8 =	vld.idx.msk [tilespmem:v12+s28+$0x0], $0xffff;
	v2 =	vadd.f32 v5, v2  }
0x5d7: {  	v5 =	vld.idx.msk [tilespmem:v12+s26+$0x0], $0xffff;
	v12 =	vor.u32 v25, v1  }
0x5d8: {  	v3 =	vmul.f32 v9, v3;
	v9 =	vld.idx.msk [tilespmem:v10+s28+$0x0], $0xffff;
	v2 =	vadd.f32 v6, v2  }
0x5d9: {  	v6 =	vld.idx.msk [tilespmem:v10+s26+$0x0], $0xffff;
	v10 =	vor.u32 v26, v1  }
0x5da: {  	v4 =	vmul.f32 v7, v4;
	v7 =	vld.idx.msk [tilespmem:v11+s28+$0x0], $0xffff;
	v2 =	vadd.f32 v3, v2  }
0x5db: {  	v3 =	vld.idx.msk [tilespmem:v11+s26+$0x0], $0xffff;
	v11 =	vor.u32 v27, v1  }
0x5dc: {  	v5 =	vmul.f32 v8, v5;
	v8 =	vld.idx.msk [tilespmem:v12+s28+$0x0], $0xffff;
	v2 =	vadd.f32 v4, v2  }
0x5dd: {  	v4 =	vld.idx.msk [tilespmem:v12+s26+$0x0], $0xffff;
	v12 =	vor.u32 v39, v1  }
0x5de: {  	v6 =	vmul.f32 v9, v6;
	v9 =	vld.idx.msk [tilespmem:v10+s28+$0x0], $0xffff;
	v2 =	vadd.f32 v5, v2  }
0x5df: {  	v5 =	vld.idx.msk [tilespmem:v10+s26+$0x0], $0xffff;
	v10 =	vor.u32 v42, v1  }
0x5e0: {  	v3 =	vmul.f32 v7, v3;
	v7 =	vld.idx.msk [tilespmem:v11+s28+$0x0], $0xffff;
	v2 =	vadd.f32 v6, v2  }
0x5e1: {  	v6 =	vld.idx.msk [tilespmem:v11+s26+$0x0], $0xffff;
	v11 =	vor.u32 v43, v1  }
0x5e2: {  	v4 =	vmul.f32 v8, v4;
	v8 =	vld.idx.msk [tilespmem:v12+s28+$0x0], $0xffff;
	v2 =	vadd.f32 v3, v2  }
0x5e3: {  	v3 =	vld.idx.msk [tilespmem:v12+s26+$0x0], $0xffff;
	v12 =	vor.u32 v51, v1  }
0x5e4: {  	v5 =	vmul.f32 v9, v5;
	v9 =	vld.idx.msk [tilespmem:v10+s28+$0x0], $0xffff;
	v2 =	vadd.f32 v4, v2  }
0x5e5: {  	v4 =	vld.idx.msk [tilespmem:v10+s26+$0x0], $0xffff;
	v10 =	vor.u32 v52, v1  }
0x5e6: {  	v6 =	vmul.f32 v7, v6;
	v7 =	vld.idx.msk [tilespmem:v11+s28+$0x0], $0xffff;
	v2 =	vadd.f32 v5, v2  }
0x5e7: {  	v5 =	vld.idx.msk [tilespmem:v11+s26+$0x0], $0xffff;
	v11 =	vor.u32 v37, v1  }
0x5e8: {  	v3 =	vmul.f32 v8, v3;
	v8 =	vld.idx.msk [tilespmem:v12+s28+$0x0], $0xffff;
	v2 =	vadd.f32 v6, v2  }
0x5e9: {  	v6 =	vld.idx.msk [tilespmem:v12+s26+$0x0], $0xffff;
	v12 =	vor.u32 v38, v1  }
0x5ea: {  	v4 =	vmul.f32 v9, v4;
	v9 =	vld.idx.msk [tilespmem:v10+s28+$0x0], $0xffff;
	v2 =	vadd.f32 v3, v2  }
0x5eb: {  	v3 =	vld.idx.msk [tilespmem:v10+s26+$0x0], $0xffff;
	v10 =	vor.u32 v40, v1  }
0x5ec: {  	v5 =	vmul.f32 v7, v5;
	v7 =	vld.idx.msk [tilespmem:v11+s28+$0x0], $0xffff;
	v2 =	vadd.f32 v4, v2  }
0x5ed: {  	v4 =	vld.idx.msk [tilespmem:v11+s26+$0x0], $0xffff;
	v11 =	vor.u32 v41, v1  }
0x5ee: {  	v6 =	vmul.f32 v8, v6;
	v8 =	vld.idx.msk [tilespmem:v12+s28+$0x0], $0xffff;
	v2 =	vadd.f32 v5, v2  }
0x5ef: {  	v5 =	vld.idx.msk [tilespmem:v12+s26+$0x0], $0xffff;
	v12 =	vor.u32 v47, v1  }
0x5f0: {  	v3 =	vmul.f32 v9, v3;
	v9 =	vld.idx.msk [tilespmem:v10+s28+$0x0], $0xffff;
	v2 =	vadd.f32 v6, v2  }
0x5f1: {  	v6 =	vld.idx.msk [tilespmem:v10+s26+$0x0], $0xffff;
	v10 =	vor.u32 v48, v1  }
0x5f2: {  	v4 =	vmul.f32 v7, v4;
	v7 =	vld.idx.msk [tilespmem:v11+s28+$0x0], $0xffff;
	v2 =	vadd.f32 v3, v2  }
0x5f3: {  	v3 =	vld.idx.msk [tilespmem:v11+s26+$0x0], $0xffff;
	v11 =	vor.u32 v59, v1  }
0x5f4: {  	v5 =	vmul.f32 v8, v5;
	v8 =	vld.idx.msk [tilespmem:v12+s28+$0x0], $0xffff;
	v2 =	vadd.f32 v4, v2  }
0x5f5: {  	v4 =	vld.idx.msk [tilespmem:v12+s26+$0x0], $0xffff;
	v12 =	vor.u32 v61, v1  }
0x5f6: {  	v6 =	vmul.f32 v9, v6;
	v9 =	vld.idx.msk [tilespmem:v10+s28+$0x0], $0xffff;
	v2 =	vadd.f32 v5, v2  }
0x5f7: {  	v5 =	vld.idx.msk [tilespmem:v10+s26+$0x0], $0xffff;
	v10 =	vor.u32 v44, v1  }
0x5f8: {  	v3 =	vmul.f32 v7, v3;
	v7 =	vld.idx.msk [tilespmem:v11+s28+$0x0], $0xffff;
	v2 =	vadd.f32 v6, v2  }
0x5f9: {  	v6 =	vld.idx.msk [tilespmem:v11+s26+$0x0], $0xffff;
	v11 =	vor.u32 v45, v1  }
0x5fa: {  	v2 =	vadd.f32 v3, v2;
	v3 =	vmul.f32 v8, v4;
	v4 =	vld.idx.msk [tilespmem:v12+s26+$0x0], $0xffff  }
0x5fb: {  	v8 =	vld.idx.msk [tilespmem:v12+s28+$0x0], $0xffff;
	v12 =	vor.u32 v62, v1  }
0x5fc: {  	v5 =	vmul.f32 v9, v5;
	v9 =	vld.idx.msk [tilespmem:v10+s28+$0x0], $0xffff;
	v2 =	vadd.f32 v3, v2  }
0x5fd: {  	v3 =	vld.idx.msk [tilespmem:v10+s26+$0x0], $0xffff;
	v10 =	vor.u32 v50, v1  }
0x5fe: {  	v62 =	vld.idx.msk [tilespmem:v11+s28+$0x0], $0xffff;
	v2 =	vadd.f32 v5, v2;
	v5 =	vmul.f32 v7, v6  }
0x5ff: {  	v63 =	vor.u32 v63, v1;
	v6 =	vld.idx.msk [tilespmem:v11+s26+$0x0], $0xffff  }
0x600: {  	v4 =	vmul.f32 v8, v4;
	v8 =	vld.idx.msk [tilespmem:v12+s28+$0x0], $0xffff;
	v2 =	vadd.f32 v5, v2  }
0x601: {  	v5 =	vld.idx.msk [tilespmem:v12+s26+$0x0], $0xffff;
	v12 =	vor.u32 v46, v1  }
0x602: {  	v3 =	vmul.f32 v9, v3;
	v9 =	vld.idx.msk [tilespmem:v10+s28+$0x0], $0xffff;
	v2 =	vadd.f32 v4, v2  }
0x603: {  	v4 =	vld.idx.msk [tilespmem:v10+s26+$0x0], $0xffff;
	v10 =	vor.u32 v49, v1  }
0x604: {  	v62 =	vmul.f32 v62, v6;
	v6 =	vld.idx.msk [tilespmem:v63+s26+$0x0], $0xffff;
	v2 =	vadd.f32 v3, v2  }
0x605: {  	v46 =	vor.u32 v60, v1;
	v63 =	vld.idx.msk [tilespmem:v63+s28+$0x0], $0xffff  }
0x606: {  	v49 =	vld.idx.msk [tilespmem:v12+s26+$0x0], $0xffff;
	v5 =	vmul.f32 v8, v5;
	v2 =	vadd.f32 v62, v2  }
0x607: {  	v60 =	vld.idx.msk [tilespmem:v12+s28+$0x0], $0xffff;
	v12 =	vor.u32 v53, v1  }
0x608: {  	v4 =	vmul.f32 v9, v4;
	v9 =	vld.idx.msk [tilespmem:v10+s28+$0x0], $0xffff;
	v2 =	vadd.f32 v5, v2  }
0x609: {  	v62 =	vor.u32 v54, v1;
	v5 =	vld.idx.msk [tilespmem:v10+s26+$0x0], $0xffff  }
0x60a: {  	v63 =	vmul.f32 v63, v6;
	v6 =	vld.idx.msk [tilespmem:v46+s26+$0x0], $0xffff;
	v2 =	vadd.f32 v4, v2  }
0x60b: {  	v0 =	vor.u32 v0, v1;
	v46 =	vld.idx.msk [tilespmem:v46+s28+$0x0], $0xffff  }
0x60c: {  	v4 =	vld.idx.msk [tilespmem:v12+s26+$0x0], $0xffff;
	v3 =	vmul.f32 v60, v49;
	v2 =	vadd.f32 v63, v2  }
0x60d: {  	v49 =	vld.idx.msk [tilespmem:v12+s28+$0x0], $0xffff;
	v60 =	vor.u32 v55, v1  }
0x60e: {  	v5 =	vmul.f32 v9, v5;
	v2 =	vadd.f32 v3, v2;
	v3 =	vld.idx.msk [tilespmem:v62+s26+$0x0], $0xffff  }
0x60f: {  	v63 =	vor.u32 v56, v1;
	v62 =	vld.idx.msk [tilespmem:v62+s28+$0x0], $0xffff  }
0x610: {  	v6 =	vmul.f32 v46, v6;
	v2 =	vadd.f32 v5, v2;
	v5 =	vld.idx.msk [tilespmem:v0+s26+$0x0], $0xffff  }
0x611: {  	v46 =	vor.u32 v57, v1;
	v0 =	vld.idx.msk [tilespmem:v0+s28+$0x0], $0xffff  }
0x612: {  	v4 =	vmul.f32 v49, v4;
	v49 =	vld.idx.msk [tilespmem:v60+s26+$0x0], $0xffff;
	v2 =	vadd.f32 v6, v2  }
0x613: {  	v1 =	vor.u32 v58, v1;
	v60 =	vld.idx.msk [tilespmem:v60+s28+$0x0], $0xffff  }
0x614: {  	v3 =	vmul.f32 v62, v3;
	v62 =	vld.idx.msk [tilespmem:v63+s26+$0x0], $0xffff;
	v2 =	vadd.f32 v4, v2  }
0x615: {  	v63 =	vld.idx.msk [tilespmem:v63+s28+$0x0], $0xffff  }
0x616: {  	v11 =	vld.idx.msk [tilespmem:v46+s26+$0x0], $0xffff;
	v0 =	vmul.f32 v0, v5;
	v2 =	vadd.f32 v3, v2  }
0x617: {  	v46 =	vld.idx.msk [tilespmem:v46+s28+$0x0], $0xffff  }
0x618: {  	v49 =	vmul.f32 v60, v49;
	v60 =	vld.idx.msk [tilespmem:v1+s26+$0x0], $0xffff;
	v0 =	vadd.f32 v0, v2  }
0x619: {  	v1 =	vld.idx.msk [tilespmem:v1+s28+$0x0], $0xffff  }
0x61a: {  	v62 =	vmul.f32 v63, v62;
	v0 =	vadd.f32 v49, v0;
	_ =	sdelay $0x1  }
0x61b: {  	v63 =	vmul.f32 v46, v11;
	v0 =	vadd.f32 v62, v0;
	_ =	sdelay $0x1  }
0x61c: {  	v1 =	vmul.f32 v1, v60;
	v0 =	vadd.f32 v63, v0;
	_ =	sdelay $0x1  }
0x61d: {  	s4 =	sadd.s32 $0x1, s4;
	v0 =	vadd.f32 v1, v0  }
0x61e: {  	p0 =	sne.s32 s4, s10;
	s14 =	sadd.s32 $0x10, s14  }
.Ltmp2:
0x61f: {  	[tilespmem:s14+$0x0] =	vst v0;
	(pc) =	sbr.rel @p0 .LBB2_1-.Ltmp2, $4  }
0x620: {  	[hbm4b:s9+s1] =	stream.linear.scatter [tilespmem:s0], [sflag:$0x3], $0x200, $0x38;
	[tilespmem:$0x10A00] =	vst v63  }
0x621: {  	_ =	swait.ge [sflag:s11], $0x200  }
0x622: {  	[sflag:s11] =	ssyncset.done $0x0  }
0x623: {  	[sflag:s11] =	ssyncadd.s32 $0xFFFFFE00  }
0x624: {  	_ =	sfence.sel $0x180000  }
0x625: {  	[bflag:$0x0] =	sbarrier.arrive $0xFFFF  }
0x626: {  	_ =	strace $0x90000047  }
0x627: {  	s0 =	stileid.u32;
	[bflag:$0x2] =	sbarrier.arrive $0xFFFF  }
0x628: {  	p0 =	sne.s32 s0, $0x0;
	s0 =	rddreg [dreg:$0x4]  }
0x629: {  	s0 =	sadd.s32 @!p0 $0x100000, s0  }
0x62a: {  	[sflag:s0] =	ssyncadd.tile.s32 @!p0 $0x1;
	_ =	shalt  }
.Lfunc_end2:
_tile_overlayer_lowered:
.L_overlay_start_2:
0x62b: {  	(tag) =	ssettag $0x2  }
0x62c: {  	s0 =	rddreg [dreg:$0x0];
	s2 =	stileid.u32  }
0x62d: {  	s1 =	rddreg [dreg:$0x1];
	p0 =	sne.s32 s2, $0x0  }
0x62e: {  	s3 =	rddreg [dreg:$0x2];
	[bflag:$0x3] =	sbarrier.arrive $0xFFFF;
	s2 =	simm.s32 @!p0 $0x1C03  }
0x62f: {  	[timem:s3], [sflag:s2] =	dma.local @!p0 [hbm:s0], s1  }
0x630: {  	s0 =	simm.s32 @!p0 $0x3  }
0x631: {  	_ =	swait.ge @!p0 [sflag:s0], s1  }
0x632: {  	s1 =	ssub.s32 @!p0 $0x0, s1;
	[sflag:s0] =	ssyncset.done @!p0 $0x0  }
0x633: {  	[sflag:s0] =	ssyncadd.s32 @!p0 s1  }
0x634: {  	[bflag:$0x3] =	sbarrier.arrive $0xFFFF  }
0x635: {  	_ =	shalt  }

</sc_bundles>
